<compile_context>
chip_gen: v7x
topology: tpu7x:2x2x1
jax: 0.10.2.dev20260603
libtpu: 0.0.44.dev20260713+nightly
codegen_flags: <defaults>
</compile_context>

<pallas_src>
import jax
import jax.numpy as jnp
from jax import lax
from jax.experimental import pallas as pl
from jax.experimental.pallas import tpu as pltpu
from jax.experimental.pallas import tpu_sc as plsc

N, D, G = 100000, 128, 512
B = 4000
NB = N // B

NW = 32
RT = 3136
NPAD = NW * RT
NCH = RT // 16

_NEG = -1e30


def _stage_a_kernel(x_ref, wg_ref, bg_ref, gate_ref):
    x = x_ref[...]
    w = wg_ref[...][:, 0]
    gate = jnp.sum(x * w[None, :], axis=1, keepdims=True) + bg_ref[0, 0]
    gate_ref[...] = gate.reshape(1, 1, B)


def _sc_stats_body(gate_hbm, batch_hbm, e_hbm, parts_hbm, meta_hbm,
                   gate_loc, batch_loc, e_loc, c_loc,
                   st_loc, en_loc, parts_loc, stage_loc):
    w = lax.axis_index("c") * 16 + lax.axis_index("s")
    base = w * RT
    pltpu.sync_copy(gate_hbm.at[pl.ds(base, RT)], gate_loc)
    pltpu.sync_copy(batch_hbm.at[pl.ds(base, RT)], batch_loc)

    iota = lax.iota(jnp.int32, 16)
    zi = jnp.zeros((16,), jnp.int32)
    zf = jnp.zeros((16,), jnp.float32)

    def init_chunk(k, _):
        st_loc[pl.ds(k * 16, 16)] = zi
        en_loc[pl.ds(k * 16, 16)] = zi
        parts_loc[pl.ds(k * 16, 16)] = zf
        return 0
    lax.fori_loop(0, G // 16, init_chunk, 0)

    def bdry_chunk(j, _):
        off = j * 16
        b = batch_loc[pl.ds(off, 16)]
        bp = plsc.load_gather(batch_loc, [jnp.maximum(off + iota - 1, 0)])
        is_b = b != bp
        pos = jnp.full((16,), base + off, jnp.int32) + iota
        plsc.store_scatter(st_loc, [b], pos, mask=is_b)
        plsc.store_scatter(en_loc, [bp], pos, mask=is_b)
        return 0
    lax.fori_loop(0, NCH, bdry_chunk, 0)

    lane0 = iota == 0
    b0 = batch_loc[pl.ds(0, 16)][0]
    bl = batch_loc[pl.ds(RT - 16, 16)][15]
    plsc.store_scatter(st_loc, [jnp.full((16,), b0, jnp.int32)],
                       jnp.full((16,), base, jnp.int32), mask=lane0)
    plsc.store_scatter(en_loc, [jnp.full((16,), bl, jnp.int32)],
                       jnp.full((16,), base + RT, jnp.int32), mask=lane0)

    def mx_chunk(j, carry):
        return jnp.maximum(carry, gate_loc[pl.ds(j * 16, 16)])
    tmax = jnp.max(lax.fori_loop(0, NCH, mx_chunk,
                                 jnp.full((16,), _NEG, jnp.float32)))

    def e_chunk(j, carry):
        off = j * 16
        g = gate_loc[pl.ds(off, 16)]
        e = jnp.exp(g - tmax)
        e_loc[pl.ds(off, 16)] = e
        c_loc[pl.ds(off, 16)] = plsc.cumsum(e) + carry
        return carry + jnp.sum(e)
    lax.fori_loop(0, NCH, e_chunk, jnp.float32(0.0))

    s_lo = b0
    s_hi = bl
    nch = (s_hi - s_lo + 16) // 16

    def part_chunk(k, _):
        s = jnp.full((16,), s_lo + k * 16, jnp.int32) + iota
        m = s <= s_hi
        sc = jnp.minimum(s, G - 1)
        st = plsc.load_gather(st_loc, [sc])
        en = plsc.load_gather(en_loc, [sc])
        lo_l = jnp.clip(st, base, base + RT) - base
        hi_l = jnp.clip(en, base, base + RT) - base
        vh = jnp.where(hi_l > 0,
                       plsc.load_gather(c_loc, [jnp.maximum(hi_l - 1, 0)]), 0.0)
        vl = jnp.where(lo_l > 0,
                       plsc.load_gather(c_loc, [jnp.maximum(lo_l - 1, 0)]), 0.0)
        plsc.store_scatter(parts_loc, [sc], jnp.where(m, vh - vl, 0.0), mask=m)
        return 0
    lax.fori_loop(0, nch, part_chunk, 0)

    pltpu.sync_copy(e_loc, e_hbm.at[pl.ds(base, RT)])
    pltpu.sync_copy(parts_loc, parts_hbm.at[w])

    rv = jnp.where(iota == 0, jnp.full((16,), s_lo, jnp.int32),
                   jnp.where(iota == 1, jnp.full((16,), s_hi, jnp.int32), zi))
    stage_loc[pl.ds(0, 16)] = jnp.full((16,), tmax, jnp.float32)
    stage_loc[pl.ds(16, 16)] = plsc.bitcast(rv, jnp.float32)
    pltpu.sync_copy(stage_loc, meta_hbm.at[w])


def _sc_g_body(batch_hbm, e_hbm, parts_hbm, meta_hbm, g_hbm,
               batch_loc, e_loc, g_loc, parts32_loc, rd_loc, meta_loc):
    w = lax.axis_index("c") * 16 + lax.axis_index("s")
    base = w * RT
    pltpu.sync_copy(batch_hbm.at[pl.ds(base, RT)], batch_loc)
    pltpu.sync_copy(e_hbm.at[pl.ds(base, RT)], e_loc)
    pltpu.sync_copy(parts_hbm, parts32_loc)
    pltpu.sync_copy(meta_hbm, meta_loc)

    iota = lax.iota(jnp.int32, 16)
    tms, los, his = [], [], []
    for r in range(NW):
        tms.append(meta_loc[r, pl.ds(0, 16)][0])
        rr = plsc.bitcast(meta_loc[r, pl.ds(16, 16)], jnp.int32)
        los.append(rr[0])
        his.append(rr[1])
    tm_self = meta_loc[w, pl.ds(0, 16)][0]

    def den_chunk(k, _):
        sv = jnp.full((16,), k * 16, jnp.int32) + iota
        mxs = jnp.full((16,), _NEG, jnp.float32)
        for r in range(NW):
            m = jnp.logical_and(sv >= los[r], sv <= his[r])
            mxs = jnp.where(m, jnp.maximum(mxs, jnp.full((16,), tms[r],
                                                         jnp.float32)), mxs)
        a = jnp.zeros((16,), jnp.float32)
        for r in range(NW):
            m = jnp.logical_and(sv >= los[r], sv <= his[r])
            contrib = parts32_loc[r, pl.ds(k * 16, 16)] * jnp.exp(
                jnp.full((16,), tms[r], jnp.float32) - mxs)
            a = a + jnp.where(m, contrib, 0.0)
        rd_loc[pl.ds(k * 16, 16)] = jnp.exp(
            jnp.full((16,), tm_self, jnp.float32) - mxs) / (a + 1e-16)
        return 0
    lax.fori_loop(0, G // 16, den_chunk, 0)

    def g_chunk(j, _):
        off = j * 16
        b = batch_loc[pl.ds(off, 16)]
        e = e_loc[pl.ds(off, 16)]
        g_loc[pl.ds(off, 16)] = e * plsc.load_gather(rd_loc, [b])
        return 0
    lax.fori_loop(0, NCH, g_chunk, 0)

    pltpu.sync_copy(g_loc, g_hbm.at[pl.ds(base, RT)])


WIN = 64
GPAD = G + WIN


def _stage_c_kernel(x_ref, g3_ref, b3_ref, out_ref, out_acc):
    i = pl.program_id(0)

    @pl.when(i == 0)
    def _():
        out_acc[...] = jnp.zeros((GPAD, D), jnp.float32)

    b = b3_ref[0, 0, :]
    g = g3_ref[...].reshape(B, 1)
    vals = (x_ref[...] * g).astype(jnp.bfloat16)

    s0a = (b[0] // 8) * 8
    nwin = (b[B - 1] - s0a) // WIN + 1

    def win(t, _):
        base_s = pl.multiple_of(s0a + t * WIN, 8)
        mask = (b[:, None] - base_s) == jax.lax.broadcasted_iota(
            jnp.int32, (B, WIN), 1)
        part = jax.lax.dot_general(
            mask.astype(jnp.bfloat16), vals,
            (((0,), (0,)), ((), ())),
            preferred_element_type=jnp.float32)
        out_acc[pl.ds(base_s, WIN), :] += part
        return 0
    jax.lax.fori_loop(0, nwin, win, 0)

    @pl.when(i == NB - 1)
    def _():
        out_ref[...] = out_acc[pl.ds(0, G), :]


_SC_MESH = plsc.VectorSubcoreMesh(core_axis_name="c", subcore_axis_name="s")

_sc_stats = pl.kernel(
    _sc_stats_body,
    out_type=[
        jax.ShapeDtypeStruct((NPAD,), jnp.float32),
        jax.ShapeDtypeStruct((NW, G), jnp.float32),
        jax.ShapeDtypeStruct((NW, 32), jnp.float32),
    ],
    mesh=_SC_MESH,
    scratch_types=[
        pltpu.VMEM((RT,), jnp.float32),
        pltpu.VMEM((RT,), jnp.int32),
        pltpu.VMEM((RT,), jnp.float32),
        pltpu.VMEM((RT,), jnp.float32),
        pltpu.VMEM((G,), jnp.int32),
        pltpu.VMEM((G,), jnp.int32),
        pltpu.VMEM((G,), jnp.float32),
        pltpu.VMEM((32,), jnp.float32),
    ],
    compiler_params=pltpu.CompilerParams(needs_layout_passes=False),
)

_sc_g = pl.kernel(
    _sc_g_body,
    out_type=jax.ShapeDtypeStruct((NPAD,), jnp.float32),
    mesh=_SC_MESH,
    scratch_types=[
        pltpu.VMEM((RT,), jnp.int32),
        pltpu.VMEM((RT,), jnp.float32),
        pltpu.VMEM((RT,), jnp.float32),
        pltpu.VMEM((NW, G), jnp.float32),
        pltpu.VMEM((G,), jnp.float32),
        pltpu.VMEM((NW, 32), jnp.float32),
    ],
    compiler_params=pltpu.CompilerParams(needs_layout_passes=False),
)


def kernel(x, batch, size, Wg, bg):
    del size
    bi = batch.astype(jnp.int32)
    b3 = bi.reshape(NB, 1, B)
    bg2 = bg.reshape(1, 1)

    gate3 = pl.pallas_call(
        _stage_a_kernel,
        grid=(NB,),
        in_specs=[
            pl.BlockSpec((B, D), lambda i: (i, 0)),
            pl.BlockSpec((D, 1), lambda i: (0, 0)),
            pl.BlockSpec((1, 1), lambda i: (0, 0)),
        ],
        out_specs=pl.BlockSpec((1, 1, B), lambda i: (i, 0, 0)),
        out_shape=jax.ShapeDtypeStruct((NB, 1, B), jnp.float32),
    )(x, Wg, bg2)

    gate_p = jnp.concatenate(
        [gate3.reshape(N), jnp.full((NPAD - N,), _NEG, jnp.float32)])
    batch_p = jnp.concatenate(
        [bi, jnp.full((NPAD - N,), G - 1, jnp.int32)])

    e_p, parts, meta = _sc_stats(gate_p, batch_p)
    g_p = _sc_g(batch_p, e_p, parts, meta)

    g3 = g_p[:N].reshape(NB, 1, B)
    out = pl.pallas_call(
        _stage_c_kernel,
        grid=(NB,),
        in_specs=[
            pl.BlockSpec((B, D), lambda i: (i, 0)),
            pl.BlockSpec((1, 1, B), lambda i: (i, 0, 0)),
            pl.BlockSpec((1, 1, B), lambda i: (i, 0, 0)),
        ],
        out_specs=pl.BlockSpec((G, D), lambda i: (0, 0)),
        out_shape=jax.ShapeDtypeStruct((G, D), jnp.float32),
        scratch_shapes=[pltpu.VMEM((GPAD, D), jnp.float32)],
    )(x, g3, b3)

    g = g_p[:N].reshape(N, 1)
    return (out, g)

# --- scband reference (transcript-rebuilt; emitter-appended) ---
"""Pipeline reference for scband-global-att-53755810677324 (READ-ONLY COPY).

The authoritative reference and input builder live on the scoring server;
editing this copy changes nothing except your own understanding.
"""

import jax, jax.numpy as jnp
import numpy as np

N = 100000
D = 128
G = 512


def setup_inputs(seed: int = 0) -> dict:
    key = jax.random.key(seed)
    k1, k2, k3 = jax.random.split(key, 3)
    x = jax.random.normal(k1, (N, D), dtype=jnp.float32)
    batch = jnp.sort(jax.random.randint(k2, (N,), 0, G))
    # gate_nn = Linear(D, 1)
    Wg = jax.random.normal(k3, (D, 1), dtype=jnp.float32) * (1.0 / np.sqrt(D))
    bg = jnp.zeros((1,), dtype=jnp.float32)
    return {"x": x, "batch": batch, "size": G, "Wg": Wg, "bg": bg}


def reference(x, batch, size, Wg, bg):
    # gate = gate_nn(x).view(-1, 1)
    gate = (x @ Wg + bg).reshape(-1, 1)
    # self.nn is None -> x unchanged
    # softmax(gate, batch, num_nodes=size): numerically-stable per-segment softmax
    size = jnp.asarray(size)
    batch = batch + (size - size).astype(batch.dtype)
    seg_max = jax.ops.segment_max(gate, batch, num_segments=G)
    seg_max = jnp.where(jnp.isfinite(seg_max), seg_max, 0.0)
    g = jnp.exp(gate - seg_max[batch])
    denom = jax.ops.segment_sum(g, batch, num_segments=G)
    g = g / (denom[batch] + 1e-16)
    # out = scatter_add(gate * x, batch, dim=0, dim_size=size)
    out = jax.ops.segment_sum(g * x, batch, num_segments=G)
    return (out, g)

if __name__ == "__main__":
    import jax
    _d = setup_inputs()
    print(jax.jit(kernel)(*tuple(_d.values())))

</pallas_src>

<mosaic_0001>
#map = affine_map<(d0, d1) -> (0)>
#map1 = affine_map<(d0, d1) -> (0, 0)>
module attributes {stable_mosaic.version = 14 : i64} {
  func.func @_sc_g_body(%arg0: i32, %arg1: i32, %arg2: memref<100352xi32, #tpu.memory_space<hbm>>, %arg3: memref<100352xf32, #tpu.memory_space<hbm>>, %arg4: memref<32x512xf32, #tpu.memory_space<hbm>>, %arg5: memref<32x32xf32, #tpu.memory_space<hbm>>, %arg6: memref<100352xf32, #tpu.memory_space<hbm>>, %arg7: memref<3136xi32, #tpu.memory_space<vmem>>, %arg8: memref<3136xf32, #tpu.memory_space<vmem>>, %arg9: memref<3136xf32, #tpu.memory_space<vmem>>, %arg10: memref<32x512xf32, #tpu.memory_space<vmem>>, %arg11: memref<512xf32, #tpu.memory_space<vmem>>, %arg12: memref<32x32xf32, #tpu.memory_space<vmem>>) attributes {dimension_semantics = [#tpu.dimension_semantics<core_parallel>, #tpu.dimension_semantics<subcore_parallel>], iteration_bounds = array<i64: 2, 16>, scalar_prefetch = 0 : i64, scratch_operands = 6 : i64, tpu.core_type = #tpu.core_type<sc_vector_subcore>, window_params = [{transform_indices = #map}, {transform_indices = #map}, {transform_indices = #map1}, {transform_indices = #map1}, {transform_indices = #map}]} {
    %mul3A = arith.constant 16 : i32
    %mul3A_0 = arith.muli %arg0, %mul3A : i32
    %add3A = arith.addi %mul3A_0, %arg1 : i32
    %mul3A_1 = arith.constant 3136 : i32
    %mul3A_2 = arith.muli %add3A, %mul3A_1 : i32
    "tpu.region"() ({
      %run_scoped3A = tpu.sem_alloc : memref<!tpu.dma_semaphore, #tpu.memory_space<semaphore_mem>>
      %dma_start3A = tpu.memref_slice %arg2[%mul3A_2] : memref<100352xi32, #tpu.memory_space<hbm>> -> memref<3136xi32, #tpu.memory_space<hbm>>
      %dma_start3A_497 = tpu.memref_slice %arg2[%mul3A_2] : memref<100352xi32, #tpu.memory_space<hbm>> -> memref<3136xi32, #tpu.memory_space<hbm>>
      tpu.enqueue_dma source(%dma_start3A_497 : memref<3136xi32, #tpu.memory_space<hbm>>) target(%arg7 : memref<3136xi32, #tpu.memory_space<vmem>>) target_semaphore(%run_scoped3A : memref<!tpu.dma_semaphore, #tpu.memory_space<semaphore_mem>>)
      %dma_wait3A = tpu.memref_slice %arg2[%mul3A_2] : memref<100352xi32, #tpu.memory_space<hbm>> -> memref<3136xi32, #tpu.memory_space<hbm>>
      %dma_wait3A_498 = tpu.memref_slice %arg2[%mul3A_2] : memref<100352xi32, #tpu.memory_space<hbm>> -> memref<3136xi32, #tpu.memory_space<hbm>>
      tpu.wait_dma2 semaphore(%run_scoped3A : memref<!tpu.dma_semaphore, #tpu.memory_space<semaphore_mem>>) src(%dma_wait3A_498 : memref<3136xi32, #tpu.memory_space<hbm>>) dst(%arg7 : memref<3136xi32, #tpu.memory_space<vmem>>)
      tpu.yield
    }) : () -> ()
    "tpu.region"() ({
      %run_scoped3A = tpu.sem_alloc : memref<!tpu.dma_semaphore, #tpu.memory_space<semaphore_mem>>
      %dma_start3A = tpu.memref_slice %arg3[%mul3A_2] : memref<100352xf32, #tpu.memory_space<hbm>> -> memref<3136xf32, #tpu.memory_space<hbm>>
      %dma_start3A_497 = tpu.memref_slice %arg3[%mul3A_2] : memref<100352xf32, #tpu.memory_space<hbm>> -> memref<3136xf32, #tpu.memory_space<hbm>>
      tpu.enqueue_dma source(%dma_start3A_497 : memref<3136xf32, #tpu.memory_space<hbm>>) target(%arg8 : memref<3136xf32, #tpu.memory_space<vmem>>) target_semaphore(%run_scoped3A : memref<!tpu.dma_semaphore, #tpu.memory_space<semaphore_mem>>)
      %dma_wait3A = tpu.memref_slice %arg3[%mul3A_2] : memref<100352xf32, #tpu.memory_space<hbm>> -> memref<3136xf32, #tpu.memory_space<hbm>>
      %dma_wait3A_498 = tpu.memref_slice %arg3[%mul3A_2] : memref<100352xf32, #tpu.memory_space<hbm>> -> memref<3136xf32, #tpu.memory_space<hbm>>
      tpu.wait_dma2 semaphore(%run_scoped3A : memref<!tpu.dma_semaphore, #tpu.memory_space<semaphore_mem>>) src(%dma_wait3A_498 : memref<3136xf32, #tpu.memory_space<hbm>>) dst(%arg8 : memref<3136xf32, #tpu.memory_space<vmem>>)
      tpu.yield
    }) : () -> ()
    "tpu.region"() ({
      %run_scoped3A = tpu.sem_alloc : memref<!tpu.dma_semaphore, #tpu.memory_space<semaphore_mem>>
      tpu.enqueue_dma source(%arg4 : memref<32x512xf32, #tpu.memory_space<hbm>>) target(%arg10 : memref<32x512xf32, #tpu.memory_space<vmem>>) target_semaphore(%run_scoped3A : memref<!tpu.dma_semaphore, #tpu.memory_space<semaphore_mem>>)
      tpu.wait_dma2 semaphore(%run_scoped3A : memref<!tpu.dma_semaphore, #tpu.memory_space<semaphore_mem>>) src(%arg4 : memref<32x512xf32, #tpu.memory_space<hbm>>) dst(%arg10 : memref<32x512xf32, #tpu.memory_space<vmem>>)
      tpu.yield
    }) : () -> ()
    "tpu.region"() ({
      %run_scoped3A = tpu.sem_alloc : memref<!tpu.dma_semaphore, #tpu.memory_space<semaphore_mem>>
      tpu.enqueue_dma source(%arg5 : memref<32x32xf32, #tpu.memory_space<hbm>>) target(%arg12 : memref<32x32xf32, #tpu.memory_space<vmem>>) target_semaphore(%run_scoped3A : memref<!tpu.dma_semaphore, #tpu.memory_space<semaphore_mem>>)
      tpu.wait_dma2 semaphore(%run_scoped3A : memref<!tpu.dma_semaphore, #tpu.memory_space<semaphore_mem>>) src(%arg5 : memref<32x32xf32, #tpu.memory_space<hbm>>) dst(%arg12 : memref<32x32xf32, #tpu.memory_space<vmem>>)
      tpu.yield
    }) : () -> ()
    %iota3A = tpu.iota {dimensions = array<i32: 0>} : vector<16xi32>
    %get3A = arith.constant 0 : i32
    %get3A_3 = arith.index_cast %get3A : i32 to index
    %get3A_4 = arith.constant 0 : index
    %get3A_5 = tpu.vector_load %arg12[%get3A_3, %get3A_4] {strides = array<i32>} : memref<32x32xf32, #tpu.memory_space<vmem>>, vector<16xf32>,
    %slice3A = vector.extract_strided_slice %get3A_5 {offsets = [0], sizes = [1], strides = [1]} : vector<16xf32> to vector<1xf32>
    %squeeze3A = vector.extract %slice3A[0] : f32 from vector<1xf32>
    %get3A_6 = arith.constant 0 : i32
    %get3A_7 = arith.index_cast %get3A_6 : i32 to index
    %get3A_8 = arith.constant 16 : index
    %get3A_9 = tpu.vector_load %arg12[%get3A_7, %get3A_8] {strides = array<i32>} : memref<32x32xf32, #tpu.memory_space<vmem>>, vector<16xf32>,
    %bitcast3A = vector.bitcast %get3A_9 : vector<16xf32> to vector<16xi32>
    %slice3A_10 = vector.extract_strided_slice %bitcast3A {offsets = [0], sizes = [1], strides = [1]} : vector<16xi32> to vector<1xi32>
    %squeeze3A_11 = vector.extract %slice3A_10[0] : i32 from vector<1xi32>
    %slice3A_12 = vector.extract_strided_slice %bitcast3A {offsets = [1], sizes = [1], strides = [1]} : vector<16xi32> to vector<1xi32>
    %squeeze3A_13 = vector.extract %slice3A_12[0] : i32 from vector<1xi32>
    %get3A_14 = arith.constant 1 : i32
    %get3A_15 = arith.index_cast %get3A_14 : i32 to index
    %get3A_16 = arith.constant 0 : index
    %get3A_17 = tpu.vector_load %arg12[%get3A_15, %get3A_16] {strides = array<i32>} : memref<32x32xf32, #tpu.memory_space<vmem>>, vector<16xf32>,
    %slice3A_18 = vector.extract_strided_slice %get3A_17 {offsets = [0], sizes = [1], strides = [1]} : vector<16xf32> to vector<1xf32>
    %squeeze3A_19 = vector.extract %slice3A_18[0] : f32 from vector<1xf32>
    %get3A_20 = arith.constant 1 : i32
    %get3A_21 = arith.index_cast %get3A_20 : i32 to index
    %get3A_22 = arith.constant 16 : index
    %get3A_23 = tpu.vector_load %arg12[%get3A_21, %get3A_22] {strides = array<i32>} : memref<32x32xf32, #tpu.memory_space<vmem>>, vector<16xf32>,
    %bitcast3A_24 = vector.bitcast %get3A_23 : vector<16xf32> to vector<16xi32>
    %slice3A_25 = vector.extract_strided_slice %bitcast3A_24 {offsets = [0], sizes = [1], strides = [1]} : vector<16xi32> to vector<1xi32>
    %squeeze3A_26 = vector.extract %slice3A_25[0] : i32 from vector<1xi32>
    %slice3A_27 = vector.extract_strided_slice %bitcast3A_24 {offsets = [1], sizes = [1], strides = [1]} : vector<16xi32> to vector<1xi32>
    %squeeze3A_28 = vector.extract %slice3A_27[0] : i32 from vector<1xi32>
    %get3A_29 = arith.constant 2 : i32
    %get3A_30 = arith.index_cast %get3A_29 : i32 to index
    %get3A_31 = arith.constant 0 : index
    %get3A_32 = tpu.vector_load %arg12[%get3A_30, %get3A_31] {strides = array<i32>} : memref<32x32xf32, #tpu.memory_space<vmem>>, vector<16xf32>,
    %slice3A_33 = vector.extract_strided_slice %get3A_32 {offsets = [0], sizes = [1], strides = [1]} : vector<16xf32> to vector<1xf32>
    %squeeze3A_34 = vector.extract %slice3A_33[0] : f32 from vector<1xf32>
    %get3A_35 = arith.constant 2 : i32
    %get3A_36 = arith.index_cast %get3A_35 : i32 to index
    %get3A_37 = arith.constant 16 : index
    %get3A_38 = tpu.vector_load %arg12[%get3A_36, %get3A_37] {strides = array<i32>} : memref<32x32xf32, #tpu.memory_space<vmem>>, vector<16xf32>,
    %bitcast3A_39 = vector.bitcast %get3A_38 : vector<16xf32> to vector<16xi32>
    %slice3A_40 = vector.extract_strided_slice %bitcast3A_39 {offsets = [0], sizes = [1], strides = [1]} : vector<16xi32> to vector<1xi32>
    %squeeze3A_41 = vector.extract %slice3A_40[0] : i32 from vector<1xi32>
    %slice3A_42 = vector.extract_strided_slice %bitcast3A_39 {offsets = [1], sizes = [1], strides = [1]} : vector<16xi32> to vector<1xi32>
    %squeeze3A_43 = vector.extract %slice3A_42[0] : i32 from vector<1xi32>
    %get3A_44 = arith.constant 3 : i32
    %get3A_45 = arith.index_cast %get3A_44 : i32 to index
    %get3A_46 = arith.constant 0 : index
    %get3A_47 = tpu.vector_load %arg12[%get3A_45, %get3A_46] {strides = array<i32>} : memref<32x32xf32, #tpu.memory_space<vmem>>, vector<16xf32>,
    %slice3A_48 = vector.extract_strided_slice %get3A_47 {offsets = [0], sizes = [1], strides = [1]} : vector<16xf32> to vector<1xf32>
    %squeeze3A_49 = vector.extract %slice3A_48[0] : f32 from vector<1xf32>
    %get3A_50 = arith.constant 3 : i32
    %get3A_51 = arith.index_cast %get3A_50 : i32 to index
    %get3A_52 = arith.constant 16 : index
    %get3A_53 = tpu.vector_load %arg12[%get3A_51, %get3A_52] {strides = array<i32>} : memref<32x32xf32, #tpu.memory_space<vmem>>, vector<16xf32>,
    %bitcast3A_54 = vector.bitcast %get3A_53 : vector<16xf32> to vector<16xi32>
    %slice3A_55 = vector.extract_strided_slice %bitcast3A_54 {offsets = [0], sizes = [1], strides = [1]} : vector<16xi32> to vector<1xi32>
    %squeeze3A_56 = vector.extract %slice3A_55[0] : i32 from vector<1xi32>
    %slice3A_57 = vector.extract_strided_slice %bitcast3A_54 {offsets = [1], sizes = [1], strides = [1]} : vector<16xi32> to vector<1xi32>
    %squeeze3A_58 = vector.extract %slice3A_57[0] : i32 from vector<1xi32>
    %get3A_59 = arith.constant 4 : i32
    %get3A_60 = arith.index_cast %get3A_59 : i32 to index
    %get3A_61 = arith.constant 0 : index
    %get3A_62 = tpu.vector_load %arg12[%get3A_60, %get3A_61] {strides = array<i32>} : memref<32x32xf32, #tpu.memory_space<vmem>>, vector<16xf32>,
    %slice3A_63 = vector.extract_strided_slice %get3A_62 {offsets = [0], sizes = [1], strides = [1]} : vector<16xf32> to vector<1xf32>
    %squeeze3A_64 = vector.extract %slice3A_63[0] : f32 from vector<1xf32>
    %get3A_65 = arith.constant 4 : i32
    %get3A_66 = arith.index_cast %get3A_65 : i32 to index
    %get3A_67 = arith.constant 16 : index
    %get3A_68 = tpu.vector_load %arg12[%get3A_66, %get3A_67] {strides = array<i32>} : memref<32x32xf32, #tpu.memory_space<vmem>>, vector<16xf32>,
    %bitcast3A_69 = vector.bitcast %get3A_68 : vector<16xf32> to vector<16xi32>
    %slice3A_70 = vector.extract_strided_slice %bitcast3A_69 {offsets = [0], sizes = [1], strides = [1]} : vector<16xi32> to vector<1xi32>
    %squeeze3A_71 = vector.extract %slice3A_70[0] : i32 from vector<1xi32>
    %slice3A_72 = vector.extract_strided_slice %bitcast3A_69 {offsets = [1], sizes = [1], strides = [1]} : vector<16xi32> to vector<1xi32>
    %squeeze3A_73 = vector.extract %slice3A_72[0] : i32 from vector<1xi32>
    %get3A_74 = arith.constant 5 : i32
    %get3A_75 = arith.index_cast %get3A_74 : i32 to index
    %get3A_76 = arith.constant 0 : index
    %get3A_77 = tpu.vector_load %arg12[%get3A_75, %get3A_76] {strides = array<i32>} : memref<32x32xf32, #tpu.memory_space<vmem>>, vector<16xf32>,
    %slice3A_78 = vector.extract_strided_slice %get3A_77 {offsets = [0], sizes = [1], strides = [1]} : vector<16xf32> to vector<1xf32>
    %squeeze3A_79 = vector.extract %slice3A_78[0] : f32 from vector<1xf32>
    %get3A_80 = arith.constant 5 : i32
    %get3A_81 = arith.index_cast %get3A_80 : i32 to index
    %get3A_82 = arith.constant 16 : index
    %get3A_83 = tpu.vector_load %arg12[%get3A_81, %get3A_82] {strides = array<i32>} : memref<32x32xf32, #tpu.memory_space<vmem>>, vector<16xf32>,
    %bitcast3A_84 = vector.bitcast %get3A_83 : vector<16xf32> to vector<16xi32>
    %slice3A_85 = vector.extract_strided_slice %bitcast3A_84 {offsets = [0], sizes = [1], strides = [1]} : vector<16xi32> to vector<1xi32>
    %squeeze3A_86 = vector.extract %slice3A_85[0] : i32 from vector<1xi32>
    %slice3A_87 = vector.extract_strided_slice %bitcast3A_84 {offsets = [1], sizes = [1], strides = [1]} : vector<16xi32> to vector<1xi32>
    %squeeze3A_88 = vector.extract %slice3A_87[0] : i32 from vector<1xi32>
    %get3A_89 = arith.constant 6 : i32
    %get3A_90 = arith.index_cast %get3A_89 : i32 to index
    %get3A_91 = arith.constant 0 : index
    %get3A_92 = tpu.vector_load %arg12[%get3A_90, %get3A_91] {strides = array<i32>} : memref<32x32xf32, #tpu.memory_space<vmem>>, vector<16xf32>,
    %slice3A_93 = vector.extract_strided_slice %get3A_92 {offsets = [0], sizes = [1], strides = [1]} : vector<16xf32> to vector<1xf32>
    %squeeze3A_94 = vector.extract %slice3A_93[0] : f32 from vector<1xf32>
    %get3A_95 = arith.constant 6 : i32
    %get3A_96 = arith.index_cast %get3A_95 : i32 to index
    %get3A_97 = arith.constant 16 : index
    %get3A_98 = tpu.vector_load %arg12[%get3A_96, %get3A_97] {strides = array<i32>} : memref<32x32xf32, #tpu.memory_space<vmem>>, vector<16xf32>,
    %bitcast3A_99 = vector.bitcast %get3A_98 : vector<16xf32> to vector<16xi32>
    %slice3A_100 = vector.extract_strided_slice %bitcast3A_99 {offsets = [0], sizes = [1], strides = [1]} : vector<16xi32> to vector<1xi32>
    %squeeze3A_101 = vector.extract %slice3A_100[0] : i32 from vector<1xi32>
    %slice3A_102 = vector.extract_strided_slice %bitcast3A_99 {offsets = [1], sizes = [1], strides = [1]} : vector<16xi32> to vector<1xi32>
    %squeeze3A_103 = vector.extract %slice3A_102[0] : i32 from vector<1xi32>
    %get3A_104 = arith.constant 7 : i32
    %get3A_105 = arith.index_cast %get3A_104 : i32 to index
    %get3A_106 = arith.constant 0 : index
    %get3A_107 = tpu.vector_load %arg12[%get3A_105, %get3A_106] {strides = array<i32>} : memref<32x32xf32, #tpu.memory_space<vmem>>, vector<16xf32>,
    %slice3A_108 = vector.extract_strided_slice %get3A_107 {offsets = [0], sizes = [1], strides = [1]} : vector<16xf32> to vector<1xf32>
    %squeeze3A_109 = vector.extract %slice3A_108[0] : f32 from vector<1xf32>
    %get3A_110 = arith.constant 7 : i32
    %get3A_111 = arith.index_cast %get3A_110 : i32 to index
    %get3A_112 = arith.constant 16 : index
    %get3A_113 = tpu.vector_load %arg12[%get3A_111, %get3A_112] {strides = array<i32>} : memref<32x32xf32, #tpu.memory_space<vmem>>, vector<16xf32>,
    %bitcast3A_114 = vector.bitcast %get3A_113 : vector<16xf32> to vector<16xi32>
    %slice3A_115 = vector.extract_strided_slice %bitcast3A_114 {offsets = [0], sizes = [1], strides = [1]} : vector<16xi32> to vector<1xi32>
    %squeeze3A_116 = vector.extract %slice3A_115[0] : i32 from vector<1xi32>
    %slice3A_117 = vector.extract_strided_slice %bitcast3A_114 {offsets = [1], sizes = [1], strides = [1]} : vector<16xi32> to vector<1xi32>
    %squeeze3A_118 = vector.extract %slice3A_117[0] : i32 from vector<1xi32>
    %get3A_119 = arith.constant 8 : i32
    %get3A_120 = arith.index_cast %get3A_119 : i32 to index
    %get3A_121 = arith.constant 0 : index
    %get3A_122 = tpu.vector_load %arg12[%get3A_120, %get3A_121] {strides = array<i32>} : memref<32x32xf32, #tpu.memory_space<vmem>>, vector<16xf32>,
    %slice3A_123 = vector.extract_strided_slice %get3A_122 {offsets = [0], sizes = [1], strides = [1]} : vector<16xf32> to vector<1xf32>
    %squeeze3A_124 = vector.extract %slice3A_123[0] : f32 from vector<1xf32>
    %get3A_125 = arith.constant 8 : i32
    %get3A_126 = arith.index_cast %get3A_125 : i32 to index
    %get3A_127 = arith.constant 16 : index
    %get3A_128 = tpu.vector_load %arg12[%get3A_126, %get3A_127] {strides = array<i32>} : memref<32x32xf32, #tpu.memory_space<vmem>>, vector<16xf32>,
    %bitcast3A_129 = vector.bitcast %get3A_128 : vector<16xf32> to vector<16xi32>
    %slice3A_130 = vector.extract_strided_slice %bitcast3A_129 {offsets = [0], sizes = [1], strides = [1]} : vector<16xi32> to vector<1xi32>
    %squeeze3A_131 = vector.extract %slice3A_130[0] : i32 from vector<1xi32>
    %slice3A_132 = vector.extract_strided_slice %bitcast3A_129 {offsets = [1], sizes = [1], strides = [1]} : vector<16xi32> to vector<1xi32>
    %squeeze3A_133 = vector.extract %slice3A_132[0] : i32 from vector<1xi32>
    %get3A_134 = arith.constant 9 : i32
    %get3A_135 = arith.index_cast %get3A_134 : i32 to index
    %get3A_136 = arith.constant 0 : index
    %get3A_137 = tpu.vector_load %arg12[%get3A_135, %get3A_136] {strides = array<i32>} : memref<32x32xf32, #tpu.memory_space<vmem>>, vector<16xf32>,
    %slice3A_138 = vector.extract_strided_slice %get3A_137 {offsets = [0], sizes = [1], strides = [1]} : vector<16xf32> to vector<1xf32>
    %squeeze3A_139 = vector.extract %slice3A_138[0] : f32 from vector<1xf32>
    %get3A_140 = arith.constant 9 : i32
    %get3A_141 = arith.index_cast %get3A_140 : i32 to index
    %get3A_142 = arith.constant 16 : index
    %get3A_143 = tpu.vector_load %arg12[%get3A_141, %get3A_142] {strides = array<i32>} : memref<32x32xf32, #tpu.memory_space<vmem>>, vector<16xf32>,
    %bitcast3A_144 = vector.bitcast %get3A_143 : vector<16xf32> to vector<16xi32>
    %slice3A_145 = vector.extract_strided_slice %bitcast3A_144 {offsets = [0], sizes = [1], strides = [1]} : vector<16xi32> to vector<1xi32>
    %squeeze3A_146 = vector.extract %slice3A_145[0] : i32 from vector<1xi32>
    %slice3A_147 = vector.extract_strided_slice %bitcast3A_144 {offsets = [1], sizes = [1], strides = [1]} : vector<16xi32> to vector<1xi32>
    %squeeze3A_148 = vector.extract %slice3A_147[0] : i32 from vector<1xi32>
    %get3A_149 = arith.constant 10 : i32
    %get3A_150 = arith.index_cast %get3A_149 : i32 to index
    %get3A_151 = arith.constant 0 : index
    %get3A_152 = tpu.vector_load %arg12[%get3A_150, %get3A_151] {strides = array<i32>} : memref<32x32xf32, #tpu.memory_space<vmem>>, vector<16xf32>,
    %slice3A_153 = vector.extract_strided_slice %get3A_152 {offsets = [0], sizes = [1], strides = [1]} : vector<16xf32> to vector<1xf32>
    %squeeze3A_154 = vector.extract %slice3A_153[0] : f32 from vector<1xf32>
    %get3A_155 = arith.constant 10 : i32
    %get3A_156 = arith.index_cast %get3A_155 : i32 to index
    %get3A_157 = arith.constant 16 : index
    %get3A_158 = tpu.vector_load %arg12[%get3A_156, %get3A_157] {strides = array<i32>} : memref<32x32xf32, #tpu.memory_space<vmem>>, vector<16xf32>,
    %bitcast3A_159 = vector.bitcast %get3A_158 : vector<16xf32> to vector<16xi32>
    %slice3A_160 = vector.extract_strided_slice %bitcast3A_159 {offsets = [0], sizes = [1], strides = [1]} : vector<16xi32> to vector<1xi32>
    %squeeze3A_161 = vector.extract %slice3A_160[0] : i32 from vector<1xi32>
    %slice3A_162 = vector.extract_strided_slice %bitcast3A_159 {offsets = [1], sizes = [1], strides = [1]} : vector<16xi32> to vector<1xi32>
    %squeeze3A_163 = vector.extract %slice3A_162[0] : i32 from vector<1xi32>
    %get3A_164 = arith.constant 11 : i32
    %get3A_165 = arith.index_cast %get3A_164 : i32 to index
    %get3A_166 = arith.constant 0 : index
    %get3A_167 = tpu.vector_load %arg12[%get3A_165, %get3A_166] {strides = array<i32>} : memref<32x32xf32, #tpu.memory_space<vmem>>, vector<16xf32>,
    %slice3A_168 = vector.extract_strided_slice %get3A_167 {offsets = [0], sizes = [1], strides = [1]} : vector<16xf32> to vector<1xf32>
    %squeeze3A_169 = vector.extract %slice3A_168[0] : f32 from vector<1xf32>
    %get3A_170 = arith.constant 11 : i32
    %get3A_171 = arith.index_cast %get3A_170 : i32 to index
    %get3A_172 = arith.constant 16 : index
    %get3A_173 = tpu.vector_load %arg12[%get3A_171, %get3A_172] {strides = array<i32>} : memref<32x32xf32, #tpu.memory_space<vmem>>, vector<16xf32>,
    %bitcast3A_174 = vector.bitcast %get3A_173 : vector<16xf32> to vector<16xi32>
    %slice3A_175 = vector.extract_strided_slice %bitcast3A_174 {offsets = [0], sizes = [1], strides = [1]} : vector<16xi32> to vector<1xi32>
    %squeeze3A_176 = vector.extract %slice3A_175[0] : i32 from vector<1xi32>
    %slice3A_177 = vector.extract_strided_slice %bitcast3A_174 {offsets = [1], sizes = [1], strides = [1]} : vector<16xi32> to vector<1xi32>
    %squeeze3A_178 = vector.extract %slice3A_177[0] : i32 from vector<1xi32>
    %get3A_179 = arith.constant 12 : i32
    %get3A_180 = arith.index_cast %get3A_179 : i32 to index
    %get3A_181 = arith.constant 0 : index
    %get3A_182 = tpu.vector_load %arg12[%get3A_180, %get3A_181] {strides = array<i32>} : memref<32x32xf32, #tpu.memory_space<vmem>>, vector<16xf32>,
    %slice3A_183 = vector.extract_strided_slice %get3A_182 {offsets = [0], sizes = [1], strides = [1]} : vector<16xf32> to vector<1xf32>
    %squeeze3A_184 = vector.extract %slice3A_183[0] : f32 from vector<1xf32>
    %get3A_185 = arith.constant 12 : i32
    %get3A_186 = arith.index_cast %get3A_185 : i32 to index
    %get3A_187 = arith.constant 16 : index
    %get3A_188 = tpu.vector_load %arg12[%get3A_186, %get3A_187] {strides = array<i32>} : memref<32x32xf32, #tpu.memory_space<vmem>>, vector<16xf32>,
    %bitcast3A_189 = vector.bitcast %get3A_188 : vector<16xf32> to vector<16xi32>
    %slice3A_190 = vector.extract_strided_slice %bitcast3A_189 {offsets = [0], sizes = [1], strides = [1]} : vector<16xi32> to vector<1xi32>
    %squeeze3A_191 = vector.extract %slice3A_190[0] : i32 from vector<1xi32>
    %slice3A_192 = vector.extract_strided_slice %bitcast3A_189 {offsets = [1], sizes = [1], strides = [1]} : vector<16xi32> to vector<1xi32>
    %squeeze3A_193 = vector.extract %slice3A_192[0] : i32 from vector<1xi32>
    %get3A_194 = arith.constant 13 : i32
    %get3A_195 = arith.index_cast %get3A_194 : i32 to index
    %get3A_196 = arith.constant 0 : index
    %get3A_197 = tpu.vector_load %arg12[%get3A_195, %get3A_196] {strides = array<i32>} : memref<32x32xf32, #tpu.memory_space<vmem>>, vector<16xf32>,
    %slice3A_198 = vector.extract_strided_slice %get3A_197 {offsets = [0], sizes = [1], strides = [1]} : vector<16xf32> to vector<1xf32>
    %squeeze3A_199 = vector.extract %slice3A_198[0] : f32 from vector<1xf32>
    %get3A_200 = arith.constant 13 : i32
    %get3A_201 = arith.index_cast %get3A_200 : i32 to index
    %get3A_202 = arith.constant 16 : index
    %get3A_203 = tpu.vector_load %arg12[%get3A_201, %get3A_202] {strides = array<i32>} : memref<32x32xf32, #tpu.memory_space<vmem>>, vector<16xf32>,
    %bitcast3A_204 = vector.bitcast %get3A_203 : vector<16xf32> to vector<16xi32>
    %slice3A_205 = vector.extract_strided_slice %bitcast3A_204 {offsets = [0], sizes = [1], strides = [1]} : vector<16xi32> to vector<1xi32>
    %squeeze3A_206 = vector.extract %slice3A_205[0] : i32 from vector<1xi32>
    %slice3A_207 = vector.extract_strided_slice %bitcast3A_204 {offsets = [1], sizes = [1], strides = [1]} : vector<16xi32> to vector<1xi32>
    %squeeze3A_208 = vector.extract %slice3A_207[0] : i32 from vector<1xi32>
    %get3A_209 = arith.constant 14 : i32
    %get3A_210 = arith.index_cast %get3A_209 : i32 to index
    %get3A_211 = arith.constant 0 : index
    %get3A_212 = tpu.vector_load %arg12[%get3A_210, %get3A_211] {strides = array<i32>} : memref<32x32xf32, #tpu.memory_space<vmem>>, vector<16xf32>,
    %slice3A_213 = vector.extract_strided_slice %get3A_212 {offsets = [0], sizes = [1], strides = [1]} : vector<16xf32> to vector<1xf32>
    %squeeze3A_214 = vector.extract %slice3A_213[0] : f32 from vector<1xf32>
    %get3A_215 = arith.constant 14 : i32
    %get3A_216 = arith.index_cast %get3A_215 : i32 to index
    %get3A_217 = arith.constant 16 : index
    %get3A_218 = tpu.vector_load %arg12[%get3A_216, %get3A_217] {strides = array<i32>} : memref<32x32xf32, #tpu.memory_space<vmem>>, vector<16xf32>,
    %bitcast3A_219 = vector.bitcast %get3A_218 : vector<16xf32> to vector<16xi32>
    %slice3A_220 = vector.extract_strided_slice %bitcast3A_219 {offsets = [0], sizes = [1], strides = [1]} : vector<16xi32> to vector<1xi32>
    %squeeze3A_221 = vector.extract %slice3A_220[0] : i32 from vector<1xi32>
    %slice3A_222 = vector.extract_strided_slice %bitcast3A_219 {offsets = [1], sizes = [1], strides = [1]} : vector<16xi32> to vector<1xi32>
    %squeeze3A_223 = vector.extract %slice3A_222[0] : i32 from vector<1xi32>
    %get3A_224 = arith.constant 15 : i32
    %get3A_225 = arith.index_cast %get3A_224 : i32 to index
    %get3A_226 = arith.constant 0 : index
    %get3A_227 = tpu.vector_load %arg12[%get3A_225, %get3A_226] {strides = array<i32>} : memref<32x32xf32, #tpu.memory_space<vmem>>, vector<16xf32>,
    %slice3A_228 = vector.extract_strided_slice %get3A_227 {offsets = [0], sizes = [1], strides = [1]} : vector<16xf32> to vector<1xf32>
    %squeeze3A_229 = vector.extract %slice3A_228[0] : f32 from vector<1xf32>
    %get3A_230 = arith.constant 15 : i32
    %get3A_231 = arith.index_cast %get3A_230 : i32 to index
    %get3A_232 = arith.constant 16 : index
    %get3A_233 = tpu.vector_load %arg12[%get3A_231, %get3A_232] {strides = array<i32>} : memref<32x32xf32, #tpu.memory_space<vmem>>, vector<16xf32>,
    %bitcast3A_234 = vector.bitcast %get3A_233 : vector<16xf32> to vector<16xi32>
    %slice3A_235 = vector.extract_strided_slice %bitcast3A_234 {offsets = [0], sizes = [1], strides = [1]} : vector<16xi32> to vector<1xi32>
    %squeeze3A_236 = vector.extract %slice3A_235[0] : i32 from vector<1xi32>
    %slice3A_237 = vector.extract_strided_slice %bitcast3A_234 {offsets = [1], sizes = [1], strides = [1]} : vector<16xi32> to vector<1xi32>
    %squeeze3A_238 = vector.extract %slice3A_237[0] : i32 from vector<1xi32>
    %get3A_239 = arith.constant 16 : i32
    %get3A_240 = arith.index_cast %get3A_239 : i32 to index
    %get3A_241 = arith.constant 0 : index
    %get3A_242 = tpu.vector_load %arg12[%get3A_240, %get3A_241] {strides = array<i32>} : memref<32x32xf32, #tpu.memory_space<vmem>>, vector<16xf32>,
    %slice3A_243 = vector.extract_strided_slice %get3A_242 {offsets = [0], sizes = [1], strides = [1]} : vector<16xf32> to vector<1xf32>
    %squeeze3A_244 = vector.extract %slice3A_243[0] : f32 from vector<1xf32>
    %get3A_245 = arith.constant 16 : i32
    %get3A_246 = arith.index_cast %get3A_245 : i32 to index
    %get3A_247 = arith.constant 16 : index
    %get3A_248 = tpu.vector_load %arg12[%get3A_246, %get3A_247] {strides = array<i32>} : memref<32x32xf32, #tpu.memory_space<vmem>>, vector<16xf32>,
    %bitcast3A_249 = vector.bitcast %get3A_248 : vector<16xf32> to vector<16xi32>
    %slice3A_250 = vector.extract_strided_slice %bitcast3A_249 {offsets = [0], sizes = [1], strides = [1]} : vector<16xi32> to vector<1xi32>
    %squeeze3A_251 = vector.extract %slice3A_250[0] : i32 from vector<1xi32>
    %slice3A_252 = vector.extract_strided_slice %bitcast3A_249 {offsets = [1], sizes = [1], strides = [1]} : vector<16xi32> to vector<1xi32>
    %squeeze3A_253 = vector.extract %slice3A_252[0] : i32 from vector<1xi32>
    %get3A_254 = arith.constant 17 : i32
    %get3A_255 = arith.index_cast %get3A_254 : i32 to index
    %get3A_256 = arith.constant 0 : index
    %get3A_257 = tpu.vector_load %arg12[%get3A_255, %get3A_256] {strides = array<i32>} : memref<32x32xf32, #tpu.memory_space<vmem>>, vector<16xf32>,
    %slice3A_258 = vector.extract_strided_slice %get3A_257 {offsets = [0], sizes = [1], strides = [1]} : vector<16xf32> to vector<1xf32>
    %squeeze3A_259 = vector.extract %slice3A_258[0] : f32 from vector<1xf32>
    %get3A_260 = arith.constant 17 : i32
    %get3A_261 = arith.index_cast %get3A_260 : i32 to index
    %get3A_262 = arith.constant 16 : index
    %get3A_263 = tpu.vector_load %arg12[%get3A_261, %get3A_262] {strides = array<i32>} : memref<32x32xf32, #tpu.memory_space<vmem>>, vector<16xf32>,
    %bitcast3A_264 = vector.bitcast %get3A_263 : vector<16xf32> to vector<16xi32>
    %slice3A_265 = vector.extract_strided_slice %bitcast3A_264 {offsets = [0], sizes = [1], strides = [1]} : vector<16xi32> to vector<1xi32>
    %squeeze3A_266 = vector.extract %slice3A_265[0] : i32 from vector<1xi32>
    %slice3A_267 = vector.extract_strided_slice %bitcast3A_264 {offsets = [1], sizes = [1], strides = [1]} : vector<16xi32> to vector<1xi32>
    %squeeze3A_268 = vector.extract %slice3A_267[0] : i32 from vector<1xi32>
    %get3A_269 = arith.constant 18 : i32
    %get3A_270 = arith.index_cast %get3A_269 : i32 to index
    %get3A_271 = arith.constant 0 : index
    %get3A_272 = tpu.vector_load %arg12[%get3A_270, %get3A_271] {strides = array<i32>} : memref<32x32xf32, #tpu.memory_space<vmem>>, vector<16xf32>,
    %slice3A_273 = vector.extract_strided_slice %get3A_272 {offsets = [0], sizes = [1], strides = [1]} : vector<16xf32> to vector<1xf32>
    %squeeze3A_274 = vector.extract %slice3A_273[0] : f32 from vector<1xf32>
    %get3A_275 = arith.constant 18 : i32
    %get3A_276 = arith.index_cast %get3A_275 : i32 to index
    %get3A_277 = arith.constant 16 : index
    %get3A_278 = tpu.vector_load %arg12[%get3A_276, %get3A_277] {strides = array<i32>} : memref<32x32xf32, #tpu.memory_space<vmem>>, vector<16xf32>,
    %bitcast3A_279 = vector.bitcast %get3A_278 : vector<16xf32> to vector<16xi32>
    %slice3A_280 = vector.extract_strided_slice %bitcast3A_279 {offsets = [0], sizes = [1], strides = [1]} : vector<16xi32> to vector<1xi32>
    %squeeze3A_281 = vector.extract %slice3A_280[0] : i32 from vector<1xi32>
    %slice3A_282 = vector.extract_strided_slice %bitcast3A_279 {offsets = [1], sizes = [1], strides = [1]} : vector<16xi32> to vector<1xi32>
    %squeeze3A_283 = vector.extract %slice3A_282[0] : i32 from vector<1xi32>
    %get3A_284 = arith.constant 19 : i32
    %get3A_285 = arith.index_cast %get3A_284 : i32 to index
    %get3A_286 = arith.constant 0 : index
    %get3A_287 = tpu.vector_load %arg12[%get3A_285, %get3A_286] {strides = array<i32>} : memref<32x32xf32, #tpu.memory_space<vmem>>, vector<16xf32>,
    %slice3A_288 = vector.extract_strided_slice %get3A_287 {offsets = [0], sizes = [1], strides = [1]} : vector<16xf32> to vector<1xf32>
    %squeeze3A_289 = vector.extract %slice3A_288[0] : f32 from vector<1xf32>
    %get3A_290 = arith.constant 19 : i32
    %get3A_291 = arith.index_cast %get3A_290 : i32 to index
    %get3A_292 = arith.constant 16 : index
    %get3A_293 = tpu.vector_load %arg12[%get3A_291, %get3A_292] {strides = array<i32>} : memref<32x32xf32, #tpu.memory_space<vmem>>, vector<16xf32>,
    %bitcast3A_294 = vector.bitcast %get3A_293 : vector<16xf32> to vector<16xi32>
    %slice3A_295 = vector.extract_strided_slice %bitcast3A_294 {offsets = [0], sizes = [1], strides = [1]} : vector<16xi32> to vector<1xi32>
    %squeeze3A_296 = vector.extract %slice3A_295[0] : i32 from vector<1xi32>
    %slice3A_297 = vector.extract_strided_slice %bitcast3A_294 {offsets = [1], sizes = [1], strides = [1]} : vector<16xi32> to vector<1xi32>
    %squeeze3A_298 = vector.extract %slice3A_297[0] : i32 from vector<1xi32>
    %get3A_299 = arith.constant 20 : i32
    %get3A_300 = arith.index_cast %get3A_299 : i32 to index
    %get3A_301 = arith.constant 0 : index
    %get3A_302 = tpu.vector_load %arg12[%get3A_300, %get3A_301] {strides = array<i32>} : memref<32x32xf32, #tpu.memory_space<vmem>>, vector<16xf32>,
    %slice3A_303 = vector.extract_strided_slice %get3A_302 {offsets = [0], sizes = [1], strides = [1]} : vector<16xf32> to vector<1xf32>
    %squeeze3A_304 = vector.extract %slice3A_303[0] : f32 from vector<1xf32>
    %get3A_305 = arith.constant 20 : i32
    %get3A_306 = arith.index_cast %get3A_305 : i32 to index
    %get3A_307 = arith.constant 16 : index
    %get3A_308 = tpu.vector_load %arg12[%get3A_306, %get3A_307] {strides = array<i32>} : memref<32x32xf32, #tpu.memory_space<vmem>>, vector<16xf32>,
    %bitcast3A_309 = vector.bitcast %get3A_308 : vector<16xf32> to vector<16xi32>
    %slice3A_310 = vector.extract_strided_slice %bitcast3A_309 {offsets = [0], sizes = [1], strides = [1]} : vector<16xi32> to vector<1xi32>
    %squeeze3A_311 = vector.extract %slice3A_310[0] : i32 from vector<1xi32>
    %slice3A_312 = vector.extract_strided_slice %bitcast3A_309 {offsets = [1], sizes = [1], strides = [1]} : vector<16xi32> to vector<1xi32>
    %squeeze3A_313 = vector.extract %slice3A_312[0] : i32 from vector<1xi32>
    %get3A_314 = arith.constant 21 : i32
    %get3A_315 = arith.index_cast %get3A_314 : i32 to index
    %get3A_316 = arith.constant 0 : index
    %get3A_317 = tpu.vector_load %arg12[%get3A_315, %get3A_316] {strides = array<i32>} : memref<32x32xf32, #tpu.memory_space<vmem>>, vector<16xf32>,
    %slice3A_318 = vector.extract_strided_slice %get3A_317 {offsets = [0], sizes = [1], strides = [1]} : vector<16xf32> to vector<1xf32>
    %squeeze3A_319 = vector.extract %slice3A_318[0] : f32 from vector<1xf32>
    %get3A_320 = arith.constant 21 : i32
    %get3A_321 = arith.index_cast %get3A_320 : i32 to index
    %get3A_322 = arith.constant 16 : index
    %get3A_323 = tpu.vector_load %arg12[%get3A_321, %get3A_322] {strides = array<i32>} : memref<32x32xf32, #tpu.memory_space<vmem>>, vector<16xf32>,
    %bitcast3A_324 = vector.bitcast %get3A_323 : vector<16xf32> to vector<16xi32>
    %slice3A_325 = vector.extract_strided_slice %bitcast3A_324 {offsets = [0], sizes = [1], strides = [1]} : vector<16xi32> to vector<1xi32>
    %squeeze3A_326 = vector.extract %slice3A_325[0] : i32 from vector<1xi32>
    %slice3A_327 = vector.extract_strided_slice %bitcast3A_324 {offsets = [1], sizes = [1], strides = [1]} : vector<16xi32> to vector<1xi32>
    %squeeze3A_328 = vector.extract %slice3A_327[0] : i32 from vector<1xi32>
    %get3A_329 = arith.constant 22 : i32
    %get3A_330 = arith.index_cast %get3A_329 : i32 to index
    %get3A_331 = arith.constant 0 : index
    %get3A_332 = tpu.vector_load %arg12[%get3A_330, %get3A_331] {strides = array<i32>} : memref<32x32xf32, #tpu.memory_space<vmem>>, vector<16xf32>,
    %slice3A_333 = vector.extract_strided_slice %get3A_332 {offsets = [0], sizes = [1], strides = [1]} : vector<16xf32> to vector<1xf32>
    %squeeze3A_334 = vector.extract %slice3A_333[0] : f32 from vector<1xf32>
    %get3A_335 = arith.constant 22 : i32
    %get3A_336 = arith.index_cast %get3A_335 : i32 to index
    %get3A_337 = arith.constant 16 : index
    %get3A_338 = tpu.vector_load %arg12[%get3A_336, %get3A_337] {strides = array<i32>} : memref<32x32xf32, #tpu.memory_space<vmem>>, vector<16xf32>,
    %bitcast3A_339 = vector.bitcast %get3A_338 : vector<16xf32> to vector<16xi32>
    %slice3A_340 = vector.extract_strided_slice %bitcast3A_339 {offsets = [0], sizes = [1], strides = [1]} : vector<16xi32> to vector<1xi32>
    %squeeze3A_341 = vector.extract %slice3A_340[0] : i32 from vector<1xi32>
    %slice3A_342 = vector.extract_strided_slice %bitcast3A_339 {offsets = [1], sizes = [1], strides = [1]} : vector<16xi32> to vector<1xi32>
    %squeeze3A_343 = vector.extract %slice3A_342[0] : i32 from vector<1xi32>
    %get3A_344 = arith.constant 23 : i32
    %get3A_345 = arith.index_cast %get3A_344 : i32 to index
    %get3A_346 = arith.constant 0 : index
    %get3A_347 = tpu.vector_load %arg12[%get3A_345, %get3A_346] {strides = array<i32>} : memref<32x32xf32, #tpu.memory_space<vmem>>, vector<16xf32>,
    %slice3A_348 = vector.extract_strided_slice %get3A_347 {offsets = [0], sizes = [1], strides = [1]} : vector<16xf32> to vector<1xf32>
    %squeeze3A_349 = vector.extract %slice3A_348[0] : f32 from vector<1xf32>
    %get3A_350 = arith.constant 23 : i32
    %get3A_351 = arith.index_cast %get3A_350 : i32 to index
    %get3A_352 = arith.constant 16 : index
    %get3A_353 = tpu.vector_load %arg12[%get3A_351, %get3A_352] {strides = array<i32>} : memref<32x32xf32, #tpu.memory_space<vmem>>, vector<16xf32>,
    %bitcast3A_354 = vector.bitcast %get3A_353 : vector<16xf32> to vector<16xi32>
    %slice3A_355 = vector.extract_strided_slice %bitcast3A_354 {offsets = [0], sizes = [1], strides = [1]} : vector<16xi32> to vector<1xi32>
    %squeeze3A_356 = vector.extract %slice3A_355[0] : i32 from vector<1xi32>
    %slice3A_357 = vector.extract_strided_slice %bitcast3A_354 {offsets = [1], sizes = [1], strides = [1]} : vector<16xi32> to vector<1xi32>
    %squeeze3A_358 = vector.extract %slice3A_357[0] : i32 from vector<1xi32>
    %get3A_359 = arith.constant 24 : i32
    %get3A_360 = arith.index_cast %get3A_359 : i32 to index
    %get3A_361 = arith.constant 0 : index
    %get3A_362 = tpu.vector_load %arg12[%get3A_360, %get3A_361] {strides = array<i32>} : memref<32x32xf32, #tpu.memory_space<vmem>>, vector<16xf32>,
    %slice3A_363 = vector.extract_strided_slice %get3A_362 {offsets = [0], sizes = [1], strides = [1]} : vector<16xf32> to vector<1xf32>
    %squeeze3A_364 = vector.extract %slice3A_363[0] : f32 from vector<1xf32>
    %get3A_365 = arith.constant 24 : i32
    %get3A_366 = arith.index_cast %get3A_365 : i32 to index
    %get3A_367 = arith.constant 16 : index
    %get3A_368 = tpu.vector_load %arg12[%get3A_366, %get3A_367] {strides = array<i32>} : memref<32x32xf32, #tpu.memory_space<vmem>>, vector<16xf32>,
    %bitcast3A_369 = vector.bitcast %get3A_368 : vector<16xf32> to vector<16xi32>
    %slice3A_370 = vector.extract_strided_slice %bitcast3A_369 {offsets = [0], sizes = [1], strides = [1]} : vector<16xi32> to vector<1xi32>
    %squeeze3A_371 = vector.extract %slice3A_370[0] : i32 from vector<1xi32>
    %slice3A_372 = vector.extract_strided_slice %bitcast3A_369 {offsets = [1], sizes = [1], strides = [1]} : vector<16xi32> to vector<1xi32>
    %squeeze3A_373 = vector.extract %slice3A_372[0] : i32 from vector<1xi32>
    %get3A_374 = arith.constant 25 : i32
    %get3A_375 = arith.index_cast %get3A_374 : i32 to index
    %get3A_376 = arith.constant 0 : index
    %get3A_377 = tpu.vector_load %arg12[%get3A_375, %get3A_376] {strides = array<i32>} : memref<32x32xf32, #tpu.memory_space<vmem>>, vector<16xf32>,
    %slice3A_378 = vector.extract_strided_slice %get3A_377 {offsets = [0], sizes = [1], strides = [1]} : vector<16xf32> to vector<1xf32>
    %squeeze3A_379 = vector.extract %slice3A_378[0] : f32 from vector<1xf32>
    %get3A_380 = arith.constant 25 : i32
    %get3A_381 = arith.index_cast %get3A_380 : i32 to index
    %get3A_382 = arith.constant 16 : index
    %get3A_383 = tpu.vector_load %arg12[%get3A_381, %get3A_382] {strides = array<i32>} : memref<32x32xf32, #tpu.memory_space<vmem>>, vector<16xf32>,
    %bitcast3A_384 = vector.bitcast %get3A_383 : vector<16xf32> to vector<16xi32>
    %slice3A_385 = vector.extract_strided_slice %bitcast3A_384 {offsets = [0], sizes = [1], strides = [1]} : vector<16xi32> to vector<1xi32>
    %squeeze3A_386 = vector.extract %slice3A_385[0] : i32 from vector<1xi32>
    %slice3A_387 = vector.extract_strided_slice %bitcast3A_384 {offsets = [1], sizes = [1], strides = [1]} : vector<16xi32> to vector<1xi32>
    %squeeze3A_388 = vector.extract %slice3A_387[0] : i32 from vector<1xi32>
    %get3A_389 = arith.constant 26 : i32
    %get3A_390 = arith.index_cast %get3A_389 : i32 to index
    %get3A_391 = arith.constant 0 : index
    %get3A_392 = tpu.vector_load %arg12[%get3A_390, %get3A_391] {strides = array<i32>} : memref<32x32xf32, #tpu.memory_space<vmem>>, vector<16xf32>,
    %slice3A_393 = vector.extract_strided_slice %get3A_392 {offsets = [0], sizes = [1], strides = [1]} : vector<16xf32> to vector<1xf32>
    %squeeze3A_394 = vector.extract %slice3A_393[0] : f32 from vector<1xf32>
    %get3A_395 = arith.constant 26 : i32
    %get3A_396 = arith.index_cast %get3A_395 : i32 to index
    %get3A_397 = arith.constant 16 : index
    %get3A_398 = tpu.vector_load %arg12[%get3A_396, %get3A_397] {strides = array<i32>} : memref<32x32xf32, #tpu.memory_space<vmem>>, vector<16xf32>,
    %bitcast3A_399 = vector.bitcast %get3A_398 : vector<16xf32> to vector<16xi32>
    %slice3A_400 = vector.extract_strided_slice %bitcast3A_399 {offsets = [0], sizes = [1], strides = [1]} : vector<16xi32> to vector<1xi32>
    %squeeze3A_401 = vector.extract %slice3A_400[0] : i32 from vector<1xi32>
    %slice3A_402 = vector.extract_strided_slice %bitcast3A_399 {offsets = [1], sizes = [1], strides = [1]} : vector<16xi32> to vector<1xi32>
    %squeeze3A_403 = vector.extract %slice3A_402[0] : i32 from vector<1xi32>
    %get3A_404 = arith.constant 27 : i32
    %get3A_405 = arith.index_cast %get3A_404 : i32 to index
    %get3A_406 = arith.constant 0 : index
    %get3A_407 = tpu.vector_load %arg12[%get3A_405, %get3A_406] {strides = array<i32>} : memref<32x32xf32, #tpu.memory_space<vmem>>, vector<16xf32>,
    %slice3A_408 = vector.extract_strided_slice %get3A_407 {offsets = [0], sizes = [1], strides = [1]} : vector<16xf32> to vector<1xf32>
    %squeeze3A_409 = vector.extract %slice3A_408[0] : f32 from vector<1xf32>
    %get3A_410 = arith.constant 27 : i32
    %get3A_411 = arith.index_cast %get3A_410 : i32 to index
    %get3A_412 = arith.constant 16 : index
    %get3A_413 = tpu.vector_load %arg12[%get3A_411, %get3A_412] {strides = array<i32>} : memref<32x32xf32, #tpu.memory_space<vmem>>, vector<16xf32>,
    %bitcast3A_414 = vector.bitcast %get3A_413 : vector<16xf32> to vector<16xi32>
    %slice3A_415 = vector.extract_strided_slice %bitcast3A_414 {offsets = [0], sizes = [1], strides = [1]} : vector<16xi32> to vector<1xi32>
    %squeeze3A_416 = vector.extract %slice3A_415[0] : i32 from vector<1xi32>
    %slice3A_417 = vector.extract_strided_slice %bitcast3A_414 {offsets = [1], sizes = [1], strides = [1]} : vector<16xi32> to vector<1xi32>
    %squeeze3A_418 = vector.extract %slice3A_417[0] : i32 from vector<1xi32>
    %get3A_419 = arith.constant 28 : i32
    %get3A_420 = arith.index_cast %get3A_419 : i32 to index
    %get3A_421 = arith.constant 0 : index
    %get3A_422 = tpu.vector_load %arg12[%get3A_420, %get3A_421] {strides = array<i32>} : memref<32x32xf32, #tpu.memory_space<vmem>>, vector<16xf32>,
    %slice3A_423 = vector.extract_strided_slice %get3A_422 {offsets = [0], sizes = [1], strides = [1]} : vector<16xf32> to vector<1xf32>
    %squeeze3A_424 = vector.extract %slice3A_423[0] : f32 from vector<1xf32>
    %get3A_425 = arith.constant 28 : i32
    %get3A_426 = arith.index_cast %get3A_425 : i32 to index
    %get3A_427 = arith.constant 16 : index
    %get3A_428 = tpu.vector_load %arg12[%get3A_426, %get3A_427] {strides = array<i32>} : memref<32x32xf32, #tpu.memory_space<vmem>>, vector<16xf32>,
    %bitcast3A_429 = vector.bitcast %get3A_428 : vector<16xf32> to vector<16xi32>
    %slice3A_430 = vector.extract_strided_slice %bitcast3A_429 {offsets = [0], sizes = [1], strides = [1]} : vector<16xi32> to vector<1xi32>
    %squeeze3A_431 = vector.extract %slice3A_430[0] : i32 from vector<1xi32>
    %slice3A_432 = vector.extract_strided_slice %bitcast3A_429 {offsets = [1], sizes = [1], strides = [1]} : vector<16xi32> to vector<1xi32>
    %squeeze3A_433 = vector.extract %slice3A_432[0] : i32 from vector<1xi32>
    %get3A_434 = arith.constant 29 : i32
    %get3A_435 = arith.index_cast %get3A_434 : i32 to index
    %get3A_436 = arith.constant 0 : index
    %get3A_437 = tpu.vector_load %arg12[%get3A_435, %get3A_436] {strides = array<i32>} : memref<32x32xf32, #tpu.memory_space<vmem>>, vector<16xf32>,
    %slice3A_438 = vector.extract_strided_slice %get3A_437 {offsets = [0], sizes = [1], strides = [1]} : vector<16xf32> to vector<1xf32>
    %squeeze3A_439 = vector.extract %slice3A_438[0] : f32 from vector<1xf32>
    %get3A_440 = arith.constant 29 : i32
    %get3A_441 = arith.index_cast %get3A_440 : i32 to index
    %get3A_442 = arith.constant 16 : index
    %get3A_443 = tpu.vector_load %arg12[%get3A_441, %get3A_442] {strides = array<i32>} : memref<32x32xf32, #tpu.memory_space<vmem>>, vector<16xf32>,
    %bitcast3A_444 = vector.bitcast %get3A_443 : vector<16xf32> to vector<16xi32>
    %slice3A_445 = vector.extract_strided_slice %bitcast3A_444 {offsets = [0], sizes = [1], strides = [1]} : vector<16xi32> to vector<1xi32>
    %squeeze3A_446 = vector.extract %slice3A_445[0] : i32 from vector<1xi32>
    %slice3A_447 = vector.extract_strided_slice %bitcast3A_444 {offsets = [1], sizes = [1], strides = [1]} : vector<16xi32> to vector<1xi32>
    %squeeze3A_448 = vector.extract %slice3A_447[0] : i32 from vector<1xi32>
    %get3A_449 = arith.constant 30 : i32
    %get3A_450 = arith.index_cast %get3A_449 : i32 to index
    %get3A_451 = arith.constant 0 : index
    %get3A_452 = tpu.vector_load %arg12[%get3A_450, %get3A_451] {strides = array<i32>} : memref<32x32xf32, #tpu.memory_space<vmem>>, vector<16xf32>,
    %slice3A_453 = vector.extract_strided_slice %get3A_452 {offsets = [0], sizes = [1], strides = [1]} : vector<16xf32> to vector<1xf32>
    %squeeze3A_454 = vector.extract %slice3A_453[0] : f32 from vector<1xf32>
    %get3A_455 = arith.constant 30 : i32
    %get3A_456 = arith.index_cast %get3A_455 : i32 to index
    %get3A_457 = arith.constant 16 : index
    %get3A_458 = tpu.vector_load %arg12[%get3A_456, %get3A_457] {strides = array<i32>} : memref<32x32xf32, #tpu.memory_space<vmem>>, vector<16xf32>,
    %bitcast3A_459 = vector.bitcast %get3A_458 : vector<16xf32> to vector<16xi32>
    %slice3A_460 = vector.extract_strided_slice %bitcast3A_459 {offsets = [0], sizes = [1], strides = [1]} : vector<16xi32> to vector<1xi32>
    %squeeze3A_461 = vector.extract %slice3A_460[0] : i32 from vector<1xi32>
    %slice3A_462 = vector.extract_strided_slice %bitcast3A_459 {offsets = [1], sizes = [1], strides = [1]} : vector<16xi32> to vector<1xi32>
    %squeeze3A_463 = vector.extract %slice3A_462[0] : i32 from vector<1xi32>
    %get3A_464 = arith.constant 31 : i32
    %get3A_465 = arith.index_cast %get3A_464 : i32 to index
    %get3A_466 = arith.constant 0 : index
    %get3A_467 = tpu.vector_load %arg12[%get3A_465, %get3A_466] {strides = array<i32>} : memref<32x32xf32, #tpu.memory_space<vmem>>, vector<16xf32>,
    %slice3A_468 = vector.extract_strided_slice %get3A_467 {offsets = [0], sizes = [1], strides = [1]} : vector<16xf32> to vector<1xf32>
    %squeeze3A_469 = vector.extract %slice3A_468[0] : f32 from vector<1xf32>
    %get3A_470 = arith.constant 31 : i32
    %get3A_471 = arith.index_cast %get3A_470 : i32 to index
    %get3A_472 = arith.constant 16 : index
    %get3A_473 = tpu.vector_load %arg12[%get3A_471, %get3A_472] {strides = array<i32>} : memref<32x32xf32, #tpu.memory_space<vmem>>, vector<16xf32>,
    %bitcast3A_474 = vector.bitcast %get3A_473 : vector<16xf32> to vector<16xi32>
    %slice3A_475 = vector.extract_strided_slice %bitcast3A_474 {offsets = [0], sizes = [1], strides = [1]} : vector<16xi32> to vector<1xi32>
    %squeeze3A_476 = vector.extract %slice3A_475[0] : i32 from vector<1xi32>
    %slice3A_477 = vector.extract_strided_slice %bitcast3A_474 {offsets = [1], sizes = [1], strides = [1]} : vector<16xi32> to vector<1xi32>
    %squeeze3A_478 = vector.extract %slice3A_477[0] : i32 from vector<1xi32>
    %get3A_479 = arith.index_cast %add3A : i32 to index
    %get3A_480 = arith.constant 0 : index
    %get3A_481 = tpu.vector_load %arg12[%get3A_479, %get3A_480] {strides = array<i32>} : memref<32x32xf32, #tpu.memory_space<vmem>>, vector<16xf32>,
    %slice3A_482 = vector.extract_strided_slice %get3A_481 {offsets = [0], sizes = [1], strides = [1]} : vector<16xf32> to vector<1xf32>
    %squeeze3A_483 = vector.extract %slice3A_482[0] : f32 from vector<1xf32>
    %scan3A = arith.constant 0 : i32
    %scan3A_484 = arith.constant 0 : i32
    %scan3A_485 = arith.constant 32 : i32
    %scan3A_486 = arith.addi %scan3A_484, %scan3A_485 : i32
    %scan3A_487 = arith.constant 1 : i32
    %scan3A_488 = scf.for %scan3A_497 = %scan3A_484 to %scan3A_486 step %scan3A_487 iter_args(%scan3A_498 = %scan3A) -> (i32)  : i32 {
      %mul3A_499 = arith.constant 16 : i32
      %mul3A_500 = arith.muli %scan3A_497, %mul3A_499 : i32
      %broadcast_in_dim3A = vector.broadcast %mul3A_500 : i32 to vector<16xi32>
      %add3A_501 = arith.addi %broadcast_in_dim3A, %iota3A : vector<16xi32>
      %broadcast_in_dim3A_502 = arith.constant -1.000000e+30 : f32
      %broadcast_in_dim3A_503 = vector.broadcast %broadcast_in_dim3A_502 : f32 to vector<16xf32>
      %ge3A = vector.broadcast %squeeze3A_11 : i32 to vector<16xi32>
      %ge3A_504 = arith.cmpi sge, %add3A_501, %ge3A : vector<16xi32>
      %le3A = vector.broadcast %squeeze3A_13 : i32 to vector<16xi32>
      %le3A_505 = arith.cmpi sle, %add3A_501, %le3A : vector<16xi32>
      %and3A = arith.andi %ge3A_504, %le3A_505 : vector<16xi1>
      %broadcast_in_dim3A_506 = vector.broadcast %squeeze3A : f32 to vector<16xf32>
      %max3A = arith.maximumf %broadcast_in_dim3A_503, %broadcast_in_dim3A_506 : vector<16xf32>
      %select_n3A = arith.select %and3A, %max3A, %broadcast_in_dim3A_503 : vector<16xi1>, vector<16xf32>
      %ge3A_507 = vector.broadcast %squeeze3A_26 : i32 to vector<16xi32>
      %ge3A_508 = arith.cmpi sge, %add3A_501, %ge3A_507 : vector<16xi32>
      %le3A_509 = vector.broadcast %squeeze3A_28 : i32 to vector<16xi32>
      %le3A_510 = arith.cmpi sle, %add3A_501, %le3A_509 : vector<16xi32>
      %and3A_511 = arith.andi %ge3A_508, %le3A_510 : vector<16xi1>
      %broadcast_in_dim3A_512 = vector.broadcast %squeeze3A_19 : f32 to vector<16xf32>
      %max3A_513 = arith.maximumf %select_n3A, %broadcast_in_dim3A_512 : vector<16xf32>
      %select_n3A_514 = arith.select %and3A_511, %max3A_513, %select_n3A : vector<16xi1>, vector<16xf32>
      %ge3A_515 = vector.broadcast %squeeze3A_41 : i32 to vector<16xi32>
      %ge3A_516 = arith.cmpi sge, %add3A_501, %ge3A_515 : vector<16xi32>
      %le3A_517 = vector.broadcast %squeeze3A_43 : i32 to vector<16xi32>
      %le3A_518 = arith.cmpi sle, %add3A_501, %le3A_517 : vector<16xi32>
      %and3A_519 = arith.andi %ge3A_516, %le3A_518 : vector<16xi1>
      %broadcast_in_dim3A_520 = vector.broadcast %squeeze3A_34 : f32 to vector<16xf32>
      %max3A_521 = arith.maximumf %select_n3A_514, %broadcast_in_dim3A_520 : vector<16xf32>
      %select_n3A_522 = arith.select %and3A_519, %max3A_521, %select_n3A_514 : vector<16xi1>, vector<16xf32>
      %ge3A_523 = vector.broadcast %squeeze3A_56 : i32 to vector<16xi32>
      %ge3A_524 = arith.cmpi sge, %add3A_501, %ge3A_523 : vector<16xi32>
      %le3A_525 = vector.broadcast %squeeze3A_58 : i32 to vector<16xi32>
      %le3A_526 = arith.cmpi sle, %add3A_501, %le3A_525 : vector<16xi32>
      %and3A_527 = arith.andi %ge3A_524, %le3A_526 : vector<16xi1>
      %broadcast_in_dim3A_528 = vector.broadcast %squeeze3A_49 : f32 to vector<16xf32>
      %max3A_529 = arith.maximumf %select_n3A_522, %broadcast_in_dim3A_528 : vector<16xf32>
      %select_n3A_530 = arith.select %and3A_527, %max3A_529, %select_n3A_522 : vector<16xi1>, vector<16xf32>
      %ge3A_531 = vector.broadcast %squeeze3A_71 : i32 to vector<16xi32>
      %ge3A_532 = arith.cmpi sge, %add3A_501, %ge3A_531 : vector<16xi32>
      %le3A_533 = vector.broadcast %squeeze3A_73 : i32 to vector<16xi32>
      %le3A_534 = arith.cmpi sle, %add3A_501, %le3A_533 : vector<16xi32>
      %and3A_535 = arith.andi %ge3A_532, %le3A_534 : vector<16xi1>
      %broadcast_in_dim3A_536 = vector.broadcast %squeeze3A_64 : f32 to vector<16xf32>
      %max3A_537 = arith.maximumf %select_n3A_530, %broadcast_in_dim3A_536 : vector<16xf32>
      %select_n3A_538 = arith.select %and3A_535, %max3A_537, %select_n3A_530 : vector<16xi1>, vector<16xf32>
      %ge3A_539 = vector.broadcast %squeeze3A_86 : i32 to vector<16xi32>
      %ge3A_540 = arith.cmpi sge, %add3A_501, %ge3A_539 : vector<16xi32>
      %le3A_541 = vector.broadcast %squeeze3A_88 : i32 to vector<16xi32>
      %le3A_542 = arith.cmpi sle, %add3A_501, %le3A_541 : vector<16xi32>
      %and3A_543 = arith.andi %ge3A_540, %le3A_542 : vector<16xi1>
      %broadcast_in_dim3A_544 = vector.broadcast %squeeze3A_79 : f32 to vector<16xf32>
      %max3A_545 = arith.maximumf %select_n3A_538, %broadcast_in_dim3A_544 : vector<16xf32>
      %select_n3A_546 = arith.select %and3A_543, %max3A_545, %select_n3A_538 : vector<16xi1>, vector<16xf32>
      %ge3A_547 = vector.broadcast %squeeze3A_101 : i32 to vector<16xi32>
      %ge3A_548 = arith.cmpi sge, %add3A_501, %ge3A_547 : vector<16xi32>
      %le3A_549 = vector.broadcast %squeeze3A_103 : i32 to vector<16xi32>
      %le3A_550 = arith.cmpi sle, %add3A_501, %le3A_549 : vector<16xi32>
      %and3A_551 = arith.andi %ge3A_548, %le3A_550 : vector<16xi1>
      %broadcast_in_dim3A_552 = vector.broadcast %squeeze3A_94 : f32 to vector<16xf32>
      %max3A_553 = arith.maximumf %select_n3A_546, %broadcast_in_dim3A_552 : vector<16xf32>
      %select_n3A_554 = arith.select %and3A_551, %max3A_553, %select_n3A_546 : vector<16xi1>, vector<16xf32>
      %ge3A_555 = vector.broadcast %squeeze3A_116 : i32 to vector<16xi32>
      %ge3A_556 = arith.cmpi sge, %add3A_501, %ge3A_555 : vector<16xi32>
      %le3A_557 = vector.broadcast %squeeze3A_118 : i32 to vector<16xi32>
      %le3A_558 = arith.cmpi sle, %add3A_501, %le3A_557 : vector<16xi32>
      %and3A_559 = arith.andi %ge3A_556, %le3A_558 : vector<16xi1>
      %broadcast_in_dim3A_560 = vector.broadcast %squeeze3A_109 : f32 to vector<16xf32>
      %max3A_561 = arith.maximumf %select_n3A_554, %broadcast_in_dim3A_560 : vector<16xf32>
      %select_n3A_562 = arith.select %and3A_559, %max3A_561, %select_n3A_554 : vector<16xi1>, vector<16xf32>
      %ge3A_563 = vector.broadcast %squeeze3A_131 : i32 to vector<16xi32>
      %ge3A_564 = arith.cmpi sge, %add3A_501, %ge3A_563 : vector<16xi32>
      %le3A_565 = vector.broadcast %squeeze3A_133 : i32 to vector<16xi32>
      %le3A_566 = arith.cmpi sle, %add3A_501, %le3A_565 : vector<16xi32>
      %and3A_567 = arith.andi %ge3A_564, %le3A_566 : vector<16xi1>
      %broadcast_in_dim3A_568 = vector.broadcast %squeeze3A_124 : f32 to vector<16xf32>
      %max3A_569 = arith.maximumf %select_n3A_562, %broadcast_in_dim3A_568 : vector<16xf32>
      %select_n3A_570 = arith.select %and3A_567, %max3A_569, %select_n3A_562 : vector<16xi1>, vector<16xf32>
      %ge3A_571 = vector.broadcast %squeeze3A_146 : i32 to vector<16xi32>
      %ge3A_572 = arith.cmpi sge, %add3A_501, %ge3A_571 : vector<16xi32>
      %le3A_573 = vector.broadcast %squeeze3A_148 : i32 to vector<16xi32>
      %le3A_574 = arith.cmpi sle, %add3A_501, %le3A_573 : vector<16xi32>
      %and3A_575 = arith.andi %ge3A_572, %le3A_574 : vector<16xi1>
      %broadcast_in_dim3A_576 = vector.broadcast %squeeze3A_139 : f32 to vector<16xf32>
      %max3A_577 = arith.maximumf %select_n3A_570, %broadcast_in_dim3A_576 : vector<16xf32>
      %select_n3A_578 = arith.select %and3A_575, %max3A_577, %select_n3A_570 : vector<16xi1>, vector<16xf32>
      %ge3A_579 = vector.broadcast %squeeze3A_161 : i32 to vector<16xi32>
      %ge3A_580 = arith.cmpi sge, %add3A_501, %ge3A_579 : vector<16xi32>
      %le3A_581 = vector.broadcast %squeeze3A_163 : i32 to vector<16xi32>
      %le3A_582 = arith.cmpi sle, %add3A_501, %le3A_581 : vector<16xi32>
      %and3A_583 = arith.andi %ge3A_580, %le3A_582 : vector<16xi1>
      %broadcast_in_dim3A_584 = vector.broadcast %squeeze3A_154 : f32 to vector<16xf32>
      %max3A_585 = arith.maximumf %select_n3A_578, %broadcast_in_dim3A_584 : vector<16xf32>
      %select_n3A_586 = arith.select %and3A_583, %max3A_585, %select_n3A_578 : vector<16xi1>, vector<16xf32>
      %ge3A_587 = vector.broadcast %squeeze3A_176 : i32 to vector<16xi32>
      %ge3A_588 = arith.cmpi sge, %add3A_501, %ge3A_587 : vector<16xi32>
      %le3A_589 = vector.broadcast %squeeze3A_178 : i32 to vector<16xi32>
      %le3A_590 = arith.cmpi sle, %add3A_501, %le3A_589 : vector<16xi32>
      %and3A_591 = arith.andi %ge3A_588, %le3A_590 : vector<16xi1>
      %broadcast_in_dim3A_592 = vector.broadcast %squeeze3A_169 : f32 to vector<16xf32>
      %max3A_593 = arith.maximumf %select_n3A_586, %broadcast_in_dim3A_592 : vector<16xf32>
      %select_n3A_594 = arith.select %and3A_591, %max3A_593, %select_n3A_586 : vector<16xi1>, vector<16xf32>
      %ge3A_595 = vector.broadcast %squeeze3A_191 : i32 to vector<16xi32>
      %ge3A_596 = arith.cmpi sge, %add3A_501, %ge3A_595 : vector<16xi32>
      %le3A_597 = vector.broadcast %squeeze3A_193 : i32 to vector<16xi32>
      %le3A_598 = arith.cmpi sle, %add3A_501, %le3A_597 : vector<16xi32>
      %and3A_599 = arith.andi %ge3A_596, %le3A_598 : vector<16xi1>
      %broadcast_in_dim3A_600 = vector.broadcast %squeeze3A_184 : f32 to vector<16xf32>
      %max3A_601 = arith.maximumf %select_n3A_594, %broadcast_in_dim3A_600 : vector<16xf32>
      %select_n3A_602 = arith.select %and3A_599, %max3A_601, %select_n3A_594 : vector<16xi1>, vector<16xf32>
      %ge3A_603 = vector.broadcast %squeeze3A_206 : i32 to vector<16xi32>
      %ge3A_604 = arith.cmpi sge, %add3A_501, %ge3A_603 : vector<16xi32>
      %le3A_605 = vector.broadcast %squeeze3A_208 : i32 to vector<16xi32>
      %le3A_606 = arith.cmpi sle, %add3A_501, %le3A_605 : vector<16xi32>
      %and3A_607 = arith.andi %ge3A_604, %le3A_606 : vector<16xi1>
      %broadcast_in_dim3A_608 = vector.broadcast %squeeze3A_199 : f32 to vector<16xf32>
      %max3A_609 = arith.maximumf %select_n3A_602, %broadcast_in_dim3A_608 : vector<16xf32>
      %select_n3A_610 = arith.select %and3A_607, %max3A_609, %select_n3A_602 : vector<16xi1>, vector<16xf32>
      %ge3A_611 = vector.broadcast %squeeze3A_221 : i32 to vector<16xi32>
      %ge3A_612 = arith.cmpi sge, %add3A_501, %ge3A_611 : vector<16xi32>
      %le3A_613 = vector.broadcast %squeeze3A_223 : i32 to vector<16xi32>
      %le3A_614 = arith.cmpi sle, %add3A_501, %le3A_613 : vector<16xi32>
      %and3A_615 = arith.andi %ge3A_612, %le3A_614 : vector<16xi1>
      %broadcast_in_dim3A_616 = vector.broadcast %squeeze3A_214 : f32 to vector<16xf32>
      %max3A_617 = arith.maximumf %select_n3A_610, %broadcast_in_dim3A_616 : vector<16xf32>
      %select_n3A_618 = arith.select %and3A_615, %max3A_617, %select_n3A_610 : vector<16xi1>, vector<16xf32>
      %ge3A_619 = vector.broadcast %squeeze3A_236 : i32 to vector<16xi32>
      %ge3A_620 = arith.cmpi sge, %add3A_501, %ge3A_619 : vector<16xi32>
      %le3A_621 = vector.broadcast %squeeze3A_238 : i32 to vector<16xi32>
      %le3A_622 = arith.cmpi sle, %add3A_501, %le3A_621 : vector<16xi32>
      %and3A_623 = arith.andi %ge3A_620, %le3A_622 : vector<16xi1>
      %broadcast_in_dim3A_624 = vector.broadcast %squeeze3A_229 : f32 to vector<16xf32>
      %max3A_625 = arith.maximumf %select_n3A_618, %broadcast_in_dim3A_624 : vector<16xf32>
      %select_n3A_626 = arith.select %and3A_623, %max3A_625, %select_n3A_618 : vector<16xi1>, vector<16xf32>
      %ge3A_627 = vector.broadcast %squeeze3A_251 : i32 to vector<16xi32>
      %ge3A_628 = arith.cmpi sge, %add3A_501, %ge3A_627 : vector<16xi32>
      %le3A_629 = vector.broadcast %squeeze3A_253 : i32 to vector<16xi32>
      %le3A_630 = arith.cmpi sle, %add3A_501, %le3A_629 : vector<16xi32>
      %and3A_631 = arith.andi %ge3A_628, %le3A_630 : vector<16xi1>
      %broadcast_in_dim3A_632 = vector.broadcast %squeeze3A_244 : f32 to vector<16xf32>
      %max3A_633 = arith.maximumf %select_n3A_626, %broadcast_in_dim3A_632 : vector<16xf32>
      %select_n3A_634 = arith.select %and3A_631, %max3A_633, %select_n3A_626 : vector<16xi1>, vector<16xf32>
      %ge3A_635 = vector.broadcast %squeeze3A_266 : i32 to vector<16xi32>
      %ge3A_636 = arith.cmpi sge, %add3A_501, %ge3A_635 : vector<16xi32>
      %le3A_637 = vector.broadcast %squeeze3A_268 : i32 to vector<16xi32>
      %le3A_638 = arith.cmpi sle, %add3A_501, %le3A_637 : vector<16xi32>
      %and3A_639 = arith.andi %ge3A_636, %le3A_638 : vector<16xi1>
      %broadcast_in_dim3A_640 = vector.broadcast %squeeze3A_259 : f32 to vector<16xf32>
      %max3A_641 = arith.maximumf %select_n3A_634, %broadcast_in_dim3A_640 : vector<16xf32>
      %select_n3A_642 = arith.select %and3A_639, %max3A_641, %select_n3A_634 : vector<16xi1>, vector<16xf32>
      %ge3A_643 = vector.broadcast %squeeze3A_281 : i32 to vector<16xi32>
      %ge3A_644 = arith.cmpi sge, %add3A_501, %ge3A_643 : vector<16xi32>
      %le3A_645 = vector.broadcast %squeeze3A_283 : i32 to vector<16xi32>
      %le3A_646 = arith.cmpi sle, %add3A_501, %le3A_645 : vector<16xi32>
      %and3A_647 = arith.andi %ge3A_644, %le3A_646 : vector<16xi1>
      %broadcast_in_dim3A_648 = vector.broadcast %squeeze3A_274 : f32 to vector<16xf32>
      %max3A_649 = arith.maximumf %select_n3A_642, %broadcast_in_dim3A_648 : vector<16xf32>
      %select_n3A_650 = arith.select %and3A_647, %max3A_649, %select_n3A_642 : vector<16xi1>, vector<16xf32>
      %ge3A_651 = vector.broadcast %squeeze3A_296 : i32 to vector<16xi32>
      %ge3A_652 = arith.cmpi sge, %add3A_501, %ge3A_651 : vector<16xi32>
      %le3A_653 = vector.broadcast %squeeze3A_298 : i32 to vector<16xi32>
      %le3A_654 = arith.cmpi sle, %add3A_501, %le3A_653 : vector<16xi32>
      %and3A_655 = arith.andi %ge3A_652, %le3A_654 : vector<16xi1>
      %broadcast_in_dim3A_656 = vector.broadcast %squeeze3A_289 : f32 to vector<16xf32>
      %max3A_657 = arith.maximumf %select_n3A_650, %broadcast_in_dim3A_656 : vector<16xf32>
      %select_n3A_658 = arith.select %and3A_655, %max3A_657, %select_n3A_650 : vector<16xi1>, vector<16xf32>
      %ge3A_659 = vector.broadcast %squeeze3A_311 : i32 to vector<16xi32>
      %ge3A_660 = arith.cmpi sge, %add3A_501, %ge3A_659 : vector<16xi32>
      %le3A_661 = vector.broadcast %squeeze3A_313 : i32 to vector<16xi32>
      %le3A_662 = arith.cmpi sle, %add3A_501, %le3A_661 : vector<16xi32>
      %and3A_663 = arith.andi %ge3A_660, %le3A_662 : vector<16xi1>
      %broadcast_in_dim3A_664 = vector.broadcast %squeeze3A_304 : f32 to vector<16xf32>
      %max3A_665 = arith.maximumf %select_n3A_658, %broadcast_in_dim3A_664 : vector<16xf32>
      %select_n3A_666 = arith.select %and3A_663, %max3A_665, %select_n3A_658 : vector<16xi1>, vector<16xf32>
      %ge3A_667 = vector.broadcast %squeeze3A_326 : i32 to vector<16xi32>
      %ge3A_668 = arith.cmpi sge, %add3A_501, %ge3A_667 : vector<16xi32>
      %le3A_669 = vector.broadcast %squeeze3A_328 : i32 to vector<16xi32>
      %le3A_670 = arith.cmpi sle, %add3A_501, %le3A_669 : vector<16xi32>
      %and3A_671 = arith.andi %ge3A_668, %le3A_670 : vector<16xi1>
      %broadcast_in_dim3A_672 = vector.broadcast %squeeze3A_319 : f32 to vector<16xf32>
      %max3A_673 = arith.maximumf %select_n3A_666, %broadcast_in_dim3A_672 : vector<16xf32>
      %select_n3A_674 = arith.select %and3A_671, %max3A_673, %select_n3A_666 : vector<16xi1>, vector<16xf32>
      %ge3A_675 = vector.broadcast %squeeze3A_341 : i32 to vector<16xi32>
      %ge3A_676 = arith.cmpi sge, %add3A_501, %ge3A_675 : vector<16xi32>
      %le3A_677 = vector.broadcast %squeeze3A_343 : i32 to vector<16xi32>
      %le3A_678 = arith.cmpi sle, %add3A_501, %le3A_677 : vector<16xi32>
      %and3A_679 = arith.andi %ge3A_676, %le3A_678 : vector<16xi1>
      %broadcast_in_dim3A_680 = vector.broadcast %squeeze3A_334 : f32 to vector<16xf32>
      %max3A_681 = arith.maximumf %select_n3A_674, %broadcast_in_dim3A_680 : vector<16xf32>
      %select_n3A_682 = arith.select %and3A_679, %max3A_681, %select_n3A_674 : vector<16xi1>, vector<16xf32>
      %ge3A_683 = vector.broadcast %squeeze3A_356 : i32 to vector<16xi32>
      %ge3A_684 = arith.cmpi sge, %add3A_501, %ge3A_683 : vector<16xi32>
      %le3A_685 = vector.broadcast %squeeze3A_358 : i32 to vector<16xi32>
      %le3A_686 = arith.cmpi sle, %add3A_501, %le3A_685 : vector<16xi32>
      %and3A_687 = arith.andi %ge3A_684, %le3A_686 : vector<16xi1>
      %broadcast_in_dim3A_688 = vector.broadcast %squeeze3A_349 : f32 to vector<16xf32>
      %max3A_689 = arith.maximumf %select_n3A_682, %broadcast_in_dim3A_688 : vector<16xf32>
      %select_n3A_690 = arith.select %and3A_687, %max3A_689, %select_n3A_682 : vector<16xi1>, vector<16xf32>
      %ge3A_691 = vector.broadcast %squeeze3A_371 : i32 to vector<16xi32>
      %ge3A_692 = arith.cmpi sge, %add3A_501, %ge3A_691 : vector<16xi32>
      %le3A_693 = vector.broadcast %squeeze3A_373 : i32 to vector<16xi32>
      %le3A_694 = arith.cmpi sle, %add3A_501, %le3A_693 : vector<16xi32>
      %and3A_695 = arith.andi %ge3A_692, %le3A_694 : vector<16xi1>
      %broadcast_in_dim3A_696 = vector.broadcast %squeeze3A_364 : f32 to vector<16xf32>
      %max3A_697 = arith.maximumf %select_n3A_690, %broadcast_in_dim3A_696 : vector<16xf32>
      %select_n3A_698 = arith.select %and3A_695, %max3A_697, %select_n3A_690 : vector<16xi1>, vector<16xf32>
      %ge3A_699 = vector.broadcast %squeeze3A_386 : i32 to vector<16xi32>
      %ge3A_700 = arith.cmpi sge, %add3A_501, %ge3A_699 : vector<16xi32>
      %le3A_701 = vector.broadcast %squeeze3A_388 : i32 to vector<16xi32>
      %le3A_702 = arith.cmpi sle, %add3A_501, %le3A_701 : vector<16xi32>
      %and3A_703 = arith.andi %ge3A_700, %le3A_702 : vector<16xi1>
      %broadcast_in_dim3A_704 = vector.broadcast %squeeze3A_379 : f32 to vector<16xf32>
      %max3A_705 = arith.maximumf %select_n3A_698, %broadcast_in_dim3A_704 : vector<16xf32>
      %select_n3A_706 = arith.select %and3A_703, %max3A_705, %select_n3A_698 : vector<16xi1>, vector<16xf32>
      %ge3A_707 = vector.broadcast %squeeze3A_401 : i32 to vector<16xi32>
      %ge3A_708 = arith.cmpi sge, %add3A_501, %ge3A_707 : vector<16xi32>
      %le3A_709 = vector.broadcast %squeeze3A_403 : i32 to vector<16xi32>
      %le3A_710 = arith.cmpi sle, %add3A_501, %le3A_709 : vector<16xi32>
      %and3A_711 = arith.andi %ge3A_708, %le3A_710 : vector<16xi1>
      %broadcast_in_dim3A_712 = vector.broadcast %squeeze3A_394 : f32 to vector<16xf32>
      %max3A_713 = arith.maximumf %select_n3A_706, %broadcast_in_dim3A_712 : vector<16xf32>
      %select_n3A_714 = arith.select %and3A_711, %max3A_713, %select_n3A_706 : vector<16xi1>, vector<16xf32>
      %ge3A_715 = vector.broadcast %squeeze3A_416 : i32 to vector<16xi32>
      %ge3A_716 = arith.cmpi sge, %add3A_501, %ge3A_715 : vector<16xi32>
      %le3A_717 = vector.broadcast %squeeze3A_418 : i32 to vector<16xi32>
      %le3A_718 = arith.cmpi sle, %add3A_501, %le3A_717 : vector<16xi32>
      %and3A_719 = arith.andi %ge3A_716, %le3A_718 : vector<16xi1>
      %broadcast_in_dim3A_720 = vector.broadcast %squeeze3A_409 : f32 to vector<16xf32>
      %max3A_721 = arith.maximumf %select_n3A_714, %broadcast_in_dim3A_720 : vector<16xf32>
      %select_n3A_722 = arith.select %and3A_719, %max3A_721, %select_n3A_714 : vector<16xi1>, vector<16xf32>
      %ge3A_723 = vector.broadcast %squeeze3A_431 : i32 to vector<16xi32>
      %ge3A_724 = arith.cmpi sge, %add3A_501, %ge3A_723 : vector<16xi32>
      %le3A_725 = vector.broadcast %squeeze3A_433 : i32 to vector<16xi32>
      %le3A_726 = arith.cmpi sle, %add3A_501, %le3A_725 : vector<16xi32>
      %and3A_727 = arith.andi %ge3A_724, %le3A_726 : vector<16xi1>
      %broadcast_in_dim3A_728 = vector.broadcast %squeeze3A_424 : f32 to vector<16xf32>
      %max3A_729 = arith.maximumf %select_n3A_722, %broadcast_in_dim3A_728 : vector<16xf32>
      %select_n3A_730 = arith.select %and3A_727, %max3A_729, %select_n3A_722 : vector<16xi1>, vector<16xf32>
      %ge3A_731 = vector.broadcast %squeeze3A_446 : i32 to vector<16xi32>
      %ge3A_732 = arith.cmpi sge, %add3A_501, %ge3A_731 : vector<16xi32>
      %le3A_733 = vector.broadcast %squeeze3A_448 : i32 to vector<16xi32>
      %le3A_734 = arith.cmpi sle, %add3A_501, %le3A_733 : vector<16xi32>
      %and3A_735 = arith.andi %ge3A_732, %le3A_734 : vector<16xi1>
      %broadcast_in_dim3A_736 = vector.broadcast %squeeze3A_439 : f32 to vector<16xf32>
      %max3A_737 = arith.maximumf %select_n3A_730, %broadcast_in_dim3A_736 : vector<16xf32>
      %select_n3A_738 = arith.select %and3A_735, %max3A_737, %select_n3A_730 : vector<16xi1>, vector<16xf32>
      %ge3A_739 = vector.broadcast %squeeze3A_461 : i32 to vector<16xi32>
      %ge3A_740 = arith.cmpi sge, %add3A_501, %ge3A_739 : vector<16xi32>
      %le3A_741 = vector.broadcast %squeeze3A_463 : i32 to vector<16xi32>
      %le3A_742 = arith.cmpi sle, %add3A_501, %le3A_741 : vector<16xi32>
      %and3A_743 = arith.andi %ge3A_740, %le3A_742 : vector<16xi1>
      %broadcast_in_dim3A_744 = vector.broadcast %squeeze3A_454 : f32 to vector<16xf32>
      %max3A_745 = arith.maximumf %select_n3A_738, %broadcast_in_dim3A_744 : vector<16xf32>
      %select_n3A_746 = arith.select %and3A_743, %max3A_745, %select_n3A_738 : vector<16xi1>, vector<16xf32>
      %ge3A_747 = vector.broadcast %squeeze3A_476 : i32 to vector<16xi32>
      %ge3A_748 = arith.cmpi sge, %add3A_501, %ge3A_747 : vector<16xi32>
      %le3A_749 = vector.broadcast %squeeze3A_478 : i32 to vector<16xi32>
      %le3A_750 = arith.cmpi sle, %add3A_501, %le3A_749 : vector<16xi32>
      %and3A_751 = arith.andi %ge3A_748, %le3A_750 : vector<16xi1>
      %broadcast_in_dim3A_752 = vector.broadcast %squeeze3A_469 : f32 to vector<16xf32>
      %max3A_753 = arith.maximumf %select_n3A_746, %broadcast_in_dim3A_752 : vector<16xf32>
      %select_n3A_754 = arith.select %and3A_751, %max3A_753, %select_n3A_746 : vector<16xi1>, vector<16xf32>
      %broadcast_in_dim3A_755 = arith.constant 0.000000e+00 : f32
      %broadcast_in_dim3A_756 = vector.broadcast %broadcast_in_dim3A_755 : f32 to vector<16xf32>
      %ge3A_757 = vector.broadcast %squeeze3A_11 : i32 to vector<16xi32>
      %ge3A_758 = arith.cmpi sge, %add3A_501, %ge3A_757 : vector<16xi32>
      %le3A_759 = vector.broadcast %squeeze3A_13 : i32 to vector<16xi32>
      %le3A_760 = arith.cmpi sle, %add3A_501, %le3A_759 : vector<16xi32>
      %and3A_761 = arith.andi %ge3A_758, %le3A_760 : vector<16xi1>
      %mul3A_762 = arith.constant 16 : i32
      %mul3A_763 = arith.muli %scan3A_497, %mul3A_762 : i32
      %get3A_764 = arith.constant 0 : i32
      %get3A_765 = arith.index_cast %get3A_764 : i32 to index
      %get3A_766 = arith.index_cast %mul3A_763 : i32 to index
      %get3A_767 = tpu.vector_load %arg10[%get3A_765, %get3A_766] {strides = array<i32>} : memref<32x512xf32, #tpu.memory_space<vmem>>, vector<16xf32>,
      %broadcast_in_dim3A_768 = vector.broadcast %squeeze3A : f32 to vector<16xf32>
      %sub3A = arith.subf %broadcast_in_dim3A_768, %select_n3A_754 : vector<16xf32>
      %exp3A = math.exp %sub3A : vector<16xf32>
      %mul3A_769 = arith.mulf %get3A_767, %exp3A : vector<16xf32>
      %jit3A = arith.constant 0.000000e+00 : f32
      %broadcast_in_dim3A_770 = vector.broadcast %jit3A : f32 to vector<16xf32>
      %select_n3A_771 = arith.select %and3A_761, %mul3A_769, %broadcast_in_dim3A_770 : vector<16xi1>, vector<16xf32>
      %add3A_772 = arith.addf %broadcast_in_dim3A_756, %select_n3A_771 : vector<16xf32>
      %ge3A_773 = vector.broadcast %squeeze3A_26 : i32 to vector<16xi32>
      %ge3A_774 = arith.cmpi sge, %add3A_501, %ge3A_773 : vector<16xi32>
      %le3A_775 = vector.broadcast %squeeze3A_28 : i32 to vector<16xi32>
      %le3A_776 = arith.cmpi sle, %add3A_501, %le3A_775 : vector<16xi32>
      %and3A_777 = arith.andi %ge3A_774, %le3A_776 : vector<16xi1>
      %mul3A_778 = arith.constant 16 : i32
      %mul3A_779 = arith.muli %scan3A_497, %mul3A_778 : i32
      %get3A_780 = arith.constant 1 : i32
      %get3A_781 = arith.index_cast %get3A_780 : i32 to index
      %get3A_782 = arith.index_cast %mul3A_779 : i32 to index
      %get3A_783 = tpu.vector_load %arg10[%get3A_781, %get3A_782] {strides = array<i32>} : memref<32x512xf32, #tpu.memory_space<vmem>>, vector<16xf32>,
      %broadcast_in_dim3A_784 = vector.broadcast %squeeze3A_19 : f32 to vector<16xf32>
      %sub3A_785 = arith.subf %broadcast_in_dim3A_784, %select_n3A_754 : vector<16xf32>
      %exp3A_786 = math.exp %sub3A_785 : vector<16xf32>
      %mul3A_787 = arith.mulf %get3A_783, %exp3A_786 : vector<16xf32>
      %jit3A_788 = arith.constant 0.000000e+00 : f32
      %broadcast_in_dim3A_789 = vector.broadcast %jit3A_788 : f32 to vector<16xf32>
      %select_n3A_790 = arith.select %and3A_777, %mul3A_787, %broadcast_in_dim3A_789 : vector<16xi1>, vector<16xf32>
      %add3A_791 = arith.addf %add3A_772, %select_n3A_790 : vector<16xf32>
      %ge3A_792 = vector.broadcast %squeeze3A_41 : i32 to vector<16xi32>
      %ge3A_793 = arith.cmpi sge, %add3A_501, %ge3A_792 : vector<16xi32>
      %le3A_794 = vector.broadcast %squeeze3A_43 : i32 to vector<16xi32>
      %le3A_795 = arith.cmpi sle, %add3A_501, %le3A_794 : vector<16xi32>
      %and3A_796 = arith.andi %ge3A_793, %le3A_795 : vector<16xi1>
      %mul3A_797 = arith.constant 16 : i32
      %mul3A_798 = arith.muli %scan3A_497, %mul3A_797 : i32
      %get3A_799 = arith.constant 2 : i32
      %get3A_800 = arith.index_cast %get3A_799 : i32 to index
      %get3A_801 = arith.index_cast %mul3A_798 : i32 to index
      %get3A_802 = tpu.vector_load %arg10[%get3A_800, %get3A_801] {strides = array<i32>} : memref<32x512xf32, #tpu.memory_space<vmem>>, vector<16xf32>,
      %broadcast_in_dim3A_803 = vector.broadcast %squeeze3A_34 : f32 to vector<16xf32>
      %sub3A_804 = arith.subf %broadcast_in_dim3A_803, %select_n3A_754 : vector<16xf32>
      %exp3A_805 = math.exp %sub3A_804 : vector<16xf32>
      %mul3A_806 = arith.mulf %get3A_802, %exp3A_805 : vector<16xf32>
      %jit3A_807 = arith.constant 0.000000e+00 : f32
      %broadcast_in_dim3A_808 = vector.broadcast %jit3A_807 : f32 to vector<16xf32>
      %select_n3A_809 = arith.select %and3A_796, %mul3A_806, %broadcast_in_dim3A_808 : vector<16xi1>, vector<16xf32>
      %add3A_810 = arith.addf %add3A_791, %select_n3A_809 : vector<16xf32>
      %ge3A_811 = vector.broadcast %squeeze3A_56 : i32 to vector<16xi32>
      %ge3A_812 = arith.cmpi sge, %add3A_501, %ge3A_811 : vector<16xi32>
      %le3A_813 = vector.broadcast %squeeze3A_58 : i32 to vector<16xi32>
      %le3A_814 = arith.cmpi sle, %add3A_501, %le3A_813 : vector<16xi32>
      %and3A_815 = arith.andi %ge3A_812, %le3A_814 : vector<16xi1>
      %mul3A_816 = arith.constant 16 : i32
      %mul3A_817 = arith.muli %scan3A_497, %mul3A_816 : i32
      %get3A_818 = arith.constant 3 : i32
      %get3A_819 = arith.index_cast %get3A_818 : i32 to index
      %get3A_820 = arith.index_cast %mul3A_817 : i32 to index
      %get3A_821 = tpu.vector_load %arg10[%get3A_819, %get3A_820] {strides = array<i32>} : memref<32x512xf32, #tpu.memory_space<vmem>>, vector<16xf32>,
      %broadcast_in_dim3A_822 = vector.broadcast %squeeze3A_49 : f32 to vector<16xf32>
      %sub3A_823 = arith.subf %broadcast_in_dim3A_822, %select_n3A_754 : vector<16xf32>
      %exp3A_824 = math.exp %sub3A_823 : vector<16xf32>
      %mul3A_825 = arith.mulf %get3A_821, %exp3A_824 : vector<16xf32>
      %jit3A_826 = arith.constant 0.000000e+00 : f32
      %broadcast_in_dim3A_827 = vector.broadcast %jit3A_826 : f32 to vector<16xf32>
      %select_n3A_828 = arith.select %and3A_815, %mul3A_825, %broadcast_in_dim3A_827 : vector<16xi1>, vector<16xf32>
      %add3A_829 = arith.addf %add3A_810, %select_n3A_828 : vector<16xf32>
      %ge3A_830 = vector.broadcast %squeeze3A_71 : i32 to vector<16xi32>
      %ge3A_831 = arith.cmpi sge, %add3A_501, %ge3A_830 : vector<16xi32>
      %le3A_832 = vector.broadcast %squeeze3A_73 : i32 to vector<16xi32>
      %le3A_833 = arith.cmpi sle, %add3A_501, %le3A_832 : vector<16xi32>
      %and3A_834 = arith.andi %ge3A_831, %le3A_833 : vector<16xi1>
      %mul3A_835 = arith.constant 16 : i32
      %mul3A_836 = arith.muli %scan3A_497, %mul3A_835 : i32
      %get3A_837 = arith.constant 4 : i32
      %get3A_838 = arith.index_cast %get3A_837 : i32 to index
      %get3A_839 = arith.index_cast %mul3A_836 : i32 to index
      %get3A_840 = tpu.vector_load %arg10[%get3A_838, %get3A_839] {strides = array<i32>} : memref<32x512xf32, #tpu.memory_space<vmem>>, vector<16xf32>,
      %broadcast_in_dim3A_841 = vector.broadcast %squeeze3A_64 : f32 to vector<16xf32>
      %sub3A_842 = arith.subf %broadcast_in_dim3A_841, %select_n3A_754 : vector<16xf32>
      %exp3A_843 = math.exp %sub3A_842 : vector<16xf32>
      %mul3A_844 = arith.mulf %get3A_840, %exp3A_843 : vector<16xf32>
      %jit3A_845 = arith.constant 0.000000e+00 : f32
      %broadcast_in_dim3A_846 = vector.broadcast %jit3A_845 : f32 to vector<16xf32>
      %select_n3A_847 = arith.select %and3A_834, %mul3A_844, %broadcast_in_dim3A_846 : vector<16xi1>, vector<16xf32>
      %add3A_848 = arith.addf %add3A_829, %select_n3A_847 : vector<16xf32>
      %ge3A_849 = vector.broadcast %squeeze3A_86 : i32 to vector<16xi32>
      %ge3A_850 = arith.cmpi sge, %add3A_501, %ge3A_849 : vector<16xi32>
      %le3A_851 = vector.broadcast %squeeze3A_88 : i32 to vector<16xi32>
      %le3A_852 = arith.cmpi sle, %add3A_501, %le3A_851 : vector<16xi32>
      %and3A_853 = arith.andi %ge3A_850, %le3A_852 : vector<16xi1>
      %mul3A_854 = arith.constant 16 : i32
      %mul3A_855 = arith.muli %scan3A_497, %mul3A_854 : i32
      %get3A_856 = arith.constant 5 : i32
      %get3A_857 = arith.index_cast %get3A_856 : i32 to index
      %get3A_858 = arith.index_cast %mul3A_855 : i32 to index
      %get3A_859 = tpu.vector_load %arg10[%get3A_857, %get3A_858] {strides = array<i32>} : memref<32x512xf32, #tpu.memory_space<vmem>>, vector<16xf32>,
      %broadcast_in_dim3A_860 = vector.broadcast %squeeze3A_79 : f32 to vector<16xf32>
      %sub3A_861 = arith.subf %broadcast_in_dim3A_860, %select_n3A_754 : vector<16xf32>
      %exp3A_862 = math.exp %sub3A_861 : vector<16xf32>
      %mul3A_863 = arith.mulf %get3A_859, %exp3A_862 : vector<16xf32>
      %jit3A_864 = arith.constant 0.000000e+00 : f32
      %broadcast_in_dim3A_865 = vector.broadcast %jit3A_864 : f32 to vector<16xf32>
      %select_n3A_866 = arith.select %and3A_853, %mul3A_863, %broadcast_in_dim3A_865 : vector<16xi1>, vector<16xf32>
      %add3A_867 = arith.addf %add3A_848, %select_n3A_866 : vector<16xf32>
      %ge3A_868 = vector.broadcast %squeeze3A_101 : i32 to vector<16xi32>
      %ge3A_869 = arith.cmpi sge, %add3A_501, %ge3A_868 : vector<16xi32>
      %le3A_870 = vector.broadcast %squeeze3A_103 : i32 to vector<16xi32>
      %le3A_871 = arith.cmpi sle, %add3A_501, %le3A_870 : vector<16xi32>
      %and3A_872 = arith.andi %ge3A_869, %le3A_871 : vector<16xi1>
      %mul3A_873 = arith.constant 16 : i32
      %mul3A_874 = arith.muli %scan3A_497, %mul3A_873 : i32
      %get3A_875 = arith.constant 6 : i32
      %get3A_876 = arith.index_cast %get3A_875 : i32 to index
      %get3A_877 = arith.index_cast %mul3A_874 : i32 to index
      %get3A_878 = tpu.vector_load %arg10[%get3A_876, %get3A_877] {strides = array<i32>} : memref<32x512xf32, #tpu.memory_space<vmem>>, vector<16xf32>,
      %broadcast_in_dim3A_879 = vector.broadcast %squeeze3A_94 : f32 to vector<16xf32>
      %sub3A_880 = arith.subf %broadcast_in_dim3A_879, %select_n3A_754 : vector<16xf32>
      %exp3A_881 = math.exp %sub3A_880 : vector<16xf32>
      %mul3A_882 = arith.mulf %get3A_878, %exp3A_881 : vector<16xf32>
      %jit3A_883 = arith.constant 0.000000e+00 : f32
      %broadcast_in_dim3A_884 = vector.broadcast %jit3A_883 : f32 to vector<16xf32>
      %select_n3A_885 = arith.select %and3A_872, %mul3A_882, %broadcast_in_dim3A_884 : vector<16xi1>, vector<16xf32>
      %add3A_886 = arith.addf %add3A_867, %select_n3A_885 : vector<16xf32>
      %ge3A_887 = vector.broadcast %squeeze3A_116 : i32 to vector<16xi32>
      %ge3A_888 = arith.cmpi sge, %add3A_501, %ge3A_887 : vector<16xi32>
      %le3A_889 = vector.broadcast %squeeze3A_118 : i32 to vector<16xi32>
      %le3A_890 = arith.cmpi sle, %add3A_501, %le3A_889 : vector<16xi32>
      %and3A_891 = arith.andi %ge3A_888, %le3A_890 : vector<16xi1>
      %mul3A_892 = arith.constant 16 : i32
      %mul3A_893 = arith.muli %scan3A_497, %mul3A_892 : i32
      %get3A_894 = arith.constant 7 : i32
      %get3A_895 = arith.index_cast %get3A_894 : i32 to index
      %get3A_896 = arith.index_cast %mul3A_893 : i32 to index
      %get3A_897 = tpu.vector_load %arg10[%get3A_895, %get3A_896] {strides = array<i32>} : memref<32x512xf32, #tpu.memory_space<vmem>>, vector<16xf32>,
      %broadcast_in_dim3A_898 = vector.broadcast %squeeze3A_109 : f32 to vector<16xf32>
      %sub3A_899 = arith.subf %broadcast_in_dim3A_898, %select_n3A_754 : vector<16xf32>
      %exp3A_900 = math.exp %sub3A_899 : vector<16xf32>
      %mul3A_901 = arith.mulf %get3A_897, %exp3A_900 : vector<16xf32>
      %jit3A_902 = arith.constant 0.000000e+00 : f32
      %broadcast_in_dim3A_903 = vector.broadcast %jit3A_902 : f32 to vector<16xf32>
      %select_n3A_904 = arith.select %and3A_891, %mul3A_901, %broadcast_in_dim3A_903 : vector<16xi1>, vector<16xf32>
      %add3A_905 = arith.addf %add3A_886, %select_n3A_904 : vector<16xf32>
      %ge3A_906 = vector.broadcast %squeeze3A_131 : i32 to vector<16xi32>
      %ge3A_907 = arith.cmpi sge, %add3A_501, %ge3A_906 : vector<16xi32>
      %le3A_908 = vector.broadcast %squeeze3A_133 : i32 to vector<16xi32>
      %le3A_909 = arith.cmpi sle, %add3A_501, %le3A_908 : vector<16xi32>
      %and3A_910 = arith.andi %ge3A_907, %le3A_909 : vector<16xi1>
      %mul3A_911 = arith.constant 16 : i32
      %mul3A_912 = arith.muli %scan3A_497, %mul3A_911 : i32
      %get3A_913 = arith.constant 8 : i32
      %get3A_914 = arith.index_cast %get3A_913 : i32 to index
      %get3A_915 = arith.index_cast %mul3A_912 : i32 to index
      %get3A_916 = tpu.vector_load %arg10[%get3A_914, %get3A_915] {strides = array<i32>} : memref<32x512xf32, #tpu.memory_space<vmem>>, vector<16xf32>,
      %broadcast_in_dim3A_917 = vector.broadcast %squeeze3A_124 : f32 to vector<16xf32>
      %sub3A_918 = arith.subf %broadcast_in_dim3A_917, %select_n3A_754 : vector<16xf32>
      %exp3A_919 = math.exp %sub3A_918 : vector<16xf32>
      %mul3A_920 = arith.mulf %get3A_916, %exp3A_919 : vector<16xf32>
      %jit3A_921 = arith.constant 0.000000e+00 : f32
      %broadcast_in_dim3A_922 = vector.broadcast %jit3A_921 : f32 to vector<16xf32>
      %select_n3A_923 = arith.select %and3A_910, %mul3A_920, %broadcast_in_dim3A_922 : vector<16xi1>, vector<16xf32>
      %add3A_924 = arith.addf %add3A_905, %select_n3A_923 : vector<16xf32>
      %ge3A_925 = vector.broadcast %squeeze3A_146 : i32 to vector<16xi32>
      %ge3A_926 = arith.cmpi sge, %add3A_501, %ge3A_925 : vector<16xi32>
      %le3A_927 = vector.broadcast %squeeze3A_148 : i32 to vector<16xi32>
      %le3A_928 = arith.cmpi sle, %add3A_501, %le3A_927 : vector<16xi32>
      %and3A_929 = arith.andi %ge3A_926, %le3A_928 : vector<16xi1>
      %mul3A_930 = arith.constant 16 : i32
      %mul3A_931 = arith.muli %scan3A_497, %mul3A_930 : i32
      %get3A_932 = arith.constant 9 : i32
      %get3A_933 = arith.index_cast %get3A_932 : i32 to index
      %get3A_934 = arith.index_cast %mul3A_931 : i32 to index
      %get3A_935 = tpu.vector_load %arg10[%get3A_933, %get3A_934] {strides = array<i32>} : memref<32x512xf32, #tpu.memory_space<vmem>>, vector<16xf32>,
      %broadcast_in_dim3A_936 = vector.broadcast %squeeze3A_139 : f32 to vector<16xf32>
      %sub3A_937 = arith.subf %broadcast_in_dim3A_936, %select_n3A_754 : vector<16xf32>
      %exp3A_938 = math.exp %sub3A_937 : vector<16xf32>
      %mul3A_939 = arith.mulf %get3A_935, %exp3A_938 : vector<16xf32>
      %jit3A_940 = arith.constant 0.000000e+00 : f32
      %broadcast_in_dim3A_941 = vector.broadcast %jit3A_940 : f32 to vector<16xf32>
      %select_n3A_942 = arith.select %and3A_929, %mul3A_939, %broadcast_in_dim3A_941 : vector<16xi1>, vector<16xf32>
      %add3A_943 = arith.addf %add3A_924, %select_n3A_942 : vector<16xf32>
      %ge3A_944 = vector.broadcast %squeeze3A_161 : i32 to vector<16xi32>
      %ge3A_945 = arith.cmpi sge, %add3A_501, %ge3A_944 : vector<16xi32>
      %le3A_946 = vector.broadcast %squeeze3A_163 : i32 to vector<16xi32>
      %le3A_947 = arith.cmpi sle, %add3A_501, %le3A_946 : vector<16xi32>
      %and3A_948 = arith.andi %ge3A_945, %le3A_947 : vector<16xi1>
      %mul3A_949 = arith.constant 16 : i32
      %mul3A_950 = arith.muli %scan3A_497, %mul3A_949 : i32
      %get3A_951 = arith.constant 10 : i32
      %get3A_952 = arith.index_cast %get3A_951 : i32 to index
      %get3A_953 = arith.index_cast %mul3A_950 : i32 to index
      %get3A_954 = tpu.vector_load %arg10[%get3A_952, %get3A_953] {strides = array<i32>} : memref<32x512xf32, #tpu.memory_space<vmem>>, vector<16xf32>,
      %broadcast_in_dim3A_955 = vector.broadcast %squeeze3A_154 : f32 to vector<16xf32>
      %sub3A_956 = arith.subf %broadcast_in_dim3A_955, %select_n3A_754 : vector<16xf32>
      %exp3A_957 = math.exp %sub3A_956 : vector<16xf32>
      %mul3A_958 = arith.mulf %get3A_954, %exp3A_957 : vector<16xf32>
      %jit3A_959 = arith.constant 0.000000e+00 : f32
      %broadcast_in_dim3A_960 = vector.broadcast %jit3A_959 : f32 to vector<16xf32>
      %select_n3A_961 = arith.select %and3A_948, %mul3A_958, %broadcast_in_dim3A_960 : vector<16xi1>, vector<16xf32>
      %add3A_962 = arith.addf %add3A_943, %select_n3A_961 : vector<16xf32>
      %ge3A_963 = vector.broadcast %squeeze3A_176 : i32 to vector<16xi32>
      %ge3A_964 = arith.cmpi sge, %add3A_501, %ge3A_963 : vector<16xi32>
      %le3A_965 = vector.broadcast %squeeze3A_178 : i32 to vector<16xi32>
      %le3A_966 = arith.cmpi sle, %add3A_501, %le3A_965 : vector<16xi32>
      %and3A_967 = arith.andi %ge3A_964, %le3A_966 : vector<16xi1>
      %mul3A_968 = arith.constant 16 : i32
      %mul3A_969 = arith.muli %scan3A_497, %mul3A_968 : i32
      %get3A_970 = arith.constant 11 : i32
      %get3A_971 = arith.index_cast %get3A_970 : i32 to index
      %get3A_972 = arith.index_cast %mul3A_969 : i32 to index
      %get3A_973 = tpu.vector_load %arg10[%get3A_971, %get3A_972] {strides = array<i32>} : memref<32x512xf32, #tpu.memory_space<vmem>>, vector<16xf32>,
      %broadcast_in_dim3A_974 = vector.broadcast %squeeze3A_169 : f32 to vector<16xf32>
      %sub3A_975 = arith.subf %broadcast_in_dim3A_974, %select_n3A_754 : vector<16xf32>
      %exp3A_976 = math.exp %sub3A_975 : vector<16xf32>
      %mul3A_977 = arith.mulf %get3A_973, %exp3A_976 : vector<16xf32>
      %jit3A_978 = arith.constant 0.000000e+00 : f32
      %broadcast_in_dim3A_979 = vector.broadcast %jit3A_978 : f32 to vector<16xf32>
      %select_n3A_980 = arith.select %and3A_967, %mul3A_977, %broadcast_in_dim3A_979 : vector<16xi1>, vector<16xf32>
      %add3A_981 = arith.addf %add3A_962, %select_n3A_980 : vector<16xf32>
      %ge3A_982 = vector.broadcast %squeeze3A_191 : i32 to vector<16xi32>
      %ge3A_983 = arith.cmpi sge, %add3A_501, %ge3A_982 : vector<16xi32>
      %le3A_984 = vector.broadcast %squeeze3A_193 : i32 to vector<16xi32>
      %le3A_985 = arith.cmpi sle, %add3A_501, %le3A_984 : vector<16xi32>
      %and3A_986 = arith.andi %ge3A_983, %le3A_985 : vector<16xi1>
      %mul3A_987 = arith.constant 16 : i32
      %mul3A_988 = arith.muli %scan3A_497, %mul3A_987 : i32
      %get3A_989 = arith.constant 12 : i32
      %get3A_990 = arith.index_cast %get3A_989 : i32 to index
      %get3A_991 = arith.index_cast %mul3A_988 : i32 to index
      %get3A_992 = tpu.vector_load %arg10[%get3A_990, %get3A_991] {strides = array<i32>} : memref<32x512xf32, #tpu.memory_space<vmem>>, vector<16xf32>,
      %broadcast_in_dim3A_993 = vector.broadcast %squeeze3A_184 : f32 to vector<16xf32>
      %sub3A_994 = arith.subf %broadcast_in_dim3A_993, %select_n3A_754 : vector<16xf32>
      %exp3A_995 = math.exp %sub3A_994 : vector<16xf32>
      %mul3A_996 = arith.mulf %get3A_992, %exp3A_995 : vector<16xf32>
      %jit3A_997 = arith.constant 0.000000e+00 : f32
      %broadcast_in_dim3A_998 = vector.broadcast %jit3A_997 : f32 to vector<16xf32>
      %select_n3A_999 = arith.select %and3A_986, %mul3A_996, %broadcast_in_dim3A_998 : vector<16xi1>, vector<16xf32>
      %add3A_1000 = arith.addf %add3A_981, %select_n3A_999 : vector<16xf32>
      %ge3A_1001 = vector.broadcast %squeeze3A_206 : i32 to vector<16xi32>
      %ge3A_1002 = arith.cmpi sge, %add3A_501, %ge3A_1001 : vector<16xi32>
      %le3A_1003 = vector.broadcast %squeeze3A_208 : i32 to vector<16xi32>
      %le3A_1004 = arith.cmpi sle, %add3A_501, %le3A_1003 : vector<16xi32>
      %and3A_1005 = arith.andi %ge3A_1002, %le3A_1004 : vector<16xi1>
      %mul3A_1006 = arith.constant 16 : i32
      %mul3A_1007 = arith.muli %scan3A_497, %mul3A_1006 : i32
      %get3A_1008 = arith.constant 13 : i32
      %get3A_1009 = arith.index_cast %get3A_1008 : i32 to index
      %get3A_1010 = arith.index_cast %mul3A_1007 : i32 to index
      %get3A_1011 = tpu.vector_load %arg10[%get3A_1009, %get3A_1010] {strides = array<i32>} : memref<32x512xf32, #tpu.memory_space<vmem>>, vector<16xf32>,
      %broadcast_in_dim3A_1012 = vector.broadcast %squeeze3A_199 : f32 to vector<16xf32>
      %sub3A_1013 = arith.subf %broadcast_in_dim3A_1012, %select_n3A_754 : vector<16xf32>
      %exp3A_1014 = math.exp %sub3A_1013 : vector<16xf32>
      %mul3A_1015 = arith.mulf %get3A_1011, %exp3A_1014 : vector<16xf32>
      %jit3A_1016 = arith.constant 0.000000e+00 : f32
      %broadcast_in_dim3A_1017 = vector.broadcast %jit3A_1016 : f32 to vector<16xf32>
      %select_n3A_1018 = arith.select %and3A_1005, %mul3A_1015, %broadcast_in_dim3A_1017 : vector<16xi1>, vector<16xf32>
      %add3A_1019 = arith.addf %add3A_1000, %select_n3A_1018 : vector<16xf32>
      %ge3A_1020 = vector.broadcast %squeeze3A_221 : i32 to vector<16xi32>
      %ge3A_1021 = arith.cmpi sge, %add3A_501, %ge3A_1020 : vector<16xi32>
      %le3A_1022 = vector.broadcast %squeeze3A_223 : i32 to vector<16xi32>
      %le3A_1023 = arith.cmpi sle, %add3A_501, %le3A_1022 : vector<16xi32>
      %and3A_1024 = arith.andi %ge3A_1021, %le3A_1023 : vector<16xi1>
      %mul3A_1025 = arith.constant 16 : i32
      %mul3A_1026 = arith.muli %scan3A_497, %mul3A_1025 : i32
      %get3A_1027 = arith.constant 14 : i32
      %get3A_1028 = arith.index_cast %get3A_1027 : i32 to index
      %get3A_1029 = arith.index_cast %mul3A_1026 : i32 to index
      %get3A_1030 = tpu.vector_load %arg10[%get3A_1028, %get3A_1029] {strides = array<i32>} : memref<32x512xf32, #tpu.memory_space<vmem>>, vector<16xf32>,
      %broadcast_in_dim3A_1031 = vector.broadcast %squeeze3A_214 : f32 to vector<16xf32>
      %sub3A_1032 = arith.subf %broadcast_in_dim3A_1031, %select_n3A_754 : vector<16xf32>
      %exp3A_1033 = math.exp %sub3A_1032 : vector<16xf32>
      %mul3A_1034 = arith.mulf %get3A_1030, %exp3A_1033 : vector<16xf32>
      %jit3A_1035 = arith.constant 0.000000e+00 : f32
      %broadcast_in_dim3A_1036 = vector.broadcast %jit3A_1035 : f32 to vector<16xf32>
      %select_n3A_1037 = arith.select %and3A_1024, %mul3A_1034, %broadcast_in_dim3A_1036 : vector<16xi1>, vector<16xf32>
      %add3A_1038 = arith.addf %add3A_1019, %select_n3A_1037 : vector<16xf32>
      %ge3A_1039 = vector.broadcast %squeeze3A_236 : i32 to vector<16xi32>
      %ge3A_1040 = arith.cmpi sge, %add3A_501, %ge3A_1039 : vector<16xi32>
      %le3A_1041 = vector.broadcast %squeeze3A_238 : i32 to vector<16xi32>
      %le3A_1042 = arith.cmpi sle, %add3A_501, %le3A_1041 : vector<16xi32>
      %and3A_1043 = arith.andi %ge3A_1040, %le3A_1042 : vector<16xi1>
      %mul3A_1044 = arith.constant 16 : i32
      %mul3A_1045 = arith.muli %scan3A_497, %mul3A_1044 : i32
      %get3A_1046 = arith.constant 15 : i32
      %get3A_1047 = arith.index_cast %get3A_1046 : i32 to index
      %get3A_1048 = arith.index_cast %mul3A_1045 : i32 to index
      %get3A_1049 = tpu.vector_load %arg10[%get3A_1047, %get3A_1048] {strides = array<i32>} : memref<32x512xf32, #tpu.memory_space<vmem>>, vector<16xf32>,
      %broadcast_in_dim3A_1050 = vector.broadcast %squeeze3A_229 : f32 to vector<16xf32>
      %sub3A_1051 = arith.subf %broadcast_in_dim3A_1050, %select_n3A_754 : vector<16xf32>
      %exp3A_1052 = math.exp %sub3A_1051 : vector<16xf32>
      %mul3A_1053 = arith.mulf %get3A_1049, %exp3A_1052 : vector<16xf32>
      %jit3A_1054 = arith.constant 0.000000e+00 : f32
      %broadcast_in_dim3A_1055 = vector.broadcast %jit3A_1054 : f32 to vector<16xf32>
      %select_n3A_1056 = arith.select %and3A_1043, %mul3A_1053, %broadcast_in_dim3A_1055 : vector<16xi1>, vector<16xf32>
      %add3A_1057 = arith.addf %add3A_1038, %select_n3A_1056 : vector<16xf32>
      %ge3A_1058 = vector.broadcast %squeeze3A_251 : i32 to vector<16xi32>
      %ge3A_1059 = arith.cmpi sge, %add3A_501, %ge3A_1058 : vector<16xi32>
      %le3A_1060 = vector.broadcast %squeeze3A_253 : i32 to vector<16xi32>
      %le3A_1061 = arith.cmpi sle, %add3A_501, %le3A_1060 : vector<16xi32>
      %and3A_1062 = arith.andi %ge3A_1059, %le3A_1061 : vector<16xi1>
      %mul3A_1063 = arith.constant 16 : i32
      %mul3A_1064 = arith.muli %scan3A_497, %mul3A_1063 : i32
      %get3A_1065 = arith.constant 16 : i32
      %get3A_1066 = arith.index_cast %get3A_1065 : i32 to index
      %get3A_1067 = arith.index_cast %mul3A_1064 : i32 to index
      %get3A_1068 = tpu.vector_load %arg10[%get3A_1066, %get3A_1067] {strides = array<i32>} : memref<32x512xf32, #tpu.memory_space<vmem>>, vector<16xf32>,
      %broadcast_in_dim3A_1069 = vector.broadcast %squeeze3A_244 : f32 to vector<16xf32>
      %sub3A_1070 = arith.subf %broadcast_in_dim3A_1069, %select_n3A_754 : vector<16xf32>
      %exp3A_1071 = math.exp %sub3A_1070 : vector<16xf32>
      %mul3A_1072 = arith.mulf %get3A_1068, %exp3A_1071 : vector<16xf32>
      %jit3A_1073 = arith.constant 0.000000e+00 : f32
      %broadcast_in_dim3A_1074 = vector.broadcast %jit3A_1073 : f32 to vector<16xf32>
      %select_n3A_1075 = arith.select %and3A_1062, %mul3A_1072, %broadcast_in_dim3A_1074 : vector<16xi1>, vector<16xf32>
      %add3A_1076 = arith.addf %add3A_1057, %select_n3A_1075 : vector<16xf32>
      %ge3A_1077 = vector.broadcast %squeeze3A_266 : i32 to vector<16xi32>
      %ge3A_1078 = arith.cmpi sge, %add3A_501, %ge3A_1077 : vector<16xi32>
      %le3A_1079 = vector.broadcast %squeeze3A_268 : i32 to vector<16xi32>
      %le3A_1080 = arith.cmpi sle, %add3A_501, %le3A_1079 : vector<16xi32>
      %and3A_1081 = arith.andi %ge3A_1078, %le3A_1080 : vector<16xi1>
      %mul3A_1082 = arith.constant 16 : i32
      %mul3A_1083 = arith.muli %scan3A_497, %mul3A_1082 : i32
      %get3A_1084 = arith.constant 17 : i32
      %get3A_1085 = arith.index_cast %get3A_1084 : i32 to index
      %get3A_1086 = arith.index_cast %mul3A_1083 : i32 to index
      %get3A_1087 = tpu.vector_load %arg10[%get3A_1085, %get3A_1086] {strides = array<i32>} : memref<32x512xf32, #tpu.memory_space<vmem>>, vector<16xf32>,
      %broadcast_in_dim3A_1088 = vector.broadcast %squeeze3A_259 : f32 to vector<16xf32>
      %sub3A_1089 = arith.subf %broadcast_in_dim3A_1088, %select_n3A_754 : vector<16xf32>
      %exp3A_1090 = math.exp %sub3A_1089 : vector<16xf32>
      %mul3A_1091 = arith.mulf %get3A_1087, %exp3A_1090 : vector<16xf32>
      %jit3A_1092 = arith.constant 0.000000e+00 : f32
      %broadcast_in_dim3A_1093 = vector.broadcast %jit3A_1092 : f32 to vector<16xf32>
      %select_n3A_1094 = arith.select %and3A_1081, %mul3A_1091, %broadcast_in_dim3A_1093 : vector<16xi1>, vector<16xf32>
      %add3A_1095 = arith.addf %add3A_1076, %select_n3A_1094 : vector<16xf32>
      %ge3A_1096 = vector.broadcast %squeeze3A_281 : i32 to vector<16xi32>
      %ge3A_1097 = arith.cmpi sge, %add3A_501, %ge3A_1096 : vector<16xi32>
      %le3A_1098 = vector.broadcast %squeeze3A_283 : i32 to vector<16xi32>
      %le3A_1099 = arith.cmpi sle, %add3A_501, %le3A_1098 : vector<16xi32>
      %and3A_1100 = arith.andi %ge3A_1097, %le3A_1099 : vector<16xi1>
      %mul3A_1101 = arith.constant 16 : i32
      %mul3A_1102 = arith.muli %scan3A_497, %mul3A_1101 : i32
      %get3A_1103 = arith.constant 18 : i32
      %get3A_1104 = arith.index_cast %get3A_1103 : i32 to index
      %get3A_1105 = arith.index_cast %mul3A_1102 : i32 to index
      %get3A_1106 = tpu.vector_load %arg10[%get3A_1104, %get3A_1105] {strides = array<i32>} : memref<32x512xf32, #tpu.memory_space<vmem>>, vector<16xf32>,
      %broadcast_in_dim3A_1107 = vector.broadcast %squeeze3A_274 : f32 to vector<16xf32>
      %sub3A_1108 = arith.subf %broadcast_in_dim3A_1107, %select_n3A_754 : vector<16xf32>
      %exp3A_1109 = math.exp %sub3A_1108 : vector<16xf32>
      %mul3A_1110 = arith.mulf %get3A_1106, %exp3A_1109 : vector<16xf32>
      %jit3A_1111 = arith.constant 0.000000e+00 : f32
      %broadcast_in_dim3A_1112 = vector.broadcast %jit3A_1111 : f32 to vector<16xf32>
      %select_n3A_1113 = arith.select %and3A_1100, %mul3A_1110, %broadcast_in_dim3A_1112 : vector<16xi1>, vector<16xf32>
      %add3A_1114 = arith.addf %add3A_1095, %select_n3A_1113 : vector<16xf32>
      %ge3A_1115 = vector.broadcast %squeeze3A_296 : i32 to vector<16xi32>
      %ge3A_1116 = arith.cmpi sge, %add3A_501, %ge3A_1115 : vector<16xi32>
      %le3A_1117 = vector.broadcast %squeeze3A_298 : i32 to vector<16xi32>
      %le3A_1118 = arith.cmpi sle, %add3A_501, %le3A_1117 : vector<16xi32>
      %and3A_1119 = arith.andi %ge3A_1116, %le3A_1118 : vector<16xi1>
      %mul3A_1120 = arith.constant 16 : i32
      %mul3A_1121 = arith.muli %scan3A_497, %mul3A_1120 : i32
      %get3A_1122 = arith.constant 19 : i32
      %get3A_1123 = arith.index_cast %get3A_1122 : i32 to index
      %get3A_1124 = arith.index_cast %mul3A_1121 : i32 to index
      %get3A_1125 = tpu.vector_load %arg10[%get3A_1123, %get3A_1124] {strides = array<i32>} : memref<32x512xf32, #tpu.memory_space<vmem>>, vector<16xf32>,
      %broadcast_in_dim3A_1126 = vector.broadcast %squeeze3A_289 : f32 to vector<16xf32>
      %sub3A_1127 = arith.subf %broadcast_in_dim3A_1126, %select_n3A_754 : vector<16xf32>
      %exp3A_1128 = math.exp %sub3A_1127 : vector<16xf32>
      %mul3A_1129 = arith.mulf %get3A_1125, %exp3A_1128 : vector<16xf32>
      %jit3A_1130 = arith.constant 0.000000e+00 : f32
      %broadcast_in_dim3A_1131 = vector.broadcast %jit3A_1130 : f32 to vector<16xf32>
      %select_n3A_1132 = arith.select %and3A_1119, %mul3A_1129, %broadcast_in_dim3A_1131 : vector<16xi1>, vector<16xf32>
      %add3A_1133 = arith.addf %add3A_1114, %select_n3A_1132 : vector<16xf32>
      %ge3A_1134 = vector.broadcast %squeeze3A_311 : i32 to vector<16xi32>
      %ge3A_1135 = arith.cmpi sge, %add3A_501, %ge3A_1134 : vector<16xi32>
      %le3A_1136 = vector.broadcast %squeeze3A_313 : i32 to vector<16xi32>
      %le3A_1137 = arith.cmpi sle, %add3A_501, %le3A_1136 : vector<16xi32>
      %and3A_1138 = arith.andi %ge3A_1135, %le3A_1137 : vector<16xi1>
      %mul3A_1139 = arith.constant 16 : i32
      %mul3A_1140 = arith.muli %scan3A_497, %mul3A_1139 : i32
      %get3A_1141 = arith.constant 20 : i32
      %get3A_1142 = arith.index_cast %get3A_1141 : i32 to index
      %get3A_1143 = arith.index_cast %mul3A_1140 : i32 to index
      %get3A_1144 = tpu.vector_load %arg10[%get3A_1142, %get3A_1143] {strides = array<i32>} : memref<32x512xf32, #tpu.memory_space<vmem>>, vector<16xf32>,
      %broadcast_in_dim3A_1145 = vector.broadcast %squeeze3A_304 : f32 to vector<16xf32>
      %sub3A_1146 = arith.subf %broadcast_in_dim3A_1145, %select_n3A_754 : vector<16xf32>
      %exp3A_1147 = math.exp %sub3A_1146 : vector<16xf32>
      %mul3A_1148 = arith.mulf %get3A_1144, %exp3A_1147 : vector<16xf32>
      %jit3A_1149 = arith.constant 0.000000e+00 : f32
      %broadcast_in_dim3A_1150 = vector.broadcast %jit3A_1149 : f32 to vector<16xf32>
      %select_n3A_1151 = arith.select %and3A_1138, %mul3A_1148, %broadcast_in_dim3A_1150 : vector<16xi1>, vector<16xf32>
      %add3A_1152 = arith.addf %add3A_1133, %select_n3A_1151 : vector<16xf32>
      %ge3A_1153 = vector.broadcast %squeeze3A_326 : i32 to vector<16xi32>
      %ge3A_1154 = arith.cmpi sge, %add3A_501, %ge3A_1153 : vector<16xi32>
      %le3A_1155 = vector.broadcast %squeeze3A_328 : i32 to vector<16xi32>
      %le3A_1156 = arith.cmpi sle, %add3A_501, %le3A_1155 : vector<16xi32>
      %and3A_1157 = arith.andi %ge3A_1154, %le3A_1156 : vector<16xi1>
      %mul3A_1158 = arith.constant 16 : i32
      %mul3A_1159 = arith.muli %scan3A_497, %mul3A_1158 : i32
      %get3A_1160 = arith.constant 21 : i32
      %get3A_1161 = arith.index_cast %get3A_1160 : i32 to index
      %get3A_1162 = arith.index_cast %mul3A_1159 : i32 to index
      %get3A_1163 = tpu.vector_load %arg10[%get3A_1161, %get3A_1162] {strides = array<i32>} : memref<32x512xf32, #tpu.memory_space<vmem>>, vector<16xf32>,
      %broadcast_in_dim3A_1164 = vector.broadcast %squeeze3A_319 : f32 to vector<16xf32>
      %sub3A_1165 = arith.subf %broadcast_in_dim3A_1164, %select_n3A_754 : vector<16xf32>
      %exp3A_1166 = math.exp %sub3A_1165 : vector<16xf32>
      %mul3A_1167 = arith.mulf %get3A_1163, %exp3A_1166 : vector<16xf32>
      %jit3A_1168 = arith.constant 0.000000e+00 : f32
      %broadcast_in_dim3A_1169 = vector.broadcast %jit3A_1168 : f32 to vector<16xf32>
      %select_n3A_1170 = arith.select %and3A_1157, %mul3A_1167, %broadcast_in_dim3A_1169 : vector<16xi1>, vector<16xf32>
      %add3A_1171 = arith.addf %add3A_1152, %select_n3A_1170 : vector<16xf32>
      %ge3A_1172 = vector.broadcast %squeeze3A_341 : i32 to vector<16xi32>
      %ge3A_1173 = arith.cmpi sge, %add3A_501, %ge3A_1172 : vector<16xi32>
      %le3A_1174 = vector.broadcast %squeeze3A_343 : i32 to vector<16xi32>
      %le3A_1175 = arith.cmpi sle, %add3A_501, %le3A_1174 : vector<16xi32>
      %and3A_1176 = arith.andi %ge3A_1173, %le3A_1175 : vector<16xi1>
      %mul3A_1177 = arith.constant 16 : i32
      %mul3A_1178 = arith.muli %scan3A_497, %mul3A_1177 : i32
      %get3A_1179 = arith.constant 22 : i32
      %get3A_1180 = arith.index_cast %get3A_1179 : i32 to index
      %get3A_1181 = arith.index_cast %mul3A_1178 : i32 to index
      %get3A_1182 = tpu.vector_load %arg10[%get3A_1180, %get3A_1181] {strides = array<i32>} : memref<32x512xf32, #tpu.memory_space<vmem>>, vector<16xf32>,
      %broadcast_in_dim3A_1183 = vector.broadcast %squeeze3A_334 : f32 to vector<16xf32>
      %sub3A_1184 = arith.subf %broadcast_in_dim3A_1183, %select_n3A_754 : vector<16xf32>
      %exp3A_1185 = math.exp %sub3A_1184 : vector<16xf32>
      %mul3A_1186 = arith.mulf %get3A_1182, %exp3A_1185 : vector<16xf32>
      %jit3A_1187 = arith.constant 0.000000e+00 : f32
      %broadcast_in_dim3A_1188 = vector.broadcast %jit3A_1187 : f32 to vector<16xf32>
      %select_n3A_1189 = arith.select %and3A_1176, %mul3A_1186, %broadcast_in_dim3A_1188 : vector<16xi1>, vector<16xf32>
      %add3A_1190 = arith.addf %add3A_1171, %select_n3A_1189 : vector<16xf32>
      %ge3A_1191 = vector.broadcast %squeeze3A_356 : i32 to vector<16xi32>
      %ge3A_1192 = arith.cmpi sge, %add3A_501, %ge3A_1191 : vector<16xi32>
      %le3A_1193 = vector.broadcast %squeeze3A_358 : i32 to vector<16xi32>
      %le3A_1194 = arith.cmpi sle, %add3A_501, %le3A_1193 : vector<16xi32>
      %and3A_1195 = arith.andi %ge3A_1192, %le3A_1194 : vector<16xi1>
      %mul3A_1196 = arith.constant 16 : i32
      %mul3A_1197 = arith.muli %scan3A_497, %mul3A_1196 : i32
      %get3A_1198 = arith.constant 23 : i32
      %get3A_1199 = arith.index_cast %get3A_1198 : i32 to index
      %get3A_1200 = arith.index_cast %mul3A_1197 : i32 to index
      %get3A_1201 = tpu.vector_load %arg10[%get3A_1199, %get3A_1200] {strides = array<i32>} : memref<32x512xf32, #tpu.memory_space<vmem>>, vector<16xf32>,
      %broadcast_in_dim3A_1202 = vector.broadcast %squeeze3A_349 : f32 to vector<16xf32>
      %sub3A_1203 = arith.subf %broadcast_in_dim3A_1202, %select_n3A_754 : vector<16xf32>
      %exp3A_1204 = math.exp %sub3A_1203 : vector<16xf32>
      %mul3A_1205 = arith.mulf %get3A_1201, %exp3A_1204 : vector<16xf32>
      %jit3A_1206 = arith.constant 0.000000e+00 : f32
      %broadcast_in_dim3A_1207 = vector.broadcast %jit3A_1206 : f32 to vector<16xf32>
      %select_n3A_1208 = arith.select %and3A_1195, %mul3A_1205, %broadcast_in_dim3A_1207 : vector<16xi1>, vector<16xf32>
      %add3A_1209 = arith.addf %add3A_1190, %select_n3A_1208 : vector<16xf32>
      %ge3A_1210 = vector.broadcast %squeeze3A_371 : i32 to vector<16xi32>
      %ge3A_1211 = arith.cmpi sge, %add3A_501, %ge3A_1210 : vector<16xi32>
      %le3A_1212 = vector.broadcast %squeeze3A_373 : i32 to vector<16xi32>
      %le3A_1213 = arith.cmpi sle, %add3A_501, %le3A_1212 : vector<16xi32>
      %and3A_1214 = arith.andi %ge3A_1211, %le3A_1213 : vector<16xi1>
      %mul3A_1215 = arith.constant 16 : i32
      %mul3A_1216 = arith.muli %scan3A_497, %mul3A_1215 : i32
      %get3A_1217 = arith.constant 24 : i32
      %get3A_1218 = arith.index_cast %get3A_1217 : i32 to index
      %get3A_1219 = arith.index_cast %mul3A_1216 : i32 to index
      %get3A_1220 = tpu.vector_load %arg10[%get3A_1218, %get3A_1219] {strides = array<i32>} : memref<32x512xf32, #tpu.memory_space<vmem>>, vector<16xf32>,
      %broadcast_in_dim3A_1221 = vector.broadcast %squeeze3A_364 : f32 to vector<16xf32>
      %sub3A_1222 = arith.subf %broadcast_in_dim3A_1221, %select_n3A_754 : vector<16xf32>
      %exp3A_1223 = math.exp %sub3A_1222 : vector<16xf32>
      %mul3A_1224 = arith.mulf %get3A_1220, %exp3A_1223 : vector<16xf32>
      %jit3A_1225 = arith.constant 0.000000e+00 : f32
      %broadcast_in_dim3A_1226 = vector.broadcast %jit3A_1225 : f32 to vector<16xf32>
      %select_n3A_1227 = arith.select %and3A_1214, %mul3A_1224, %broadcast_in_dim3A_1226 : vector<16xi1>, vector<16xf32>
      %add3A_1228 = arith.addf %add3A_1209, %select_n3A_1227 : vector<16xf32>
      %ge3A_1229 = vector.broadcast %squeeze3A_386 : i32 to vector<16xi32>
      %ge3A_1230 = arith.cmpi sge, %add3A_501, %ge3A_1229 : vector<16xi32>
      %le3A_1231 = vector.broadcast %squeeze3A_388 : i32 to vector<16xi32>
      %le3A_1232 = arith.cmpi sle, %add3A_501, %le3A_1231 : vector<16xi32>
      %and3A_1233 = arith.andi %ge3A_1230, %le3A_1232 : vector<16xi1>
      %mul3A_1234 = arith.constant 16 : i32
      %mul3A_1235 = arith.muli %scan3A_497, %mul3A_1234 : i32
      %get3A_1236 = arith.constant 25 : i32
      %get3A_1237 = arith.index_cast %get3A_1236 : i32 to index
      %get3A_1238 = arith.index_cast %mul3A_1235 : i32 to index
      %get3A_1239 = tpu.vector_load %arg10[%get3A_1237, %get3A_1238] {strides = array<i32>} : memref<32x512xf32, #tpu.memory_space<vmem>>, vector<16xf32>,
      %broadcast_in_dim3A_1240 = vector.broadcast %squeeze3A_379 : f32 to vector<16xf32>
      %sub3A_1241 = arith.subf %broadcast_in_dim3A_1240, %select_n3A_754 : vector<16xf32>
      %exp3A_1242 = math.exp %sub3A_1241 : vector<16xf32>
      %mul3A_1243 = arith.mulf %get3A_1239, %exp3A_1242 : vector<16xf32>
      %jit3A_1244 = arith.constant 0.000000e+00 : f32
      %broadcast_in_dim3A_1245 = vector.broadcast %jit3A_1244 : f32 to vector<16xf32>
      %select_n3A_1246 = arith.select %and3A_1233, %mul3A_1243, %broadcast_in_dim3A_1245 : vector<16xi1>, vector<16xf32>
      %add3A_1247 = arith.addf %add3A_1228, %select_n3A_1246 : vector<16xf32>
      %ge3A_1248 = vector.broadcast %squeeze3A_401 : i32 to vector<16xi32>
      %ge3A_1249 = arith.cmpi sge, %add3A_501, %ge3A_1248 : vector<16xi32>
      %le3A_1250 = vector.broadcast %squeeze3A_403 : i32 to vector<16xi32>
      %le3A_1251 = arith.cmpi sle, %add3A_501, %le3A_1250 : vector<16xi32>
      %and3A_1252 = arith.andi %ge3A_1249, %le3A_1251 : vector<16xi1>
      %mul3A_1253 = arith.constant 16 : i32
      %mul3A_1254 = arith.muli %scan3A_497, %mul3A_1253 : i32
      %get3A_1255 = arith.constant 26 : i32
      %get3A_1256 = arith.index_cast %get3A_1255 : i32 to index
      %get3A_1257 = arith.index_cast %mul3A_1254 : i32 to index
      %get3A_1258 = tpu.vector_load %arg10[%get3A_1256, %get3A_1257] {strides = array<i32>} : memref<32x512xf32, #tpu.memory_space<vmem>>, vector<16xf32>,
      %broadcast_in_dim3A_1259 = vector.broadcast %squeeze3A_394 : f32 to vector<16xf32>
      %sub3A_1260 = arith.subf %broadcast_in_dim3A_1259, %select_n3A_754 : vector<16xf32>
      %exp3A_1261 = math.exp %sub3A_1260 : vector<16xf32>
      %mul3A_1262 = arith.mulf %get3A_1258, %exp3A_1261 : vector<16xf32>
      %jit3A_1263 = arith.constant 0.000000e+00 : f32
      %broadcast_in_dim3A_1264 = vector.broadcast %jit3A_1263 : f32 to vector<16xf32>
      %select_n3A_1265 = arith.select %and3A_1252, %mul3A_1262, %broadcast_in_dim3A_1264 : vector<16xi1>, vector<16xf32>
      %add3A_1266 = arith.addf %add3A_1247, %select_n3A_1265 : vector<16xf32>
      %ge3A_1267 = vector.broadcast %squeeze3A_416 : i32 to vector<16xi32>
      %ge3A_1268 = arith.cmpi sge, %add3A_501, %ge3A_1267 : vector<16xi32>
      %le3A_1269 = vector.broadcast %squeeze3A_418 : i32 to vector<16xi32>
      %le3A_1270 = arith.cmpi sle, %add3A_501, %le3A_1269 : vector<16xi32>
      %and3A_1271 = arith.andi %ge3A_1268, %le3A_1270 : vector<16xi1>
      %mul3A_1272 = arith.constant 16 : i32
      %mul3A_1273 = arith.muli %scan3A_497, %mul3A_1272 : i32
      %get3A_1274 = arith.constant 27 : i32
      %get3A_1275 = arith.index_cast %get3A_1274 : i32 to index
      %get3A_1276 = arith.index_cast %mul3A_1273 : i32 to index
      %get3A_1277 = tpu.vector_load %arg10[%get3A_1275, %get3A_1276] {strides = array<i32>} : memref<32x512xf32, #tpu.memory_space<vmem>>, vector<16xf32>,
      %broadcast_in_dim3A_1278 = vector.broadcast %squeeze3A_409 : f32 to vector<16xf32>
      %sub3A_1279 = arith.subf %broadcast_in_dim3A_1278, %select_n3A_754 : vector<16xf32>
      %exp3A_1280 = math.exp %sub3A_1279 : vector<16xf32>
      %mul3A_1281 = arith.mulf %get3A_1277, %exp3A_1280 : vector<16xf32>
      %jit3A_1282 = arith.constant 0.000000e+00 : f32
      %broadcast_in_dim3A_1283 = vector.broadcast %jit3A_1282 : f32 to vector<16xf32>
      %select_n3A_1284 = arith.select %and3A_1271, %mul3A_1281, %broadcast_in_dim3A_1283 : vector<16xi1>, vector<16xf32>
      %add3A_1285 = arith.addf %add3A_1266, %select_n3A_1284 : vector<16xf32>
      %ge3A_1286 = vector.broadcast %squeeze3A_431 : i32 to vector<16xi32>
      %ge3A_1287 = arith.cmpi sge, %add3A_501, %ge3A_1286 : vector<16xi32>
      %le3A_1288 = vector.broadcast %squeeze3A_433 : i32 to vector<16xi32>
      %le3A_1289 = arith.cmpi sle, %add3A_501, %le3A_1288 : vector<16xi32>
      %and3A_1290 = arith.andi %ge3A_1287, %le3A_1289 : vector<16xi1>
      %mul3A_1291 = arith.constant 16 : i32
      %mul3A_1292 = arith.muli %scan3A_497, %mul3A_1291 : i32
      %get3A_1293 = arith.constant 28 : i32
      %get3A_1294 = arith.index_cast %get3A_1293 : i32 to index
      %get3A_1295 = arith.index_cast %mul3A_1292 : i32 to index
      %get3A_1296 = tpu.vector_load %arg10[%get3A_1294, %get3A_1295] {strides = array<i32>} : memref<32x512xf32, #tpu.memory_space<vmem>>, vector<16xf32>,
      %broadcast_in_dim3A_1297 = vector.broadcast %squeeze3A_424 : f32 to vector<16xf32>
      %sub3A_1298 = arith.subf %broadcast_in_dim3A_1297, %select_n3A_754 : vector<16xf32>
      %exp3A_1299 = math.exp %sub3A_1298 : vector<16xf32>
      %mul3A_1300 = arith.mulf %get3A_1296, %exp3A_1299 : vector<16xf32>
      %jit3A_1301 = arith.constant 0.000000e+00 : f32
      %broadcast_in_dim3A_1302 = vector.broadcast %jit3A_1301 : f32 to vector<16xf32>
      %select_n3A_1303 = arith.select %and3A_1290, %mul3A_1300, %broadcast_in_dim3A_1302 : vector<16xi1>, vector<16xf32>
      %add3A_1304 = arith.addf %add3A_1285, %select_n3A_1303 : vector<16xf32>
      %ge3A_1305 = vector.broadcast %squeeze3A_446 : i32 to vector<16xi32>
      %ge3A_1306 = arith.cmpi sge, %add3A_501, %ge3A_1305 : vector<16xi32>
      %le3A_1307 = vector.broadcast %squeeze3A_448 : i32 to vector<16xi32>
      %le3A_1308 = arith.cmpi sle, %add3A_501, %le3A_1307 : vector<16xi32>
      %and3A_1309 = arith.andi %ge3A_1306, %le3A_1308 : vector<16xi1>
      %mul3A_1310 = arith.constant 16 : i32
      %mul3A_1311 = arith.muli %scan3A_497, %mul3A_1310 : i32
      %get3A_1312 = arith.constant 29 : i32
      %get3A_1313 = arith.index_cast %get3A_1312 : i32 to index
      %get3A_1314 = arith.index_cast %mul3A_1311 : i32 to index
      %get3A_1315 = tpu.vector_load %arg10[%get3A_1313, %get3A_1314] {strides = array<i32>} : memref<32x512xf32, #tpu.memory_space<vmem>>, vector<16xf32>,
      %broadcast_in_dim3A_1316 = vector.broadcast %squeeze3A_439 : f32 to vector<16xf32>
      %sub3A_1317 = arith.subf %broadcast_in_dim3A_1316, %select_n3A_754 : vector<16xf32>
      %exp3A_1318 = math.exp %sub3A_1317 : vector<16xf32>
      %mul3A_1319 = arith.mulf %get3A_1315, %exp3A_1318 : vector<16xf32>
      %jit3A_1320 = arith.constant 0.000000e+00 : f32
      %broadcast_in_dim3A_1321 = vector.broadcast %jit3A_1320 : f32 to vector<16xf32>
      %select_n3A_1322 = arith.select %and3A_1309, %mul3A_1319, %broadcast_in_dim3A_1321 : vector<16xi1>, vector<16xf32>
      %add3A_1323 = arith.addf %add3A_1304, %select_n3A_1322 : vector<16xf32>
      %ge3A_1324 = vector.broadcast %squeeze3A_461 : i32 to vector<16xi32>
      %ge3A_1325 = arith.cmpi sge, %add3A_501, %ge3A_1324 : vector<16xi32>
      %le3A_1326 = vector.broadcast %squeeze3A_463 : i32 to vector<16xi32>
      %le3A_1327 = arith.cmpi sle, %add3A_501, %le3A_1326 : vector<16xi32>
      %and3A_1328 = arith.andi %ge3A_1325, %le3A_1327 : vector<16xi1>
      %mul3A_1329 = arith.constant 16 : i32
      %mul3A_1330 = arith.muli %scan3A_497, %mul3A_1329 : i32
      %get3A_1331 = arith.constant 30 : i32
      %get3A_1332 = arith.index_cast %get3A_1331 : i32 to index
      %get3A_1333 = arith.index_cast %mul3A_1330 : i32 to index
      %get3A_1334 = tpu.vector_load %arg10[%get3A_1332, %get3A_1333] {strides = array<i32>} : memref<32x512xf32, #tpu.memory_space<vmem>>, vector<16xf32>,
      %broadcast_in_dim3A_1335 = vector.broadcast %squeeze3A_454 : f32 to vector<16xf32>
      %sub3A_1336 = arith.subf %broadcast_in_dim3A_1335, %select_n3A_754 : vector<16xf32>
      %exp3A_1337 = math.exp %sub3A_1336 : vector<16xf32>
      %mul3A_1338 = arith.mulf %get3A_1334, %exp3A_1337 : vector<16xf32>
      %jit3A_1339 = arith.constant 0.000000e+00 : f32
      %broadcast_in_dim3A_1340 = vector.broadcast %jit3A_1339 : f32 to vector<16xf32>
      %select_n3A_1341 = arith.select %and3A_1328, %mul3A_1338, %broadcast_in_dim3A_1340 : vector<16xi1>, vector<16xf32>
      %add3A_1342 = arith.addf %add3A_1323, %select_n3A_1341 : vector<16xf32>
      %ge3A_1343 = vector.broadcast %squeeze3A_476 : i32 to vector<16xi32>
      %ge3A_1344 = arith.cmpi sge, %add3A_501, %ge3A_1343 : vector<16xi32>
      %le3A_1345 = vector.broadcast %squeeze3A_478 : i32 to vector<16xi32>
      %le3A_1346 = arith.cmpi sle, %add3A_501, %le3A_1345 : vector<16xi32>
      %and3A_1347 = arith.andi %ge3A_1344, %le3A_1346 : vector<16xi1>
      %mul3A_1348 = arith.constant 16 : i32
      %mul3A_1349 = arith.muli %scan3A_497, %mul3A_1348 : i32
      %get3A_1350 = arith.constant 31 : i32
      %get3A_1351 = arith.index_cast %get3A_1350 : i32 to index
      %get3A_1352 = arith.index_cast %mul3A_1349 : i32 to index
      %get3A_1353 = tpu.vector_load %arg10[%get3A_1351, %get3A_1352] {strides = array<i32>} : memref<32x512xf32, #tpu.memory_space<vmem>>, vector<16xf32>,
      %broadcast_in_dim3A_1354 = vector.broadcast %squeeze3A_469 : f32 to vector<16xf32>
      %sub3A_1355 = arith.subf %broadcast_in_dim3A_1354, %select_n3A_754 : vector<16xf32>
      %exp3A_1356 = math.exp %sub3A_1355 : vector<16xf32>
      %mul3A_1357 = arith.mulf %get3A_1353, %exp3A_1356 : vector<16xf32>
      %jit3A_1358 = arith.constant 0.000000e+00 : f32
      %broadcast_in_dim3A_1359 = vector.broadcast %jit3A_1358 : f32 to vector<16xf32>
      %select_n3A_1360 = arith.select %and3A_1347, %mul3A_1357, %broadcast_in_dim3A_1359 : vector<16xi1>, vector<16xf32>
      %add3A_1361 = arith.addf %add3A_1342, %select_n3A_1360 : vector<16xf32>
      %broadcast_in_dim3A_1362 = vector.broadcast %squeeze3A_483 : f32 to vector<16xf32>
      %sub3A_1363 = arith.subf %broadcast_in_dim3A_1362, %select_n3A_754 : vector<16xf32>
      %exp3A_1364 = math.exp %sub3A_1363 : vector<16xf32>
      %add3A_1365 = arith.constant 1.000000e-16 : f32
      %add3A_1366 = vector.broadcast %add3A_1365 : f32 to vector<16xf32>
      %add3A_1367 = arith.addf %add3A_1361, %add3A_1366 : vector<16xf32>
      %div3A = arith.divf %exp3A_1364, %add3A_1367 : vector<16xf32>
      %mul3A_1368 = arith.constant 16 : i32
      %mul3A_1369 = arith.muli %scan3A_497, %mul3A_1368 : i32
      %swap3A = arith.index_cast %mul3A_1369 : i32 to index
      %swap3A_1370 = tpu.vector_load %arg11[%swap3A] {strides = array<i32>} : memref<512xf32, #tpu.memory_space<vmem>>, vector<16xf32>,
      tpu.vector_store %arg11[%swap3A], %div3A {strides = array<i32>} : memref<512xf32, #tpu.memory_space<vmem>>, vector<16xf32>,
      %scan3A_1371 = arith.constant 0 : i32
      scf.yield %scan3A_1371 : i32
    }
    %scan3A_489 = arith.constant 32 : i32
    %scan3A_490 = arith.constant 0 : i32
    %scan3A_491 = arith.constant 0 : i32
    %scan3A_492 = arith.constant 196 : i32
    %scan3A_493 = arith.addi %scan3A_491, %scan3A_492 : i32
    %scan3A_494 = arith.constant 1 : i32
    %scan3A_495 = scf.for %scan3A_497 = %scan3A_491 to %scan3A_493 step %scan3A_494 iter_args(%scan3A_498 = %scan3A_490) -> (i32)  : i32 {
      %mul3A_499 = arith.constant 16 : i32
      %mul3A_500 = arith.muli %scan3A_497, %mul3A_499 : i32
      %get3A_501 = arith.index_cast %mul3A_500 : i32 to index
      %get3A_502 = tpu.vector_load %arg7[%get3A_501] {strides = array<i32>} : memref<3136xi32, #tpu.memory_space<vmem>>, vector<16xi32>,
      %get3A_503 = arith.index_cast %mul3A_500 : i32 to index
      %get3A_504 = tpu.vector_load %arg8[%get3A_503] {strides = array<i32>} : memref<3136xf32, #tpu.memory_space<vmem>>, vector<16xf32>,
      %gather3A = tpu.vector_load_idx %arg11[%get3A_502] : memref<512xf32, #tpu.memory_space<vmem>>[vector<16xi32>], vector<16xf32>,
      %mul3A_505 = arith.mulf %get3A_504, %gather3A : vector<16xf32>
      %swap3A = arith.index_cast %mul3A_500 : i32 to index
      %swap3A_506 = tpu.vector_load %arg9[%swap3A] {strides = array<i32>} : memref<3136xf32, #tpu.memory_space<vmem>>, vector<16xf32>,
      tpu.vector_store %arg9[%swap3A], %mul3A_505 {strides = array<i32>} : memref<3136xf32, #tpu.memory_space<vmem>>, vector<16xf32>,
      %scan3A_507 = arith.constant 0 : i32
      scf.yield %scan3A_507 : i32
    }
    %scan3A_496 = arith.constant 196 : i32
    "tpu.region"() ({
      %run_scoped3A = tpu.sem_alloc : memref<!tpu.dma_semaphore, #tpu.memory_space<semaphore_mem>>
      %dma_start3A = tpu.memref_slice %arg6[%mul3A_2] : memref<100352xf32, #tpu.memory_space<hbm>> -> memref<3136xf32, #tpu.memory_space<hbm>>
      %dma_start3A_497 = tpu.memref_slice %arg6[%mul3A_2] : memref<100352xf32, #tpu.memory_space<hbm>> -> memref<3136xf32, #tpu.memory_space<hbm>>
      tpu.enqueue_dma source(%arg9 : memref<3136xf32, #tpu.memory_space<vmem>>) target(%dma_start3A_497 : memref<3136xf32, #tpu.memory_space<hbm>>) target_semaphore(%run_scoped3A : memref<!tpu.dma_semaphore, #tpu.memory_space<semaphore_mem>>)
      %dma_wait3A = tpu.memref_slice %arg6[%mul3A_2] : memref<100352xf32, #tpu.memory_space<hbm>> -> memref<3136xf32, #tpu.memory_space<hbm>>
      %dma_wait3A_498 = tpu.memref_slice %arg6[%mul3A_2] : memref<100352xf32, #tpu.memory_space<hbm>> -> memref<3136xf32, #tpu.memory_space<hbm>>
      tpu.wait_dma2 semaphore(%run_scoped3A : memref<!tpu.dma_semaphore, #tpu.memory_space<semaphore_mem>>) src(%arg9 : memref<3136xf32, #tpu.memory_space<vmem>>) dst(%dma_wait3A_498 : memref<3136xf32, #tpu.memory_space<hbm>>)
      tpu.yield
    }) : () -> ()
    return
  }
}

#map = affine_map<(d0, d1) -> (0)>
#map1 = affine_map<(d0, d1) -> (0, 0)>
module attributes {stable_mosaic.version = 14 : i64} {
  func.func @_sc_stats_body(%arg0: i32, %arg1: i32, %arg2: memref<100352xf32, #tpu.memory_space<hbm>>, %arg3: memref<100352xi32, #tpu.memory_space<hbm>>, %arg4: memref<100352xf32, #tpu.memory_space<hbm>>, %arg5: memref<32x512xf32, #tpu.memory_space<hbm>>, %arg6: memref<32x32xf32, #tpu.memory_space<hbm>>, %arg7: memref<3136xf32, #tpu.memory_space<vmem>>, %arg8: memref<3136xi32, #tpu.memory_space<vmem>>, %arg9: memref<3136xf32, #tpu.memory_space<vmem>>, %arg10: memref<3136xf32, #tpu.memory_space<vmem>>, %arg11: memref<512xi32, #tpu.memory_space<vmem>>, %arg12: memref<512xi32, #tpu.memory_space<vmem>>, %arg13: memref<512xf32, #tpu.memory_space<vmem>>, %arg14: memref<32xf32, #tpu.memory_space<vmem>>) attributes {dimension_semantics = [#tpu.dimension_semantics<core_parallel>, #tpu.dimension_semantics<subcore_parallel>], iteration_bounds = array<i64: 2, 16>, scalar_prefetch = 0 : i64, scratch_operands = 8 : i64, tpu.core_type = #tpu.core_type<sc_vector_subcore>, window_params = [{transform_indices = #map}, {transform_indices = #map}, {transform_indices = #map}, {transform_indices = #map1}, {transform_indices = #map1}]} {
    %mul3A = arith.constant 16 : i32
    %mul3A_0 = arith.muli %arg0, %mul3A : i32
    %add3A = arith.addi %mul3A_0, %arg1 : i32
    %mul3A_1 = arith.constant 3136 : i32
    %mul3A_2 = arith.muli %add3A, %mul3A_1 : i32
    "tpu.region"() ({
      %run_scoped3A = tpu.sem_alloc : memref<!tpu.dma_semaphore, #tpu.memory_space<semaphore_mem>>
      %dma_start3A = tpu.memref_slice %arg2[%mul3A_2] : memref<100352xf32, #tpu.memory_space<hbm>> -> memref<3136xf32, #tpu.memory_space<hbm>>
      %dma_start3A_94 = tpu.memref_slice %arg2[%mul3A_2] : memref<100352xf32, #tpu.memory_space<hbm>> -> memref<3136xf32, #tpu.memory_space<hbm>>
      tpu.enqueue_dma source(%dma_start3A_94 : memref<3136xf32, #tpu.memory_space<hbm>>) target(%arg7 : memref<3136xf32, #tpu.memory_space<vmem>>) target_semaphore(%run_scoped3A : memref<!tpu.dma_semaphore, #tpu.memory_space<semaphore_mem>>)
      %dma_wait3A = tpu.memref_slice %arg2[%mul3A_2] : memref<100352xf32, #tpu.memory_space<hbm>> -> memref<3136xf32, #tpu.memory_space<hbm>>
      %dma_wait3A_95 = tpu.memref_slice %arg2[%mul3A_2] : memref<100352xf32, #tpu.memory_space<hbm>> -> memref<3136xf32, #tpu.memory_space<hbm>>
      tpu.wait_dma2 semaphore(%run_scoped3A : memref<!tpu.dma_semaphore, #tpu.memory_space<semaphore_mem>>) src(%dma_wait3A_95 : memref<3136xf32, #tpu.memory_space<hbm>>) dst(%arg7 : memref<3136xf32, #tpu.memory_space<vmem>>)
      tpu.yield
    }) : () -> ()
    "tpu.region"() ({
      %run_scoped3A = tpu.sem_alloc : memref<!tpu.dma_semaphore, #tpu.memory_space<semaphore_mem>>
      %dma_start3A = tpu.memref_slice %arg3[%mul3A_2] : memref<100352xi32, #tpu.memory_space<hbm>> -> memref<3136xi32, #tpu.memory_space<hbm>>
      %dma_start3A_94 = tpu.memref_slice %arg3[%mul3A_2] : memref<100352xi32, #tpu.memory_space<hbm>> -> memref<3136xi32, #tpu.memory_space<hbm>>
      tpu.enqueue_dma source(%dma_start3A_94 : memref<3136xi32, #tpu.memory_space<hbm>>) target(%arg8 : memref<3136xi32, #tpu.memory_space<vmem>>) target_semaphore(%run_scoped3A : memref<!tpu.dma_semaphore, #tpu.memory_space<semaphore_mem>>)
      %dma_wait3A = tpu.memref_slice %arg3[%mul3A_2] : memref<100352xi32, #tpu.memory_space<hbm>> -> memref<3136xi32, #tpu.memory_space<hbm>>
      %dma_wait3A_95 = tpu.memref_slice %arg3[%mul3A_2] : memref<100352xi32, #tpu.memory_space<hbm>> -> memref<3136xi32, #tpu.memory_space<hbm>>
      tpu.wait_dma2 semaphore(%run_scoped3A : memref<!tpu.dma_semaphore, #tpu.memory_space<semaphore_mem>>) src(%dma_wait3A_95 : memref<3136xi32, #tpu.memory_space<hbm>>) dst(%arg8 : memref<3136xi32, #tpu.memory_space<vmem>>)
      tpu.yield
    }) : () -> ()
    %iota3A = tpu.iota {dimensions = array<i32: 0>} : vector<16xi32>
    %broadcast_in_dim3A = arith.constant 0 : i32
    %broadcast_in_dim3A_3 = vector.broadcast %broadcast_in_dim3A : i32 to vector<16xi32>
    %broadcast_in_dim3A_4 = arith.constant 0.000000e+00 : f32
    %broadcast_in_dim3A_5 = vector.broadcast %broadcast_in_dim3A_4 : f32 to vector<16xf32>
    %scan3A = arith.constant 0 : i32
    %scan3A_6 = arith.constant 0 : i32
    %scan3A_7 = arith.constant 32 : i32
    %scan3A_8 = arith.addi %scan3A_6, %scan3A_7 : i32
    %scan3A_9 = arith.constant 1 : i32
    %scan3A_10 = scf.for %scan3A_94 = %scan3A_6 to %scan3A_8 step %scan3A_9 iter_args(%scan3A_95 = %scan3A) -> (i32)  : i32 {
      %mul3A_96 = arith.constant 16 : i32
      %mul3A_97 = arith.muli %scan3A_94, %mul3A_96 : i32
      %swap3A_98 = arith.index_cast %mul3A_97 : i32 to index
      %swap3A_99 = tpu.vector_load %arg11[%swap3A_98] {strides = array<i32>} : memref<512xi32, #tpu.memory_space<vmem>>, vector<16xi32>,
      tpu.vector_store %arg11[%swap3A_98], %broadcast_in_dim3A_3 {strides = array<i32>} : memref<512xi32, #tpu.memory_space<vmem>>, vector<16xi32>,
      %mul3A_100 = arith.constant 16 : i32
      %mul3A_101 = arith.muli %scan3A_94, %mul3A_100 : i32
      %swap3A_102 = arith.index_cast %mul3A_101 : i32 to index
      %swap3A_103 = tpu.vector_load %arg12[%swap3A_102] {strides = array<i32>} : memref<512xi32, #tpu.memory_space<vmem>>, vector<16xi32>,
      tpu.vector_store %arg12[%swap3A_102], %broadcast_in_dim3A_3 {strides = array<i32>} : memref<512xi32, #tpu.memory_space<vmem>>, vector<16xi32>,
      %mul3A_104 = arith.constant 16 : i32
      %mul3A_105 = arith.muli %scan3A_94, %mul3A_104 : i32
      %swap3A_106 = arith.index_cast %mul3A_105 : i32 to index
      %swap3A_107 = tpu.vector_load %arg13[%swap3A_106] {strides = array<i32>} : memref<512xf32, #tpu.memory_space<vmem>>, vector<16xf32>,
      tpu.vector_store %arg13[%swap3A_106], %broadcast_in_dim3A_5 {strides = array<i32>} : memref<512xf32, #tpu.memory_space<vmem>>, vector<16xf32>,
      %scan3A_108 = arith.constant 0 : i32
      scf.yield %scan3A_108 : i32
    }
    %scan3A_11 = arith.constant 32 : i32
    %scan3A_12 = arith.constant 0 : i32
    %scan3A_13 = arith.constant 0 : i32
    %scan3A_14 = arith.constant 196 : i32
    %scan3A_15 = arith.addi %scan3A_13, %scan3A_14 : i32
    %scan3A_16 = arith.constant 1 : i32
    %scan3A_17 = scf.for %scan3A_94 = %scan3A_13 to %scan3A_15 step %scan3A_16 iter_args(%scan3A_95 = %scan3A_12) -> (i32)  : i32 {
      %mul3A_96 = arith.constant 16 : i32
      %mul3A_97 = arith.muli %scan3A_94, %mul3A_96 : i32
      %get3A_98 = arith.index_cast %mul3A_97 : i32 to index
      %get3A_99 = tpu.vector_load %arg8[%get3A_98] {strides = array<i32>} : memref<3136xi32, #tpu.memory_space<vmem>>, vector<16xi32>,
      %add3A_100 = vector.broadcast %mul3A_97 : i32 to vector<16xi32>
      %add3A_101 = arith.addi %add3A_100, %iota3A : vector<16xi32>
      %sub3A_102 = arith.constant 1 : i32
      %sub3A_103 = vector.broadcast %sub3A_102 : i32 to vector<16xi32>
      %sub3A_104 = arith.subi %add3A_101, %sub3A_103 : vector<16xi32>
      %max3A = arith.constant 0 : i32
      %max3A_105 = vector.broadcast %max3A : i32 to vector<16xi32>
      %max3A_106 = arith.maxsi %sub3A_104, %max3A_105 : vector<16xi32>
      %gather3A = tpu.vector_load_idx %arg8[%max3A_106] : memref<3136xi32, #tpu.memory_space<vmem>>[vector<16xi32>], vector<16xi32>,
      %ne3A_107 = arith.cmpi ne, %get3A_99, %gather3A : vector<16xi32>
      %add3A_108 = arith.addi %mul3A_2, %mul3A_97 : i32
      %broadcast_in_dim3A_109 = vector.broadcast %add3A_108 : i32 to vector<16xi32>
      %add3A_110 = arith.addi %broadcast_in_dim3A_109, %iota3A : vector<16xi32>
      tpu.vector_store_idx %arg11[%get3A_99], %add3A_110 masked %ne3A_107 : memref<512xi32, #tpu.memory_space<vmem>>[vector<16xi32>], vector<16xi32>, vector<16xi1>
      tpu.vector_store_idx %arg12[%gather3A], %add3A_110 masked %ne3A_107 : memref<512xi32, #tpu.memory_space<vmem>>[vector<16xi32>], vector<16xi32>, vector<16xi1>
      %scan3A_111 = arith.constant 0 : i32
      scf.yield %scan3A_111 : i32
    }
    %scan3A_18 = arith.constant 196 : i32
    %eq3A = arith.constant 0 : i32
    %eq3A_19 = vector.broadcast %eq3A : i32 to vector<16xi32>
    %eq3A_20 = arith.cmpi eq, %iota3A, %eq3A_19 : vector<16xi32>
    %get3A = arith.constant 0 : index
    %get3A_21 = tpu.vector_load %arg8[%get3A] {strides = array<i32>} : memref<3136xi32, #tpu.memory_space<vmem>>, vector<16xi32>,
    %slice3A = vector.extract_strided_slice %get3A_21 {offsets = [0], sizes = [1], strides = [1]} : vector<16xi32> to vector<1xi32>
    %squeeze3A = vector.extract %slice3A[0] : i32 from vector<1xi32>
    %get3A_22 = arith.constant 3120 : index
    %get3A_23 = tpu.vector_load %arg8[%get3A_22] {strides = array<i32>} : memref<3136xi32, #tpu.memory_space<vmem>>, vector<16xi32>,
    %slice3A_24 = vector.extract_strided_slice %get3A_23 {offsets = [15], sizes = [1], strides = [1]} : vector<16xi32> to vector<1xi32>
    %squeeze3A_25 = vector.extract %slice3A_24[0] : i32 from vector<1xi32>
    %broadcast_in_dim3A_26 = vector.broadcast %squeeze3A : i32 to vector<16xi32>
    %broadcast_in_dim3A_27 = vector.broadcast %mul3A_2 : i32 to vector<16xi32>
    tpu.vector_store_idx %arg11[%broadcast_in_dim3A_26], %broadcast_in_dim3A_27 masked %eq3A_20 : memref<512xi32, #tpu.memory_space<vmem>>[vector<16xi32>], vector<16xi32>, vector<16xi1>
    %broadcast_in_dim3A_28 = vector.broadcast %squeeze3A_25 : i32 to vector<16xi32>
    %add3A_29 = arith.constant 3136 : i32
    %add3A_30 = arith.addi %mul3A_2, %add3A_29 : i32
    %broadcast_in_dim3A_31 = vector.broadcast %add3A_30 : i32 to vector<16xi32>
    tpu.vector_store_idx %arg12[%broadcast_in_dim3A_28], %broadcast_in_dim3A_31 masked %eq3A_20 : memref<512xi32, #tpu.memory_space<vmem>>[vector<16xi32>], vector<16xi32>, vector<16xi1>
    %broadcast_in_dim3A_32 = arith.constant -1.000000e+30 : f32
    %broadcast_in_dim3A_33 = vector.broadcast %broadcast_in_dim3A_32 : f32 to vector<16xf32>
    %scan3A_34 = arith.constant 0 : i32
    %scan3A_35 = arith.constant 196 : i32
    %scan3A_36 = arith.addi %scan3A_34, %scan3A_35 : i32
    %scan3A_37 = arith.constant 1 : i32
    %scan3A_38 = scf.for %scan3A_94 = %scan3A_34 to %scan3A_36 step %scan3A_37 iter_args(%scan3A_95 = %broadcast_in_dim3A_33) -> (vector<16xf32>)  : i32 {
      %mul3A_96 = arith.constant 16 : i32
      %mul3A_97 = arith.muli %scan3A_94, %mul3A_96 : i32
      %get3A_98 = arith.index_cast %mul3A_97 : i32 to index
      %get3A_99 = tpu.vector_load %arg7[%get3A_98] {strides = array<i32>} : memref<3136xf32, #tpu.memory_space<vmem>>, vector<16xf32>,
      %max3A = arith.maximumf %scan3A_95, %get3A_99 : vector<16xf32>
      scf.yield %max3A : vector<16xf32>
    }
    %scan3A_39 = arith.constant 196 : i32
    %reduce_max3A = arith.constant true
    %reduce_max3A_40 = vector.broadcast %reduce_max3A : i1 to vector<16xi1>
    %reduce_max3A_41 = tpu.scan <max>, %scan3A_38 masked %reduce_max3A_40 : vector<16xf32>, vector<16xi1> -> vector<16xf32>
    %reduce_max3A_42 = vector.extract %reduce_max3A_41[15] : f32 from vector<16xf32>
    %scan3A_43 = arith.constant 0.000000e+00 : f32
    %scan3A_44 = arith.constant 0 : i32
    %scan3A_45 = arith.constant 196 : i32
    %scan3A_46 = arith.addi %scan3A_44, %scan3A_45 : i32
    %scan3A_47 = arith.constant 1 : i32
    %scan3A_48 = scf.for %scan3A_94 = %scan3A_44 to %scan3A_46 step %scan3A_47 iter_args(%scan3A_95 = %scan3A_43) -> (f32)  : i32 {
      %mul3A_96 = arith.constant 16 : i32
      %mul3A_97 = arith.muli %scan3A_94, %mul3A_96 : i32
      %get3A_98 = arith.index_cast %mul3A_97 : i32 to index
      %get3A_99 = tpu.vector_load %arg7[%get3A_98] {strides = array<i32>} : memref<3136xf32, #tpu.memory_space<vmem>>, vector<16xf32>,
      %sub3A_100 = vector.broadcast %reduce_max3A_42 : f32 to vector<16xf32>
      %sub3A_101 = arith.subf %get3A_99, %sub3A_100 : vector<16xf32>
      %exp3A = math.exp %sub3A_101 : vector<16xf32>
      %swap3A_102 = arith.index_cast %mul3A_97 : i32 to index
      %swap3A_103 = tpu.vector_load %arg9[%swap3A_102] {strides = array<i32>} : memref<3136xf32, #tpu.memory_space<vmem>>, vector<16xf32>,
      tpu.vector_store %arg9[%swap3A_102], %exp3A {strides = array<i32>} : memref<3136xf32, #tpu.memory_space<vmem>>, vector<16xf32>,
      %broadcast_in_dim3A_104 = arith.constant true
      %broadcast_in_dim3A_105 = vector.broadcast %broadcast_in_dim3A_104 : i1 to vector<16xi1>
      %masked_cumsum3A = tpu.scan <sum>, %exp3A masked %broadcast_in_dim3A_105 : vector<16xf32>, vector<16xi1> -> vector<16xf32>
      %add3A_106 = vector.broadcast %scan3A_95 : f32 to vector<16xf32>
      %add3A_107 = arith.addf %masked_cumsum3A, %add3A_106 : vector<16xf32>
      %swap3A_108 = arith.index_cast %mul3A_97 : i32 to index
      %swap3A_109 = tpu.vector_load %arg10[%swap3A_108] {strides = array<i32>} : memref<3136xf32, #tpu.memory_space<vmem>>, vector<16xf32>,
      tpu.vector_store %arg10[%swap3A_108], %add3A_107 {strides = array<i32>} : memref<3136xf32, #tpu.memory_space<vmem>>, vector<16xf32>,
      %reduce_sum3A = arith.constant true
      %reduce_sum3A_110 = vector.broadcast %reduce_sum3A : i1 to vector<16xi1>
      %reduce_sum3A_111 = tpu.scan <sum>, %exp3A masked %reduce_sum3A_110 : vector<16xf32>, vector<16xi1> -> vector<16xf32>
      %reduce_sum3A_112 = vector.extract %reduce_sum3A_111[15] : f32 from vector<16xf32>
      %add3A_113 = arith.addf %scan3A_95, %reduce_sum3A_112 : f32
      scf.yield %add3A_113 : f32
    }
    %scan3A_49 = arith.constant 196 : i32
    %sub3A = arith.subi %squeeze3A_25, %squeeze3A : i32
    %add3A_50 = arith.constant 16 : i32
    %add3A_51 = arith.addi %sub3A, %add3A_50 : i32
    %jit3A = arith.constant 16 : i32
    %div3A = arith.divsi %add3A_51, %jit3A : i32
    %sign3A = arith.constant 0 : i32
    %sign3A_52 = arith.cmpi sgt, %add3A_51, %sign3A : i32
    %sign3A_53 = arith.extui %sign3A_52 : i1 to i32
    %sign3A_54 = arith.constant 0 : i32
    %sign3A_55 = arith.cmpi slt, %add3A_51, %sign3A_54 : i32
    %sign3A_56 = arith.extui %sign3A_55 : i1 to i32
    %sign3A_57 = arith.subi %sign3A_53, %sign3A_56 : i32
    %sign3A_58 = arith.constant 0 : i32
    %sign3A_59 = arith.cmpi sgt, %jit3A, %sign3A_58 : i32
    %sign3A_60 = arith.extui %sign3A_59 : i1 to i32
    %sign3A_61 = arith.constant 0 : i32
    %sign3A_62 = arith.cmpi slt, %jit3A, %sign3A_61 : i32
    %sign3A_63 = arith.extui %sign3A_62 : i1 to i32
    %sign3A_64 = arith.subi %sign3A_60, %sign3A_63 : i32
    %ne3A = arith.cmpi ne, %sign3A_57, %sign3A_64 : i32
    %rem3A = arith.remsi %add3A_51, %jit3A : i32
    %ne3A_65 = arith.constant 0 : i32
    %ne3A_66 = arith.cmpi ne, %rem3A, %ne3A_65 : i32
    %and3A = arith.andi %ne3A, %ne3A_66 : i1
    %sub3A_67 = arith.constant 1 : i32
    %sub3A_68 = arith.subi %div3A, %sub3A_67 : i32
    %select_n3A = arith.select %and3A, %sub3A_68, %div3A : i32
    %while3A = arith.constant 0 : i32
    %while3A_69 = arith.constant 0 : i32
    %while3A_70 = arith.subi %select_n3A, %while3A : i32
    %while3A_71 = arith.addi %while3A, %while3A_70 : i32
    %while3A_72 = arith.constant 1 : i32
    %while3A_73 = arith.divsi %while3A_70, %while3A_72 : i32
    %while3A_74 = arith.muli %while3A_73, %while3A_72 : i32
    %while3A_75 = arith.addi %while3A, %while3A_74 : i32
    %while3A_76 = arith.constant 1 : i32
    %while3A_77 = scf.for %while3A_94 = %while3A to %while3A_75 step %while3A_76 iter_args(%while3A_95 = %while3A_69) -> (i32)  : i32 {
      %mul3A_96 = arith.constant 16 : i32
      %mul3A_97 = arith.muli %while3A_94, %mul3A_96 : i32
      %add3A_98 = arith.addi %squeeze3A, %mul3A_97 : i32
      %broadcast_in_dim3A_99 = vector.broadcast %add3A_98 : i32 to vector<16xi32>
      %add3A_100 = arith.addi %broadcast_in_dim3A_99, %iota3A : vector<16xi32>
      %le3A = vector.broadcast %squeeze3A_25 : i32 to vector<16xi32>
      %le3A_101 = arith.cmpi sle, %add3A_100, %le3A : vector<16xi32>
      %min3A = arith.constant 511 : i32
      %min3A_102 = vector.broadcast %min3A : i32 to vector<16xi32>
      %min3A_103 = arith.minsi %add3A_100, %min3A_102 : vector<16xi32>
      %gather3A = tpu.vector_load_idx %arg11[%min3A_103] : memref<512xi32, #tpu.memory_space<vmem>>[vector<16xi32>], vector<16xi32>,
      %gather3A_104 = tpu.vector_load_idx %arg12[%min3A_103] : memref<512xi32, #tpu.memory_space<vmem>>[vector<16xi32>], vector<16xi32>,
      %add3A_105 = arith.constant 3136 : i32
      %add3A_106 = arith.addi %mul3A_2, %add3A_105 : i32
      %max3A = vector.broadcast %mul3A_2 : i32 to vector<16xi32>
      %max3A_107 = arith.maxsi %max3A, %gather3A : vector<16xi32>
      %min3A_108 = vector.broadcast %add3A_106 : i32 to vector<16xi32>
      %min3A_109 = arith.minsi %min3A_108, %max3A_107 : vector<16xi32>
      %sub3A_110 = vector.broadcast %mul3A_2 : i32 to vector<16xi32>
      %sub3A_111 = arith.subi %min3A_109, %sub3A_110 : vector<16xi32>
      %add3A_112 = arith.constant 3136 : i32
      %add3A_113 = arith.addi %mul3A_2, %add3A_112 : i32
      %max3A_114 = vector.broadcast %mul3A_2 : i32 to vector<16xi32>
      %max3A_115 = arith.maxsi %max3A_114, %gather3A_104 : vector<16xi32>
      %min3A_116 = vector.broadcast %add3A_113 : i32 to vector<16xi32>
      %min3A_117 = arith.minsi %min3A_116, %max3A_115 : vector<16xi32>
      %sub3A_118 = vector.broadcast %mul3A_2 : i32 to vector<16xi32>
      %sub3A_119 = arith.subi %min3A_117, %sub3A_118 : vector<16xi32>
      %gt3A = arith.constant 0 : i32
      %gt3A_120 = vector.broadcast %gt3A : i32 to vector<16xi32>
      %gt3A_121 = arith.cmpi sgt, %sub3A_119, %gt3A_120 : vector<16xi32>
      %sub3A_122 = arith.constant 1 : i32
      %sub3A_123 = vector.broadcast %sub3A_122 : i32 to vector<16xi32>
      %sub3A_124 = arith.subi %sub3A_119, %sub3A_123 : vector<16xi32>
      %max3A_125 = arith.constant 0 : i32
      %max3A_126 = vector.broadcast %max3A_125 : i32 to vector<16xi32>
      %max3A_127 = arith.maxsi %sub3A_124, %max3A_126 : vector<16xi32>
      %gather3A_128 = tpu.vector_load_idx %arg10[%max3A_127] : memref<3136xf32, #tpu.memory_space<vmem>>[vector<16xi32>], vector<16xf32>,
      %jit3A_129 = arith.constant 0.000000e+00 : f32
      %broadcast_in_dim3A_130 = vector.broadcast %jit3A_129 : f32 to vector<16xf32>
      %select_n3A_131 = arith.select %gt3A_121, %gather3A_128, %broadcast_in_dim3A_130 : vector<16xi1>, vector<16xf32>
      %gt3A_132 = arith.constant 0 : i32
      %gt3A_133 = vector.broadcast %gt3A_132 : i32 to vector<16xi32>
      %gt3A_134 = arith.cmpi sgt, %sub3A_111, %gt3A_133 : vector<16xi32>
      %sub3A_135 = arith.constant 1 : i32
      %sub3A_136 = vector.broadcast %sub3A_135 : i32 to vector<16xi32>
      %sub3A_137 = arith.subi %sub3A_111, %sub3A_136 : vector<16xi32>
      %max3A_138 = arith.constant 0 : i32
      %max3A_139 = vector.broadcast %max3A_138 : i32 to vector<16xi32>
      %max3A_140 = arith.maxsi %sub3A_137, %max3A_139 : vector<16xi32>
      %gather3A_141 = tpu.vector_load_idx %arg10[%max3A_140] : memref<3136xf32, #tpu.memory_space<vmem>>[vector<16xi32>], vector<16xf32>,
      %jit3A_142 = arith.constant 0.000000e+00 : f32
      %broadcast_in_dim3A_143 = vector.broadcast %jit3A_142 : f32 to vector<16xf32>
      %select_n3A_144 = arith.select %gt3A_134, %gather3A_141, %broadcast_in_dim3A_143 : vector<16xi1>, vector<16xf32>
      %sub3A_145 = arith.subf %select_n3A_131, %select_n3A_144 : vector<16xf32>
      %jit3A_146 = arith.constant 0.000000e+00 : f32
      %broadcast_in_dim3A_147 = vector.broadcast %jit3A_146 : f32 to vector<16xf32>
      %select_n3A_148 = arith.select %le3A_101, %sub3A_145, %broadcast_in_dim3A_147 : vector<16xi1>, vector<16xf32>
      tpu.vector_store_idx %arg13[%min3A_103], %select_n3A_148 masked %le3A_101 : memref<512xf32, #tpu.memory_space<vmem>>[vector<16xi32>], vector<16xf32>, vector<16xi1>
      %while3A_149 = arith.constant 0 : i32
      scf.yield %while3A_149 : i32
    }
    %while3A_78 = arith.constant 1 : i32
    %while3A_79 = scf.for %while3A_94 = %while3A_75 to %while3A_71 step %while3A_78 iter_args(%while3A_95 = %while3A_77) -> (i32)  : i32 {
      %mul3A_96 = arith.constant 16 : i32
      %mul3A_97 = arith.muli %while3A_94, %mul3A_96 : i32
      %add3A_98 = arith.addi %squeeze3A, %mul3A_97 : i32
      %broadcast_in_dim3A_99 = vector.broadcast %add3A_98 : i32 to vector<16xi32>
      %add3A_100 = arith.addi %broadcast_in_dim3A_99, %iota3A : vector<16xi32>
      %le3A = vector.broadcast %squeeze3A_25 : i32 to vector<16xi32>
      %le3A_101 = arith.cmpi sle, %add3A_100, %le3A : vector<16xi32>
      %min3A = arith.constant 511 : i32
      %min3A_102 = vector.broadcast %min3A : i32 to vector<16xi32>
      %min3A_103 = arith.minsi %add3A_100, %min3A_102 : vector<16xi32>
      %gather3A = tpu.vector_load_idx %arg11[%min3A_103] : memref<512xi32, #tpu.memory_space<vmem>>[vector<16xi32>], vector<16xi32>,
      %gather3A_104 = tpu.vector_load_idx %arg12[%min3A_103] : memref<512xi32, #tpu.memory_space<vmem>>[vector<16xi32>], vector<16xi32>,
      %add3A_105 = arith.constant 3136 : i32
      %add3A_106 = arith.addi %mul3A_2, %add3A_105 : i32
      %max3A = vector.broadcast %mul3A_2 : i32 to vector<16xi32>
      %max3A_107 = arith.maxsi %max3A, %gather3A : vector<16xi32>
      %min3A_108 = vector.broadcast %add3A_106 : i32 to vector<16xi32>
      %min3A_109 = arith.minsi %min3A_108, %max3A_107 : vector<16xi32>
      %sub3A_110 = vector.broadcast %mul3A_2 : i32 to vector<16xi32>
      %sub3A_111 = arith.subi %min3A_109, %sub3A_110 : vector<16xi32>
      %add3A_112 = arith.constant 3136 : i32
      %add3A_113 = arith.addi %mul3A_2, %add3A_112 : i32
      %max3A_114 = vector.broadcast %mul3A_2 : i32 to vector<16xi32>
      %max3A_115 = arith.maxsi %max3A_114, %gather3A_104 : vector<16xi32>
      %min3A_116 = vector.broadcast %add3A_113 : i32 to vector<16xi32>
      %min3A_117 = arith.minsi %min3A_116, %max3A_115 : vector<16xi32>
      %sub3A_118 = vector.broadcast %mul3A_2 : i32 to vector<16xi32>
      %sub3A_119 = arith.subi %min3A_117, %sub3A_118 : vector<16xi32>
      %gt3A = arith.constant 0 : i32
      %gt3A_120 = vector.broadcast %gt3A : i32 to vector<16xi32>
      %gt3A_121 = arith.cmpi sgt, %sub3A_119, %gt3A_120 : vector<16xi32>
      %sub3A_122 = arith.constant 1 : i32
      %sub3A_123 = vector.broadcast %sub3A_122 : i32 to vector<16xi32>
      %sub3A_124 = arith.subi %sub3A_119, %sub3A_123 : vector<16xi32>
      %max3A_125 = arith.constant 0 : i32
      %max3A_126 = vector.broadcast %max3A_125 : i32 to vector<16xi32>
      %max3A_127 = arith.maxsi %sub3A_124, %max3A_126 : vector<16xi32>
      %gather3A_128 = tpu.vector_load_idx %arg10[%max3A_127] : memref<3136xf32, #tpu.memory_space<vmem>>[vector<16xi32>], vector<16xf32>,
      %jit3A_129 = arith.constant 0.000000e+00 : f32
      %broadcast_in_dim3A_130 = vector.broadcast %jit3A_129 : f32 to vector<16xf32>
      %select_n3A_131 = arith.select %gt3A_121, %gather3A_128, %broadcast_in_dim3A_130 : vector<16xi1>, vector<16xf32>
      %gt3A_132 = arith.constant 0 : i32
      %gt3A_133 = vector.broadcast %gt3A_132 : i32 to vector<16xi32>
      %gt3A_134 = arith.cmpi sgt, %sub3A_111, %gt3A_133 : vector<16xi32>
      %sub3A_135 = arith.constant 1 : i32
      %sub3A_136 = vector.broadcast %sub3A_135 : i32 to vector<16xi32>
      %sub3A_137 = arith.subi %sub3A_111, %sub3A_136 : vector<16xi32>
      %max3A_138 = arith.constant 0 : i32
      %max3A_139 = vector.broadcast %max3A_138 : i32 to vector<16xi32>
      %max3A_140 = arith.maxsi %sub3A_137, %max3A_139 : vector<16xi32>
      %gather3A_141 = tpu.vector_load_idx %arg10[%max3A_140] : memref<3136xf32, #tpu.memory_space<vmem>>[vector<16xi32>], vector<16xf32>,
      %jit3A_142 = arith.constant 0.000000e+00 : f32
      %broadcast_in_dim3A_143 = vector.broadcast %jit3A_142 : f32 to vector<16xf32>
      %select_n3A_144 = arith.select %gt3A_134, %gather3A_141, %broadcast_in_dim3A_143 : vector<16xi1>, vector<16xf32>
      %sub3A_145 = arith.subf %select_n3A_131, %select_n3A_144 : vector<16xf32>
      %jit3A_146 = arith.constant 0.000000e+00 : f32
      %broadcast_in_dim3A_147 = vector.broadcast %jit3A_146 : f32 to vector<16xf32>
      %select_n3A_148 = arith.select %le3A_101, %sub3A_145, %broadcast_in_dim3A_147 : vector<16xi1>, vector<16xf32>
      tpu.vector_store_idx %arg13[%min3A_103], %select_n3A_148 masked %le3A_101 : memref<512xf32, #tpu.memory_space<vmem>>[vector<16xi32>], vector<16xf32>, vector<16xi1>
      %while3A_149 = arith.constant 0 : i32
      scf.yield %while3A_149 : i32
    }
    "tpu.region"() ({
      %run_scoped3A = tpu.sem_alloc : memref<!tpu.dma_semaphore, #tpu.memory_space<semaphore_mem>>
      %dma_start3A = tpu.memref_slice %arg4[%mul3A_2] : memref<100352xf32, #tpu.memory_space<hbm>> -> memref<3136xf32, #tpu.memory_space<hbm>>
      %dma_start3A_94 = tpu.memref_slice %arg4[%mul3A_2] : memref<100352xf32, #tpu.memory_space<hbm>> -> memref<3136xf32, #tpu.memory_space<hbm>>
      tpu.enqueue_dma source(%arg9 : memref<3136xf32, #tpu.memory_space<vmem>>) target(%dma_start3A_94 : memref<3136xf32, #tpu.memory_space<hbm>>) target_semaphore(%run_scoped3A : memref<!tpu.dma_semaphore, #tpu.memory_space<semaphore_mem>>)
      %dma_wait3A = tpu.memref_slice %arg4[%mul3A_2] : memref<100352xf32, #tpu.memory_space<hbm>> -> memref<3136xf32, #tpu.memory_space<hbm>>
      %dma_wait3A_95 = tpu.memref_slice %arg4[%mul3A_2] : memref<100352xf32, #tpu.memory_space<hbm>> -> memref<3136xf32, #tpu.memory_space<hbm>>
      tpu.wait_dma2 semaphore(%run_scoped3A : memref<!tpu.dma_semaphore, #tpu.memory_space<semaphore_mem>>) src(%arg9 : memref<3136xf32, #tpu.memory_space<vmem>>) dst(%dma_wait3A_95 : memref<3136xf32, #tpu.memory_space<hbm>>)
      tpu.yield
    }) : () -> ()
    "tpu.region"() ({
      %run_scoped3A = tpu.sem_alloc : memref<!tpu.dma_semaphore, #tpu.memory_space<semaphore_mem>>
      %dma_start3A = arith.constant 0 : i32
      %dma_start3A_94 = tpu.memref_slice %arg5[%add3A, %dma_start3A] : memref<32x512xf32, #tpu.memory_space<hbm>> -> memref<1x512xf32, #tpu.memory_space<hbm>>
      %dma_start3A_95 = tpu.memref_squeeze %dma_start3A_94 : memref<1x512xf32, #tpu.memory_space<hbm>> -> memref<512xf32, #tpu.memory_space<hbm>>
      %dma_start3A_96 = arith.constant 0 : i32
      %dma_start3A_97 = tpu.memref_slice %arg5[%add3A, %dma_start3A_96] : memref<32x512xf32, #tpu.memory_space<hbm>> -> memref<1x512xf32, #tpu.memory_space<hbm>>
      %dma_start3A_98 = tpu.memref_squeeze %dma_start3A_97 : memref<1x512xf32, #tpu.memory_space<hbm>> -> memref<512xf32, #tpu.memory_space<hbm>>
      tpu.enqueue_dma source(%arg13 : memref<512xf32, #tpu.memory_space<vmem>>) target(%dma_start3A_98 : memref<512xf32, #tpu.memory_space<hbm>>) target_semaphore(%run_scoped3A : memref<!tpu.dma_semaphore, #tpu.memory_space<semaphore_mem>>)
      %dma_wait3A = arith.constant 0 : i32
      %dma_wait3A_99 = tpu.memref_slice %arg5[%add3A, %dma_wait3A] : memref<32x512xf32, #tpu.memory_space<hbm>> -> memref<1x512xf32, #tpu.memory_space<hbm>>
      %dma_wait3A_100 = tpu.memref_squeeze %dma_wait3A_99 : memref<1x512xf32, #tpu.memory_space<hbm>> -> memref<512xf32, #tpu.memory_space<hbm>>
      %dma_wait3A_101 = arith.constant 0 : i32
      %dma_wait3A_102 = tpu.memref_slice %arg5[%add3A, %dma_wait3A_101] : memref<32x512xf32, #tpu.memory_space<hbm>> -> memref<1x512xf32, #tpu.memory_space<hbm>>
      %dma_wait3A_103 = tpu.memref_squeeze %dma_wait3A_102 : memref<1x512xf32, #tpu.memory_space<hbm>> -> memref<512xf32, #tpu.memory_space<hbm>>
      tpu.wait_dma2 semaphore(%run_scoped3A : memref<!tpu.dma_semaphore, #tpu.memory_space<semaphore_mem>>) src(%arg13 : memref<512xf32, #tpu.memory_space<vmem>>) dst(%dma_wait3A_103 : memref<512xf32, #tpu.memory_space<hbm>>)
      tpu.yield
    }) : () -> ()
    %eq3A_80 = arith.constant 0 : i32
    %eq3A_81 = vector.broadcast %eq3A_80 : i32 to vector<16xi32>
    %eq3A_82 = arith.cmpi eq, %iota3A, %eq3A_81 : vector<16xi32>
    %broadcast_in_dim3A_83 = vector.broadcast %squeeze3A : i32 to vector<16xi32>
    %eq3A_84 = arith.constant 1 : i32
    %eq3A_85 = vector.broadcast %eq3A_84 : i32 to vector<16xi32>
    %eq3A_86 = arith.cmpi eq, %iota3A, %eq3A_85 : vector<16xi32>
    %broadcast_in_dim3A_87 = vector.broadcast %squeeze3A_25 : i32 to vector<16xi32>
    %select_n3A_88 = arith.select %eq3A_86, %broadcast_in_dim3A_87, %broadcast_in_dim3A_3 : vector<16xi1>, vector<16xi32>
    %select_n3A_89 = arith.select %eq3A_82, %broadcast_in_dim3A_83, %select_n3A_88 : vector<16xi1>, vector<16xi32>
    %broadcast_in_dim3A_90 = vector.broadcast %reduce_max3A_42 : f32 to vector<16xf32>
    %swap3A = arith.constant 0 : index
    %swap3A_91 = tpu.vector_load %arg14[%swap3A] {strides = array<i32>} : memref<32xf32, #tpu.memory_space<vmem>>, vector<16xf32>,
    tpu.vector_store %arg14[%swap3A], %broadcast_in_dim3A_90 {strides = array<i32>} : memref<32xf32, #tpu.memory_space<vmem>>, vector<16xf32>,
    %bitcast3A = vector.bitcast %select_n3A_89 : vector<16xi32> to vector<16xf32>
    %swap3A_92 = arith.constant 16 : index
    %swap3A_93 = tpu.vector_load %arg14[%swap3A_92] {strides = array<i32>} : memref<32xf32, #tpu.memory_space<vmem>>, vector<16xf32>,
    tpu.vector_store %arg14[%swap3A_92], %bitcast3A {strides = array<i32>} : memref<32xf32, #tpu.memory_space<vmem>>, vector<16xf32>,
    "tpu.region"() ({
      %run_scoped3A = tpu.sem_alloc : memref<!tpu.dma_semaphore, #tpu.memory_space<semaphore_mem>>
      %dma_start3A = arith.constant 0 : i32
      %dma_start3A_94 = tpu.memref_slice %arg6[%add3A, %dma_start3A] : memref<32x32xf32, #tpu.memory_space<hbm>> -> memref<1x32xf32, #tpu.memory_space<hbm>>
      %dma_start3A_95 = tpu.memref_squeeze %dma_start3A_94 : memref<1x32xf32, #tpu.memory_space<hbm>> -> memref<32xf32, #tpu.memory_space<hbm>>
      %dma_start3A_96 = arith.constant 0 : i32
      %dma_start3A_97 = tpu.memref_slice %arg6[%add3A, %dma_start3A_96] : memref<32x32xf32, #tpu.memory_space<hbm>> -> memref<1x32xf32, #tpu.memory_space<hbm>>
      %dma_start3A_98 = tpu.memref_squeeze %dma_start3A_97 : memref<1x32xf32, #tpu.memory_space<hbm>> -> memref<32xf32, #tpu.memory_space<hbm>>
      tpu.enqueue_dma source(%arg14 : memref<32xf32, #tpu.memory_space<vmem>>) target(%dma_start3A_98 : memref<32xf32, #tpu.memory_space<hbm>>) target_semaphore(%run_scoped3A : memref<!tpu.dma_semaphore, #tpu.memory_space<semaphore_mem>>)
      %dma_wait3A = arith.constant 0 : i32
      %dma_wait3A_99 = tpu.memref_slice %arg6[%add3A, %dma_wait3A] : memref<32x32xf32, #tpu.memory_space<hbm>> -> memref<1x32xf32, #tpu.memory_space<hbm>>
      %dma_wait3A_100 = tpu.memref_squeeze %dma_wait3A_99 : memref<1x32xf32, #tpu.memory_space<hbm>> -> memref<32xf32, #tpu.memory_space<hbm>>
      %dma_wait3A_101 = arith.constant 0 : i32
      %dma_wait3A_102 = tpu.memref_slice %arg6[%add3A, %dma_wait3A_101] : memref<32x32xf32, #tpu.memory_space<hbm>> -> memref<1x32xf32, #tpu.memory_space<hbm>>
      %dma_wait3A_103 = tpu.memref_squeeze %dma_wait3A_102 : memref<1x32xf32, #tpu.memory_space<hbm>> -> memref<32xf32, #tpu.memory_space<hbm>>
      tpu.wait_dma2 semaphore(%run_scoped3A : memref<!tpu.dma_semaphore, #tpu.memory_space<semaphore_mem>>) src(%arg14 : memref<32xf32, #tpu.memory_space<vmem>>) dst(%dma_wait3A_103 : memref<32xf32, #tpu.memory_space<hbm>>)
      tpu.yield
    }) : () -> ()
    return
  }
}

module attributes {stable_mosaic.version = 14 : i64} {
  func.func @_stage_a_kernel(%arg0: i32, %arg1: memref<4000x128xf32, #tpu.memory_space<vmem>>, %arg2: memref<128x1xf32, #tpu.memory_space<vmem>>, %arg3: memref<1x1xf32, #tpu.memory_space<vmem>>, %arg4: memref<1x1x4000xf32, #tpu.memory_space<vmem>>) attributes {dimension_semantics = [#tpu.dimension_semantics<arbitrary>], iteration_bounds = array<i64: 25>, scalar_prefetch = 0 : i64, scratch_operands = 0 : i64, tpu.core_type = #tpu.core_type<tc>, window_params = [{transform_indices = @transform_0, window_bounds = array<i64: 4000, 128>}, {pipeline_mode = #tpu.pipeline_mode<synchronous>, transform_indices = @transform_1, window_bounds = array<i64: 128, 1>}, {pipeline_mode = #tpu.pipeline_mode<synchronous>, transform_indices = @transform_2, window_bounds = array<i64: 1, 1>}, {transform_indices = @transform_3, window_bounds = array<i64: 1, 1, 4000>}]} {
    %get3A = arith.constant 0 : index
    %get3A_0 = arith.constant 0 : index
    %get3A_1 = vector.load %arg1[%get3A, %get3A_0] : memref<4000x128xf32, #tpu.memory_space<vmem>>, vector<4000x128xf32>
    %get3A_2 = arith.constant 0 : index
    %get3A_3 = arith.constant 0 : index
    %get3A_4 = vector.load %arg2[%get3A_2, %get3A_3] : memref<128x1xf32, #tpu.memory_space<vmem>>, vector<128x1xf32>
    %squeeze3A = vector.shape_cast %get3A_4 : vector<128x1xf32> to vector<128xf32>
    %broadcast_in_dim3A = vector.shape_cast %squeeze3A : vector<128xf32> to vector<1x128xf32>
    %mul3A = vector.broadcast %broadcast_in_dim3A : vector<1x128xf32> to vector<4000x128xf32>
    %mul3A_5 = arith.mulf %get3A_1, %mul3A : vector<4000x128xf32>
    %reduce_sum3A = arith.constant dense<0.000000e+00> : vector<4000xf32>
    %reduce_sum3A_6 = vector.multi_reduction <add>, %mul3A_5, %reduce_sum3A [1] : vector<4000x128xf32> to vector<4000xf32>
    %broadcast_in_dim3A_7 = vector.shape_cast %reduce_sum3A_6 : vector<4000xf32> to vector<4000x1xf32>
    %get3A_8 = arith.constant 0 : index
    %get3A_9 = arith.constant 0 : index
    %get3A_10 = vector.load %arg3[%get3A_8, %get3A_9] : memref<1x1xf32, #tpu.memory_space<vmem>>, vector<1x1xf32>
    %get3A_11 = vector.extract %get3A_10[0, 0] : f32 from vector<1x1xf32>
    %add3A = vector.broadcast %get3A_11 : f32 to vector<4000x1xf32>
    %add3A_12 = arith.addf %broadcast_in_dim3A_7, %add3A : vector<4000x1xf32>
    %reshape3A = vector.shape_cast %add3A_12 : vector<4000x1xf32> to vector<1x1x4000xf32>
    %swap3A = arith.constant 0 : index
    %swap3A_13 = arith.constant 0 : index
    %swap3A_14 = arith.constant 0 : index
    %swap3A_15 = vector.load %arg4[%swap3A, %swap3A_13, %swap3A_14] : memref<1x1x4000xf32, #tpu.memory_space<vmem>>, vector<1x1x4000xf32>
    tpu.vector_store %arg4[%swap3A, %swap3A_13, %swap3A_14], %reshape3A {strides = array<i32>} : memref<1x1x4000xf32, #tpu.memory_space<vmem>>, vector<1x1x4000xf32>,
    return
  }
  func.func @transform_0(%arg0: i32) -> (i32, i32) {
    %c0_i32 = arith.constant 0 : i32
    %c0_i32_0 = arith.constant 0 : i32
    return %arg0, %c0_i32 : i32, i32
  }
  func.func @transform_1(%arg0: i32) -> (i32, i32) {
    %c0_i32 = arith.constant 0 : i32
    %c0_i32_0 = arith.constant 0 : i32
    %c0_i32_1 = arith.constant 0 : i32
    return %c0_i32, %c0_i32_0 : i32, i32
  }
  func.func @transform_2(%arg0: i32) -> (i32, i32) {
    %c0_i32 = arith.constant 0 : i32
    %c0_i32_0 = arith.constant 0 : i32
    %c0_i32_1 = arith.constant 0 : i32
    return %c0_i32, %c0_i32_0 : i32, i32
  }
  func.func @transform_3(%arg0: i32) -> (i32, i32, i32) {
    %c0_i32 = arith.constant 0 : i32
    %c0_i32_0 = arith.constant 0 : i32
    %c0_i32_1 = arith.constant 0 : i32
    return %arg0, %c0_i32, %c0_i32_0 : i32, i32, i32
  }
}

module attributes {stable_mosaic.version = 14 : i64} {
  func.func @_stage_c_kernel(%arg0: i32, %arg1: memref<4000x128xf32, #tpu.memory_space<vmem>>, %arg2: memref<1x1x4000xf32, #tpu.memory_space<vmem>>, %arg3: memref<1x1x4000xi32, #tpu.memory_space<vmem>>, %arg4: memref<512x128xf32, #tpu.memory_space<vmem>>, %arg5: memref<576x128xf32, #tpu.memory_space<vmem>>) attributes {dimension_semantics = [#tpu.dimension_semantics<arbitrary>], iteration_bounds = array<i64: 25>, scalar_prefetch = 0 : i64, scratch_operands = 1 : i64, tpu.core_type = #tpu.core_type<tc>, window_params = [{transform_indices = @transform_0, window_bounds = array<i64: 4000, 128>}, {transform_indices = @transform_1, window_bounds = array<i64: 1, 1, 4000>}, {transform_indices = @transform_2, window_bounds = array<i64: 1, 1, 4000>}, {pipeline_mode = #tpu.pipeline_mode<synchronous>, transform_indices = @transform_3, window_bounds = array<i64: 512, 128>}]} {
    %eq3A = arith.constant 0 : i32
    %eq3A_0 = arith.cmpi eq, %arg0, %eq3A : i32
    %convert_element_type3A = arith.extui %eq3A_0 : i1 to i32
    %cond3A = arith.constant 0 : i32
    %cond3A_1 = arith.cmpi ne, %convert_element_type3A, %cond3A : i32
    scf.if %cond3A_1 {
      %broadcast_in_dim3A = arith.constant 0.000000e+00 : f32
      %broadcast_in_dim3A_77 = vector.broadcast %broadcast_in_dim3A : f32 to vector<576x128xf32>
      %swap3A = arith.constant 0 : index
      %swap3A_78 = arith.constant 0 : index
      %swap3A_79 = vector.load %arg5[%swap3A, %swap3A_78] : memref<576x128xf32, #tpu.memory_space<vmem>>, vector<576x128xf32>
      tpu.vector_store %arg5[%swap3A, %swap3A_78], %broadcast_in_dim3A_77 {strides = array<i32>} : memref<576x128xf32, #tpu.memory_space<vmem>>, vector<576x128xf32>,
    } else {
    }
    %get3A = arith.constant 0 : index
    %get3A_2 = arith.constant 0 : index
    %get3A_3 = arith.constant 0 : index
    %get3A_4 = vector.load %arg3[%get3A, %get3A_2, %get3A_3] : memref<1x1x4000xi32, #tpu.memory_space<vmem>>, vector<1x1x4000xi32>
    %get3A_5 = vector.shape_cast %get3A_4 : vector<1x1x4000xi32> to vector<4000xi32>
    %get3A_6 = arith.constant 0 : index
    %get3A_7 = arith.constant 0 : index
    %get3A_8 = arith.constant 0 : index
    %get3A_9 = vector.load %arg2[%get3A_6, %get3A_7, %get3A_8] : memref<1x1x4000xf32, #tpu.memory_space<vmem>>, vector<1x1x4000xf32>
    %reshape3A = vector.shape_cast %get3A_9 : vector<1x1x4000xf32> to vector<4000x1xf32>
    %get3A_10 = arith.constant 0 : index
    %get3A_11 = arith.constant 0 : index
    %get3A_12 = vector.load %arg1[%get3A_10, %get3A_11] : memref<4000x128xf32, #tpu.memory_space<vmem>>, vector<4000x128xf32>
    %mul3A = vector.broadcast %reshape3A : vector<4000x1xf32> to vector<4000x128xf32>
    %mul3A_13 = arith.mulf %get3A_12, %mul3A : vector<4000x128xf32>
    %convert_element_type3A_14 = arith.truncf %mul3A_13 : vector<4000x128xf32> to vector<4000x128xbf16>
    %slice3A = vector.extract_strided_slice %get3A_5 {offsets = [0], sizes = [1], strides = [1]} : vector<4000xi32> to vector<1xi32>
    %squeeze3A = vector.extract %slice3A[0] : i32 from vector<1xi32>
    %jit3A = arith.constant 8 : i32
    %div3A = arith.divsi %squeeze3A, %jit3A : i32
    %sign3A = arith.constant 0 : i32
    %sign3A_15 = arith.cmpi sgt, %squeeze3A, %sign3A : i32
    %sign3A_16 = arith.extui %sign3A_15 : i1 to i32
    %sign3A_17 = arith.constant 0 : i32
    %sign3A_18 = arith.cmpi slt, %squeeze3A, %sign3A_17 : i32
    %sign3A_19 = arith.extui %sign3A_18 : i1 to i32
    %sign3A_20 = arith.subi %sign3A_16, %sign3A_19 : i32
    %sign3A_21 = arith.constant 0 : i32
    %sign3A_22 = arith.cmpi sgt, %jit3A, %sign3A_21 : i32
    %sign3A_23 = arith.extui %sign3A_22 : i1 to i32
    %sign3A_24 = arith.constant 0 : i32
    %sign3A_25 = arith.cmpi slt, %jit3A, %sign3A_24 : i32
    %sign3A_26 = arith.extui %sign3A_25 : i1 to i32
    %sign3A_27 = arith.subi %sign3A_23, %sign3A_26 : i32
    %ne3A = arith.cmpi ne, %sign3A_20, %sign3A_27 : i32
    %rem3A = arith.remsi %squeeze3A, %jit3A : i32
    %ne3A_28 = arith.constant 0 : i32
    %ne3A_29 = arith.cmpi ne, %rem3A, %ne3A_28 : i32
    %and3A = arith.andi %ne3A, %ne3A_29 : i1
    %sub3A = arith.constant 1 : i32
    %sub3A_30 = arith.subi %div3A, %sub3A : i32
    %select_n3A = arith.select %and3A, %sub3A_30, %div3A : i32
    %mul3A_31 = arith.constant 8 : i32
    %mul3A_32 = arith.muli %select_n3A, %mul3A_31 : i32
    %slice3A_33 = vector.extract_strided_slice %get3A_5 {offsets = [3999], sizes = [1], strides = [1]} : vector<4000xi32> to vector<1xi32>
    %squeeze3A_34 = vector.extract %slice3A_33[0] : i32 from vector<1xi32>
    %sub3A_35 = arith.subi %squeeze3A_34, %mul3A_32 : i32
    %jit3A_36 = arith.constant 64 : i32
    %div3A_37 = arith.divsi %sub3A_35, %jit3A_36 : i32
    %sign3A_38 = arith.constant 0 : i32
    %sign3A_39 = arith.cmpi sgt, %sub3A_35, %sign3A_38 : i32
    %sign3A_40 = arith.extui %sign3A_39 : i1 to i32
    %sign3A_41 = arith.constant 0 : i32
    %sign3A_42 = arith.cmpi slt, %sub3A_35, %sign3A_41 : i32
    %sign3A_43 = arith.extui %sign3A_42 : i1 to i32
    %sign3A_44 = arith.subi %sign3A_40, %sign3A_43 : i32
    %sign3A_45 = arith.constant 0 : i32
    %sign3A_46 = arith.cmpi sgt, %jit3A_36, %sign3A_45 : i32
    %sign3A_47 = arith.extui %sign3A_46 : i1 to i32
    %sign3A_48 = arith.constant 0 : i32
    %sign3A_49 = arith.cmpi slt, %jit3A_36, %sign3A_48 : i32
    %sign3A_50 = arith.extui %sign3A_49 : i1 to i32
    %sign3A_51 = arith.subi %sign3A_47, %sign3A_50 : i32
    %ne3A_52 = arith.cmpi ne, %sign3A_44, %sign3A_51 : i32
    %rem3A_53 = arith.remsi %sub3A_35, %jit3A_36 : i32
    %ne3A_54 = arith.constant 0 : i32
    %ne3A_55 = arith.cmpi ne, %rem3A_53, %ne3A_54 : i32
    %and3A_56 = arith.andi %ne3A_52, %ne3A_55 : i1
    %sub3A_57 = arith.constant 1 : i32
    %sub3A_58 = arith.subi %div3A_37, %sub3A_57 : i32
    %select_n3A_59 = arith.select %and3A_56, %sub3A_58, %div3A_37 : i32
    %add3A = arith.constant 1 : i32
    %add3A_60 = arith.addi %select_n3A_59, %add3A : i32
    %while3A = arith.constant 0 : i32
    %while3A_61 = arith.constant 0 : i32
    %while3A_62 = arith.subi %add3A_60, %while3A : i32
    %while3A_63 = arith.addi %while3A, %while3A_62 : i32
    %while3A_64 = arith.constant 1 : i32
    %while3A_65 = arith.divsi %while3A_62, %while3A_64 : i32
    %while3A_66 = arith.muli %while3A_65, %while3A_64 : i32
    %while3A_67 = arith.addi %while3A, %while3A_66 : i32
    %while3A_68 = arith.constant 1 : i32
    %while3A_69 = scf.for %while3A_77 = %while3A to %while3A_67 step %while3A_68 iter_args(%while3A_78 = %while3A_61) -> (i32)  : i32 {
      %mul3A_79 = arith.constant 64 : i32
      %mul3A_80 = arith.muli %while3A_77, %mul3A_79 : i32
      %add3A_81 = arith.addi %mul3A_32, %mul3A_80 : i32
      %multiple_of3A = tpu.assume_multiple %add3A_81, 8 : i32
      %broadcast_in_dim3A = vector.shape_cast %get3A_5 : vector<4000xi32> to vector<4000x1xi32>
      %sub3A_82 = vector.broadcast %multiple_of3A : i32 to vector<4000x1xi32>
      %sub3A_83 = arith.subi %broadcast_in_dim3A, %sub3A_82 : vector<4000x1xi32>
      %iota3A = tpu.iota {dimensions = array<i32: 1>} : vector<4000x64xi32>
      %eq3A_84 = vector.broadcast %sub3A_83 : vector<4000x1xi32> to vector<4000x64xi32>
      %eq3A_85 = arith.cmpi eq, %eq3A_84, %iota3A : vector<4000x64xi32>
      %convert_element_type3A_86 = arith.extui %eq3A_85 : vector<4000x64xi1> to vector<4000x64xi32>
      %convert_element_type3A_87 = arith.sitofp %convert_element_type3A_86 : vector<4000x64xi32> to vector<4000x64xf32>
      %convert_element_type3A_88 = arith.truncf %convert_element_type3A_87 : vector<4000x64xf32> to vector<4000x64xbf16>
      %dot_general3A = arith.constant dense<0.000000e+00> : vector<64x128xf32>
      %dot_general3A_89 = tpu.matmul %convert_element_type3A_88, %convert_element_type3A_14, %dot_general3A {dimension_numbers = #tpu.dot_dimension_numbers<[0], [0], [1], [1], [0, 1, 1, 1], [], []>, transpose_lhs_hint = false} : vector<4000x64xbf16>, vector<4000x128xbf16>, vector<64x128xf32> -> vector<64x128xf32>
      %get3A_90 = arith.index_cast %multiple_of3A : i32 to index
      %get3A_91 = arith.constant 0 : index
      %get3A_92 = vector.load %arg5[%get3A_90, %get3A_91] : memref<576x128xf32, #tpu.memory_space<vmem>>, vector<64x128xf32>
      %add3A_93 = arith.addf %get3A_92, %dot_general3A_89 : vector<64x128xf32>
      %swap3A = arith.index_cast %multiple_of3A : i32 to index
      %swap3A_94 = arith.constant 0 : index
      %swap3A_95 = vector.load %arg5[%swap3A, %swap3A_94] : memref<576x128xf32, #tpu.memory_space<vmem>>, vector<64x128xf32>
      tpu.vector_store %arg5[%swap3A, %swap3A_94], %add3A_93 {strides = array<i32>} : memref<576x128xf32, #tpu.memory_space<vmem>>, vector<64x128xf32>,
      %while3A_96 = arith.constant 0 : i32
      scf.yield %while3A_96 : i32
    }
    %while3A_70 = arith.constant 1 : i32
    %while3A_71 = scf.for %while3A_77 = %while3A_67 to %while3A_63 step %while3A_70 iter_args(%while3A_78 = %while3A_69) -> (i32)  : i32 {
      %mul3A_79 = arith.constant 64 : i32
      %mul3A_80 = arith.muli %while3A_77, %mul3A_79 : i32
      %add3A_81 = arith.addi %mul3A_32, %mul3A_80 : i32
      %multiple_of3A = tpu.assume_multiple %add3A_81, 8 : i32
      %broadcast_in_dim3A = vector.shape_cast %get3A_5 : vector<4000xi32> to vector<4000x1xi32>
      %sub3A_82 = vector.broadcast %multiple_of3A : i32 to vector<4000x1xi32>
      %sub3A_83 = arith.subi %broadcast_in_dim3A, %sub3A_82 : vector<4000x1xi32>
      %iota3A = tpu.iota {dimensions = array<i32: 1>} : vector<4000x64xi32>
      %eq3A_84 = vector.broadcast %sub3A_83 : vector<4000x1xi32> to vector<4000x64xi32>
      %eq3A_85 = arith.cmpi eq, %eq3A_84, %iota3A : vector<4000x64xi32>
      %convert_element_type3A_86 = arith.extui %eq3A_85 : vector<4000x64xi1> to vector<4000x64xi32>
      %convert_element_type3A_87 = arith.sitofp %convert_element_type3A_86 : vector<4000x64xi32> to vector<4000x64xf32>
      %convert_element_type3A_88 = arith.truncf %convert_element_type3A_87 : vector<4000x64xf32> to vector<4000x64xbf16>
      %dot_general3A = arith.constant dense<0.000000e+00> : vector<64x128xf32>
      %dot_general3A_89 = tpu.matmul %convert_element_type3A_88, %convert_element_type3A_14, %dot_general3A {dimension_numbers = #tpu.dot_dimension_numbers<[0], [0], [1], [1], [0, 1, 1, 1], [], []>, transpose_lhs_hint = false} : vector<4000x64xbf16>, vector<4000x128xbf16>, vector<64x128xf32> -> vector<64x128xf32>
      %get3A_90 = arith.index_cast %multiple_of3A : i32 to index
      %get3A_91 = arith.constant 0 : index
      %get3A_92 = vector.load %arg5[%get3A_90, %get3A_91] : memref<576x128xf32, #tpu.memory_space<vmem>>, vector<64x128xf32>
      %add3A_93 = arith.addf %get3A_92, %dot_general3A_89 : vector<64x128xf32>
      %swap3A = arith.index_cast %multiple_of3A : i32 to index
      %swap3A_94 = arith.constant 0 : index
      %swap3A_95 = vector.load %arg5[%swap3A, %swap3A_94] : memref<576x128xf32, #tpu.memory_space<vmem>>, vector<64x128xf32>
      tpu.vector_store %arg5[%swap3A, %swap3A_94], %add3A_93 {strides = array<i32>} : memref<576x128xf32, #tpu.memory_space<vmem>>, vector<64x128xf32>,
      %while3A_96 = arith.constant 0 : i32
      scf.yield %while3A_96 : i32
    }
    %eq3A_72 = arith.constant 24 : i32
    %eq3A_73 = arith.cmpi eq, %arg0, %eq3A_72 : i32
    %convert_element_type3A_74 = arith.extui %eq3A_73 : i1 to i32
    %cond3A_75 = arith.constant 0 : i32
    %cond3A_76 = arith.cmpi ne, %convert_element_type3A_74, %cond3A_75 : i32
    scf.if %cond3A_76 {
      %get3A_77 = arith.constant 0 : index
      %get3A_78 = arith.constant 0 : index
      %get3A_79 = vector.load %arg5[%get3A_77, %get3A_78] : memref<576x128xf32, #tpu.memory_space<vmem>>, vector<512x128xf32>
      %swap3A = arith.constant 0 : index
      %swap3A_80 = arith.constant 0 : index
      %swap3A_81 = vector.load %arg4[%swap3A, %swap3A_80] : memref<512x128xf32, #tpu.memory_space<vmem>>, vector<512x128xf32>
      tpu.vector_store %arg4[%swap3A, %swap3A_80], %get3A_79 {strides = array<i32>} : memref<512x128xf32, #tpu.memory_space<vmem>>, vector<512x128xf32>,
    } else {
    }
    return
  }
  func.func @transform_0(%arg0: i32) -> (i32, i32) {
    %c0_i32 = arith.constant 0 : i32
    %c0_i32_0 = arith.constant 0 : i32
    return %arg0, %c0_i32 : i32, i32
  }
  func.func @transform_1(%arg0: i32) -> (i32, i32, i32) {
    %c0_i32 = arith.constant 0 : i32
    %c0_i32_0 = arith.constant 0 : i32
    %c0_i32_1 = arith.constant 0 : i32
    return %arg0, %c0_i32, %c0_i32_0 : i32, i32, i32
  }
  func.func @transform_2(%arg0: i32) -> (i32, i32, i32) {
    %c0_i32 = arith.constant 0 : i32
    %c0_i32_0 = arith.constant 0 : i32
    %c0_i32_1 = arith.constant 0 : i32
    return %arg0, %c0_i32, %c0_i32_0 : i32, i32, i32
  }
  func.func @transform_3(%arg0: i32) -> (i32, i32) {
    %c0_i32 = arith.constant 0 : i32
    %c0_i32_0 = arith.constant 0 : i32
    %c0_i32_1 = arith.constant 0 : i32
    return %c0_i32, %c0_i32_0 : i32, i32
  }
}

</mosaic_0001>

<sc_bundles>
// kernel: kernel.6.cloned.1.call-start
scs
__scs_entry_jumppad:
0x0: {  	(pc) =	sbr.rel $0x88, $3  }
0x1: {  	(tag) =	ssettag $0x0;
	lr =	simm.s32 $0x1  }
0x2: {  	[smem:$0x3F9D] =	sst lr;
	_ =	strace $0xD0000000  }
0x3: {  	_ = 	snop  }
0x4: {  	_ = 	snop  }
0x5: {  	_ = 	snop  }
0x6: {  	_ = 	snop  }
0x7: {  	_ = 	snop  }
__scs_overlays_trampoline_lowered:
0x8: {  	[smem:$0x3FAC] =	sst s0  }
0x9: {  	[smem:$0x3FAD] =	sst s1  }
0xa: {  	[smem:$0x3FAE] =	sst s2  }
0xb: {  	[smem:$0x3FAF] =	sst s3  }
0xc: {  	[smem:$0x3FB0] =	sst s4  }
0xd: {  	[smem:$0x3FB1] =	sst s5  }
0xe: {  	[smem:$0x3FB2] =	sst s6  }
0xf: {  	[smem:$0x3FB3] =	sst s7  }
0x10: {  	[smem:$0x3FB4] =	sst s8  }
0x11: {  	[smem:$0x3FB5] =	sst s9;
	s0 =	simm.s32 @!p0 $0x0  }
0x12: {  	s1 =	sld [smem:$0x3F9B];
	s0 =	simm.s32 @p0 $0x1  }
0x13: {  	[smem:$0x3FB6] =	sst s0;
	s0 =	simm.s32 @!p1 $0x0  }
0x14: {  	s2 =	sld [smem:$0x3F9A];
	s0 =	simm.s32 @p1 $0x1  }
0x15: {  	[smem:$0x3FB7] =	sst s0;
	s0 =	simm.s32 @!p2 $0x0  }
0x16: {  	s3 =	sld [smem:$0x3FDB];
	s0 =	simm.s32 @p2 $0x1  }
0x17: {  	s4 =	simm.s32 $0x1BF5;
	[smem:$0x3FB9] =	sst s0  }
0x18: {  	s0 =	sld [smem:$0x3F9C];
	_ =	swait.ge [sflag:s4], $0x0  }
0x19: {  	s7 =	sld [smem:$0x3F9D]  }
0x1a: {  	s8 =	sadd.s32 $0xFFFFE003, lr  }
0x1b: {  	s9 =	sadd.s32 $0xFFFFFEF7, lr;
	s5 =	simm.s32 $0xFFFFFFFF;
	p2 =	slt.u32 s8, $0xFFFFF086  }
0x1c: {  	p1 =	slt.u32 s9, $0xF7A;
	s5 =	simm.s32 @!p2 $0x0  }
0x1d: {  	s5 =	simm.s32 @p1 $0x1;
	p0 =	seq.s32 s7, s2  }
0x1e: {  	s7 =	smul.u32 @!p0 $0xF7A, s2;
	p2 =	seq.s32 @!p0 s5, $0x0  }
0x1f: {  	s9 =	smul.u32 $0xF7A, s1;
	s8 =	simm.s32 @!p0 $0x1BF5;
	p2 =	por !p2, p0  }
0x20: {  	[sflag:s8] =	ssyncset.s32 @!p0 $0xFFFFF086;
	s6 =	sadd.s32 @!p0 s3, s7;
	s7 =	simm.s32 @!p0 $0x108  }
0x21: {  	s3 =	sadd.s32 s3, s9;
	s6 =	sadd.s32 @!p0 $0x88, s6;
	s7 =	simm.s32 @p2 $0x1082  }
0x22: {  	[simem:s7], [sflag:s8] =	dma.local @!p0 [hbm:s6], $0xF7A  }
0x23: {  	s9 =	sor.u32 $0xD0000000, s2;
	s6 =	simm.s32 $0x108;
	_ =	swait.ge @!p0 [sflag:s8], $0x0  }
0x24: {  	s3 =	sadd.s32 $0x88, s3;
	s6 =	simm.s32 @!p1 $0x1082;
	[sflag:s4] =	ssyncset.s32 $0xFFFFF086  }
0x25: {  	[simem:s6], [sflag:s4] =	dma.local [hbm:s3], $0xF7A  }
0x26: {  	[smem:$0x3F9D] =	sst s1;
	(tag) =	ssettag s2;
	_ =	strace s9  }
0x27: {  	s1 =	sld [smem:$0x3FAD]  }
0x28: {  	s2 =	sld [smem:$0x3FAE]  }
0x29: {  	s4 =	sld [smem:$0x3FB0]  }
0x2a: {  	p0 =	seq.s32 s5, $0x0;
	s5 =	sld [smem:$0x3FB1]  }
0x2b: {  	s6 =	sld [smem:$0x3FB2]  }
0x2c: {  	s7 =	sld [smem:$0x3FB3]  }
0x2d: {  	s3 =	simm.s32 $0x108;
	s8 =	sld [smem:$0x3FB4]  }
0x2e: {  	s3 =	simm.s32 @!p0 $0x1082;
	s9 =	sld [smem:$0x3FB5]  }
0x2f: {  	lr =	sadd.s32 s0, s3;
	s0 =	sld [smem:$0x3FAC]  }
0x30: {  	s3 =	sld [smem:$0x3FAF]  }
0x31: {  	[smem:$0x3FB8] =	sst s10  }
0x32: {  	s10 =	sld [smem:$0x3FB6];
	_ =	sdelay $0x3  }
0x33: {  	p0 =	seq.s32 s10, $0x1;
	s10 =	sld [smem:$0x3FB8];
	_ =	sdelay $0x3  }
0x34: {  	[smem:$0x3FB8] =	sst s10  }
0x35: {  	s10 =	sld [smem:$0x3FB7];
	_ =	sdelay $0x3  }
0x36: {  	p1 =	seq.s32 s10, $0x1;
	s10 =	sld [smem:$0x3FB8];
	_ =	sdelay $0x3  }
0x37: {  	[smem:$0x3FB8] =	sst s10  }
0x38: {  	s10 =	sld [smem:$0x3FB9]  }
0x39: {  	_ = 	snop;
	(pc) =	sbr.ind lr, $3  }
0x3a: {  	_ = 	snop  }
0x3b: {  	_ = 	snop  }
0x3c: {  	p2 =	seq.s32 s10, $0x1;
	s10 =	sld [smem:$0x3FB8]  }
0x3d: {  	_ =	shalt  }
0x3e: {  	_ =	shalt  }
0x3f: {  	_ =	shalt  }
0x40: {  	_ =	shalt  }
0x41: {  	_ =	shalt  }
0x42: {  	_ =	shalt  }
0x43: {  	_ =	shalt  }
0x44: {  	_ =	shalt  }
0x45: {  	_ =	shalt  }
0x46: {  	_ =	shalt  }
0x47: {  	_ =	shalt  }
0x48: {  	_ =	shalt  }
0x49: {  	_ =	shalt  }
0x4a: {  	_ =	shalt  }
0x4b: {  	_ =	shalt  }
0x4c: {  	_ =	shalt  }
0x4d: {  	_ =	shalt  }
0x4e: {  	_ =	shalt  }
0x4f: {  	_ =	shalt  }
0x50: {  	_ =	shalt  }
0x51: {  	_ =	shalt  }
0x52: {  	_ =	shalt  }
0x53: {  	_ =	shalt  }
0x54: {  	_ =	shalt  }
0x55: {  	_ =	shalt  }
0x56: {  	_ =	shalt  }
0x57: {  	_ =	shalt  }
0x58: {  	_ =	shalt  }
0x59: {  	_ =	shalt  }
0x5a: {  	_ =	shalt  }
0x5b: {  	_ =	shalt  }
0x5c: {  	_ =	shalt  }
0x5d: {  	_ =	shalt  }
0x5e: {  	_ =	shalt  }
0x5f: {  	_ =	shalt  }
0x60: {  	_ =	shalt  }
0x61: {  	_ =	shalt  }
0x62: {  	_ =	shalt  }
0x63: {  	_ =	shalt  }
0x64: {  	_ =	shalt  }
0x65: {  	_ =	shalt  }
0x66: {  	_ =	shalt  }
0x67: {  	_ =	shalt  }
0x68: {  	_ =	shalt  }
0x69: {  	_ =	shalt  }
0x6a: {  	_ =	shalt  }
0x6b: {  	_ =	shalt  }
0x6c: {  	_ =	shalt  }
0x6d: {  	_ =	shalt  }
0x6e: {  	_ =	shalt  }
0x6f: {  	_ =	shalt  }
0x70: {  	_ =	shalt  }
0x71: {  	_ =	shalt  }
0x72: {  	_ =	shalt  }
0x73: {  	_ =	shalt  }
0x74: {  	_ =	shalt  }
0x75: {  	_ =	shalt  }
0x76: {  	_ =	shalt  }
0x77: {  	_ =	shalt  }
0x78: {  	_ =	shalt  }
0x79: {  	_ =	shalt  }
0x7a: {  	_ =	shalt  }
0x7b: {  	_ =	shalt  }
0x7c: {  	_ =	shalt  }
0x7d: {  	_ =	shalt  }
0x7e: {  	_ =	shalt  }
0x7f: {  	_ =	shalt  }
0x80: {  	_ =	shalt  }
0x81: {  	_ =	shalt  }
0x82: {  	_ =	shalt  }
0x83: {  	_ =	shalt  }
0x84: {  	_ =	shalt  }
0x85: {  	_ =	shalt  }
0x86: {  	_ =	shalt  }
0x87: {  	_ =	shalt  }
.Lfunc_end0:
.L_simem_size_0:
called_computation_lowered:
.L_overlay_start_0:
0x88: {  	s2 =	sld [smem:$0x3FD9]  }
0x89: {  	s3 =	sld [smem:$0x3FFE];
	_ =	sdelay $0x1  }
0x8a: {  	s1 =	srdreg.scid  }
0x8b: {  	s0 =	sand.u32 $0x1, s1  }
0x8c: {  	s14 =	sshll.u32 s0, $0xA;
	s2 =	sadd.s32 s3, s2  }
0x8d: {  	s2 =	sadd.s32 s2, s14  }
0x8e: {  	[smem:$0x3FC4] =	sst s2  }
0x8f: {  	_ = 	snop  }
0x90: {  	s2 =	sld [smem:$0x3FD0];
	_ =	sdelay $0x2  }
0x91: {  	s15 =	simm.s32 $0xA;
	s4 =	simm.s32 $0x10  }
0x92: {  	[smem:s4], [sflag:s15] =	dma.local [hbm:s2], $0x1  }
0x93: {  	_ =	swait.eq [sflag:s15], $0x1  }
0x94: {  	[sflag:s15] =	ssyncset.done $0x0  }
0x95: {  	s16 =	sld [smem:$0x10];
	[sflag:s15] =	ssyncadd.s32 $0xFFFFFFFF  }
0x96: {  	s17 =	sld [smem:$0x11];
	(tm) =	ssettm $0x1  }
0x97: {  	s18 =	sld [smem:$0x3FFB];
	_ =	sdelay $0x3  }
0x98: {  	_ =	strace s18  }
0x99: {  	s4 =	sld [smem:$0x3FFC];
	_ =	sdelay $0x3  }
0x9a: {  	_ =	strace s4  }
0x9b: {  	s4 =	sld [smem:$0x3FFD];
	_ =	sdelay $0x3  }
0x9c: {  	_ =	strace s4  }
0x9d: {  	_ =	strace $0x8FFFFFFF  }
0x9e: {  	s19 =	sld [smem:$0x3FDB];
	_ =	sdelay $0x1  }
0x9f: {  	s5 =	simm.s32 $_scs_section_size  }
0xa0: {  	s6 =	simm.s32 $_size__tile_overlayer_lowered;
	s7 =	simm.s32 $_tile_overlayer_lowered  }
0xa1: {  	s22 =	simm.s32 $0x1BFF;
	s21 =	sshll.u32 s7, $0x1;
	s4 =	sadd.s32 s5, s19  }
0xa2: {  	s8 =	simm.s32 $0x0;
	s20 =	sshll.u32 s6, $0x1;
	s6 =	sadd.s32 s21, s4  }
0xa3: {  	[timem:s8], [sflag:s22] =	dma.local [hbm:s6], s20  }
0xa4: {  	_ =	swait.ge [sflag:s22], s20  }
0xa5: {  	s5 =	ssub.s32 $0x0, s20;
	[sflag:s22] =	ssyncset.done $0x0  }
0xa6: {  	[sflag:s22] =	ssyncadd.s32 s5;
	_ =	sdelay $0x1  }
0xa7: {  	s23 =	simm.s32 $0x1B8B  }
0xa8: {  	_ =	swait.ge [sflag:s23], $0x1  }
0xa9: {  	[sflag:s23] =	ssyncset.done $0x0  }
0xaa: {  	s25 =	simm.s32 $0x1B8E;
	s24 =	sld [smem:$0x3FFE];
	[sflag:s23] =	ssyncadd.s32 $0xFFFFFFFF  }
0xab: {  	s26 =	simm.s32 $execute0_lowered;
	[smem:$0x3FD2] =	sst s25  }
0xac: {  	s6 =	sshll.u32 s26, $0x1;
	_ =	strace $0x80000046;
	[dreg:$0x1] =	wrdreg $0xFFFFFFFF  }
0xad: {  	s28 =	simm.s32 $_size_execute0_lowered;
	s4 =	sadd.s32 s4, s6;
	[dreg:$0x0] =	wrdreg $0x0  }
0xae: {  	s6 =	sshll.u32 s28, $0x1;
	[dreg:$0x2] =	wrdreg s4  }
0xaf: {  	[dreg:$0x3] =	wrdreg s6  }
0xb0: {  	[dreg:$0x4] =	wrdreg $0xC0  }
0xb1: {  	_ =	task [dreg:s8], $0x5FFFF  }
0xb2: {  	[dreg:$0x1] =	wrdreg $0xFFFFFFFF  }
0xb3: {  	[dreg:$0x0] =	wrdreg $0x60  }
0xb4: {  	[dreg:$0x2] =	wrdreg s24  }
0xb5: {  	[dreg:$0x3] =	wrdreg s16  }
0xb6: {  	[dreg:$0x4] =	wrdreg s17  }
0xb7: {  	[dreg:$0x5] =	wrdreg $0x9  }
0xb8: {  	_ =	task.clear_ibuf [dreg:s8], $0x6FFFF;
	_ =	strace $0x90000046  }
0xb9: {  	s29 =	simm.s32 $0x9;
	_ =	strace $0x80000048  }
0xba: {  	_ =	swait.ge [sflag:s29], $0x1  }
0xbb: {  	[sflag:s29] =	ssyncadd.s32 $0xFFFFFFFF  }
0xbc: {  	_ =	strace $0x90000048  }
0xbd: {  	_ =	sfence  }
0xbe: {  	s30 =	sld [smem:$0x0];
	_ =	sdelay $0x2  }
0xbf: {  	s31 =	sshll.u32 s1, $0xD;
	s1 =	sshrl.u32 s1, $0x2  }
0xc0: {  	s3 =	sand.u32 $0x4000, s31;
	s1 =	sadd.s32 s1, s30  }
0xc1: {  	s0 =	sor.u32 s3, s0;
	s1 =	sshll.u32 s1, $0x11  }
0xc2: {  	s0 =	sor.u32 s1, s0  }
0xc3: {  	s0 =	sadd.s32 $0x8F2B, s0  }
0xc4: {  	[sflag:s0] =	ssyncadd.remote.s32 $0x1  }
0xc5: {  	_ =	sfence.sel $0xFFFF  }
0xc6: {  	[dreg:$0x0] =	wrdreg $0xFFFFFFFF;
	(pc) =	sbr.abs _section_cstart, $3  }
0xc7: {  	[dreg:$0x1] =	wrdreg $0xFFFFFFFF  }
0xc8: {  	_ =	task.clear_ibuf [dreg:s8], $0x2FFFF;
	_ =	strace $0x9FFFFFFF  }
0xc9: {  	(tm) =	ssettm $0x7FFFFFFF  }
tec
execute0_lowered:
.L_overlay_start_1:
0x0: {  	(tag) =	ssettag $0x1  }
0x1: {  	s3 =	rddreg [dreg:$0x0]  }
0x2: {  	s0 =	srdreg.scid;
	s7 =	rddreg [dreg:$0x1]  }
0x3: {  	s28 =	stileid.u32;
	s9 =	rddreg [dreg:$0x2];
	s2 =	simm.s32 $0x0  }
0x4: {  	s15 =	simm.s32 $0x3600;
	s19 =	simm.s32 $0x3800;
	s20 =	simm.s32 $0x0  }
0x5: {  	s6 =	sand.u32 $0x1, s0;
	[smem:$0x7FF] =	sst s2;
	s11 =	sshll.u32 s28, $0x7  }
0x6: {  	s31 =	smul.u32 $0xC40, s28;
	s1 =	sshll.u32 s6, $0x4;
	s4 =	ssub.s32 $0x2, s6  }
0x7: {  	_ =	strace $0x80000047;
	s11 =	sand.u32 $0x380, s11;
	s8 =	sor.u32 s28, s1  }
0x8: {  	s10 =	sshrl.u32 s4, $0x1;
	s12 =	smul.u32 $0xC40, s8;
	s8 =	sshrl.u32 s8, $0x3  }
0x9: {  	s29 =	smul.u32 $0xC400, s6;
	s10 =	ssub.s32 s4, s10;
	s14 =	sshll.u32 s8, $0xC  }
0xa: {  	s8 =	sshll.u32 s8, $0xA;
	s5 =	sshrl.u32 s12, $0x3;
	s13 =	sadd.s32 $0xC40, s12  }
0xb: {  	s14 =	sor.u32 s11, s14;
	s8 =	sor.u32 s11, s8;
	s11 =	simm.s32 $0xC80  }
.Ltmp0:
0xc: {  	v0 =	vmov s12;
	s12 =	simm.s32 $0x3200;
	s5 =	sadd.s32 s5, s3;
	(pc) =	sbr.rel .LBB2_1-.Ltmp0, $4  }
0xd: {  	s30 =	sshrl.u32 s14, $0x3;
	s8 =	sshrl.u32 s8, $0x3;
	v1 =	vmov s13;
	s13 =	simm.s32 $0x3400  }
0xe: {  	s14 =	simm.s32 $0x2580;
	s3 =	sadd.s32 $0x3C00, s5;
	s4 =	sadd.s32 $0xA00, s5  }
0xf: {  	v2 =	vimm.s32 $0x0;
	v3 =	vimm.f32 $0.0e+00;
	v4 =	vlaneseq.u32;
	s5 =	sadd.s32 $0x6E00, s5;
	s6 =	sadd.s32 s7, s30;
	s7 =	sadd.s32 s9, s8  }
0x10: {  	vm0 =	vcmask $0x3F08;
	vm1 =	vmmov $0x1;
	v5 =	vadd.s32 $0xFFFFFFFF, v4;
	s8 =	smax.u32 s10, $0x1;
	s9 =	sadd.s32 s31, s29;
	s10 =	simm.s32 $0x1  }
.LBB2_11:
0x11: {  	_ = 	snop  }
.LBB2_16:
0x12: {  	_ = 	snop  }
0x13: {  	v10 =	vnsel vm3, $0x1FF, v11;
	v12 =	vnsel @p0 vm4, $0x0, v12;
	v13 =	vnsel @p0 vm5, $0x0, v13  }
0x14: {  	v12 =	vsub.f32 @p0 v12, v13;
	_ =	sdelay $0x1  }
0x15: {  	v12 =	vnsel @p0 vm2, $0x0, v12  }
0x16: {  	[tilespmem:v9+s15+$0x0] =	vst.idx.msk @p0 vm2, v12  }
0x17: {  	v9 =	vld.idx.msk [tilespmem:v10+s13+$0x0], $0xffff  }
0x18: {  	v12 =	vld.idx.msk [tilespmem:v10+s12+$0x0], $0xffff;
	_ =	sdelay $0x3  }
0x19: {  	vm2 =	vgt.s32 v0, v9  }
0x1a: {  	vm3 =	vgt.s32 v0, v12;
	v9 =	vsel vm2, v0, v9  }
0x1b: {  	v12 =	vsel vm3, v0, v12;
	v9 =	vmin.u32 v1, v9  }
0x1c: {  	v12 =	vmin.u32 v1, v12;
	v63 =	vsub.s32 v9, v0  }
0x1d: {  	v14 =	vsub.s32 v12, v0;
	v13 =	vadd.s32 $0xFFFFFFFF, v63  }
0x1e: {  	v14 =	vadd.s32 $0xFFFFFFFF, v14;
	vm2 =	vgt.s32 v13, $0x0  }
0x1f: {  	v13 =	vnsel vm2, $0x0, v13;
	vm2 =	vgt.s32 v14, $0x0  }
0x20: {  	v14 =	vnsel vm2, $0x0, v14;
	_ =	sdelay $0x3  }
0x21: {  	v13 =	vld.idx.msk [tilespmem:v13+s14+$0x0], $0xffff  }
0x22: {  	v14 =	vld.idx.msk [tilespmem:v14+s14+$0x0], $0xffff;
	_ =	sdelay $0x2  }
0x23: {  	vm2 =	vle.s32 v11, v7  }
0x24: {  	vm3 =	vgt.s32 v9, v0;
	vm15 =	vgt.s32 v12, v0  }
0x25: {  	v9 =	vnsel vm3, $0x0, v13;
	v11 =	vnsel vm15, $0x0, v14  }
0x26: {  	v9 =	vsub.f32 v9, v11;
	_ =	sdelay $0x1  }
0x27: {  	v9 =	vnsel vm2, $0x0, v9  }
0x28: {  	[tilespmem:v10+s15+$0x0] =	vst.idx.msk vm2, v9  }
.LBB2_17:
0x29: {  	s0 =	simm.s32 $0x1900  }
0x2a: {  	[hbm4b:s5+s2] =	stream.linear.scatter [tilespmem:s0], [sflag:$0x1], $0xC40, $0x38;
	[tilespmem:$0x3880] =	vst v63  }
0x2b: {  	_ =	swait.ge [sflag:s10], $0xC40  }
0x2c: {  	[sflag:s10] =	ssyncset.done $0x0  }
0x2d: {  	s31 =	simm.s32 $0x80;
	s1 =	simm.s32 $0x400;
	[sflag:s10] =	ssyncadd.s32 $0xFFFFF3C0  }
0x2e: {  	[hbm4b:s6+s31] =	stream.strided.scatter [tilespmem:s15], [sflag:$0x1], $0x200, s1, s31, $0x38;
	[tilespmem:$0x3880] =	vst v63  }
0x2f: {  	_ =	swait.ge [sflag:s10], $0x200  }
0x30: {  	[sflag:s10] =	ssyncset.done $0x0  }
0x31: {  	v7 =	vsel vm0, $0x0, v7;
	s20 =	sadd.s32 $0x1, s20;
	[sflag:s10] =	ssyncadd.s32 $0xFFFFFE00  }
0x32: {  	v6 =	vsel vm1, v6, v7;
	p0 =	sne.s32 s20, s8;
	[tilespmem:$0x3800] =	vst v8  }
.Ltmp1:
0x33: {  	[tilespmem:$0x3810] =	vst v6;
	(pc) =	sbr.rel @!p0 .LBB2_18-.Ltmp1, $4  }
0x34: {  	[hbm4b:s7+s2] =	stream.linear.scatter [tilespmem:s19], [sflag:$0x1], $0x80, $0x38;
	[tilespmem:$0x3880] =	vst v63  }
0x35: {  	_ =	swait.ge [sflag:s10], $0x80  }
0x36: {  	[sflag:s10] =	ssyncset.done $0x0  }
0x37: {  	[sflag:s10] =	ssyncadd.s32 $0xFFFFFF80  }
.LBB2_1:
0x38: {  	[tilespmem:s2], [sflag:$0x1] =	stream.linear.gather [hbm4b:s3+s2], $0xC40, $0x38;
	[tilespmem:$0x3880] =	vst v63  }
0x39: {  	_ =	swait.ge [sflag:s10], $0xC40  }
0x3a: {  	[sflag:s10] =	ssyncset.done $0x0  }
0x3b: {  	[sflag:s10] =	ssyncadd.s32 $0xFFFFF3C0  }
0x3c: {  	[tilespmem:s11], [sflag:$0x1] =	stream.linear.gather [hbm4b:s4+s2], $0xC40, $0x38;
	[tilespmem:$0x3880] =	vst v63  }
0x3d: {  	_ =	swait.ge [sflag:s10], $0xC40  }
0x3e: {  	[sflag:s10] =	ssyncset.done $0x0  }
0x3f: {  	s21 =	simm.s32 $0x0;
	[sflag:s10] =	ssyncadd.s32 $0xFFFFF3C0  }
.LBB2_2:
0x40: {  	p0 =	sne.s32 s21, $0x7C0  }
.Ltmp2:
0x41: {  	_ = 	snop;
	(pc) =	sbr.rel @p0 .LBB2_2-.Ltmp2, $4  }
0x42: {  	s22 =	sshra.s32 s21, $0x2  }
0x43: {  	[tilespmem:s22+$0x3200] =	vst v2  }
0x44: {  	[tilespmem:s22+$0x3400] =	vst v2  }
0x45: {  	s21 =	sadd.s32 $0x40, s21;
	[tilespmem:s22+$0x3600] =	vst v3  }
0x46: {  	s23 =	simm.s32 $0x0  }
0x47: {  	v6 =	vadd.s32 s23, v5  }
0x48: {  	vm2 =	vgt.s32 v6, $0x0  }
0x49: {  	v6 =	vnsel vm2, $0x0, v6;
	_ =	sdelay $0x2  }
0x4a: {  	s21 =	simm.s32 $0xC80  }
0x4b: {  	v7 =	vld [tilespmem:s21+$0x0]  }
0x4c: {  	v6 =	vld.idx.msk [tilespmem:v6+s11+$0x0], $0xffff;
	_ =	sdelay $0x4  }
0x4d: {  	s22 =	simm.s32 $0x10;
	vm2 =	vne.s32 v7, v6  }
0x4e: {  	v8 =	vadd.s32 s22, v5  }
0x4f: {  	s24 =	simm.s32 $0x20;
	vm3 =	vgt.s32 v8, $0x0  }
.LBB2_4:
0x50: {  	p0 =	sne.s32 s24, $0xC30;
	v8 =	vnsel vm3, $0x0, v8  }
0x51: {  	s25 =	sadd.s32 s23, s9;
	s23 =	smov.u32 s22;
	s22 =	smov.u32 s24  }
0x52: {  	v9 =	vor.u32 s25, v4  }
0x53: {  	[tilespmem:v7+s12+$0x0] =	vst.idx.msk vm2, v9  }
0x54: {  	[tilespmem:v6+s13+$0x0] =	vst.idx.msk vm2, v9  }
0x55: {  	s21 =	sadd.s32 $0x10, s21;
	v6 =	vld.idx.msk [tilespmem:v8+s11+$0x0], $0xffff  }
0x56: {  	v7 =	vld [tilespmem:s21+$0x0];
	_ =	sdelay $0x2  }
.Ltmp3:
0x57: {  	(pc) =	sbr.rel @p0 .LBB2_4-.Ltmp3, $4  }
0x58: {  	_ = 	snop  }
0x59: {  	vm2 =	vne.s32 v7, v6  }
0x5a: {  	v8 =	vadd.s32 s24, v5  }
0x5b: {  	s24 =	sadd.s32 $0x10, s24;
	vm3 =	vgt.s32 v8, $0x0  }
0x5c: {  	_ =	sdelay $0x2  }
0x5d: {  	v8 =	vnsel vm3, $0x0, v8;
	s23 =	sadd.s32 s23, s9  }
0x5e: {  	v9 =	vor.u32 s23, v4  }
0x5f: {  	[tilespmem:v7+s12+$0x0] =	vst.idx.msk vm2, v9  }
0x60: {  	s21 =	sadd.s32 $0x10, s21;
	[tilespmem:v6+s13+$0x0] =	vst.idx.msk vm2, v9  }
0x61: {  	v7 =	vld [tilespmem:s21+$0x0]  }
0x62: {  	v6 =	vld.idx.msk [tilespmem:v8+s11+$0x0], $0xffff;
	_ =	sdelay $0x4  }
0x63: {  	vm2 =	vne.s32 v7, v6;
	_ =	sdelay $0x3  }
0x64: {  	s30 =	sadd.s32 s22, s9  }
0x65: {  	v8 =	vor.u32 s30, v4  }
0x66: {  	[tilespmem:v7+s12+$0x0] =	vst.idx.msk vm2, v8  }
0x67: {  	[tilespmem:v6+s13+$0x0] =	vst.idx.msk vm2, v8  }
0x68: {  	v6 =	vld [tilespmem:$0xC80]  }
0x69: {  	v9 =	vld [tilespmem:$0x18B0];
	_ =	sdelay $0x3  }
0x6a: {  	v8 =	vbroadcast v6, $0x0  }
0x6b: {  	v7 =	vbroadcast v9, $0xF;
	_ =	sdelay $0x4  }
0x6c: {  	[tilespmem:v8+s12+$0x0] =	vst.idx.msk $0x1, v0  }
0x6d: {  	s31 =	simm.s32 $0x0;
	[tilespmem:v7+s13+$0x0] =	vst.idx.msk $0x1, v1  }
0x6e: {  	s21 =	simm.s32 $0x40;
	v8 =	vimm.f32 $-1.000000020e+30;
	v10 =	vld [tilespmem:s31+$0x0]  }
.LBB2_6:
0x6f: {  	p0 =	sne.s32 s21, $0x30C0  }
.Ltmp4:
0x70: {  	_ = 	snop;
	(pc) =	sbr.rel @p0 .LBB2_6-.Ltmp4, $3  }
0x71: {  	_ =	sdelay $0x1  }
0x72: {  	s22 =	sshra.s32 s21, $0x2;
	s21 =	sadd.s32 $0x40, s21;
	v8 =	vmax.f32 v8, v10  }
0x73: {  	v10 =	vld [tilespmem:s22+$0x0]  }
0x74: {  	_ =	sdelay $0x3  }
0x75: {  	v8 =	vmax.f32 v8, v10  }
0x76: {  	(xrf0) =	vmax.scan.msk.f32 $0xffff, v8;
	_ =	sdelay $0x2  }
0x77: {  	s25 =	simm.s32 $0x0  }
0x78: {  	v10 =	vld [tilespmem:s25+$0x0]  }
0x79: {  	s22 =	simm.s32 $0x10  }
0x7a: {  	v11 =	vld [tilespmem:s22+$0x0];
	v8, _, _ =	vpop (xrf0)  }
0x7b: {  	v8 =	vbroadcast v8, $0xF;
	_ =	sdelay $0x1  }
0x7c: {  	v10 =	vsub.f32 v10, v8;
	_ =	sdelay $0x1  }
0x7d: {  	v11 =	vsub.f32 v11, v8;
	v10 =	vmul.f32 $1.442695020e+00, v10;
	_ =	sdelay $0x1  }
0x7e: {  	(erf) = vpow2.f32 v10;
	v10 =	vmul.f32 $1.442695020e+00, v11;
	_ =	sdelay $0x1  }
0x7f: {  	s21 =	simm.s32 $0x20;
	(erf) = vpow2.f32 v10  }
0x80: {  	v10 =	vld [tilespmem:s21+$0x0];
	_ =	sdelay $0x1  }
0x81: {  	s23 =	simm.s32 $0x30  }
0x82: {  	v11 =	vld [tilespmem:s23+$0x0];
	_ =	sdelay $0x1  }
0x83: {  	v10 =	vsub.f32 v10, v8  }
0x84: {  	v12 =	vpop (erf)  }
0x85: {  	v10 =	vmul.f32 $1.442695020e+00, v10;
	(xrf2) =	vadd.scan.msk.f32 $0xffff, v12  }
0x86: {  	v11 =	vsub.f32 v11, v8;
	v13 =	vpop (erf)  }
0x87: {  	s24 =	simm.s32 $0x40;
	[tilespmem:s25+$0x1900] =	vst v12;
	(erf) = vpow2.f32 v10;
	(xrf2) =	vadd.scan.msk.f32 $0xffff, v13  }
0x88: {  	v10 =	vmul.f32 $1.442695020e+00, v11;
	v11 =	vld [tilespmem:s24+$0x0];
	_ =	sdelay $0x4  }
0x89: {  	(erf) = vpow2.f32 v10;
	v11 =	vsub.f32 v11, v8  }
0x8a: {  	s26 =	simm.s32 $0x50;
	[tilespmem:s22+$0x1900] =	vst v13  }
0x8b: {  	v12 =	vld [tilespmem:s26+$0x0];
	v10, _, _ =	vpop (xrf2)  }
0x8c: {  	v13 =	vpop (erf)  }
0x8d: {  	v14 =	vmul.f32 $1.442695020e+00, v11;
	(v2sf) =	vpush v10, $0xF;
	v11, _, _ =	vpop (xrf2)  }
0x8e: {  	(xrf2) =	vadd.scan.msk.f32 $0xffff, v13;
	(v2sf) =	vpush v11, $0xF;
	_ =	sdelay $0x1  }
0x8f: {  	v12 =	vsub.f32 v12, v8;
	(erf) = vpow2.f32 v14;
	_ =	sdelay $0x1  }
0x90: {  	s28 =	simm.s32 $0x60;
	v15 =	vmul.f32 $1.442695020e+00, v12;
	[tilespmem:s21+$0x1900] =	vst v13;
	v13 =	vpop (erf)  }
0x91: {  	v12 =	vld [tilespmem:s28+$0x0];
	(xrf2) =	vadd.scan.msk.f32 $0xffff, v13  }
0x92: {  	(erf) = vpow2.f32 v15;
	_ =	sdelay $0x2  }
0x93: {  	s29 =	simm.f32 $0.0e+00;
	s30 =	simm.s32 $0x1C0;
	[tilespmem:s23+$0x1900] =	vst v13  }
.LBB2_8:
0x94: {  	s31 =	sshra.s32 s30, $0x2;
	p0 =	sne.s32 s30, $0x30C0;
	s30 =	sadd.s32 $0x40, s30;
	v13 =	vsub.f32 v12, v8;
	v14, _, _ =	vpop (xrf2)  }
.Ltmp5:
0x95: {  	v12 =	vld [tilespmem:s31+$0x0];
	v15 =	vpop (erf);
	(v2sf) =	vpush v14, $0xF;
	v16 =	vadd.f32 s29, v10;
	v10 =	vmov v11;
	(pc) =	sbr.rel @p0 .LBB2_8-.Ltmp5, $4  }
0x96: {  	v11 =	vmov v14;
	v13 =	vmul.f32 $1.442695020e+00, v13;
	[tilespmem:s24+$0x1900] =	vst v15;
	(xrf2) =	vadd.scan.msk.f32 $0xffff, v15  }
0x97: {  	[tilespmem:s25+$0x2580] =	vst v16;
	s25 =	smov.u32 s22;
	s22 =	smov.u32 s21;
	s21 =	smov.u32 s23  }
0x98: {  	s23 =	smov.u32 s24;
	s24 =	smov.u32 s26;
	(erf) = vpow2.f32 v13;
	s1 =	spop (v2sf)  }
0x99: {  	s26 =	smov.u32 s28;
	s28 =	smov.u32 s31;
	s29 =	sadd.f32 s1, s29  }
0x9a: {  	v12 =	vsub.f32 v12, v8;
	_ =	sdelay $0x1  }
0x9b: {  	v12 =	vmul.f32 $1.442695020e+00, v12;
	_ =	sdelay $0x1  }
0x9c: {  	(erf) = vpow2.f32 v12;
	_ =	sdelay $0x6  }
0x9d: {  	v63 =	vpop (erf)  }
0x9e: {  	(xrf2) =	vadd.scan.msk.f32 $0xffff, v63;
	v13 =	vpop (erf)  }
0x9f: {  	(xrf2) =	vadd.scan.msk.f32 $0xffff, v13;
	v14 =	vpop (erf)  }
0xa0: {  	(xrf2) =	vadd.scan.msk.f32 $0xffff, v14;
	_ =	sdelay $0x5  }
0xa1: {  	v15, _, _ =	vpop (xrf2)  }
0xa2: {  	(v2sf) =	vpush v15, $0xF;
	v16, _, _ =	vpop (xrf2)  }
0xa3: {  	(v2sf) =	vpush v16, $0xF;
	v17, _, _ =	vpop (xrf2)  }
0xa4: {  	(v2sf) =	vpush v17, $0xF;
	v18, _, _ =	vpop (xrf2)  }
0xa5: {  	(v2sf) =	vpush v18, $0xF;
	v19, _, _ =	vpop (xrf2)  }
0xa6: {  	(v2sf) =	vpush v19, $0xF  }
0xa7: {  	(v2sf) =	vpush v6, $0x0  }
0xa8: {  	(v2sf) =	vpush v9, $0xF;
	_ =	sdelay $0x6  }
0xa9: {  	s1 =	spop (v2sf)  }
0xaa: {  	s30 =	spop (v2sf)  }
0xab: {  	s31 =	spop (v2sf)  }
0xac: {  	s0 =	spop (v2sf)  }
0xad: {  	s16 =	spop (v2sf)  }
0xae: {  	s17 =	spop (v2sf)  }
0xaf: {  	s1 =	sadd.f32 s1, s29;
	s18 =	spop (v2sf)  }
0xb0: {  	v9 =	vadd.f32 s29, v10;
	s29 =	spop (v2sf)  }
0xb1: {  	[tilespmem:s24+$0x1900] =	vst v63;
	s30 =	sadd.f32 s30, s1;
	s18 =	spop (v2sf)  }
0xb2: {  	[tilespmem:s25+$0x2580] =	vst v9;
	v9 =	vadd.f32 s1, v11;
	s25 =	ssub.s32 s18, s29  }
0xb3: {  	s31 =	sadd.f32 s31, s30;
	[tilespmem:s26+$0x1900] =	vst v13;
	s18 =	sadd.s32 $0x10, s25;
	s1 =	sand.u32 $0xF, s25  }
0xb4: {  	[tilespmem:s22+$0x2580] =	vst v9;
	v9 =	vadd.f32 s30, v15;
	p0 =	sne.s32 s1, $0x0;
	s30 =	sshra.s32 s18, $0x1F;
	p1 =	slt.s32 s18, $0x1  }
0xb5: {  	s0 =	sadd.f32 s0, s31;
	s1 =	sshrl.u32 s30, $0x1C;
	p0 =	por !p1, !p0  }
0xb6: {  	v10 =	vadd.f32 s31, v16;
	[tilespmem:s28+$0x1900] =	vst v14;
	s31 =	sadd.s32 s1, s18;
	p0 =	por !p0, !p0;
	s1 =	simm.s32 $0x1  }
0xb7: {  	s16 =	sadd.f32 s16, s0;
	[tilespmem:s21+$0x2580] =	vst v9;
	v9 =	vadd.f32 s0, v17;
	s0 =	sshra.s32 s31, $0x4;
	s1 =	simm.s32 @!p0 $0x0  }
0xb8: {  	s21 =	ssub.s32 s0, s1  }
0xb9: {  	p0 =	slt.s32 s21, $0x1  }
.Ltmp6:
0xba: {  	s17 =	sadd.f32 s17, s16;
	(pc) =	sbr.rel @p0 .LBB2_17-.Ltmp6, $4  }
0xbb: {  	[tilespmem:s23+$0x2580] =	vst v10;
	v10 =	vadd.f32 s16, v18  }
0xbc: {  	[tilespmem:s24+$0x2580] =	vst v9;
	v9 =	vadd.f32 s17, v19  }
0xbd: {  	[tilespmem:s26+$0x2580] =	vst v10  }
0xbe: {  	[tilespmem:s28+$0x2580] =	vst v9  }
0xbf: {  	p1 =	sne.s32 s21, $0x1  }
.Ltmp7:
0xc0: {  	_ = 	snop;
	(pc) =	sbr.rel @!p1 .LBB2_11-.Ltmp7, $3  }
0xc1: {  	_ =	sdelay $0x1  }
0xc2: {  	v11 =	vadd.s32 s29, v4  }
0xc3: {  	s22 =	sadd.s32 $0xFFFFFFFF, s21;
	p0 =	por $0x0, $0x0;
	vm3 =	vlt.s32 v11, $0x1FF  }
0xc4: {  	v9 =	vnsel vm3, $0x1FF, v11;
	_ =	sdelay $0x4  }
0xc5: {  	v10 =	vld.idx.msk [tilespmem:v9+s13+$0x0], $0xffff  }
0xc6: {  	v12 =	vld.idx.msk [tilespmem:v9+s12+$0x0], $0xffff;
	_ =	sdelay $0x3  }
0xc7: {  	vm2 =	vgt.s32 v0, v10  }
0xc8: {  	vm3 =	vgt.s32 v0, v12;
	v10 =	vsel vm2, v0, v10  }
0xc9: {  	v12 =	vsel vm3, v0, v12;
	v14 =	vmin.u32 v1, v10  }
0xca: {  	v15 =	vmin.u32 v1, v12;
	v10 =	vsub.s32 v14, v0  }
0xcb: {  	v12 =	vsub.s32 v15, v0;
	v10 =	vadd.s32 $0xFFFFFFFF, v10  }
0xcc: {  	v12 =	vadd.s32 $0xFFFFFFFF, v12;
	vm2 =	vgt.s32 v10, $0x0  }
0xcd: {  	v10 =	vnsel vm2, $0x0, v10;
	vm2 =	vgt.s32 v12, $0x0  }
0xce: {  	v13 =	vnsel vm2, $0x0, v12;
	_ =	sdelay $0x3  }
0xcf: {  	p1 =	sne.s32 s22, $0x1;
	v12 =	vld.idx.msk [tilespmem:v10+s14+$0x0], $0xffff  }
.Ltmp8:
0xd0: {  	v13 =	vld.idx.msk [tilespmem:v13+s14+$0x0], $0xffff;
	(pc) =	sbr.rel @!p1 .LBB2_13-.Ltmp8, $4  }
0xd1: {  	_ = 	snop  }
0xd2: {  	s21 =	sadd.s32 $0x10, s29  }
0xd3: {  	vm4 =	vgt.s32 v14, v0;
	v10 =	vadd.s32 s21, v4  }
0xd4: {  	s22 =	sadd.s32 $0xFFFFFFFF, s22;
	p0 =	por $0x1, $0x1;
	vm5 =	vgt.s32 v15, v0;
	vm2 =	vle.s32 v11, v7;
	vm3 =	vlt.s32 v10, $0x1FF  }
.LBB2_14:
0xd5: {  	p1 =	sne.s32 s22, $0x1;
	v11 =	vnsel vm3, $0x1FF, v10;
	v12 =	vnsel vm4, $0x0, v12;
	v13 =	vnsel vm5, $0x0, v13  }
0xd6: {  	v12 =	vsub.f32 v12, v13;
	_ =	sdelay $0x1  }
0xd7: {  	v12 =	vnsel vm2, $0x0, v12  }
0xd8: {  	[tilespmem:v9+s15+$0x0] =	vst.idx.msk vm2, v12;
	v9 =	vmov v11  }
0xd9: {  	v12 =	vld.idx.msk [tilespmem:v11+s13+$0x0], $0xffff  }
0xda: {  	v11 =	vld.idx.msk [tilespmem:v11+s12+$0x0], $0xffff;
	_ =	sdelay $0x4  }
0xdb: {  	vm2 =	vgt.s32 v0, v12  }
0xdc: {  	vm3 =	vgt.s32 v0, v11;
	v12 =	vsel vm2, v0, v12  }
0xdd: {  	v11 =	vsel vm3, v0, v11;
	v14 =	vmin.u32 v1, v12  }
0xde: {  	v11 =	vmin.u32 v1, v11;
	v12 =	vsub.s32 v14, v0  }
0xdf: {  	v13 =	vsub.s32 v11, v0;
	v12 =	vadd.s32 $0xFFFFFFFF, v12  }
0xe0: {  	vm2 =	vgt.s32 v12, $0x0;
	v13 =	vadd.s32 $0xFFFFFFFF, v13  }
0xe1: {  	v12 =	vnsel vm2, $0x0, v12;
	vm2 =	vgt.s32 v13, $0x0  }
0xe2: {  	v13 =	vnsel vm2, $0x0, v13;
	_ =	sdelay $0x3  }
0xe3: {  	v12 =	vld.idx.msk [tilespmem:v12+s14+$0x0], $0xffff  }
0xe4: {  	v13 =	vld.idx.msk [tilespmem:v13+s14+$0x0], $0xffff  }
.Ltmp9:
0xe5: {  	(pc) =	sbr.rel @p1 .LBB2_14-.Ltmp9, $4  }
0xe6: {  	_ = 	snop  }
0xe7: {  	s21 =	sadd.s32 $0x10, s21  }
0xe8: {  	vm2 =	vle.s32 v10, v7;
	v10 =	vadd.s32 s21, v4  }
0xe9: {  	s22 =	sadd.s32 $0xFFFFFFFF, s22;
	vm4 =	vgt.s32 v14, v0;
	vm5 =	vgt.s32 v11, v0;
	vm3 =	vlt.s32 v10, $0x1FF  }
.Ltmp10:
0xea: {  	(pc) =	sbr.rel .LBB2_16-.Ltmp10, $2  }
0xeb: {  	_ =	sdelay $0x2  }
0xec: {  	v11 =	vmov v10  }
.LBB2_13:
.Ltmp11:
0xed: {  	(pc) =	sbr.rel .LBB2_16-.Ltmp11, $2  }
0xee: {  	_ =	sdelay $0x2  }
0xef: {  	v11 =	vmov v10  }
.LBB2_18:
0xf0: {  	_ =	sfence.sel $0x180000  }
0xf1: {  	[bflag:$0x0] =	sbarrier.arrive $0xFFFF  }
0xf2: {  	_ =	strace $0x90000047  }
0xf3: {  	s0 =	stileid.u32;
	[bflag:$0x2] =	sbarrier.arrive $0xFFFF  }
0xf4: {  	p0 =	sne.s32 s0, $0x0;
	s0 =	rddreg [dreg:$0x3]  }
0xf5: {  	s0 =	sadd.s32 @!p0 $0x100000, s0  }
0xf6: {  	[sflag:s0] =	ssyncadd.tile.s32 @!p0 $0x1;
	_ =	shalt  }
.Lfunc_end2:
_tile_overlayer_lowered:
.L_overlay_start_2:
0xf7: {  	(tag) =	ssettag $0x2  }
0xf8: {  	s0 =	rddreg [dreg:$0x0];
	s2 =	stileid.u32  }
0xf9: {  	s1 =	rddreg [dreg:$0x1];
	p0 =	sne.s32 s2, $0x0  }
0xfa: {  	s3 =	rddreg [dreg:$0x2];
	[bflag:$0x3] =	sbarrier.arrive $0xFFFF;
	s2 =	simm.s32 @!p0 $0x1C01  }
0xfb: {  	[timem:s3], [sflag:s2] =	dma.local @!p0 [hbm:s0], s1  }
0xfc: {  	s0 =	simm.s32 @!p0 $0x1  }
0xfd: {  	_ =	swait.ge @!p0 [sflag:s0], s1  }
0xfe: {  	s1 =	ssub.s32 @!p0 $0x0, s1;
	[sflag:s0] =	ssyncset.done @!p0 $0x0  }
0xff: {  	[sflag:s0] =	ssyncadd.s32 @!p0 s1  }
0x100: {  	[bflag:$0x3] =	sbarrier.arrive $0xFFFF  }
0x101: {  	_ =	shalt  }

// kernel: kernel.9.cloned.1.call-start
scs
__scs_entry_jumppad:
0x0: {  	(pc) =	sbr.rel $0x88, $3  }
0x1: {  	(tag) =	ssettag $0x0;
	lr =	simm.s32 $0x1  }
0x2: {  	[smem:$0x3F9D] =	sst lr;
	_ =	strace $0xD0000000  }
0x3: {  	_ = 	snop  }
0x4: {  	_ = 	snop  }
0x5: {  	_ = 	snop  }
0x6: {  	_ = 	snop  }
0x7: {  	_ = 	snop  }
__scs_overlays_trampoline_lowered:
0x8: {  	[smem:$0x3FAC] =	sst s0  }
0x9: {  	[smem:$0x3FAD] =	sst s1  }
0xa: {  	[smem:$0x3FAE] =	sst s2  }
0xb: {  	[smem:$0x3FAF] =	sst s3  }
0xc: {  	[smem:$0x3FB0] =	sst s4  }
0xd: {  	[smem:$0x3FB1] =	sst s5  }
0xe: {  	[smem:$0x3FB2] =	sst s6  }
0xf: {  	[smem:$0x3FB3] =	sst s7  }
0x10: {  	[smem:$0x3FB4] =	sst s8  }
0x11: {  	[smem:$0x3FB5] =	sst s9;
	s0 =	simm.s32 @!p0 $0x0  }
0x12: {  	s1 =	sld [smem:$0x3F9B];
	s0 =	simm.s32 @p0 $0x1  }
0x13: {  	[smem:$0x3FB6] =	sst s0;
	s0 =	simm.s32 @!p1 $0x0  }
0x14: {  	s2 =	sld [smem:$0x3F9A];
	s0 =	simm.s32 @p1 $0x1  }
0x15: {  	[smem:$0x3FB7] =	sst s0;
	s0 =	simm.s32 @!p2 $0x0  }
0x16: {  	s3 =	sld [smem:$0x3FDB];
	s0 =	simm.s32 @p2 $0x1  }
0x17: {  	s4 =	simm.s32 $0x1BF5;
	[smem:$0x3FB9] =	sst s0  }
0x18: {  	s0 =	sld [smem:$0x3F9C];
	_ =	swait.ge [sflag:s4], $0x0  }
0x19: {  	s7 =	sld [smem:$0x3F9D]  }
0x1a: {  	s8 =	sadd.s32 $0xFFFFE003, lr  }
0x1b: {  	s9 =	sadd.s32 $0xFFFFFEF7, lr;
	s5 =	simm.s32 $0xFFFFFFFF;
	p2 =	slt.u32 s8, $0xFFFFF086  }
0x1c: {  	p1 =	slt.u32 s9, $0xF7A;
	s5 =	simm.s32 @!p2 $0x0  }
0x1d: {  	s5 =	simm.s32 @p1 $0x1;
	p0 =	seq.s32 s7, s2  }
0x1e: {  	s7 =	smul.u32 @!p0 $0xF7A, s2;
	p2 =	seq.s32 @!p0 s5, $0x0  }
0x1f: {  	s9 =	smul.u32 $0xF7A, s1;
	s8 =	simm.s32 @!p0 $0x1BF5;
	p2 =	por !p2, p0  }
0x20: {  	[sflag:s8] =	ssyncset.s32 @!p0 $0xFFFFF086;
	s6 =	sadd.s32 @!p0 s3, s7;
	s7 =	simm.s32 @!p0 $0x108  }
0x21: {  	s3 =	sadd.s32 s3, s9;
	s6 =	sadd.s32 @!p0 $0x88, s6;
	s7 =	simm.s32 @p2 $0x1082  }
0x22: {  	[simem:s7], [sflag:s8] =	dma.local @!p0 [hbm:s6], $0xF7A  }
0x23: {  	s9 =	sor.u32 $0xD0000000, s2;
	s6 =	simm.s32 $0x108;
	_ =	swait.ge @!p0 [sflag:s8], $0x0  }
0x24: {  	s3 =	sadd.s32 $0x88, s3;
	s6 =	simm.s32 @!p1 $0x1082;
	[sflag:s4] =	ssyncset.s32 $0xFFFFF086  }
0x25: {  	[simem:s6], [sflag:s4] =	dma.local [hbm:s3], $0xF7A  }
0x26: {  	[smem:$0x3F9D] =	sst s1;
	(tag) =	ssettag s2;
	_ =	strace s9  }
0x27: {  	s1 =	sld [smem:$0x3FAD]  }
0x28: {  	s2 =	sld [smem:$0x3FAE]  }
0x29: {  	s4 =	sld [smem:$0x3FB0]  }
0x2a: {  	p0 =	seq.s32 s5, $0x0;
	s5 =	sld [smem:$0x3FB1]  }
0x2b: {  	s6 =	sld [smem:$0x3FB2]  }
0x2c: {  	s7 =	sld [smem:$0x3FB3]  }
0x2d: {  	s3 =	simm.s32 $0x108;
	s8 =	sld [smem:$0x3FB4]  }
0x2e: {  	s3 =	simm.s32 @!p0 $0x1082;
	s9 =	sld [smem:$0x3FB5]  }
0x2f: {  	lr =	sadd.s32 s0, s3;
	s0 =	sld [smem:$0x3FAC]  }
0x30: {  	s3 =	sld [smem:$0x3FAF]  }
0x31: {  	[smem:$0x3FB8] =	sst s10  }
0x32: {  	s10 =	sld [smem:$0x3FB6];
	_ =	sdelay $0x3  }
0x33: {  	p0 =	seq.s32 s10, $0x1;
	s10 =	sld [smem:$0x3FB8];
	_ =	sdelay $0x3  }
0x34: {  	[smem:$0x3FB8] =	sst s10  }
0x35: {  	s10 =	sld [smem:$0x3FB7];
	_ =	sdelay $0x3  }
0x36: {  	p1 =	seq.s32 s10, $0x1;
	s10 =	sld [smem:$0x3FB8];
	_ =	sdelay $0x3  }
0x37: {  	[smem:$0x3FB8] =	sst s10  }
0x38: {  	s10 =	sld [smem:$0x3FB9]  }
0x39: {  	_ = 	snop;
	(pc) =	sbr.ind lr, $3  }
0x3a: {  	_ = 	snop  }
0x3b: {  	_ = 	snop  }
0x3c: {  	p2 =	seq.s32 s10, $0x1;
	s10 =	sld [smem:$0x3FB8]  }
0x3d: {  	_ =	shalt  }
0x3e: {  	_ =	shalt  }
0x3f: {  	_ =	shalt  }
0x40: {  	_ =	shalt  }
0x41: {  	_ =	shalt  }
0x42: {  	_ =	shalt  }
0x43: {  	_ =	shalt  }
0x44: {  	_ =	shalt  }
0x45: {  	_ =	shalt  }
0x46: {  	_ =	shalt  }
0x47: {  	_ =	shalt  }
0x48: {  	_ =	shalt  }
0x49: {  	_ =	shalt  }
0x4a: {  	_ =	shalt  }
0x4b: {  	_ =	shalt  }
0x4c: {  	_ =	shalt  }
0x4d: {  	_ =	shalt  }
0x4e: {  	_ =	shalt  }
0x4f: {  	_ =	shalt  }
0x50: {  	_ =	shalt  }
0x51: {  	_ =	shalt  }
0x52: {  	_ =	shalt  }
0x53: {  	_ =	shalt  }
0x54: {  	_ =	shalt  }
0x55: {  	_ =	shalt  }
0x56: {  	_ =	shalt  }
0x57: {  	_ =	shalt  }
0x58: {  	_ =	shalt  }
0x59: {  	_ =	shalt  }
0x5a: {  	_ =	shalt  }
0x5b: {  	_ =	shalt  }
0x5c: {  	_ =	shalt  }
0x5d: {  	_ =	shalt  }
0x5e: {  	_ =	shalt  }
0x5f: {  	_ =	shalt  }
0x60: {  	_ =	shalt  }
0x61: {  	_ =	shalt  }
0x62: {  	_ =	shalt  }
0x63: {  	_ =	shalt  }
0x64: {  	_ =	shalt  }
0x65: {  	_ =	shalt  }
0x66: {  	_ =	shalt  }
0x67: {  	_ =	shalt  }
0x68: {  	_ =	shalt  }
0x69: {  	_ =	shalt  }
0x6a: {  	_ =	shalt  }
0x6b: {  	_ =	shalt  }
0x6c: {  	_ =	shalt  }
0x6d: {  	_ =	shalt  }
0x6e: {  	_ =	shalt  }
0x6f: {  	_ =	shalt  }
0x70: {  	_ =	shalt  }
0x71: {  	_ =	shalt  }
0x72: {  	_ =	shalt  }
0x73: {  	_ =	shalt  }
0x74: {  	_ =	shalt  }
0x75: {  	_ =	shalt  }
0x76: {  	_ =	shalt  }
0x77: {  	_ =	shalt  }
0x78: {  	_ =	shalt  }
0x79: {  	_ =	shalt  }
0x7a: {  	_ =	shalt  }
0x7b: {  	_ =	shalt  }
0x7c: {  	_ =	shalt  }
0x7d: {  	_ =	shalt  }
0x7e: {  	_ =	shalt  }
0x7f: {  	_ =	shalt  }
0x80: {  	_ =	shalt  }
0x81: {  	_ =	shalt  }
0x82: {  	_ =	shalt  }
0x83: {  	_ =	shalt  }
0x84: {  	_ =	shalt  }
0x85: {  	_ =	shalt  }
0x86: {  	_ =	shalt  }
0x87: {  	_ =	shalt  }
.Lfunc_end0:
.L_simem_size_0:
called_computation.1_lowered:
.L_overlay_start_0:
0x88: {  	s2 =	sld [smem:$0x3FD9]  }
0x89: {  	s3 =	sld [smem:$0x3FFE];
	_ =	sdelay $0x1  }
0x8a: {  	s1 =	srdreg.scid  }
0x8b: {  	s0 =	sand.u32 $0x1, s1  }
0x8c: {  	s14 =	sshll.u32 s0, $0xA;
	s2 =	sadd.s32 s3, s2  }
0x8d: {  	s2 =	sadd.s32 s2, s14  }
0x8e: {  	[smem:$0x3FC4] =	sst s2  }
0x8f: {  	_ = 	snop  }
0x90: {  	s2 =	sld [smem:$0x3FD0];
	_ =	sdelay $0x2  }
0x91: {  	s15 =	simm.s32 $0xA;
	s4 =	simm.s32 $0x10  }
0x92: {  	[smem:s4], [sflag:s15] =	dma.local [hbm:s2], $0x1  }
0x93: {  	_ =	swait.eq [sflag:s15], $0x1  }
0x94: {  	[sflag:s15] =	ssyncset.done $0x0  }
0x95: {  	s16 =	sld [smem:$0x10];
	[sflag:s15] =	ssyncadd.s32 $0xFFFFFFFF  }
0x96: {  	s17 =	sld [smem:$0x11];
	(tm) =	ssettm $0x1  }
0x97: {  	s18 =	sld [smem:$0x3FFB];
	_ =	sdelay $0x3  }
0x98: {  	_ =	strace s18  }
0x99: {  	s4 =	sld [smem:$0x3FFC];
	_ =	sdelay $0x3  }
0x9a: {  	_ =	strace s4  }
0x9b: {  	s4 =	sld [smem:$0x3FFD];
	_ =	sdelay $0x3  }
0x9c: {  	_ =	strace s4  }
0x9d: {  	_ =	strace $0x8FFFFFFF  }
0x9e: {  	s19 =	sld [smem:$0x3FDB];
	_ =	sdelay $0x1  }
0x9f: {  	s5 =	simm.s32 $_scs_section_size  }
0xa0: {  	s6 =	simm.s32 $_size__tile_overlayer_lowered;
	s7 =	simm.s32 $_tile_overlayer_lowered  }
0xa1: {  	s22 =	simm.s32 $0x1BFF;
	s21 =	sshll.u32 s7, $0x1;
	s4 =	sadd.s32 s5, s19  }
0xa2: {  	s8 =	simm.s32 $0x0;
	s20 =	sshll.u32 s6, $0x1;
	s6 =	sadd.s32 s21, s4  }
0xa3: {  	[timem:s8], [sflag:s22] =	dma.local [hbm:s6], s20  }
0xa4: {  	_ =	swait.ge [sflag:s22], s20  }
0xa5: {  	s5 =	ssub.s32 $0x0, s20;
	[sflag:s22] =	ssyncset.done $0x0  }
0xa6: {  	[sflag:s22] =	ssyncadd.s32 s5;
	_ =	sdelay $0x1  }
0xa7: {  	s23 =	simm.s32 $0x1B8B  }
0xa8: {  	_ =	swait.ge [sflag:s23], $0x1  }
0xa9: {  	[sflag:s23] =	ssyncset.done $0x0  }
0xaa: {  	s25 =	simm.s32 $0x1B8E;
	s24 =	sld [smem:$0x3FFE];
	[sflag:s23] =	ssyncadd.s32 $0xFFFFFFFF  }
0xab: {  	s26 =	simm.s32 $execute0_lowered;
	[smem:$0x3FD2] =	sst s25  }
0xac: {  	s6 =	sshll.u32 s26, $0x1;
	_ =	strace $0x80000049;
	[dreg:$0x1] =	wrdreg $0xFFFFFFFF  }
0xad: {  	s28 =	simm.s32 $_size_execute0_lowered;
	s4 =	sadd.s32 s4, s6;
	[dreg:$0x0] =	wrdreg $0x0  }
0xae: {  	s6 =	sshll.u32 s28, $0x1;
	[dreg:$0x2] =	wrdreg s4  }
0xaf: {  	[dreg:$0x3] =	wrdreg s6  }
0xb0: {  	[dreg:$0x4] =	wrdreg $0xC0  }
0xb1: {  	_ =	task [dreg:s8], $0x5FFFF  }
0xb2: {  	[dreg:$0x1] =	wrdreg $0xFFFFFFFF  }
0xb3: {  	[dreg:$0x0] =	wrdreg $0x60  }
0xb4: {  	[dreg:$0x2] =	wrdreg s24  }
0xb5: {  	[dreg:$0x3] =	wrdreg s16  }
0xb6: {  	[dreg:$0x4] =	wrdreg s17  }
0xb7: {  	[dreg:$0x5] =	wrdreg $0x9  }
0xb8: {  	_ =	task.clear_ibuf [dreg:s8], $0x6FFFF;
	_ =	strace $0x90000049  }
0xb9: {  	s29 =	simm.s32 $0x9;
	_ =	strace $0x8000004B  }
0xba: {  	_ =	swait.ge [sflag:s29], $0x1  }
0xbb: {  	[sflag:s29] =	ssyncadd.s32 $0xFFFFFFFF  }
0xbc: {  	_ =	strace $0x9000004B  }
0xbd: {  	_ =	sfence  }
0xbe: {  	s30 =	sld [smem:$0x0];
	_ =	sdelay $0x2  }
0xbf: {  	s31 =	sshll.u32 s1, $0xD;
	s1 =	sshrl.u32 s1, $0x2  }
0xc0: {  	s3 =	sand.u32 $0x4000, s31;
	s1 =	sadd.s32 s1, s30  }
0xc1: {  	s0 =	sor.u32 s3, s0;
	s1 =	sshll.u32 s1, $0x11  }
0xc2: {  	s0 =	sor.u32 s1, s0  }
0xc3: {  	s0 =	sadd.s32 $0x8F2B, s0  }
0xc4: {  	[sflag:s0] =	ssyncadd.remote.s32 $0x1  }
0xc5: {  	_ =	sfence.sel $0xFFFF  }
0xc6: {  	[dreg:$0x0] =	wrdreg $0xFFFFFFFF;
	(pc) =	sbr.abs _section_cstart, $3  }
0xc7: {  	[dreg:$0x1] =	wrdreg $0xFFFFFFFF  }
0xc8: {  	_ =	task.clear_ibuf [dreg:s8], $0x2FFFF;
	_ =	strace $0x9FFFFFFF  }
0xc9: {  	(tm) =	ssettm $0x7FFFFFFF  }
tec
execute0_lowered:
.L_overlay_start_1:
0x0: {  	(tag) =	ssettag $0x1  }
0x1: {  	s6 =	rddreg [dreg:$0x0]  }
0x2: {  	s0 =	srdreg.scid;
	s2 =	rddreg [dreg:$0x1]  }
0x3: {  	s3 =	rddreg [dreg:$0x2];
	s4 =	simm.s32 $0x0;
	s10 =	simm.s32 $0xC80  }
0x4: {  	s11 =	simm.s32 $0x2580;
	s12 =	simm.s32 $0x6780;
	s5 =	sand.u32 $0x1, s0  }
0x5: {  	s14 =	simm.s32 $0x6580;
	s0 =	stileid.u32;
	s1 =	sshll.u32 s5, $0x4  }
0x6: {  	s15 =	simm.s32 $0x1900;
	s16 =	simm.s32 $0x0;
	s7 =	sor.u32 s0, s1  }
0x7: {  	[smem:$0x7FF] =	sst s4;
	s5 =	ssub.s32 $0x2, s5;
	s8 =	smul.u32 $0x188, s7  }
0x8: {  	s1 =	rddreg [dreg:$0x3];
	s31 =	sshrl.u32 s5, $0x1;
	_ =	strace $0x8000004A  }
0x9: {  	s9 =	ssub.s32 s5, s31;
	s13 =	sshll.u32 s7, $0x9;
	s8 =	sadd.s32 s8, s6  }
0xa: {  	s13 =	sshrl.u32 s13, $0x2;
	s5 =	sadd.s32 $0xA00, s8;
	s6 =	sadd.s32 $0x6E00, s8  }
0xb: {  	v13 =	vlaneseq.u32;
	s7 =	sadd.s32 $0x3C00, s8;
	s8 =	smax.u32 s9, $0x1;
	s9 =	simm.s32 $0x1  }
.LBB2_1:
0xc: {  	[tilespmem:s4], [sflag:$0x1] =	stream.linear.gather [hbm4b:s5+s4], $0xC40, $0x38;
	[tilespmem:$0x7780] =	vst v63  }
0xd: {  	_ =	swait.ge [sflag:s9], $0xC40  }
0xe: {  	[sflag:s9] =	ssyncset.done $0x0  }
0xf: {  	[sflag:s9] =	ssyncadd.s32 $0xFFFFF3C0  }
0x10: {  	[tilespmem:s10], [sflag:$0x1] =	stream.linear.gather [hbm4b:s6+s4], $0xC40, $0x38;
	[tilespmem:$0x7780] =	vst v63  }
0x11: {  	_ =	swait.ge [sflag:s9], $0xC40  }
0x12: {  	[sflag:s9] =	ssyncset.done $0x0  }
0x13: {  	[sflag:s9] =	ssyncadd.s32 $0xFFFFF3C0  }
0x14: {  	[tilespmem:s11], [sflag:$0x1] =	stream.linear.gather [hbm4b:s2+s4], $0x4000, $0x38;
	[tilespmem:$0x7780] =	vst v63  }
0x15: {  	_ =	swait.ge [sflag:s9], $0x4000  }
0x16: {  	[sflag:s9] =	ssyncset.done $0x0  }
0x17: {  	[sflag:s9] =	ssyncadd.s32 $0xFFFFC000  }
0x18: {  	[tilespmem:s12], [sflag:$0x1] =	stream.linear.gather [hbm4b:s3+s4], $0x1000, $0x38;
	[tilespmem:$0x7780] =	vst v63  }
0x19: {  	_ =	swait.ge [sflag:s9], $0x1000  }
0x1a: {  	[sflag:s9] =	ssyncset.done $0x0  }
0x1b: {  	[sflag:s9] =	ssyncadd.s32 $0xFFFFF000  }
0x1c: {  	v2 =	vld [tilespmem:$0x6890]  }
0x1d: {  	v4 =	vld [tilespmem:$0x6990]  }
0x1e: {  	v5 =	vld [tilespmem:$0x6A10]  }
0x1f: {  	v6 =	vld [tilespmem:$0x6A90]  }
0x20: {  	v36 =	vld.msk [tilespmem:$0x6780 ss:$0x0], $0xffff  }
0x21: {  	v11 =	vld.msk [tilespmem:$0x6800 ss:$0x0], $0xffff;
	_ =	sdelay $0x2  }
0x22: {  	v41 =	vbroadcast v2, $0x0;
	v40 =	vbroadcast v2, $0x1  }
0x23: {  	v7 =	vld [tilespmem:$0x6B10];
	v16 =	vbroadcast v4, $0x0;
	v2 =	vbroadcast v5, $0x0;
	[tilespmem:$0x1FBB0] =	vst v36  }
0x24: {  	v10 =	vbroadcast v6, $0x0;
	v9 =	vbroadcast v6, $0x1;
	v6 =	vmax.f32 v36, $-1.000000020e+30;
	[tilespmem:$0x1F520] =	vst v11  }
0x25: {  	v8 =	vld [tilespmem:$0x6C10];
	v37 =	vbroadcast v4, $0x1;
	v4 =	vbroadcast v5, $0x1;
	[tilespmem:$0x1FE40] =	vst v6  }
0x26: {  	[tilespmem:$0x1FFD0] =	vst v2  }
0x27: {  	v0 =	vld [tilespmem:$0x6790];
	[tilespmem:$0x1FFF0] =	vst v4  }
0x28: {  	v1 =	vld [tilespmem:$0x6810];
	v12 =	vbroadcast v7, $0x0;
	[tilespmem:$0x1FFB0] =	vst v10  }
0x29: {  	v7 =	vbroadcast v7, $0x1;
	[tilespmem:$0x1FFE0] =	vst v9  }
0x2a: {  	v3 =	vld [tilespmem:$0x6910];
	v18 =	vbroadcast v8, $0x0;
	[tilespmem:$0x1FF70] =	vst v12  }
0x2b: {  	v19 =	vbroadcast v8, $0x1;
	[tilespmem:$0x1FF90] =	vst v7  }
0x2c: {  	v42 =	vbroadcast v0, $0x0;
	v43 =	vbroadcast v0, $0x1;
	v0 =	vld [tilespmem:$0x6B90];
	[tilespmem:$0x1FEF0] =	vst v18  }
0x2d: {  	v39 =	vbroadcast v1, $0x0;
	v38 =	vbroadcast v1, $0x1;
	v1 =	vor.u32 s4, v13;
	v13 =	vld.msk [tilespmem:$0x6880 ss:$0x0], $0xffff;
	[tilespmem:$0x1FF30] =	vst v19  }
0x2e: {  	v8 =	vld.msk [tilespmem:$0x6900 ss:$0x0], $0xffff;
	[tilespmem:$0x1FC10] =	vst v42  }
0x2f: {  	v46 =	vbroadcast v3, $0x0;
	v27 =	vbroadcast v3, $0x1;
	v3 =	vld [tilespmem:$0x6C90];
	[tilespmem:$0x1FC20] =	vst v43  }
0x30: {  	[tilespmem:$0x1FC40] =	vst v39  }
0x31: {  	v5 =	vld [tilespmem:$0x6D10];
	[tilespmem:$0x1FC50] =	vst v38  }
0x32: {  	vm0 =	vge.s32 v1, v42;
	vm1 =	vle.s32 v1, v43;
	v15 =	vbroadcast v0, $0x0;
	[tilespmem:$0x1FBC0] =	vst v13  }
0x33: {  	vm2 =	vle.s32 v1, v38;
	vm3 =	vle.s32 v1, v40;
	v14 =	vbroadcast v0, $0x1;
	[tilespmem:$0x1FBD0] =	vst v8  }
0x34: {  	vm9 =	vmand vm0, vm1;
	vm0 =	vge.s32 v1, v39;
	v20 =	vbroadcast v3, $0x0;
	[tilespmem:$0x1FF10] =	vst v15  }
0x35: {  	vm10 =	vmand vm0, vm2;
	vm0 =	vge.s32 v1, v41;
	v21 =	vbroadcast v3, $0x1;
	[tilespmem:$0x1FF50] =	vst v14  }
0x36: {  	v3 =	vnsel vm9, $0xF149F2CA, v6;
	v22 =	vbroadcast v5, $0x0;
	v23 =	vbroadcast v5, $0x1;
	[tilespmem:$0x1FED0] =	vst v20  }
0x37: {  	vm1 =	vmand vm0, vm3;
	v5 =	vimm.s32 $0x0;
	v6 =	vmax.f32 v3, v11;
	[tilespmem:$0x1FEE0] =	vst v21  }
0x38: {  	v0 =	vld [tilespmem:$0x6D90];
	v5 =	vsel vm1, $0xFFFFFFFF, v5;
	[tilespmem:$0x1FEA0] =	vst v22;
	v3 =	vsel vm10, v6, v3  }
0x39: {  	vm0 =	vge.s32 v1, v46;
	vm3 =	vle.s32 v1, v27;
	[tilespmem:$0x1F530] =	vst v5;
	v11 =	vld.msk [tilespmem:$0x6980 ss:$0x0], $0xffff;
	v5 =	vmax.f32 v3, v13  }
0x3a: {  	v6 =	vld [tilespmem:$0x6E10];
	v3 =	vsel vm1, v5, v3;
	vm1 =	vmand vm0, vm3;
	v5 =	vimm.s32 $0x0  }
0x3b: {  	v48 =	vld [tilespmem:$0x7190];
	v5 =	vsel vm1, $0xFFFFFFFF, v5  }
0x3c: {  	vm0 =	vge.s32 v1, v16;
	vm3 =	vle.s32 v1, v37;
	[tilespmem:$0x1F540] =	vst v5;
	v5 =	vmax.f32 v3, v8  }
0x3d: {  	v32 =	vld [tilespmem:$0x7390];
	v24 =	vbroadcast v0, $0x0;
	v3 =	vsel vm1, v5, v3;
	v5 =	vbroadcast v0, $0x1  }
0x3e: {  	v44 =	vld.msk [tilespmem:$0x6A00 ss:$0x0], $0xffff;
	vm1 =	vmand vm0, vm3;
	v0 =	vimm.s32 $0x0;
	vm0 =	vge.s32 v1, v2  }
0x3f: {  	vm3 =	vle.s32 v1, v4;
	v0 =	vsel vm1, $0xFFFFFFFF, v0;
	v2 =	vbroadcast v6, $0x0  }
0x40: {  	v4 =	vbroadcast v6, $0x1;
	v55 =	vbroadcast v48, $0x0;
	[tilespmem:$0x1F550] =	vst v0;
	v0 =	vmax.f32 v3, v11  }
0x41: {  	v17 =	vld.msk [tilespmem:$0x6A80 ss:$0x0], $0xffff;
	v0 =	vsel vm1, v0, v3;
	vm1 =	vmand vm0, vm3;
	v3 =	vimm.s32 $0x0  }
0x42: {  	v8 =	vld [tilespmem:$0x6E90];
	v57 =	vbroadcast v48, $0x1;
	v48 =	vbroadcast v32, $0x0;
	v3 =	vsel vm1, $0xFFFFFFFF, v3  }
0x43: {  	v60 =	vld.msk [tilespmem:$0x6B00 ss:$0x0], $0xffff;
	vm0 =	vge.s32 v1, v10;
	vm3 =	vle.s32 v1, v9;
	[tilespmem:$0x1F570] =	vst v3;
	v3 =	vmax.f32 v0, v44  }
0x44: {  	v29 =	vld [tilespmem:$0x7490];
	v9 =	vimm.s32 $0x0;
	v0 =	vsel vm1, v3, v0;
	vm1 =	vmand vm0, vm3  }
0x45: {  	v3 =	vimm.s32 $0x0;
	vm0 =	vge.s32 v1, v12;
	vm3 =	vle.s32 v1, v7  }
0x46: {  	v45 =	vld.msk [tilespmem:$0x6B80 ss:$0x0], $0xffff;
	v7 =	vimm.s32 $0x0;
	v3 =	vsel vm1, $0xFFFFFFFF, v3;
	v6 =	vmax.f32 v0, v17  }
0x47: {  	v28 =	vld [tilespmem:$0x7410];
	[tilespmem:$0x1F580] =	vst v3;
	v10 =	vsel vm1, v6, v0;
	v3 =	vbroadcast v8, $0x0;
	vm1 =	vmand vm0, vm3  }
0x48: {  	[tilespmem:$0x1FBE0] =	vst v11;
	v11 =	vld [tilespmem:$0x6F10];
	v0 =	vimm.s32 $0x0;
	vm0 =	vge.s32 v1, v15;
	vm3 =	vle.s32 v1, v14  }
0x49: {  	v52 =	vld.msk [tilespmem:$0x6C00 ss:$0x0], $0xffff;
	v6 =	vbroadcast v8, $0x1;
	v14 =	vbroadcast v29, $0x1;
	v12 =	vmax.f32 v10, v60  }
0x4a: {  	v51 =	vld [tilespmem:$0x7310];
	v0 =	vsel vm1, $0xFFFFFFFF, v0;
	v12 =	vsel vm1, v12, v10;
	vm1 =	vmand vm0, vm3  }
0x4b: {  	[tilespmem:$0x1F590] =	vst v0;
	v0 =	vimm.s32 $0x0;
	vm0 =	vge.s32 v1, v18;
	vm3 =	vle.s32 v1, v19  }
0x4c: {  	v10 =	vbroadcast v28, $0x1;
	v0 =	vsel vm1, $0xFFFFFFFF, v0;
	v8 =	vmax.f32 v12, v45  }
0x4d: {  	v54 =	vld.msk [tilespmem:$0x6C80 ss:$0x0], $0xffff;
	v19 =	vbroadcast v29, $0x0;
	[tilespmem:$0x1F5A0] =	vst v0;
	v8 =	vsel vm1, v8, v12;
	v0 =	vbroadcast v11, $0x0  }
0x4e: {  	v15 =	vld [tilespmem:$0x6F90];
	vm1 =	vmand vm0, vm3;
	vm0 =	vge.s32 v1, v20;
	vm3 =	vle.s32 v1, v21  }
0x4f: {  	v20 =	vbroadcast v51, $0x1;
	v7 =	vsel vm1, $0xFFFFFFFF, v7;
	v12 =	vmax.f32 v8, v52  }
0x50: {  	v18 =	vld [tilespmem:$0x7010];
	[tilespmem:$0x1F5B0] =	vst v7;
	v8 =	vsel vm1, v12, v8;
	v7 =	vbroadcast v11, $0x1;
	vm1 =	vmand vm0, vm3  }
0x51: {  	v53 =	vld.msk [tilespmem:$0x6D00 ss:$0x0], $0xffff;
	vm0 =	vge.s32 v1, v22;
	vm3 =	vle.s32 v1, v23;
	v9 =	vsel vm1, $0xFFFFFFFF, v9  }
0x52: {  	[tilespmem:$0x1F790] =	vst v5;
	v11 =	vmax.f32 v8, v54;
	vm12 =	vmand vm0, vm3;
	vm0 =	vge.s32 v1, v24  }
0x53: {  	v50 =	vld.msk [tilespmem:$0x6D80 ss:$0x0], $0xffff;
	[tilespmem:$0x1FE90] =	vst v2;
	vm3 =	vle.s32 v1, v5;
	v5 =	vbroadcast v15, $0x1;
	v8 =	vsel vm1, v11, v8  }
0x54: {  	v49 =	vld.msk [tilespmem:$0x6E00 ss:$0x0], $0xffff;
	[tilespmem:$0x1F5C0] =	vst v9;
	v9 =	vbroadcast v15, $0x0;
	vm15 =	vmand vm0, vm3;
	vm0 =	vge.s32 v1, v2  }
0x55: {  	v56 =	vld.msk [tilespmem:$0x6E80 ss:$0x0], $0xffff;
	[tilespmem:$0x1F7B0] =	vst v4;
	vm3 =	vle.s32 v1, v4;
	v2 =	vbroadcast v18, $0x0;
	v4 =	vimm.s32 $0x0  }
0x56: {  	v22 =	vld [tilespmem:$0x7090];
	v11 =	vmax.f32 v8, v53;
	vm1 =	vmand vm0, vm3;
	vm0 =	vge.s32 v1, v3  }
0x57: {  	[tilespmem:$0x1F7E0] =	vst v3;
	vm3 =	vle.s32 v1, v6;
	v3 =	vbroadcast v18, $0x1;
	v18 =	vld [tilespmem:$0x7110];
	v8 =	vsel vm12, v11, v8  }
0x58: {  	v25 =	vld [tilespmem:$0x7290];
	v4 =	vsel vm1, $0xFFFFFFFF, v4;
	vm0 =	vmand vm0, vm3;
	vm3 =	vle.s32 v1, v7  }
0x59: {  	vm5 =	vge.s32 v1, v2;
	v11 =	vmax.f32 v8, v50;
	[tilespmem:$0x1F600] =	vst v4;
	v4 =	vimm.s32 $0x0  }
0x5a: {  	v61 =	vld.msk [tilespmem:$0x6F00 ss:$0x0], $0xffff;
	[tilespmem:$0x1F8A0] =	vst v3;
	vm8 =	vle.s32 v1, v3;
	v8 =	vsel vm15, v11, v8;
	v4 =	vsel vm0, $0xFFFFFFFF, v4  }
0x5b: {  	v3 =	vbroadcast v22, $0x0;
	v11 =	vmax.f32 v8, v49;
	[tilespmem:$0x1F620] =	vst v4;
	v4 =	vbroadcast v22, $0x1  }
0x5c: {  	[tilespmem:$0x1F890] =	vst v2;
	v8 =	vsel vm1, v11, v8;
	vm1 =	vmand vm5, vm8;
	v2 =	vbroadcast v18, $0x1  }
0x5d: {  	v62 =	vld.msk [tilespmem:$0x6F80 ss:$0x0], $0xffff;
	v11 =	vmax.f32 v8, v56;
	[tilespmem:$0x1F8D0] =	vst v4;
	vm5 =	vle.s32 v1, v4;
	v4 =	vbroadcast v25, $0x1  }
0x5e: {  	[tilespmem:$0x1F830] =	vst v0;
	v11 =	vsel vm0, v11, v8;
	vm0 =	vge.s32 v1, v0;
	v0 =	vimm.s32 $0x0  }
0x5f: {  	[tilespmem:$0x1FEC0] =	vst v23;
	v15 =	vld.msk [tilespmem:$0x7000 ss:$0x0], $0xffff;
	v8 =	vbroadcast v28, $0x0;
	vm2 =	vmand vm0, vm3;
	v23 =	vmax.f32 v11, v61  }
0x60: {  	[tilespmem:$0x1F860] =	vst v9;
	vm0 =	vge.s32 v1, v9;
	vm3 =	vle.s32 v1, v5;
	v0 =	vsel vm2, $0xFFFFFFFF, v0  }
0x61: {  	[tilespmem:$0x1F8C0] =	vst v3;
	v9 =	vld.msk [tilespmem:$0x7080 ss:$0x0], $0xffff;
	vm11 =	vmand vm0, vm3;
	v11 =	vsel vm2, v23, v11;
	vm0 =	vge.s32 v1, v3  }
0x62: {  	v23 =	vld [tilespmem:$0x7210];
	v3 =	vimm.s32 $0x0;
	[tilespmem:$0x1F640] =	vst v0;
	v0 =	vimm.s32 $0x0;
	v22 =	vmax.f32 v11, v62  }
0x63: {  	vm3 =	vge.s32 v1, v19;
	v0 =	vsel vm1, $0xFFFFFFFF, v0;
	v22 =	vsel vm11, v22, v11  }
0x64: {  	vm2 =	vmand vm0, vm5;
	v11 =	vld.msk [tilespmem:$0x7100 ss:$0x0], $0xffff;
	[tilespmem:$0x1F680] =	vst v0;
	v0 =	vbroadcast v18, $0x0;
	v18 =	vmax.f32 v22, v15  }
0x65: {  	[tilespmem:$0x1FC70] =	vst v27;
	vm5 =	vle.s32 v1, v2;
	v3 =	vsel vm2, $0xFFFFFFFF, v3;
	v22 =	vsel vm1, v18, v22  }
0x66: {  	[tilespmem:$0x1F8F0] =	vst v0;
	v26 =	vmax.f32 v22, v9;
	vm0 =	vge.s32 v1, v0;
	v0 =	vimm.s32 $0x0  }
0x67: {  	[tilespmem:$0x1F870] =	vst v5;
	v5 =	vbroadcast v23, $0x0;
	v58 =	vbroadcast v23, $0x1;
	vm0 =	vmand vm0, vm5  }
0x68: {  	v63 =	vld.msk [tilespmem:$0x7180 ss:$0x0], $0xffff;
	[tilespmem:$0x1FEB0] =	vst v24;
	v22 =	vsel vm2, v26, v22;
	vm5 =	vle.s32 v1, v57;
	v0 =	vsel vm0, $0xFFFFFFFF, v0  }
0x69: {  	v28 =	vld [tilespmem:$0x7590];
	v59 =	vmax.f32 v22, v11;
	vm1 =	vge.s32 v1, v5;
	[tilespmem:$0x1F6C0] =	vst v0;
	v0 =	vbroadcast v25, $0x0  }
0x6a: {  	[tilespmem:$0x1F7F0] =	vst v6;
	v21 =	vld.msk [tilespmem:$0x7200 ss:$0x0], $0xffff;
	vm8 =	vle.s32 v1, v58;
	v24 =	vsel vm0, v59, v22;
	vm0 =	vge.s32 v1, v55  }
0x6b: {  	v35 =	vld [tilespmem:$0x7510];
	vm1 =	vmand vm1, vm8;
	[tilespmem:$0x1F990] =	vst v0;
	vm13 =	vge.s32 v1, v0;
	v0 =	vimm.s32 $0x0  }
0x6c: {  	[tilespmem:$0x1F6A0] =	vst v3;
	v3 =	vld.msk [tilespmem:$0x7280 ss:$0x0], $0xffff;
	vm14 =	vmand vm0, vm5;
	vm0 =	vle.s32 v1, v4;
	v0 =	vsel vm1, $0xFFFFFFFF, v0  }
0x6d: {  	v33 =	vmax.f32 v24, v63;
	vm2 =	vmand vm13, vm0;
	[tilespmem:$0x1F710] =	vst v0;
	v0 =	vimm.s32 $0x0  }
0x6e: {  	v13 =	vmovc v27;
	[tilespmem:$0x1F840] =	vst v7;
	v6 =	vbroadcast v28, $0x0;
	v27 =	vsel vm14, v33, v24;
	v0 =	vsel vm2, $0xFFFFFFFF, v0  }
0x6f: {  	v7 =	vbroadcast v28, $0x1;
	v23 =	vbroadcast v51, $0x0;
	v34 =	vmax.f32 v27, v21;
	[tilespmem:$0x1F720] =	vst v0;
	v0 =	vld.msk [tilespmem:$0x7300 ss:$0x0], $0xffff  }
0x70: {  	v59 =	vld.msk [tilespmem:$0x7380 ss:$0x0], $0xffff;
	v22 =	vbroadcast v35, $0x1;
	v24 =	vbroadcast v32, $0x1;
	v26 =	vsel vm1, v34, v27  }
0x71: {  	v33 =	vld [tilespmem:$0x7690];
	vm0 =	vge.s32 v1, v23;
	vm1 =	vle.s32 v1, v20;
	v30 =	vmax.f32 v26, v3  }
0x72: {  	vm13 =	vmand vm0, vm1;
	vm0 =	vge.s32 v1, v48;
	vm1 =	vle.s32 v1, v24  }
0x73: {  	v51 =	vld.msk [tilespmem:$0x7400 ss:$0x0], $0xffff;
	v30 =	vsel vm2, v30, v26;
	vm8 =	vmand vm0, vm1;
	vm0 =	vge.s32 v1, v8  }
0x74: {  	v29 =	vld [tilespmem:$0x7610];
	vm1 =	vle.s32 v1, v10;
	vm2 =	vle.s32 v1, v14;
	v31 =	vmax.f32 v30, v0  }
0x75: {  	v25 =	vld.msk [tilespmem:$0x7480 ss:$0x0], $0xffff;
	vm7 =	vmand vm0, vm1;
	vm0 =	vle.s32 v1, v22;
	v30 =	vsel vm13, v31, v30  }
0x76: {  	[tilespmem:$0x1F9A0] =	vst v4;
	vm3 =	vmand vm3, vm2;
	v4 =	vbroadcast v33, $0x0;
	v31 =	vmax.f32 v30, v59  }
0x77: {  	[tilespmem:$0x1F660] =	vst v0;
	v0 =	vimm.s32 $0x0;
	v31 =	vsel vm8, v31, v30;
	v30 =	vbroadcast v35, $0x0  }
0x78: {  	v47 =	vld.msk [tilespmem:$0x7500 ss:$0x0], $0xffff;
	[tilespmem:$0x1F950] =	vst v5;
	v5 =	vbroadcast v33, $0x1;
	v0 =	vsel vm3, $0xFFFFFFFF, v0;
	v32 =	vmax.f32 v31, v51  }
0x79: {  	v34 =	vld [tilespmem:$0x7710];
	[tilespmem:$0x1F750] =	vst v0;
	v0 =	vimm.s32 $0x0;
	vm1 =	vge.s32 v1, v30;
	v32 =	vsel vm7, v32, v31  }
0x7a: {  	v26 =	vld.msk [tilespmem:$0x7580 ss:$0x0], $0xffff;
	v31 =	vbroadcast v29, $0x0;
	vm2 =	vmand vm1, vm0;
	v28 =	vmax.f32 v32, v25  }
0x7b: {  	vm0 =	vge.s32 v1, v6;
	vm1 =	vle.s32 v1, v7;
	v0 =	vsel vm2, $0xFFFFFFFF, v0  }
0x7c: {  	v27 =	vld.msk [tilespmem:$0x7600 ss:$0x0], $0xffff;
	v28 =	vsel vm3, v28, v32;
	v32 =	vbroadcast v29, $0x1;
	vm3 =	vmand vm0, vm1  }
0x7d: {  	vm0 =	vge.s32 v1, v31;
	[tilespmem:$0x1F770] =	vst v0;
	v29 =	vmax.f32 v28, v47;
	v0 =	vimm.s32 $0x0  }
0x7e: {  	v12 =	vld.msk [tilespmem:$0x7680 ss:$0x0], $0xffff;
	v0 =	vsel vm3, $0xFFFFFFFF, v0;
	v29 =	vsel vm2, v29, v28;
	vm1 =	vle.s32 v1, v32  }
0x7f: {  	v28 =	vbroadcast v34, $0x0;
	v35 =	vmax.f32 v29, v26;
	vm0 =	vmand vm0, vm1  }
0x80: {  	v18 =	vld.msk [tilespmem:$0x7700 ss:$0x0], $0xffff;
	[tilespmem:$0x1F780] =	vst v0;
	v0 =	vimm.s32 $0x0;
	vm1 =	vle.s32 v1, v5;
	v35 =	vsel vm3, v35, v29  }
0x81: {  	v0 =	vsel vm0, $0xFFFFFFFF, v0;
	v29 =	vbroadcast v34, $0x1;
	v33 =	vmax.f32 v35, v27  }
0x82: {  	[tilespmem:$0x1F7C0] =	vst v0;
	v0 =	vimm.s32 $0x0;
	v33 =	vsel vm0, v33, v35;
	vm0 =	vge.s32 v1, v4  }
0x83: {  	vm0 =	vmand vm0, vm1;
	v34 =	vmax.f32 v33, v12;
	vm1 =	vle.s32 v1, v29  }
0x84: {  	v0 =	vsel vm0, $0xFFFFFFFF, v0;
	v33 =	vsel vm0, v34, v33;
	vm0 =	vge.s32 v1, v28  }
0x85: {  	vm0 =	vmand vm0, vm1;
	v1 =	vmax.f32 v33, v18  }
0x86: {  	v34 =	vsel vm0, v1, v33  }
0x87: {  	[tilespmem:$0x1F800] =	vst v0;
	v0 =	vimm.s32 $0x0;
	v1 =	vsub.f32 v36, v34  }
0x88: {  	s18 =	simm.s32 $0x10;
	[tilespmem:$0x1F900] =	vst v2;
	v0 =	vsel vm0, $0xFFFFFFFF, v0;
	v36 =	vlaneseq.u32  }
0x89: {  	v2 =	vld [tilespmem:$0x1F520];
	[tilespmem:$0x1F820] =	vst v0;
	v0 =	vimm.s32 $0x0;
	v33 =	vor.u32 s18, v36;
	v1 =	vmul.f32 $1.442695020e+00, v1  }
0x8a: {  	vm0 =	vge.s32 v33, v42;
	vm1 =	vle.s32 v33, v43;
	vm2 =	vge.s32 v33, v39  }
0x8b: {  	vm3 =	vle.s32 v33, v38;
	vm4 =	vmand vm0, vm1;
	vm1 =	vle.s32 v33, v13  }
0x8c: {  	vm3 =	vmand vm2, vm3;
	v13 =	vimm.s32 $0x0;
	v0 =	vsel vm4, $0xFFFFFFFF, v0  }
0x8d: {  	vm0 =	vge.s32 v33, v46;
	(erf) = vpow2.f32 v1;
	v13 =	vsel vm3, $0xFFFFFFFF, v13;
	[tilespmem:$0x1FC80] =	vst v0  }
0x8e: {  	v1 =	vsub.f32 v2, v34;
	vm5 =	vmand vm0, vm1;
	v0 =	vld [tilespmem:$0x1FBC0];
	[tilespmem:$0x1FCA0] =	vst v13;
	v13 =	vimm.s32 $0x0  }
0x8f: {  	[tilespmem:$0x1FC60] =	vst v46;
	v46 =	vld [tilespmem:$0x1FBD0];
	vm0 =	vge.s32 v33, v16;
	vm1 =	vle.s32 v33, v37;
	v13 =	vsel vm5, $0xFFFFFFFF, v13  }
0x90: {  	vm6 =	vmand vm0, vm1;
	[tilespmem:$0x1FCB0] =	vst v13;
	v13 =	vimm.s32 $0x0  }
0x91: {  	s17 =	sand.u32 $0x70, s4;
	s19 =	sand.u32 $0xC00, s4;
	v1 =	vmul.f32 $1.442695020e+00, v1;
	v13 =	vsel vm6, $0xFFFFFFFF, v13  }
0x92: {  	s17 =	sor.u32 s17, s19;
	[tilespmem:$0x1FCE0] =	vst v13;
	v13 =	vld [tilespmem:$0x1FBE0]  }
0x93: {  	v35 =	vld [tilespmem:s17+$0x2580];
	(erf) = vpow2.f32 v1;
	v1 =	vsub.f32 v0, v34  }
0x94: {  	v43 =	vsub.f32 v46, v34  }
0x95: {  	v1 =	vmul.f32 $1.442695020e+00, v1  }
0x96: {  	v36 =	vmul.f32 $1.442695020e+00, v43;
	v43 =	vsub.f32 v44, v34  }
0x97: {  	v42 =	vpop (erf);
	(erf) = vpow2.f32 v1;
	v1 =	vsub.f32 v13, v34  }
0x98: {  	v38 =	vld [tilespmem:s17+$0x2600];
	v35 =	vmul.f32 v35, v42;
	v42 =	vmul.f32 $1.442695020e+00, v43  }
0x99: {  	v1 =	vmul.f32 $1.442695020e+00, v1  }
0x9a: {  	[tilespmem:$0x1FDB0] =	vst v16;
	v16 =	vimm.s32 $0x0;
	(erf) = vpow2.f32 v36  }
0x9b: {  	vm0 =	vge.s32 v33, v41;
	vm1 =	vle.s32 v33, v40;
	(erf) = vpow2.f32 v1  }
0x9c: {  	vm2 =	vmand vm0, vm1;
	v1 =	vadd.f32 $0.0e+00, v35;
	(erf) = vpow2.f32 v42;
	v42 =	vpop (erf)  }
0x9d: {  	vm0 =	vmmov vm9;
	v16 =	vsel vm2, $0xFFFFFFFF, v16;
	v38 =	vmul.f32 v38, v42  }
0x9e: {  	[tilespmem:$0x1FCC0] =	vst v16;
	v36 =	vld [tilespmem:s17+$0x2680];
	v16 =	vnsel vm0, $0x0, v1;
	vm0 =	vmmov vm10  }
0x9f: {  	v35 =	vsub.f32 v17, v34;
	v1 =	vnsel vm0, $0x0, v38  }
0xa0: {  	v43 =	vsub.f32 v60, v34;
	[tilespmem:$0x1F5D0] =	vst v1;
	v1 =	vld [tilespmem:$0x1F530]  }
0xa1: {  	[tilespmem:$0x1FDE0] =	vst v41;
	v35 =	vmul.f32 $1.442695020e+00, v35  }
0xa2: {  	[tilespmem:$0x1FDC0] =	vst v37;
	v41 =	vsub.f32 v54, v34;
	v37 =	vmul.f32 $1.442695020e+00, v43;
	v43 =	vsub.f32 v45, v34;
	v38 =	vpop (erf)  }
0xa3: {  	(erf) = vpow2.f32 v35;
	v35 =	vsub.f32 v52, v34;
	v36 =	vmul.f32 v36, v38  }
0xa4: {  	[tilespmem:$0x1FDF0] =	vst v40;
	v40 =	vld [tilespmem:s17+$0x2780];
	(erf) = vpow2.f32 v37;
	v37 =	vmul.f32 $1.442695020e+00, v43;
	v38 =	vsub.f32 v50, v34  }
0xa5: {  	v42 =	vsub.f32 v53, v34;
	v35 =	vmul.f32 $1.442695020e+00, v35;
	vm0 =	vnez.u8 v1  }
0xa6: {  	(erf) = vpow2.f32 v37;
	v37 =	vmul.f32 $1.442695020e+00, v41;
	vm0 =	vmmov vm0  }
0xa7: {  	(erf) = vpow2.f32 v35;
	v35 =	vmul.f32 $1.442695020e+00, v42;
	v1 =	vnsel vm0, $0x0, v36;
	v36 =	vpop (erf)  }
0xa8: {  	(erf) = vpow2.f32 v37;
	v37 =	vmul.f32 $1.442695020e+00, v38;
	v38 =	vpop (erf)  }
0xa9: {  	(erf) = vpow2.f32 v35;
	v35 =	vmul.f32 v40, v38;
	v40 =	vld [tilespmem:$0x1F540]  }
0xaa: {  	v39 =	vld [tilespmem:s17+$0x2700];
	_ =	sdelay $0x2  }
0xab: {  	v42 =	vld [tilespmem:s17+$0x2800];
	[tilespmem:$0x1F5E0] =	vst v1;
	v1 =	vsub.f32 v49, v34  }
0xac: {  	vm0 =	vnez.u8 v40;
	v40 =	vld [tilespmem:$0x1F550]  }
0xad: {  	v41 =	vld [tilespmem:s17+$0x2900];
	v39 =	vmul.f32 v39, v36;
	v36 =	vmul.f32 $1.442695020e+00, v1;
	_ =	sdelay $0x1  }
0xae: {  	(erf) = vpow2.f32 v37;
	v37 =	vpop (erf)  }
0xaf: {  	v37 =	vmul.f32 v42, v37;
	v42 =	vpop (erf)  }
0xb0: {  	v43 =	vld [tilespmem:s17+$0x2880];
	(erf) = vpow2.f32 v36;
	v36 =	vpop (erf);
	vm0 =	vmmov vm0;
	vm1 =	vnez.u8 v40  }
0xb1: {  	v36 =	vmul.f32 v41, v36;
	v41 =	vld [tilespmem:s17+$0x3700];
	v38 =	vnsel vm0, $0x0, v39;
	vm1 =	vmmov vm1  }
0xb2: {  	v39 =	vld [tilespmem:s17+$0x3600];
	[tilespmem:$0x1F5F0] =	vst v38;
	v35 =	vnsel vm1, $0x0, v35  }
0xb3: {  	v38 =	vld [tilespmem:s17+$0x3680];
	[tilespmem:$0x1F610] =	vst v35  }
0xb4: {  	v40 =	vld [tilespmem:s17+$0x3580];
	[tilespmem:$0x1F560] =	vst v0  }
0xb5: {  	v0 =	vld [tilespmem:$0x1F570];
	_ =	sdelay $0x4  }
0xb6: {  	vm0 =	vnez.u8 v0  }
0xb7: {  	v0 =	vld [tilespmem:$0x1F560];
	v37 =	vnsel vm0, $0x0, v37  }
0xb8: {  	v1 =	vsub.f32 v56, v34;
	[tilespmem:$0x1F630] =	vst v37;
	v37 =	vld [tilespmem:$0x1F580];
	_ =	sdelay $0x1  }
0xb9: {  	v35 =	vmul.f32 $1.442695020e+00, v1;
	_ =	sdelay $0x1  }
0xba: {  	v42 =	vmul.f32 v43, v42;
	v1 =	vsub.f32 v61, v34  }
0xbb: {  	v43 =	vsub.f32 v62, v34;
	vm0 =	vnez.u8 v37  }
0xbc: {  	v1 =	vmul.f32 $1.442695020e+00, v1;
	(erf) = vpow2.f32 v35;
	v35 =	vpop (erf);
	v37 =	vnsel vm0, $0x0, v42;
	v42 =	vld [tilespmem:$0x1F590]  }
0xbd: {  	v35 =	vmul.f32 v40, v35;
	v40 =	vmul.f32 $1.442695020e+00, v43  }
0xbe: {  	(erf) = vpow2.f32 v1  }
0xbf: {  	(erf) = vpow2.f32 v40;
	v40 =	vld [tilespmem:$0x1F5A0];
	_ =	sdelay $0x1  }
0xc0: {  	vm0 =	vnez.u8 v42  }
0xc1: {  	v36 =	vnsel vm0, $0x0, v36  }
0xc2: {  	[tilespmem:$0x1F670] =	vst v36;
	v36 =	vld [tilespmem:$0x1F5B0]  }
0xc3: {  	vm0 =	vnez.u8 v40;
	v40 =	vld [tilespmem:$0x1F5C0];
	_ =	sdelay $0x1  }
0xc4: {  	v43 =	vpop (erf)  }
0xc5: {  	v39 =	vmul.f32 v39, v43;
	v1 =	vpop (erf)  }
0xc6: {  	v1 =	vmul.f32 v38, v1;
	v35 =	vnsel vm0, $0x0, v35;
	vm0 =	vnez.u8 v36  }
0xc7: {  	[tilespmem:$0x1F690] =	vst v35;
	v35 =	vnsel vm0, $0x0, v39;
	vm0 =	vnez.u8 v40  }
0xc8: {  	v1 =	vnsel vm0, $0x0, v1  }
0xc9: {  	[tilespmem:$0x1F6D0] =	vst v1;
	v1 =	vld [tilespmem:$0x1F5D0]  }
0xca: {  	[tilespmem:$0x1F650] =	vst v37;
	v37 =	vld [tilespmem:s17+$0x3780];
	_ =	sdelay $0x2  }
0xcb: {  	v43 =	vpop (erf)  }
0xcc: {  	[tilespmem:$0x1F6B0] =	vst v35;
	v35 =	vadd.f32 v1, v16;
	v1 =	vpop (erf)  }
0xcd: {  	v36 =	vmul.f32 v37, v1  }
0xce: {  	v1 =	vld [tilespmem:$0x1F5E0]  }
0xcf: {  	v42 =	vld [tilespmem:s17+$0x3800];
	v16 =	vnsel vm15, $0x0, v36  }
0xd0: {  	[tilespmem:$0x1F6E0] =	vst v16;
	v16 =	vld [tilespmem:$0x1F600];
	_ =	sdelay $0x2  }
0xd1: {  	v35 =	vadd.f32 v1, v35;
	v1 =	vpop (erf)  }
0xd2: {  	v39 =	vmul.f32 v42, v1  }
0xd3: {  	v1 =	vld [tilespmem:$0x1F5F0];
	vm0 =	vnez.u8 v16  }
0xd4: {  	v16 =	vnsel vm0, $0x0, v39  }
0xd5: {  	[tilespmem:$0x1F730] =	vst v16;
	v16 =	vld [tilespmem:$0x1F610];
	_ =	sdelay $0x2  }
0xd6: {  	v35 =	vadd.f32 v1, v35;
	_ =	sdelay $0x1  }
0xd7: {  	v38 =	vsub.f32 v15, v34;
	v35 =	vadd.f32 v16, v35;
	v16 =	vld [tilespmem:$0x1F620]  }
0xd8: {  	v37 =	vsub.f32 v9, v34  }
0xd9: {  	v38 =	vmul.f32 $1.442695020e+00, v38  }
0xda: {  	v37 =	vmul.f32 $1.442695020e+00, v37  }
0xdb: {  	(erf) = vpow2.f32 v38  }
0xdc: {  	(erf) = vpow2.f32 v37;
	v37 =	vsub.f32 v21, v34;
	vm0 =	vnez.u8 v16;
	v16 =	vmovc v21;
	v21 =	vld [tilespmem:$0x1F630]  }
0xdd: {  	v41 =	vmul.f32 v41, v43;
	v43 =	vld [tilespmem:s17+$0x3880];
	_ =	sdelay $0x1  }
0xde: {  	v40 =	vld [tilespmem:s17+$0x3900]  }
0xdf: {  	v42 =	vld [tilespmem:s17+$0x4580]  }
0xe0: {  	v38 =	vsub.f32 v11, v34;
	v1 =	vpop (erf);
	v35 =	vadd.f32 v21, v35;
	v21 =	vld [tilespmem:$0x1F640]  }
0xe1: {  	v36 =	vsub.f32 v63, v34;
	v1 =	vmul.f32 v43, v1  }
0xe2: {  	v38 =	vmul.f32 $1.442695020e+00, v38  }
0xe3: {  	v36 =	vmul.f32 $1.442695020e+00, v36;
	v43 =	vpop (erf);
	v1 =	vnsel vm0, $0x0, v1  }
0xe4: {  	(erf) = vpow2.f32 v38;
	[tilespmem:$0x1F740] =	vst v1;
	v1 =	vmul.f32 v40, v43;
	v40 =	vpop (erf)  }
0xe5: {  	(erf) = vpow2.f32 v36;
	v36 =	vmul.f32 v42, v40;
	vm0 =	vnez.u8 v21  }
0xe6: {  	v1 =	vnsel vm0, $0x0, v1  }
0xe7: {  	[tilespmem:$0x1F760] =	vst v1;
	v1 =	vnsel vm11, $0x0, v36  }
0xe8: {  	[tilespmem:$0x1F7A0] =	vst v1;
	v1 =	vld [tilespmem:$0x1F650];
	_ =	sdelay $0x1  }
0xe9: {  	v43 =	vld [tilespmem:$0x1F670]  }
0xea: {  	v21 =	vld [tilespmem:$0x1F660];
	_ =	sdelay $0x1  }
0xeb: {  	v38 =	vld [tilespmem:s17+$0x4600];
	v36 =	vadd.f32 v1, v35;
	_ =	sdelay $0x1  }
0xec: {  	v37 =	vmul.f32 $1.442695020e+00, v37;
	v40 =	vsub.f32 v3, v34;
	v36 =	vadd.f32 v43, v36;
	v43 =	vld [tilespmem:$0x1F680]  }
0xed: {  	v1 =	vsub.f32 v21, v34  }
0xee: {  	(erf) = vpow2.f32 v37;
	v42 =	vpop (erf);
	v37 =	vmul.f32 $1.442695020e+00, v40  }
0xef: {  	v38 =	vmul.f32 v38, v42;
	v42 =	vmul.f32 $1.442695020e+00, v1  }
0xf0: {  	(erf) = vpow2.f32 v37  }
0xf1: {  	v35 =	vsub.f32 v59, v34;
	(erf) = vpow2.f32 v42;
	v42 =	vld [tilespmem:$0x1F690];
	vm0 =	vnez.u8 v43  }
0xf2: {  	v1 =	vsub.f32 v51, v34;
	v38 =	vnsel vm0, $0x0, v38  }
0xf3: {  	v37 =	vmul.f32 $1.442695020e+00, v35  }
0xf4: {  	v39 =	vld [tilespmem:s17+$0x4680];
	v1 =	vmul.f32 $1.442695020e+00, v1  }
0xf5: {  	v40 =	vld [tilespmem:s17+$0x4700];
	[tilespmem:$0x1F7D0] =	vst v38;
	v38 =	vpop (erf);
	(erf) = vpow2.f32 v37  }
0xf6: {  	v36 =	vadd.f32 v42, v36;
	v42 =	vpop (erf);
	(erf) = vpow2.f32 v1;
	v1 =	vld [tilespmem:$0x1FE40];
	_ =	sdelay $0x4  }
0xf7: {  	v38 =	vmul.f32 v39, v38;
	v39 =	vmul.f32 v40, v42;
	v40 =	vnsel vm4, $0xF149F2CA, v1;
	v1 =	vld [tilespmem:$0x1F6A0];
	_ =	sdelay $0x4  }
0xf8: {  	vm0 =	vnez.u8 v1  }
0xf9: {  	v1 =	vnsel vm0, $0x0, v38  }
0xfa: {  	[tilespmem:$0x1F810] =	vst v1;
	v1 =	vld [tilespmem:$0x1F6B0]  }
0xfb: {  	v35 =	vld [tilespmem:s17+$0x4780];
	_ =	sdelay $0x3  }
0xfc: {  	v43 =	vld [tilespmem:$0x1F6C0];
	v36 =	vadd.f32 v1, v36;
	v1 =	vpop (erf)  }
0xfd: {  	v38 =	vmax.f32 v40, v2;
	v1 =	vmul.f32 v35, v1  }
0xfe: {  	v40 =	vsel vm3, v38, v40  }
0xff: {  	v38 =	vmax.f32 v40, v0;
	v0 =	vnsel vm14, $0x0, v1  }
0x100: {  	[tilespmem:$0x1F880] =	vst v0;
	v0 =	vld [tilespmem:s17+$0x5580]  }
0x101: {  	vm0 =	vnez.u8 v43;
	v43 =	vld [tilespmem:$0x1F6D0];
	_ =	sdelay $0x2  }
0x102: {  	v37 =	vnsel vm0, $0x0, v39;
	v39 =	vld [tilespmem:s17+$0x4880]  }
0x103: {  	[tilespmem:$0x1F700] =	vst v0;
	v0 =	vld [tilespmem:$0x1F6E0]  }
0x104: {  	v36 =	vadd.f32 v43, v36  }
0x105: {  	v41 =	vnsel vm12, $0x0, v41  }
0x106: {  	v36 =	vadd.f32 v41, v36  }
0x107: {  	v42 =	vld [tilespmem:s17+$0x4800];
	[tilespmem:$0x1F6F0] =	vst v39  }
0x108: {  	v36 =	vadd.f32 v0, v36;
	v0 =	vld [tilespmem:$0x1F6F0];
	_ =	sdelay $0x2  }
0x109: {  	v38 =	vsel vm2, v38, v40;
	v40 =	vsub.f32 v47, v34;
	v1 =	vpop (erf)  }
0x10a: {  	v35 =	vsub.f32 v25, v34;
	v39 =	vmul.f32 v42, v1;
	v1 =	vpop (erf)  }
0x10b: {  	v46 =	vmax.f32 v38, v46;
	v40 =	vmul.f32 $1.442695020e+00, v40;
	v1 =	vmul.f32 v0, v1;
	v0 =	vld [tilespmem:$0x1F700]  }
0x10c: {  	v35 =	vmul.f32 $1.442695020e+00, v35;
	_ =	sdelay $0x1  }
0x10d: {  	v38 =	vsel vm5, v46, v38;
	(erf) = vpow2.f32 v35;
	v46 =	vpop (erf)  }
0x10e: {  	(erf) = vpow2.f32 v40;
	v40 =	vpop (erf)  }
0x10f: {  	v40 =	vmul.f32 v0, v40;
	v0 =	vld [tilespmem:$0x1F710];
	_ =	sdelay $0x4  }
0x110: {  	vm0 =	vnez.u8 v0  }
0x111: {  	v0 =	vnsel vm0, $0x0, v39  }
0x112: {  	[tilespmem:$0x1F8B0] =	vst v0;
	v0 =	vld [tilespmem:$0x1F720];
	_ =	sdelay $0x4  }
0x113: {  	vm0 =	vnez.u8 v0  }
0x114: {  	v0 =	vnsel vm0, $0x0, v1;
	v1 =	vld [tilespmem:$0x1FFD0];
	_ =	sdelay $0x4  }
0x115: {  	vm0 =	vge.s32 v33, v1;
	v1 =	vld [tilespmem:$0x1FFF0];
	_ =	sdelay $0x4  }
0x116: {  	vm1 =	vle.s32 v33, v1;
	v1 =	vld [tilespmem:$0x1FF70];
	_ =	sdelay $0x4  }
0x117: {  	vm11 =	vmand vm0, vm1;
	vm0 =	vge.s32 v33, v1;
	v1 =	vld [tilespmem:$0x1FF90];
	_ =	sdelay $0x4  }
0x118: {  	vm1 =	vle.s32 v33, v1;
	v1 =	vld [tilespmem:$0x1FFB0];
	_ =	sdelay $0x4  }
0x119: {  	vm2 =	vge.s32 v33, v1;
	v1 =	vld [tilespmem:$0x1FFE0];
	_ =	sdelay $0x1  }
0x11a: {  	v43 =	vld [tilespmem:s17+$0x4900]  }
0x11b: {  	[tilespmem:$0x1F850] =	vst v37;
	v37 =	vld [tilespmem:s17+$0x5600];
	_ =	sdelay $0x1  }
0x11c: {  	v41 =	vsub.f32 v26, v34;
	vm3 =	vle.s32 v33, v1;
	v1 =	vld [tilespmem:$0x1FF10];
	_ =	sdelay $0x1  }
0x11d: {  	v35 =	vmul.f32 $1.442695020e+00, v41;
	v41 =	vmul.f32 v43, v46;
	v46 =	vpop (erf)  }
0x11e: {  	v37 =	vmul.f32 v37, v46  }
0x11f: {  	[tilespmem:$0x1F8E0] =	vst v0;
	v0 =	vnsel vm13, $0x0, v41  }
0x120: {  	[tilespmem:$0x1F910] =	vst v0;
	v0 =	vnsel vm7, $0x0, v37;
	vm7 =	vmand vm0, vm1;
	vm0 =	vge.s32 v33, v1;
	v1 =	vld [tilespmem:$0x1FF50];
	_ =	sdelay $0x4  }
0x121: {  	(erf) = vpow2.f32 v35;
	v35 =	vmax.f32 v38, v13;
	vm1 =	vle.s32 v33, v1;
	v1 =	vld [tilespmem:$0x1FEF0]  }
0x122: {  	v35 =	vsel vm6, v35, v38  }
0x123: {  	v39 =	vmax.f32 v35, v44  }
0x124: {  	v35 =	vsel vm11, v39, v35  }
0x125: {  	v40 =	vnsel vm8, $0x0, v40;
	v42 =	vmax.f32 v35, v17;
	vm8 =	vmand vm2, vm3  }
0x126: {  	v35 =	vsel vm8, v42, v35;
	vm4 =	vmand vm0, vm1;
	vm0 =	vge.s32 v33, v1;
	v1 =	vld [tilespmem:$0x1FF30]  }
0x127: {  	v46 =	vmax.f32 v35, v60  }
0x128: {  	v35 =	vsel vm7, v46, v35;
	v46 =	vld [tilespmem:$0x1FED0];
	_ =	sdelay $0x1  }
0x129: {  	[tilespmem:$0x1F970] =	vst v0;
	v0 =	vimm.s32 $0x0  }
0x12a: {  	v0 =	vsel vm4, $0xFFFFFFFF, v0;
	vm1 =	vle.s32 v33, v1  }
0x12b: {  	[tilespmem:$0x1FD60] =	vst v0;
	v0 =	vimm.s32 $0x0;
	vm2 =	vmand vm0, vm1  }
0x12c: {  	vm0 =	vge.s32 v33, v46;
	v46 =	vld [tilespmem:$0x1FEE0];
	v0 =	vsel vm2, $0xFFFFFFFF, v0  }
0x12d: {  	[tilespmem:$0x1FDA0] =	vst v0;
	v0 =	vld [tilespmem:$0x1F730];
	_ =	sdelay $0x1  }
0x12e: {  	v38 =	vsub.f32 v27, v34;
	_ =	sdelay $0x1  }
0x12f: {  	v41 =	vmul.f32 $1.442695020e+00, v38;
	vm3 =	vle.s32 v33, v46  }
0x130: {  	vm1 =	vmand vm0, vm3;
	v38 =	vadd.f32 v0, v36;
	v0 =	vimm.s32 $0x0  }
0x131: {  	v0 =	vsel vm1, $0xFFFFFFFF, v0  }
0x132: {  	[tilespmem:$0x1FDD0] =	vst v0;
	v0 =	vld [tilespmem:$0x1F740];
	_ =	sdelay $0x4  }
0x133: {  	v38 =	vadd.f32 v0, v38;
	v0 =	vld [tilespmem:$0x1F750];
	_ =	sdelay $0x4  }
0x134: {  	vm0 =	vnez.u8 v0;
	v0 =	vld [tilespmem:$0x1F760]  }
0x135: {  	v42 =	vsub.f32 v12, v34;
	_ =	sdelay $0x1  }
0x136: {  	v43 =	vld [tilespmem:s17+$0x5680];
	v37 =	vmul.f32 $1.442695020e+00, v42;
	v42 =	vsub.f32 v18, v34  }
0x137: {  	(erf) = vpow2.f32 v41;
	v41 =	vld [tilespmem:s17+$0x5700]  }
0x138: {  	v38 =	vadd.f32 v0, v38;
	v0 =	vld [tilespmem:$0x1F770];
	_ =	sdelay $0x1  }
0x139: {  	v1 =	vmax.f32 v35, v45;
	v36 =	vmul.f32 $1.442695020e+00, v42;
	v42 =	vpop (erf)  }
0x13a: {  	(erf) = vpow2.f32 v37;
	v1 =	vsel vm4, v1, v35;
	v42 =	vmul.f32 v43, v42  }
0x13b: {  	v35 =	vmax.f32 v1, v52;
	v46 =	vpop (erf);
	(erf) = vpow2.f32 v36  }
0x13c: {  	v36 =	vmul.f32 v41, v46;
	v41 =	vnsel vm0, $0x0, v42;
	vm0 =	vnez.u8 v0;
	v0 =	vld [tilespmem:$0x1F780]  }
0x13d: {  	v39 =	vld [tilespmem:s17+$0x5780];
	v1 =	vsel vm2, v35, v1  }
0x13e: {  	v46 =	vmax.f32 v1, v54  }
0x13f: {  	v1 =	vsel vm1, v46, v1;
	v46 =	vld [tilespmem:$0x1FEC0]  }
0x140: {  	v42 =	vld [tilespmem:$0x1FEA0]  }
0x141: {  	v43 =	vpop (erf);
	v36 =	vnsel vm0, $0x0, v36;
	vm0 =	vnez.u8 v0;
	v0 =	vld [tilespmem:$0x1F790]  }
0x142: {  	v35 =	vmul.f32 v39, v43;
	v43 =	vld [tilespmem:$0x1FEB0];
	_ =	sdelay $0x2  }
0x143: {  	vm4 =	vle.s32 v33, v46;
	vm3 =	vge.s32 v33, v42;
	v35 =	vnsel vm0, $0x0, v35  }
0x144: {  	vm0 =	vmand vm3, vm4;
	vm6 =	vle.s32 v33, v0;
	v0 =	vimm.s32 $0x0  }
0x145: {  	vm5 =	vge.s32 v33, v43;
	v0 =	vsel vm0, $0xFFFFFFFF, v0  }
0x146: {  	vm1 =	vmand vm5, vm6;
	[tilespmem:$0x1FE00] =	vst v0;
	v0 =	vimm.s32 $0x0  }
0x147: {  	v0 =	vsel vm1, $0xFFFFFFFF, v0  }
0x148: {  	[tilespmem:$0x1FE10] =	vst v0;
	v0 =	vld [tilespmem:$0x1F7A0];
	_ =	sdelay $0x4  }
0x149: {  	v38 =	vadd.f32 v0, v38;
	v0 =	vld [tilespmem:$0x1F7B0];
	_ =	sdelay $0x2  }
0x14a: {  	v37 =	vld [tilespmem:s17+$0x5800];
	v46 =	vmax.f32 v1, v53  }
0x14b: {  	v1 =	vsel vm0, v46, v1;
	v46 =	vld [tilespmem:$0x1FE90]  }
0x14c: {  	vm6 =	vle.s32 v33, v0;
	v0 =	vld [tilespmem:$0x1F7C0];
	_ =	sdelay $0x2  }
0x14d: {  	v42 =	vpop (erf)  }
0x14e: {  	v37 =	vmul.f32 v37, v42  }
0x14f: {  	vm3 =	vge.s32 v33, v46;
	vm0 =	vnez.u8 v0  }
0x150: {  	v0 =	vimm.s32 $0x0;
	v37 =	vnsel vm0, $0x0, v37;
	vm0 =	vmand vm3, vm6  }
0x151: {  	v0 =	vsel vm0, $0xFFFFFFFF, v0  }
0x152: {  	[tilespmem:$0x1FE30] =	vst v0;
	v0 =	vld [tilespmem:$0x1F7D0];
	_ =	sdelay $0x4  }
0x153: {  	v38 =	vadd.f32 v0, v38;
	v0 =	vld [tilespmem:$0x1F7F0];
	_ =	sdelay $0x3  }
0x154: {  	v39 =	vld [tilespmem:s17+$0x5880]  }
0x155: {  	vm9 =	vle.s32 v33, v0;
	v0 =	vld [tilespmem:$0x1F800];
	_ =	sdelay $0x1  }
0x156: {  	v43 =	vmax.f32 v1, v50  }
0x157: {  	v1 =	vsel vm1, v43, v1;
	v46 =	vpop (erf)  }
0x158: {  	v39 =	vmul.f32 v39, v46;
	v46 =	vmax.f32 v1, v49  }
0x159: {  	v1 =	vsel vm0, v46, v1;
	vm0 =	vnez.u8 v0;
	v0 =	vld [tilespmem:$0x1F810];
	_ =	sdelay $0x4  }
0x15a: {  	v38 =	vadd.f32 v0, v38;
	v0 =	vld [tilespmem:$0x1F820];
	_ =	sdelay $0x3  }
0x15b: {  	v13 =	vld [tilespmem:$0x1F7E0]  }
0x15c: {  	v39 =	vnsel vm0, $0x0, v39;
	vm0 =	vnez.u8 v0;
	v0 =	vld [tilespmem:$0x1F830];
	_ =	sdelay $0x3  }
0x15d: {  	vm6 =	vge.s32 v33, v13  }
0x15e: {  	vm6 =	vmand vm6, vm9;
	vm9 =	vge.s32 v33, v0;
	v0 =	vld [tilespmem:$0x1F840];
	_ =	sdelay $0x4  }
0x15f: {  	vm10 =	vle.s32 v33, v0;
	v0 =	vld [tilespmem:$0x1F850];
	_ =	sdelay $0x2  }
0x160: {  	v42 =	vld [tilespmem:s17+$0x5900];
	_ =	sdelay $0x1  }
0x161: {  	v38 =	vadd.f32 v0, v38;
	v0 =	vld [tilespmem:$0x1F860];
	_ =	sdelay $0x1  }
0x162: {  	v46 =	vpop (erf)  }
0x163: {  	v42 =	vmul.f32 v42, v46;
	v46 =	vmax.f32 v1, v56  }
0x164: {  	v1 =	vsel vm6, v46, v1  }
0x165: {  	v43 =	vmax.f32 v1, v61;
	vm9 =	vmand vm9, vm10;
	vm10 =	vge.s32 v33, v0;
	v0 =	vld [tilespmem:$0x1F870]  }
0x166: {  	v46 =	vsel vm9, v43, v1;
	v1 =	vld [tilespmem:$0x1F890];
	_ =	sdelay $0x3  }
0x167: {  	vm12 =	vle.s32 v33, v0  }
0x168: {  	vm13 =	vmand vm10, vm12;
	vm10 =	vge.s32 v33, v1;
	v1 =	vld [tilespmem:$0x1F8A0];
	_ =	sdelay $0x2  }
0x169: {  	v0 =	vld [tilespmem:$0x1F880];
	_ =	sdelay $0x1  }
0x16a: {  	vm12 =	vle.s32 v33, v1;
	v1 =	vld [tilespmem:$0x1F8B0];
	_ =	sdelay $0x2  }
0x16b: {  	v38 =	vadd.f32 v0, v38;
	_ =	sdelay $0x1  }
0x16c: {  	v38 =	vadd.f32 v1, v38;
	v1 =	vld [tilespmem:$0x1F8C0];
	_ =	sdelay $0x4  }
0x16d: {  	vm10 =	vmand vm10, vm12;
	vm12 =	vge.s32 v33, v1;
	v1 =	vld [tilespmem:$0x1F8D0];
	_ =	sdelay $0x4  }
0x16e: {  	vm14 =	vle.s32 v33, v1;
	v1 =	vld [tilespmem:$0x1F8E0];
	_ =	sdelay $0x4  }
0x16f: {  	v38 =	vadd.f32 v1, v38;
	v1 =	vld [tilespmem:$0x1F8F0];
	_ =	sdelay $0x4  }
0x170: {  	vm12 =	vmand vm12, vm14;
	vm14 =	vge.s32 v33, v1;
	v1 =	vld [tilespmem:$0x1F900];
	_ =	sdelay $0x4  }
0x171: {  	vm15 =	vle.s32 v33, v1;
	v1 =	vld [tilespmem:$0x1F910];
	_ =	sdelay $0x1  }
0x172: {  	v43 =	vmax.f32 v46, v62  }
0x173: {  	v42 =	vnsel vm0, $0x0, v42;
	vm0 =	vle.s32 v33, v57;
	v0 =	vsel vm13, v43, v46  }
0x174: {  	v43 =	vmax.f32 v0, v15;
	vm14 =	vmand vm14, vm15;
	vm15 =	vge.s32 v33, v55  }
0x175: {  	vm0 =	vmand vm15, vm0;
	v38 =	vadd.f32 v1, v38;
	v1 =	vimm.s32 $0x0  }
0x176: {  	v0 =	vsel vm10, v43, v0;
	v1 =	vsel vm0, $0xFFFFFFFF, v1  }
0x177: {  	v43 =	vmax.f32 v0, v9;
	[tilespmem:$0x1F940] =	vst v1;
	v1 =	vld [tilespmem:$0x1F950]  }
0x178: {  	v0 =	vsel vm12, v43, v0  }
0x179: {  	v43 =	vmax.f32 v0, v11  }
0x17a: {  	v0 =	vsel vm14, v43, v0  }
0x17b: {  	[tilespmem:$0x1F930] =	vst v57;
	v57 =	vmax.f32 v0, v63  }
0x17c: {  	v0 =	vsel vm0, v57, v0;
	vm0 =	vge.s32 v33, v1;
	v1 =	vld [tilespmem:$0x1F970];
	_ =	sdelay $0x2  }
0x17d: {  	v38 =	vadd.f32 v40, v38  }
0x17e: {  	vm15 =	vle.s32 v33, v58  }
0x17f: {  	vm0 =	vmand vm0, vm15;
	v38 =	vadd.f32 v1, v38;
	v1 =	vimm.s32 $0x0  }
0x180: {  	v1 =	vsel vm0, $0xFFFFFFFF, v1  }
0x181: {  	[tilespmem:$0x1F980] =	vst v1;
	v1 =	vld [tilespmem:$0x1F990];
	_ =	sdelay $0x3  }
0x182: {  	v40 =	vmax.f32 v0, v16  }
0x183: {  	v0 =	vsel vm0, v40, v0;
	vm0 =	vge.s32 v33, v1;
	v1 =	vld [tilespmem:$0x1F9A0];
	_ =	sdelay $0x2  }
0x184: {  	v38 =	vadd.f32 v41, v38;
	_ =	sdelay $0x1  }
0x185: {  	v40 =	vmax.f32 v0, v3;
	v36 =	vadd.f32 v36, v38;
	vm15 =	vle.s32 v33, v1  }
0x186: {  	v1 =	vimm.s32 $0x0;
	vm0 =	vmand vm0, vm15;
	vm15 =	vle.s32 v33, v20  }
0x187: {  	v1 =	vsel vm0, $0xFFFFFFFF, v1;
	v0 =	vsel vm0, v40, v0;
	vm0 =	vge.s32 v33, v23  }
0x188: {  	v35 =	vadd.f32 v35, v36;
	vm0 =	vmand vm0, vm15  }
0x189: {  	[tilespmem:$0x1F9B0] =	vst v1;
	v43 =	vmax.f32 v0, v21;
	v1 =	vimm.s32 $0x0;
	vm15 =	vle.s32 v33, v24  }
0x18a: {  	v1 =	vsel vm0, $0xFFFFFFFF, v1;
	v38 =	vsel vm0, v43, v0;
	vm0 =	vge.s32 v33, v48  }
0x18b: {  	[tilespmem:$0x1F9F0] =	vst v48;
	vm2 =	vle.s32 v33, v22;
	v35 =	vadd.f32 v37, v35;
	vm0 =	vmand vm0, vm15  }
0x18c: {  	[tilespmem:$0x1F9E0] =	vst v1;
	v48 =	vmax.f32 v38, v59;
	v1 =	vimm.s32 $0x0;
	vm15 =	vle.s32 v33, v10  }
0x18d: {  	v0 =	vld.msk [tilespmem:s13+$0x6780 ss:$0x0], $0xffff;
	v1 =	vsel vm0, $0xFFFFFFFF, v1;
	v36 =	vsel vm0, v48, v38;
	vm0 =	vge.s32 v33, v8  }
0x18e: {  	[tilespmem:$0x1F920] =	vst v55;
	vm1 =	vge.s32 v33, v6;
	v35 =	vadd.f32 v39, v35;
	vm0 =	vmand vm0, vm15  }
0x18f: {  	[tilespmem:$0x1FA10] =	vst v1;
	v55 =	vmax.f32 v36, v51;
	v1 =	vimm.s32 $0x0;
	vm15 =	vle.s32 v33, v14  }
0x190: {  	v1 =	vsel vm0, $0xFFFFFFFF, v1;
	v36 =	vsel vm0, v55, v36;
	vm0 =	vge.s32 v33, v19  }
0x191: {  	v35 =	vadd.f32 v42, v35;
	vm0 =	vmand vm0, vm15;
	v37 =	vmax.f32 v36, v25  }
0x192: {  	[tilespmem:$0x1FA40] =	vst v1;
	v1 =	vimm.s32 $0x0;
	v34 =	vsub.f32 v0, v34;
	vm15 =	vle.s32 v33, v7  }
0x193: {  	v1 =	vsel vm0, $0xFFFFFFFF, v1;
	v36 =	vsel vm0, v37, v36;
	vm0 =	vge.s32 v33, v30  }
0x194: {  	[tilespmem:$0x1FA80] =	vst v0;
	v0 =	vimm.s32 $0x0;
	vm0 =	vmand vm0, vm2;
	vm2 =	vmand vm1, vm15  }
0x195: {  	v37 =	vmax.f32 v36, v47;
	v34 =	vmul.f32 $1.442695020e+00, v34;
	vm1 =	vle.s32 v33, v32  }
0x196: {  	v0 =	vsel vm0, $0xFFFFFFFF, v0;
	v36 =	vsel vm0, v37, v36;
	vm0 =	vge.s32 v33, v31  }
0x197: {  	v57 =	vadd.f32 $1.000000020e-16, v35;
	v37 =	vmax.f32 v36, v26;
	vm15 =	vmand vm0, vm1  }
0x198: {  	[tilespmem:$0x1FAD0] =	vst v0;
	v0 =	vimm.s32 $0x0;
	(erf) = vpow2.f32 v34;
	v36 =	vsel vm2, v37, v36  }
0x199: {  	[tilespmem:$0x1F960] =	vst v58;
	vm0 =	vge.s32 v33, v4;
	vm1 =	vle.s32 v33, v5;
	v58 =	vmax.f32 v36, v27  }
0x19a: {  	[tilespmem:$0x1FA00] =	vst v24;
	v0 =	vsel vm2, $0xFFFFFFFF, v0;
	vm0 =	vmand vm0, vm1;
	v35 =	vsel vm15, v58, v36  }
0x19b: {  	vm1 =	vle.s32 v33, v29;
	[tilespmem:$0x1FB10] =	vst v0;
	v0 =	vimm.s32 $0x0;
	v24 =	vmax.f32 v35, v12  }
0x19c: {  	v0 =	vsel vm0, $0xFFFFFFFF, v0;
	v34 =	vsel vm0, v24, v35;
	vm0 =	vge.s32 v33, v28  }
0x19d: {  	[tilespmem:$0x1FB60] =	vst v0;
	v0 =	vimm.s32 $0x0;
	vm0 =	vmand vm0, vm1  }
0x19e: {  	(erf) = vrcp.f32 v57;
	v0 =	vsel vm0, $0xFFFFFFFF, v0  }
0x19f: {  	[tilespmem:$0x1FBA0] =	vst v0;
	v0 =	vld [tilespmem:$0x1FBB0];
	_ =	sdelay $0x2  }
0x1a0: {  	[tilespmem:$0x1FAE0] =	vst v26;
	v26 =	vmax.f32 v34, v18  }
0x1a1: {  	v34 =	vsel vm0, v26, v34  }
0x1a2: {  	v33 =	vsub.f32 v0, v34;
	_ =	sdelay $0x1  }
0x1a3: {  	v40 =	vpop (erf);
	v33 =	vmul.f32 $1.442695020e+00, v33  }
0x1a4: {  	s17 =	simm.s32 $0x80;
	v42 =	vpop (erf)  }
0x1a5: {  	s18 =	sand.u32 $0x70, s18;
	s31 =	sand.u32 $0xC00, s17;
	(erf) = vpow2.f32 v33;
	v33 =	vmul.f32 v42, v40  }
0x1a6: {  	s20 =	sor.u32 s18, s31;
	s18 =	simm.s32 $0x20;
	v0 =	vlaneseq.u32  }
0x1a7: {  	[tilespmem:s14+$0x0] =	vst v33;
	v33 =	vor.u32 s18, v0;
	v0 =	vld [tilespmem:$0x1FC10];
	_ =	sdelay $0x4  }
0x1a8: {  	vm0 =	vge.s32 v33, v0;
	v0 =	vld [tilespmem:$0x1FC20];
	_ =	sdelay $0x4  }
0x1a9: {  	vm1 =	vle.s32 v33, v0;
	v0 =	vld [tilespmem:$0x1FC40];
	_ =	sdelay $0x4  }
0x1aa: {  	vm4 =	vmand vm0, vm1;
	vm0 =	vge.s32 v33, v0;
	v0 =	vld [tilespmem:$0x1FC50];
	_ =	sdelay $0x4  }
0x1ab: {  	vm1 =	vle.s32 v33, v0;
	v0 =	vld [tilespmem:$0x1FC60];
	_ =	sdelay $0x2  }
0x1ac: {  	[tilespmem:$0x1FA70] =	vst v1;
	v1 =	vld [tilespmem:$0x1FBE0];
	_ =	sdelay $0x1  }
0x1ad: {  	vm3 =	vmand vm0, vm1;
	vm0 =	vge.s32 v33, v0;
	v0 =	vld [tilespmem:$0x1FC70];
	_ =	sdelay $0x1  }
0x1ae: {  	v46 =	vmov v3;
	v3 =	vld [tilespmem:$0x1FBC0]  }
0x1af: {  	[tilespmem:$0x1FB20] =	vst v27;
	v55 =	vsub.f32 v1, v34;
	v58 =	vld [tilespmem:s20+$0x2580]  }
0x1b0: {  	[tilespmem:$0x1FB30] =	vst v4;
	v4 =	vld [tilespmem:$0x1FBD0];
	v27 =	vsub.f32 v2, v34  }
0x1b1: {  	vm1 =	vle.s32 v33, v0;
	v0 =	vld [tilespmem:$0x1FC80]  }
0x1b2: {  	v35 =	vmul.f32 $1.442695020e+00, v27  }
0x1b3: {  	[tilespmem:$0x1FA90] =	vst v6;
	v6 =	vld [tilespmem:$0x1FCA0];
	v41 =	vsub.f32 v3, v34;
	v24 =	vmul.f32 $1.442695020e+00, v55;
	v55 =	vpop (erf)  }
0x1b4: {  	(erf) = vpow2.f32 v35;
	v35 =	vmul.f32 v58, v55  }
0x1b5: {  	v43 =	vsub.f32 v4, v34;
	v36 =	vmul.f32 $1.442695020e+00, v41  }
0x1b6: {  	v35 =	vadd.f32 $0.0e+00, v35;
	vm5 =	vmand vm0, vm1;
	vm0 =	vnez.u8 v0  }
0x1b7: {  	(erf) = vpow2.f32 v36;
	vm0 =	vmmov vm0  }
0x1b8: {  	v48 =	vmul.f32 $1.442695020e+00, v43;
	v0 =	vnsel vm0, $0x0, v35;
	vm0 =	vnez.u8 v6;
	v6 =	vld [tilespmem:$0x1FCB0]  }
0x1b9: {  	v27 =	vld [tilespmem:s20+$0x2600]  }
0x1ba: {  	v57 =	vsub.f32 v44, v34;
	(erf) = vpow2.f32 v48  }
0x1bb: {  	v26 =	vsub.f32 v17, v34  }
0x1bc: {  	[tilespmem:$0x1FBF0] =	vst v44;
	v36 =	vmul.f32 $1.442695020e+00, v57;
	v38 =	vld [tilespmem:s20+$0x2680];
	(erf) = vpow2.f32 v24  }
0x1bd: {  	[tilespmem:$0x1FC30] =	vst v60;
	v44 =	vmul.f32 $1.442695020e+00, v26;
	v48 =	vsub.f32 v60, v34;
	v60 =	vpop (erf);
	vm1 =	vnez.u8 v6;
	v6 =	vld [tilespmem:$0x1FCC0]  }
0x1be: {  	(erf) = vpow2.f32 v36;
	v37 =	vmul.f32 v27, v60  }
0x1bf: {  	[tilespmem:$0x1FB40] =	vst v5;
	v57 =	vld [tilespmem:s20+$0x2700];
	vm0 =	vmmov vm0  }
0x1c0: {  	[tilespmem:$0x1FC90] =	vst v45;
	v26 =	vsub.f32 v45, v34;
	v5 =	vld [tilespmem:s20+$0x2780];
	(erf) = vpow2.f32 v44;
	v24 =	vpop (erf);
	v45 =	vnsel vm0, $0x0, v37  }
0x1c1: {  	v38 =	vmul.f32 v38, v24;
	v24 =	vadd.f32 v45, v0;
	v0 =	vld [tilespmem:$0x1FCE0]  }
0x1c2: {  	v58 =	vmul.f32 $1.442695020e+00, v48;
	vm2 =	vnez.u8 v6  }
0x1c3: {  	v39 =	vmul.f32 $1.442695020e+00, v26;
	v27 =	vld [tilespmem:s20+$0x2800];
	v35 =	vpop (erf);
	vm2 =	vmmov vm2  }
0x1c4: {  	(erf) = vpow2.f32 v58;
	v40 =	vmul.f32 v57, v35;
	v41 =	vnsel vm2, $0x0, v38  }
0x1c5: {  	v48 =	vpop (erf);
	(erf) = vpow2.f32 v39;
	vm1 =	vmmov vm1;
	v6 =	vld [tilespmem:s20+$0x2880];
	v38 =	vadd.f32 v41, v24  }
0x1c6: {  	v55 =	vmul.f32 v5, v48;
	v40 =	vnsel vm1, $0x0, v40;
	vm0 =	vnez.u8 v0  }
0x1c7: {  	v57 =	vsub.f32 v52, v34;
	v60 =	vpop (erf);
	vm0 =	vmmov vm0;
	v38 =	vadd.f32 v40, v38  }
0x1c8: {  	v26 =	vmul.f32 v27, v60;
	v37 =	vnsel vm0, $0x0, v55  }
0x1c9: {  	v39 =	vmul.f32 $1.442695020e+00, v57;
	v27 =	vsub.f32 v54, v34;
	v44 =	vpop (erf);
	v37 =	vadd.f32 v37, v38  }
0x1ca: {  	v36 =	vnsel vm11, $0x0, v26;
	v35 =	vmul.f32 v6, v44  }
0x1cb: {  	[tilespmem:$0x1FCF0] =	vst v54;
	v54 =	vld [tilespmem:s20+$0x3580];
	(erf) = vpow2.f32 v39;
	v45 =	vmul.f32 $1.442695020e+00, v27;
	v36 =	vadd.f32 v36, v37  }
0x1cc: {  	v5 =	vld [tilespmem:$0x1FD60];
	v0 =	vnsel vm8, $0x0, v35  }
0x1cd: {  	v36 =	vadd.f32 v0, v36;
	v0 =	vld [tilespmem:$0x1FDA0]  }
0x1ce: {  	[tilespmem:$0x1FCD0] =	vst v52;
	v52 =	vpop (erf)  }
0x1cf: {  	(erf) = vpow2.f32 v45;
	v45 =	vpop (erf)  }
0x1d0: {  	[tilespmem:$0x1FD00] =	vst v53;
	v48 =	vsub.f32 v53, v34;
	v53 =	vsub.f32 v50, v34;
	v26 =	vld [tilespmem:s20+$0x3600];
	v35 =	vmul.f32 v54, v45  }
0x1d1: {  	vm0 =	vnez.u8 v5  }
0x1d2: {  	v6 =	vnsel vm0, $0x0, v35;
	vm0 =	vnez.u8 v0;
	v0 =	vld [tilespmem:$0x1FDB0];
	_ =	sdelay $0x1  }
0x1d3: {  	v57 =	vmul.f32 $1.442695020e+00, v53;
	v53 =	vpop (erf)  }
0x1d4: {  	v37 =	vmul.f32 v26, v53;
	_ =	sdelay $0x1  }
0x1d5: {  	[tilespmem:$0x1FD40] =	vst v61;
	v27 =	vsub.f32 v61, v34;
	v37 =	vnsel vm0, $0x0, v37;
	v61 =	vmovc v0;
	vm0 =	vge.s32 v33, v0;
	v0 =	vld [tilespmem:$0x1FDC0]  }
0x1d6: {  	v58 =	vld [tilespmem:s20+$0x2900];
	_ =	sdelay $0x1  }
0x1d7: {  	v55 =	vmul.f32 $1.442695020e+00, v48;
	_ =	sdelay $0x1  }
0x1d8: {  	[tilespmem:$0x1FD50] =	vst v62;
	v48 =	vsub.f32 v62, v34;
	(erf) = vpow2.f32 v55;
	v62 =	vmovc v0;
	vm1 =	vle.s32 v33, v0;
	v0 =	vld [tilespmem:$0x1FDD0]  }
0x1d9: {  	v42 =	vmul.f32 v58, v52;
	v58 =	vsub.f32 v49, v34;
	_ =	sdelay $0x1  }
0x1da: {  	[tilespmem:$0x1FD10] =	vst v50;
	v50 =	vld [tilespmem:s20+$0x3680];
	v24 =	vmul.f32 $1.442695020e+00, v58  }
0x1db: {  	v60 =	vsub.f32 v56, v34;
	v55 =	vld [tilespmem:s20+$0x3700]  }
0x1dc: {  	(erf) = vpow2.f32 v57;
	vm8 =	vmand vm0, vm1;
	vm0 =	vnez.u8 v0;
	v0 =	vld [tilespmem:$0x1FDE0];
	_ =	sdelay $0x1  }
0x1dd: {  	[tilespmem:$0x1FD20] =	vst v49;
	(erf) = vpow2.f32 v24;
	v38 =	vmul.f32 $1.442695020e+00, v60;
	v24 =	vpop (erf)  }
0x1de: {  	[tilespmem:$0x1FD30] =	vst v56;
	v56 =	vsub.f32 v9, v34;
	v49 =	vmul.f32 $1.442695020e+00, v27;
	v39 =	vmul.f32 v50, v24  }
0x1df: {  	v52 =	vmul.f32 $1.442695020e+00, v48;
	v58 =	vld [tilespmem:s20+$0x3780];
	v54 =	vsub.f32 v15, v34;
	(erf) = vpow2.f32 v38;
	v27 =	vpop (erf)  }
0x1e0: {  	v38 =	vmul.f32 v55, v27;
	v39 =	vnsel vm0, $0x0, v39;
	v55 =	vmovc v0;
	vm0 =	vge.s32 v33, v0;
	v0 =	vld [tilespmem:$0x1FDF0]  }
0x1e1: {  	v57 =	vmul.f32 $1.442695020e+00, v54;
	v26 =	vsub.f32 v11, v34;
	(erf) = vpow2.f32 v49  }
0x1e2: {  	v41 =	vmul.f32 $1.442695020e+00, v56;
	(erf) = vpow2.f32 v52  }
0x1e3: {  	v35 =	vmul.f32 $1.442695020e+00, v26;
	(erf) = vpow2.f32 v57  }
0x1e4: {  	v45 =	vpop (erf);
	(erf) = vpow2.f32 v41  }
0x1e5: {  	(erf) = vpow2.f32 v35;
	v35 =	vmul.f32 v58, v45;
	v58 =	vmovc v0;
	vm1 =	vle.s32 v33, v0;
	v0 =	vld [tilespmem:$0x1FE00];
	_ =	sdelay $0x4  }
0x1e6: {  	vm2 =	vmand vm0, vm1;
	vm0 =	vnez.u8 v0;
	v0 =	vld [tilespmem:$0x1FE10];
	_ =	sdelay $0x4  }
0x1e7: {  	v49 =	vpop (erf);
	v38 =	vnsel vm0, $0x0, v38;
	vm0 =	vnez.u8 v0;
	v0 =	vld [tilespmem:s20+$0x4600]  }
0x1e8: {  	v50 =	vpop (erf)  }
0x1e9: {  	v24 =	vpop (erf)  }
0x1ea: {  	v44 =	vpop (erf)  }
0x1eb: {  	v52 =	vpop (erf)  }
0x1ec: {  	v40 =	vnsel vm7, $0x0, v42;
	v53 =	vmul.f32 v0, v52;
	v0 =	vld [tilespmem:$0x1FE40]  }
0x1ed: {  	v36 =	vadd.f32 v40, v36;
	_ =	sdelay $0x1  }
0x1ee: {  	v36 =	vadd.f32 v6, v36;
	v6 =	vld [tilespmem:s20+$0x3880]  }
0x1ef: {  	v5 =	vld [tilespmem:s20+$0x3800]  }
0x1f0: {  	v56 =	vmov v0;
	v57 =	vnsel vm4, $0xF149F2CA, v0;
	v0 =	vimm.s32 $0x0  }
0x1f1: {  	v48 =	vld [tilespmem:s20+$0x4580];
	v36 =	vadd.f32 v37, v36;
	v0 =	vsel vm3, $0xFFFFFFFF, v0  }
0x1f2: {  	[tilespmem:$0x1FE60] =	vst v0;
	v0 =	vld [tilespmem:$0x1FE90]  }
0x1f3: {  	[tilespmem:$0x1FAA0] =	vst v7;
	v7 =	vld [tilespmem:s20+$0x3900];
	v37 =	vadd.f32 v39, v36;
	v39 =	vmul.f32 v6, v50;
	v6 =	vimm.s32 $0x0  }
0x1f4: {  	v45 =	vsub.f32 v63, v34;
	v26 =	vmul.f32 v5, v49;
	v5 =	vld [tilespmem:$0x1FE30];
	v6 =	vsel vm4, $0xFFFFFFFF, v6  }
0x1f5: {  	v27 =	vld [tilespmem:s20+$0x4680]  }
0x1f6: {  	v50 =	vmul.f32 $1.442695020e+00, v45;
	v60 =	vnsel vm0, $0x0, v35;
	v35 =	vmul.f32 v48, v44;
	v48 =	vld [tilespmem:s20+$0x4700]  }
0x1f7: {  	v39 =	vnsel vm6, $0x0, v39;
	[tilespmem:$0x1FE50] =	vst v6;
	v37 =	vadd.f32 v38, v37;
	v6 =	vmovc v0;
	vm6 =	vge.s32 v33, v0;
	v0 =	vld [tilespmem:$0x1FEA0]  }
0x1f8: {  	v36 =	vmul.f32 v7, v24;
	(erf) = vpow2.f32 v50  }
0x1f9: {  	v50 =	vsub.f32 v21, v34;
	vm0 =	vnez.u8 v5;
	v37 =	vadd.f32 v60, v37;
	v60 =	vpop (erf)  }
0x1fa: {  	v38 =	vnsel vm0, $0x0, v26;
	v5 =	vnsel vm13, $0x0, v35;
	v35 =	vmul.f32 v27, v60  }
0x1fb: {  	v49 =	vnsel vm9, $0x0, v36;
	v37 =	vadd.f32 v38, v37;
	v24 =	vpop (erf);
	v60 =	vsub.f32 v25, v34  }
0x1fc: {  	[tilespmem:$0x1FB90] =	vst v18;
	v41 =	vmul.f32 v48, v24;
	v26 =	vnsel vm12, $0x0, v35;
	v18 =	vmovc v0;
	vm12 =	vge.s32 v33, v0;
	v0 =	vld [tilespmem:$0x1FEB0]  }
0x1fd: {  	v54 =	vmul.f32 $1.442695020e+00, v50;
	v44 =	vsub.f32 v16, v34;
	v27 =	vadd.f32 v39, v37  }
0x1fe: {  	v48 =	vsub.f32 v46, v34;
	v39 =	vmul.f32 $1.442695020e+00, v60;
	v37 =	vnsel vm14, $0x0, v41  }
0x1ff: {  	[tilespmem:$0x1FE20] =	vst v63;
	v40 =	vadd.f32 v49, v27;
	v49 =	vmul.f32 $1.442695020e+00, v44;
	v63 =	vmax.f32 v57, v2  }
0x200: {  	v41 =	vmul.f32 $1.442695020e+00, v48;
	v36 =	vsel vm3, v63, v57;
	v57 =	vsub.f32 v51, v34  }
0x201: {  	v2 =	vnsel vm10, $0x0, v53;
	v53 =	vsub.f32 v59, v34;
	v60 =	vmovc v0;
	vm10 =	vge.s32 v33, v0;
	v0 =	vld [tilespmem:$0x1FEC0]  }
0x202: {  	[tilespmem:$0x1F9D0] =	vst v20;
	v20 =	vmovc v16;
	v16 =	vmov v59;
	(erf) = vpow2.f32 v49;
	v59 =	vmul.f32 $1.442695020e+00, v57  }
0x203: {  	(erf) = vpow2.f32 v41;
	v43 =	vmax.f32 v36, v3;
	v38 =	vmul.f32 $1.442695020e+00, v53  }
0x204: {  	(erf) = vpow2.f32 v54;
	v36 =	vsel vm2, v43, v36  }
0x205: {  	vm3 =	vmmov vm5;
	v63 =	vpop (erf);
	v45 =	vmax.f32 v36, v4;
	(erf) = vpow2.f32 v38  }
0x206: {  	v35 =	vsel vm5, v45, v36;
	(erf) = vpow2.f32 v59;
	v59 =	vmovc v0;
	vm5 =	vle.s32 v33, v0;
	v0 =	vld [tilespmem:$0x1FED0];
	_ =	sdelay $0x4  }
0x207: {  	v53 =	vmov v0;
	vm13 =	vge.s32 v33, v0;
	v0 =	vld [tilespmem:$0x1FEE0];
	_ =	sdelay $0x4  }
0x208: {  	v54 =	vmov v0;
	vm14 =	vle.s32 v33, v0;
	v0 =	vld [tilespmem:$0x1FEF0];
	_ =	sdelay $0x2  }
0x209: {  	v40 =	vadd.f32 v5, v40;
	_ =	sdelay $0x1  }
0x20a: {  	v40 =	vadd.f32 v2, v40;
	v2 =	vmovc v0;
	vm0 =	vge.s32 v33, v0;
	v0 =	vimm.s32 $0x0  }
0x20b: {  	v52 =	vld [tilespmem:s20+$0x4780];
	v0 =	vsel vm0, $0xFFFFFFFF, v0  }
0x20c: {  	[tilespmem:$0x1FF00] =	vst v0;
	v0 =	vld [tilespmem:$0x1FF10];
	_ =	sdelay $0x4  }
0x20d: {  	v41 =	vmul.f32 v52, v63;
	v63 =	vmovc v0;
	vm0 =	vge.s32 v33, v0;
	v0 =	vimm.s32 $0x0  }
0x20e: {  	v0 =	vsel vm0, $0xFFFFFFFF, v0  }
0x20f: {  	[tilespmem:$0x1FF20] =	vst v0;
	v0 =	vld [tilespmem:$0x1FF30];
	_ =	sdelay $0x4  }
0x210: {  	v52 =	vmov v0;
	vm0 =	vle.s32 v33, v0;
	v0 =	vimm.s32 $0x0  }
0x211: {  	v0 =	vsel vm0, $0xFFFFFFFF, v0  }
0x212: {  	[tilespmem:$0x1FF40] =	vst v0;
	v0 =	vld [tilespmem:$0x1FF50];
	_ =	sdelay $0x4  }
0x213: {  	v48 =	vmov v0;
	vm0 =	vle.s32 v33, v0;
	v0 =	vimm.s32 $0x0  }
0x214: {  	v0 =	vsel vm0, $0xFFFFFFFF, v0  }
0x215: {  	[tilespmem:$0x1FF60] =	vst v0;
	v0 =	vld [tilespmem:$0x1FF70];
	_ =	sdelay $0x4  }
0x216: {  	v36 =	vmax.f32 v35, v1;
	v1 =	vmovc v0;
	vm0 =	vge.s32 v33, v0;
	v0 =	vimm.s32 $0x0  }
0x217: {  	v0 =	vsel vm0, $0xFFFFFFFF, v0  }
0x218: {  	[tilespmem:$0x1FF80] =	vst v0;
	v0 =	vld [tilespmem:$0x1FF90];
	_ =	sdelay $0x4  }
0x219: {  	v57 =	vmov v0;
	vm0 =	vle.s32 v33, v0;
	v0 =	vimm.s32 $0x0  }
0x21a: {  	[tilespmem:$0x1F9C0] =	vst v23;
	v0 =	vsel vm0, $0xFFFFFFFF, v0  }
0x21b: {  	[tilespmem:$0x1FFA0] =	vst v0;
	v0 =	vld [tilespmem:$0x1FFB0]  }
0x21c: {  	[tilespmem:$0x1FA20] =	vst v8  }
0x21d: {  	[tilespmem:$0x1FA30] =	vst v10  }
0x21e: {  	[tilespmem:$0x1FA50] =	vst v19  }
0x21f: {  	[tilespmem:$0x1FA60] =	vst v14;
	v4 =	vld [tilespmem:$0x1FFD0]  }
0x220: {  	[tilespmem:$0x1FAB0] =	vst v30;
	v49 =	vmov v0;
	vm0 =	vge.s32 v33, v0;
	v0 =	vimm.s32 $0x0  }
0x221: {  	[tilespmem:$0x1FAC0] =	vst v22;
	v0 =	vsel vm0, $0xFFFFFFFF, v0  }
0x222: {  	[tilespmem:$0x1FAF0] =	vst v31  }
0x223: {  	[tilespmem:$0x1FB00] =	vst v32  }
0x224: {  	vm0 =	vge.s32 v33, v4;
	[tilespmem:$0x1FFC0] =	vst v0;
	v0 =	vmov v4;
	v4 =	vld [tilespmem:$0x1FFE0]  }
0x225: {  	[tilespmem:$0x1FB50] =	vst v12  }
0x226: {  	[tilespmem:$0x1FB70] =	vst v28  }
0x227: {  	[tilespmem:$0x1FB80] =	vst v29  }
0x228: {  	[tilespmem:$0x1FC00] =	vst v17  }
0x229: {  	[tilespmem:$0x1FD70] =	vst v15;
	v14 =	vmov v51;
	v51 =	vmov v4;
	vm9 =	vle.s32 v33, v4;
	v4 =	vld [tilespmem:$0x1FFF0]  }
0x22a: {  	[tilespmem:$0x1FD80] =	vst v9  }
0x22b: {  	[tilespmem:$0x1FD90] =	vst v11  }
0x22c: {  	[tilespmem:$0x1FE70] =	vst v25  }
0x22d: {  	[tilespmem:$0x1FE80] =	vst v47;
	v10 =	vmovc v13;
	v31 =	vmov v21;
	v42 =	vld [tilespmem:s20+$0x4800];
	vm4 =	vge.s32 v33, v13;
	v3 =	vmov v46  }
0x22e: {  	s21 =	simm.s32 $0x30;
	s19 =	simm.s32 $0x6580;
	v43 =	vld [tilespmem:s20+$0x4880];
	v38 =	vadd.f32 v26, v40;
	v40 =	vsub.f32 v47, v34;
	v47 =	vmovc v4;
	vm11 =	vle.s32 v33, v4  }
.LBB2_2:
0x22f: {  	v4 =	vld [tilespmem:$0x1FE50];
	_ =	sdelay $0x4  }
0x230: {  	vm1 =	vnez.u8 v4  }
0x231: {  	v4 =	vimm.s32 $0x0;
	vm7 =	vmmov vm1  }
0x232: {  	v4 =	vsel vm7, $0xFFFFFFFF, v4  }
0x233: {  	[tilespmem:$0x1F3E0] =	vst v4;
	v4 =	vld [tilespmem:$0x1FE60];
	_ =	sdelay $0x4  }
0x234: {  	vm1 =	vnez.u8 v4  }
0x235: {  	v4 =	vimm.s32 $0x0;
	vm7 =	vmmov vm1  }
0x236: {  	v4 =	vsel vm7, $0xFFFFFFFF, v4  }
0x237: {  	vm1 =	vmmov vm3;
	[tilespmem:$0x1F3F0] =	vst v4;
	v4 =	vimm.s32 $0x0  }
0x238: {  	v4 =	vsel vm1, $0xFFFFFFFF, v4  }
0x239: {  	[tilespmem:$0x1F410] =	vst v4;
	v4 =	vld [tilespmem:$0x1F940];
	_ =	sdelay $0x4  }
0x23a: {  	vm1 =	vnez.u8 v4;
	v4 =	vld [tilespmem:$0x1F980];
	_ =	sdelay $0x4  }
0x23b: {  	v41 =	vnsel vm1, $0x0, v41;
	vm1 =	vnez.u8 v4;
	v4 =	vld [tilespmem:$0x1F9B0];
	_ =	sdelay $0x1  }
0x23c: {  	v45 =	vpop (erf)  }
0x23d: {  	v42 =	vmul.f32 v42, v45;
	_ =	sdelay $0x1  }
0x23e: {  	v42 =	vnsel vm1, $0x0, v42;
	vm1 =	vnez.u8 v4;
	v4 =	vld [tilespmem:$0x1F9E0];
	_ =	sdelay $0x1  }
0x23f: {  	v50 =	vld [tilespmem:$0x1FB20];
	v24 =	vpop (erf)  }
0x240: {  	v37 =	vadd.f32 v37, v38;
	v38 =	vld [tilespmem:s20+$0x4900];
	v43 =	vmul.f32 v43, v24  }
0x241: {  	v11 =	vld [tilespmem:$0x1FB50]  }
0x242: {  	v43 =	vnsel vm1, $0x0, v43;
	vm1 =	vnez.u8 v4;
	v4 =	vld [tilespmem:$0x1FA10];
	_ =	sdelay $0x1  }
0x243: {  	v7 =	vld [tilespmem:$0x1FAE0];
	v26 =	vpop (erf);
	v37 =	vadd.f32 v41, v37  }
0x244: {  	vm0 =	vmand vm0, vm11;
	v32 =	vsub.f32 v50, v34;
	v38 =	vmul.f32 v38, v26  }
0x245: {  	(erf) = vpow2.f32 v39;
	v25 =	vsub.f32 v11, v34;
	v37 =	vadd.f32 v42, v37  }
0x246: {  	v39 =	vld [tilespmem:s20+$0x5580];
	v38 =	vnsel vm1, $0x0, v38;
	vm1 =	vnez.u8 v4;
	v4 =	vimm.s32 $0x0  }
0x247: {  	v37 =	vadd.f32 v43, v37;
	v43 =	vmul.f32 $1.442695020e+00, v25;
	v25 =	vld [tilespmem:$0x1FB90];
	v4 =	vsel vm0, $0xFFFFFFFF, v4  }
0x248: {  	v44 =	vsub.f32 v7, v34;
	[tilespmem:$0x1F430] =	vst v4;
	v4 =	vld [tilespmem:$0x1FA40]  }
0x249: {  	v40 =	vmul.f32 $1.442695020e+00, v40  }
0x24a: {  	v27 =	vmul.f32 $1.442695020e+00, v44;
	v42 =	vmul.f32 $1.442695020e+00, v32;
	v32 =	vpop (erf)  }
0x24b: {  	v19 =	vld [tilespmem:$0x1FBF0];
	(erf) = vpow2.f32 v40;
	v39 =	vmul.f32 v39, v32  }
0x24c: {  	v40 =	vld [tilespmem:s20+$0x5600];
	(erf) = vpow2.f32 v27;
	v27 =	vsub.f32 v25, v34  }
0x24d: {  	v39 =	vnsel vm1, $0x0, v39;
	vm1 =	vnez.u8 v4;
	v4 =	vld [tilespmem:$0x1FFC0];
	_ =	sdelay $0x2  }
0x24e: {  	v35 =	vsel vm8, v36, v35;
	v24 =	vmul.f32 $1.442695020e+00, v27;
	v27 =	vpop (erf)  }
0x24f: {  	v32 =	vmax.f32 v35, v19;
	v8 =	vmul.f32 v40, v27  }
0x250: {  	v35 =	vsel vm0, v32, v35;
	vm0 =	vnez.u8 v4  }
0x251: {  	v5 =	vnsel vm1, $0x0, v8;
	v4 =	vimm.s32 $0x0;
	vm1 =	vmand vm0, vm9  }
0x252: {  	v4 =	vsel vm1, $0xFFFFFFFF, v4  }
0x253: {  	[tilespmem:$0x1F440] =	vst v4;
	v4 =	vld [tilespmem:$0x1FA70];
	_ =	sdelay $0x2  }
0x254: {  	v41 =	vld [tilespmem:s20+$0x5680];
	_ =	sdelay $0x1  }
0x255: {  	vm0 =	vnez.u8 v4;
	v4 =	vld [tilespmem:$0x1FF80]  }
0x256: {  	v46 =	vadd.f32 v38, v37  }
0x257: {  	v26 =	vpop (erf)  }
0x258: {  	(erf) = vpow2.f32 v42;
	v36 =	vadd.f32 v39, v46;
	v8 =	vmul.f32 v41, v26  }
0x259: {  	(erf) = vpow2.f32 v43;
	v43 =	vld [tilespmem:$0x1FC00]  }
0x25a: {  	v36 =	vadd.f32 v5, v36;
	v5 =	vnsel vm0, $0x0, v8;
	vm0 =	vnez.u8 v4;
	v4 =	vld [tilespmem:$0x1FFA0];
	_ =	sdelay $0x3  }
0x25b: {  	v42 =	vmax.f32 v35, v43  }
0x25c: {  	v35 =	vsel vm1, v42, v35;
	vm1 =	vnez.u8 v4  }
0x25d: {  	v4 =	vimm.s32 $0x0;
	vm1 =	vmand vm0, vm1  }
0x25e: {  	v4 =	vsel vm1, $0xFFFFFFFF, v4  }
0x25f: {  	[tilespmem:$0x1F450] =	vst v4;
	v4 =	vld [tilespmem:$0x1FAD0];
	_ =	sdelay $0x2  }
0x260: {  	v37 =	vld [tilespmem:s20+$0x5700];
	_ =	sdelay $0x1  }
0x261: {  	vm0 =	vnez.u8 v4;
	v4 =	vld [tilespmem:$0x1FF20];
	_ =	sdelay $0x1  }
0x262: {  	v46 =	vpop (erf)  }
0x263: {  	v37 =	vmul.f32 v37, v46  }
0x264: {  	v32 =	vld [tilespmem:$0x1FC30]  }
0x265: {  	v37 =	vnsel vm0, $0x0, v37;
	vm0 =	vnez.u8 v4;
	v4 =	vld [tilespmem:$0x1FF60];
	_ =	sdelay $0x3  }
0x266: {  	v42 =	vmax.f32 v35, v32  }
0x267: {  	v35 =	vsel vm1, v42, v35;
	vm1 =	vnez.u8 v4  }
0x268: {  	v4 =	vimm.s32 $0x0;
	vm1 =	vmand vm0, vm1  }
0x269: {  	v4 =	vsel vm1, $0xFFFFFFFF, v4  }
0x26a: {  	[tilespmem:$0x1F460] =	vst v4;
	v4 =	vld [tilespmem:$0x1FB10];
	_ =	sdelay $0x2  }
0x26b: {  	v45 =	vld [tilespmem:s20+$0x5780];
	_ =	sdelay $0x1  }
0x26c: {  	vm0 =	vnez.u8 v4;
	v4 =	vld [tilespmem:$0x1FF00];
	_ =	sdelay $0x1  }
0x26d: {  	(erf) = vpow2.f32 v24;
	v24 =	vpop (erf)  }
0x26e: {  	v8 =	vmul.f32 v45, v24  }
0x26f: {  	v44 =	vld [tilespmem:$0x1FC90]  }
0x270: {  	v36 =	vadd.f32 v5, v36;
	v5 =	vnsel vm0, $0x0, v8;
	vm0 =	vnez.u8 v4;
	v4 =	vld [tilespmem:$0x1FF40];
	_ =	sdelay $0x3  }
0x271: {  	v42 =	vmax.f32 v35, v44  }
0x272: {  	v27 =	vld [tilespmem:s20+$0x5800];
	v35 =	vsel vm1, v42, v35;
	vm1 =	vnez.u8 v4  }
0x273: {  	v45 =	vld [tilespmem:$0x1FCD0];
	v4 =	vimm.s32 $0x0;
	vm0 =	vmand vm0, vm1  }
0x274: {  	v40 =	vld [tilespmem:s20+$0x5880];
	v4 =	vsel vm0, $0xFFFFFFFF, v4  }
0x275: {  	v46 =	vld [tilespmem:$0x1FCF0];
	vm1 =	vmand vm13, vm14;
	[tilespmem:$0x1F470] =	vst v4;
	v4 =	vimm.s32 $0x0  }
0x276: {  	v4 =	vsel vm1, $0xFFFFFFFF, v4  }
0x277: {  	[tilespmem:$0x1F480] =	vst v4;
	v4 =	vld [tilespmem:$0x1FB60]  }
0x278: {  	v26 =	vpop (erf);
	v24 =	vmax.f32 v35, v45  }
0x279: {  	v8 =	vmul.f32 v27, v26;
	v27 =	vpop (erf);
	v35 =	vsel vm0, v24, v35  }
0x27a: {  	v39 =	vmul.f32 v40, v27;
	v27 =	vmax.f32 v35, v46  }
0x27b: {  	v35 =	vsel vm1, v27, v35  }
0x27c: {  	vm1 =	vmand vm12, vm5;
	vm0 =	vnez.u8 v4;
	v4 =	vimm.s32 $0x0  }
0x27d: {  	v4 =	vsel vm1, $0xFFFFFFFF, v4  }
0x27e: {  	[tilespmem:$0x1F490] =	vst v4;
	v4 =	vld [tilespmem:$0x1FBA0];
	_ =	sdelay $0x4  }
0x27f: {  	v39 =	vnsel vm0, $0x0, v39;
	vm0 =	vnez.u8 v4;
	v4 =	vld [tilespmem:$0x1FA80]  }
0x280: {  	v36 =	vadd.f32 v37, v36;
	v37 =	vld [tilespmem:s20+$0x5900]  }
0x281: {  	v13 =	vld [tilespmem:$0x1FD00]  }
0x282: {  	v40 =	vld [tilespmem:$0x1F790]  }
0x283: {  	v24 =	vld [tilespmem:$0x1FD10]  }
0x284: {  	v36 =	vadd.f32 v5, v36;
	v26 =	vpop (erf);
	v42 =	vsub.f32 v4, v34  }
0x285: {  	v5 =	vnsel vm15, $0x0, v8;
	v37 =	vmul.f32 v37, v26  }
0x286: {  	v36 =	vadd.f32 v5, v36;
	v41 =	vmax.f32 v35, v13;
	v34 =	vmul.f32 $1.442695020e+00, v42;
	v42 =	vld [tilespmem:$0x1F7B0]  }
0x287: {  	v27 =	vld [tilespmem:$0x1FD20];
	v35 =	vsel vm1, v41, v35;
	v37 =	vnsel vm0, $0x0, v37;
	vm0 =	vle.s32 v33, v40  }
0x288: {  	v41 =	vmax.f32 v35, v24;
	v36 =	vadd.f32 v39, v36;
	vm0 =	vmand vm10, vm0  }
0x289: {  	v35 =	vsel vm0, v41, v35;
	v41 =	vld [tilespmem:$0x1F7F0]  }
0x28a: {  	v36 =	vadd.f32 v37, v36;
	v4 =	vimm.s32 $0x0  }
0x28b: {  	v4 =	vsel vm0, $0xFFFFFFFF, v4;
	vm0 =	vle.s32 v33, v42  }
0x28c: {  	v37 =	vld [tilespmem:$0x1F840];
	v36 =	vadd.f32 $1.000000020e-16, v36;
	v26 =	vmax.f32 v35, v27;
	vm0 =	vmand vm6, vm0  }
0x28d: {  	[tilespmem:$0x1F4A0] =	vst v4;
	v4 =	vimm.s32 $0x0;
	(erf) = vpow2.f32 v34;
	v40 =	vsel vm0, v26, v35;
	v26 =	vld [tilespmem:$0x1FD30]  }
0x28e: {  	(erf) = vrcp.f32 v36;
	v36 =	vld [tilespmem:$0x1F830];
	v4 =	vsel vm0, $0xFFFFFFFF, v4;
	vm0 =	vle.s32 v33, v41  }
0x28f: {  	[tilespmem:$0x1F4B0] =	vst v4;
	vm0 =	vmand vm4, vm0;
	v4 =	vimm.s32 $0x0  }
0x290: {  	v4 =	vsel vm0, $0xFFFFFFFF, v4  }
0x291: {  	v17 =	vld [tilespmem:$0x1FD40];
	vm1 =	vmmov vm8;
	[tilespmem:$0x1F4C0] =	vst v4;
	v4 =	vimm.s32 $0x0  }
0x292: {  	v39 =	vld [tilespmem:$0x1F860];
	v4 =	vsel vm1, $0xFFFFFFFF, v4;
	v42 =	vmax.f32 v40, v26  }
0x293: {  	vm1 =	vle.s32 v33, v37;
	v34 =	vsel vm0, v42, v40;
	vm0 =	vge.s32 v33, v36;
	v40 =	vld [tilespmem:$0x1F870]  }
0x294: {  	[tilespmem:$0x1F420] =	vst v4;
	v4 =	vimm.s32 $0x0;
	vm0 =	vmand vm0, vm1  }
0x295: {  	v4 =	vsel vm0, $0xFFFFFFFF, v4  }
0x296: {  	v38 =	vmax.f32 v34, v17;
	vm1 =	vmmov vm2;
	[tilespmem:$0x1F4D0] =	vst v4;
	v4 =	vimm.s32 $0x0  }
0x297: {  	v34 =	vsel vm0, v38, v34;
	v4 =	vsel vm1, $0xFFFFFFFF, v4  }
0x298: {  	vm0 =	vge.s32 v33, v39;
	[tilespmem:$0x1F400] =	vst v4;
	vm1 =	vle.s32 v33, v40;
	v4 =	vlaneseq.u32  }
0x299: {  	v30 =	vld [tilespmem:$0x1FD50];
	v35 =	vor.u32 s21, v4;
	vm0 =	vmand vm0, vm1;
	v4 =	vimm.s32 $0x0  }
0x29a: {  	v42 =	vld [tilespmem:$0x1F890];
	v4 =	vsel vm0, $0xFFFFFFFF, v4  }
0x29b: {  	[tilespmem:$0x1F4E0] =	vst v4;
	v4 =	vld [tilespmem:$0x1F8A0];
	_ =	sdelay $0x3  }
0x29c: {  	v41 =	vmax.f32 v34, v30  }
0x29d: {  	v34 =	vsel vm0, v41, v34;
	vm0 =	vge.s32 v33, v42;
	vm1 =	vle.s32 v33, v4  }
0x29e: {  	v4 =	vimm.s32 $0x0;
	vm0 =	vmand vm0, vm1  }
0x29f: {  	v4 =	vsel vm0, $0xFFFFFFFF, v4  }
0x2a0: {  	[tilespmem:$0x1F4F0] =	vst v4;
	v4 =	vld [tilespmem:$0x1FB70];
	_ =	sdelay $0x3  }
0x2a1: {  	v22 =	vld [tilespmem:$0x1FD70]  }
0x2a2: {  	vm7 =	vge.s32 v33, v4;
	v4 =	vld [tilespmem:$0x1F8C0];
	_ =	sdelay $0x3  }
0x2a3: {  	v5 =	vmax.f32 v34, v22  }
0x2a4: {  	v34 =	vsel vm0, v5, v34;
	vm0 =	vge.s32 v33, v4;
	v4 =	vld [tilespmem:$0x1F8D0];
	_ =	sdelay $0x4  }
0x2a5: {  	vm1 =	vle.s32 v33, v4  }
0x2a6: {  	v4 =	vimm.s32 $0x0;
	vm1 =	vmand vm0, vm1  }
0x2a7: {  	v4 =	vsel vm1, $0xFFFFFFFF, v4  }
0x2a8: {  	[tilespmem:$0x1F500] =	vst v4;
	v4 =	vld [tilespmem:$0x1F8F0];
	_ =	sdelay $0x3  }
0x2a9: {  	v9 =	vld [tilespmem:$0x1FD80]  }
0x2aa: {  	vm0 =	vge.s32 v33, v4;
	v4 =	vld [tilespmem:$0x1F900];
	_ =	sdelay $0x3  }
0x2ab: {  	v41 =	vmax.f32 v34, v9  }
0x2ac: {  	v34 =	vsel vm1, v41, v34;
	vm1 =	vle.s32 v33, v4  }
0x2ad: {  	v4 =	vimm.s32 $0x0;
	vm0 =	vmand vm0, vm1  }
0x2ae: {  	v4 =	vsel vm0, $0xFFFFFFFF, v4  }
0x2af: {  	[tilespmem:$0x1F510] =	vst v4;
	v4 =	vld [tilespmem:$0x1FB80];
	_ =	sdelay $0x3  }
0x2b0: {  	v15 =	vld [tilespmem:$0x1FD90]  }
0x2b1: {  	vm8 =	vle.s32 v33, v4;
	v4 =	vld [tilespmem:$0x1F920];
	_ =	sdelay $0x3  }
0x2b2: {  	v37 =	vmax.f32 v34, v15  }
0x2b3: {  	v34 =	vsel vm0, v37, v34;
	vm0 =	vge.s32 v33, v4;
	v4 =	vld [tilespmem:$0x1F930];
	_ =	sdelay $0x4  }
0x2b4: {  	vm1 =	vle.s32 v33, v4;
	v4 =	vld [tilespmem:$0x1FB30];
	_ =	sdelay $0x4  }
0x2b5: {  	vm1 =	vmand vm0, vm1;
	vm0 =	vge.s32 v33, v4;
	v4 =	vimm.s32 $0x0  }
0x2b6: {  	v28 =	vld [tilespmem:$0x1FE20];
	v4 =	vsel vm1, $0xFFFFFFFF, v4  }
0x2b7: {  	[tilespmem:$0x1F940] =	vst v4;
	v4 =	vld [tilespmem:$0x1F950];
	_ =	sdelay $0x1  }
0x2b8: {  	v40 =	vpop (erf)  }
0x2b9: {  	v42 =	vpop (erf)  }
0x2ba: {  	v36 =	vmul.f32 v42, v40;
	v40 =	vmax.f32 v34, v28  }
0x2bb: {  	v34 =	vsel vm1, v40, v34;
	vm1 =	vge.s32 v33, v4;
	v4 =	vld [tilespmem:$0x1F960];
	_ =	sdelay $0x4  }
0x2bc: {  	vm2 =	vle.s32 v33, v4;
	v4 =	vld [tilespmem:$0x1FB40];
	_ =	sdelay $0x4  }
0x2bd: {  	vm1 =	vmand vm1, vm2;
	vm11 =	vle.s32 v33, v4;
	v4 =	vimm.s32 $0x0  }
0x2be: {  	v4 =	vsel vm1, $0xFFFFFFFF, v4  }
0x2bf: {  	[tilespmem:$0x1F980] =	vst v4;
	v4 =	vld [tilespmem:$0x1F990];
	_ =	sdelay $0x2  }
0x2c0: {  	s19 =	sadd.s32 $0x10, s19  }
0x2c1: {  	[tilespmem:s19+$0x0] =	vst v36;
	v36 =	vmax.f32 v34, v20  }
0x2c2: {  	v34 =	vsel vm1, v36, v34;
	vm1 =	vge.s32 v33, v4;
	v4 =	vld [tilespmem:$0x1F9A0];
	_ =	sdelay $0x4  }
0x2c3: {  	vm2 =	vle.s32 v33, v4;
	v4 =	vld [tilespmem:$0x1FAF0];
	_ =	sdelay $0x4  }
0x2c4: {  	vm2 =	vmand vm1, vm2;
	vm1 =	vge.s32 v33, v4;
	v4 =	vimm.s32 $0x0  }
0x2c5: {  	v4 =	vsel vm2, $0xFFFFFFFF, v4  }
0x2c6: {  	[tilespmem:$0x1F9B0] =	vst v4;
	v4 =	vld [tilespmem:$0x1F9C0];
	_ =	sdelay $0x3  }
0x2c7: {  	v36 =	vmax.f32 v34, v3  }
0x2c8: {  	v34 =	vsel vm2, v36, v34;
	vm2 =	vge.s32 v33, v4;
	v4 =	vld [tilespmem:$0x1F9D0];
	_ =	sdelay $0x4  }
0x2c9: {  	vm3 =	vle.s32 v33, v4;
	v4 =	vld [tilespmem:$0x1FB00];
	_ =	sdelay $0x4  }
0x2ca: {  	vm2 =	vmand vm2, vm3;
	vm9 =	vle.s32 v33, v4;
	v4 =	vimm.s32 $0x0  }
0x2cb: {  	v4 =	vsel vm2, $0xFFFFFFFF, v4  }
0x2cc: {  	[tilespmem:$0x1F9E0] =	vst v4;
	v4 =	vld [tilespmem:$0x1F9F0];
	_ =	sdelay $0x3  }
0x2cd: {  	v36 =	vmax.f32 v34, v31  }
0x2ce: {  	v34 =	vsel vm2, v36, v34;
	vm2 =	vge.s32 v33, v4;
	v4 =	vld [tilespmem:$0x1FA00];
	_ =	sdelay $0x4  }
0x2cf: {  	vm3 =	vle.s32 v33, v4;
	v4 =	vld [tilespmem:$0x1FA90];
	_ =	sdelay $0x4  }
0x2d0: {  	vm3 =	vmand vm2, vm3;
	vm2 =	vge.s32 v33, v4;
	v4 =	vimm.s32 $0x0  }
0x2d1: {  	v4 =	vsel vm3, $0xFFFFFFFF, v4  }
0x2d2: {  	[tilespmem:$0x1FA10] =	vst v4;
	v4 =	vld [tilespmem:$0x1FA20];
	_ =	sdelay $0x3  }
0x2d3: {  	v36 =	vmax.f32 v34, v16  }
0x2d4: {  	v34 =	vsel vm3, v36, v34;
	vm3 =	vge.s32 v33, v4;
	v4 =	vld [tilespmem:$0x1FA30];
	_ =	sdelay $0x4  }
0x2d5: {  	vm4 =	vle.s32 v33, v4;
	v4 =	vld [tilespmem:$0x1FAA0];
	_ =	sdelay $0x4  }
0x2d6: {  	vm4 =	vmand vm3, vm4;
	vm3 =	vle.s32 v33, v4;
	v4 =	vimm.s32 $0x0  }
0x2d7: {  	v4 =	vsel vm4, $0xFFFFFFFF, v4  }
0x2d8: {  	[tilespmem:$0x1FA40] =	vst v4;
	v4 =	vld [tilespmem:$0x1FA50];
	_ =	sdelay $0x3  }
0x2d9: {  	v36 =	vmax.f32 v34, v14  }
0x2da: {  	v34 =	vsel vm4, v36, v34;
	vm4 =	vge.s32 v33, v4;
	v4 =	vld [tilespmem:$0x1FA60]  }
0x2db: {  	v12 =	vld [tilespmem:$0x1FAB0];
	_ =	sdelay $0x3  }
0x2dc: {  	vm6 =	vle.s32 v33, v4;
	v4 =	vld [tilespmem:$0x1FE70]  }
0x2dd: {  	vm6 =	vmand vm4, vm6;
	vm4 =	vge.s32 v33, v12;
	v12 =	vld [tilespmem:$0x1FAC0];
	_ =	sdelay $0x1  }
0x2de: {  	vm5 =	vge.s32 v35, v10;
	v5 =	vimm.s32 $0x0  }
0x2df: {  	v5 =	vsel vm5, $0xFFFFFFFF, v5  }
0x2e0: {  	[tilespmem:$0x1F3D0] =	vst v5;
	v5 =	vimm.s32 $0x0;
	v36 =	vmax.f32 v34, v4  }
0x2e1: {  	v5 =	vsel vm6, $0xFFFFFFFF, v5;
	v34 =	vsel vm6, v36, v34;
	vm6 =	vle.s32 v33, v12;
	v12 =	vld [tilespmem:$0x1FE80]  }
0x2e2: {  	v33 =	vmov v35  }
0x2e3: {  	[tilespmem:$0x1FA70] =	vst v5;
	v5 =	vimm.s32 $0x0;
	vm5 =	vge.s32 v33, v6  }
0x2e4: {  	v5 =	vsel vm5, $0xFFFFFFFF, v5  }
0x2e5: {  	vm4 =	vmand vm4, vm6;
	[tilespmem:$0x1F3C0] =	vst v5;
	v5 =	vimm.s32 $0x0  }
0x2e6: {  	v5 =	vsel vm4, $0xFFFFFFFF, v5;
	v41 =	vmax.f32 v34, v12  }
0x2e7: {  	vm2 =	vmand vm2, vm3;
	[tilespmem:$0x1FAD0] =	vst v5;
	v5 =	vimm.s32 $0x0;
	v34 =	vsel vm4, v41, v34  }
0x2e8: {  	v5 =	vsel vm2, $0xFFFFFFFF, v5;
	v35 =	vmax.f32 v34, v7  }
0x2e9: {  	[tilespmem:$0x1FB10] =	vst v5;
	v5 =	vimm.s32 $0x0;
	v34 =	vsel vm2, v35, v34;
	vm2 =	vge.s32 v33, v2  }
0x2ea: {  	v5 =	vsel vm2, $0xFFFFFFFF, v5  }
0x2eb: {  	vm2 =	vge.s32 v33, v63;
	[tilespmem:$0x1FF00] =	vst v5;
	v5 =	vimm.s32 $0x0  }
0x2ec: {  	v5 =	vsel vm2, $0xFFFFFFFF, v5  }
0x2ed: {  	vm2 =	vle.s32 v33, v52;
	[tilespmem:$0x1FF20] =	vst v5;
	v5 =	vimm.s32 $0x0  }
0x2ee: {  	v5 =	vsel vm2, $0xFFFFFFFF, v5  }
0x2ef: {  	vm2 =	vle.s32 v33, v48;
	[tilespmem:$0x1FF40] =	vst v5;
	v5 =	vimm.s32 $0x0  }
0x2f0: {  	v5 =	vsel vm2, $0xFFFFFFFF, v5  }
0x2f1: {  	vm2 =	vge.s32 v33, v1;
	[tilespmem:$0x1FF60] =	vst v5;
	v5 =	vimm.s32 $0x0  }
0x2f2: {  	v5 =	vsel vm2, $0xFFFFFFFF, v5  }
0x2f3: {  	vm2 =	vle.s32 v33, v57;
	[tilespmem:$0x1FF80] =	vst v5;
	v5 =	vimm.s32 $0x0  }
0x2f4: {  	vm1 =	vmand vm1, vm9;
	v35 =	vmax.f32 v34, v50;
	v5 =	vsel vm2, $0xFFFFFFFF, v5  }
0x2f5: {  	vm0 =	vmand vm0, vm11;
	v7 =	vld [tilespmem:$0x1FC10];
	v34 =	vsel vm1, v35, v34;
	[tilespmem:$0x1FFA0] =	vst v5;
	v5 =	vimm.s32 $0x0  }
0x2f6: {  	v35 =	vmax.f32 v34, v11;
	v5 =	vsel vm0, $0xFFFFFFFF, v5  }
0x2f7: {  	v34 =	vsel vm0, v35, v34;
	vm0 =	vge.s32 v33, v49;
	[tilespmem:$0x1FB60] =	vst v5;
	v5 =	vimm.s32 $0x0  }
0x2f8: {  	v5 =	vsel vm0, $0xFFFFFFFF, v5  }
0x2f9: {  	v35 =	vmax.f32 v34, v25;
	vm2 =	vmand vm7, vm8;
	[tilespmem:$0x1FFC0] =	vst v5;
	v5 =	vimm.s32 $0x0  }
0x2fa: {  	v34 =	vsel vm2, v35, v34;
	v5 =	vsel vm2, $0xFFFFFFFF, v5;
	vm2 =	vge.s32 v33, v7;
	v7 =	vld [tilespmem:$0x1FC60];
	_ =	sdelay $0x4  }
0x2fb: {  	vm3 =	vge.s32 v33, v7;
	v7 =	vld [tilespmem:$0x1FC20];
	_ =	sdelay $0x3  }
0x2fc: {  	v42 =	vld [tilespmem:$0x1FBB0]  }
0x2fd: {  	vm15 =	vle.s32 v33, v7;
	v7 =	vld [tilespmem:$0x1FC70];
	_ =	sdelay $0x4  }
0x2fe: {  	v35 =	vsub.f32 v42, v34;
	vm7 =	vmand vm2, vm15;
	vm15 =	vle.s32 v33, v7;
	v7 =	vld [tilespmem:$0x1FC40];
	_ =	sdelay $0x1  }
0x2ff: {  	v35 =	vmul.f32 $1.442695020e+00, v35;
	_ =	sdelay $0x1  }
0x300: {  	(erf) = vpow2.f32 v35;
	[tilespmem:$0x1FBA0] =	vst v5;
	v5 =	vimm.s32 $0x0  }
0x301: {  	v5 =	vsel vm7, $0xFFFFFFFF, v5;
	v35 =	vnsel vm7, $0xF149F2CA, v56;
	vm7 =	vge.s32 v33, v7;
	v7 =	vld [tilespmem:$0x1FC50];
	_ =	sdelay $0x4  }
0x302: {  	v39 =	vld [tilespmem:$0x1F520];
	vm8 =	vle.s32 v33, v7  }
0x303: {  	[tilespmem:$0x1FE50] =	vst v5;
	v5 =	vimm.s32 $0x0;
	vm8 =	vmand vm7, vm8  }
0x304: {  	v5 =	vsel vm8, $0xFFFFFFFF, v5  }
0x305: {  	[tilespmem:$0x1FE60] =	vst v5;
	v5 =	vld [tilespmem:$0x1F3C0]  }
0x306: {  	v40 =	vld [tilespmem:$0x1FBC0]  }
0x307: {  	v50 =	vsub.f32 v39, v34  }
0x308: {  	vm6 =	vge.s32 v33, v61;
	v11 =	vld [tilespmem:$0x1FBE0]  }
0x309: {  	vm4 =	vle.s32 v33, v62;
	v42 =	vld [tilespmem:$0x1FBD0];
	v36 =	vmul.f32 $1.442695020e+00, v50;
	v50 =	vmax.f32 v35, v39  }
0x30a: {  	v35 =	vsel vm8, v50, v35;
	vm8 =	vmand vm6, vm4;
	vm6 =	vnez.u8 v5;
	v5 =	vld [tilespmem:$0x1F3D0]  }
0x30b: {  	v25 =	vsub.f32 v40, v34;
	_ =	sdelay $0x1  }
0x30c: {  	s17 =	sadd.s32 $0x80, s17;
	v37 =	vmul.f32 $1.442695020e+00, v25  }
0x30d: {  	s31 =	sand.u32 $0x70, s18;
	s22 =	sand.u32 $0xC00, s17;
	v25 =	vsub.f32 v11, v34;
	v41 =	vsub.f32 v42, v34;
	(erf) = vpow2.f32 v36  }
0x30e: {  	s20 =	sor.u32 s31, s22;
	(erf) = vpow2.f32 v37;
	vm4 =	vnez.u8 v5;
	v5 =	vld [tilespmem:$0x1F3E0]  }
0x30f: {  	v36 =	vld [tilespmem:s20+$0x2580];
	v37 =	vmul.f32 $1.442695020e+00, v25;
	v25 =	vsub.f32 v43, v34;
	v38 =	vmul.f32 $1.442695020e+00, v41;
	_ =	sdelay $0x1  }
0x310: {  	v41 =	vmul.f32 $1.442695020e+00, v25;
	(erf) = vpow2.f32 v38;
	vm2 =	vge.s32 v33, v55  }
0x311: {  	vm3 =	vmand vm3, vm15;
	vm15 =	vmmov vm1;
	vm7 =	vle.s32 v33, v58  }
0x312: {  	v25 =	vpop (erf);
	vm2 =	vmand vm2, vm7;
	v50 =	vmax.f32 v35, v40;
	vm1 =	vnez.u8 v5;
	v5 =	vld [tilespmem:$0x1F3F0]  }
0x313: {  	v35 =	vsel vm2, v50, v35;
	v50 =	vsub.f32 v32, v34;
	v32 =	vmul.f32 v36, v25  }
0x314: {  	(erf) = vpow2.f32 v37;
	v37 =	vmax.f32 v35, v42  }
0x315: {  	v40 =	vld [tilespmem:s20+$0x2600];
	v35 =	vsel vm3, v37, v35;
	v37 =	vadd.f32 $0.0e+00, v32;
	_ =	sdelay $0x1  }
0x316: {  	v39 =	vsub.f32 v19, v34;
	v37 =	vnsel vm1, $0x0, v37;
	vm1 =	vnez.u8 v5;
	v5 =	vld [tilespmem:$0x1F400];
	_ =	sdelay $0x1  }
0x317: {  	v38 =	vmul.f32 $1.442695020e+00, v39;
	v25 =	vpop (erf)  }
0x318: {  	v39 =	vld [tilespmem:s20+$0x2680];
	v42 =	vmul.f32 $1.442695020e+00, v50;
	v50 =	vsub.f32 v44, v34;
	v40 =	vmul.f32 v40, v25;
	_ =	sdelay $0x1  }
0x319: {  	v40 =	vnsel vm1, $0x0, v40;
	vm1 =	vnez.u8 v5;
	v5 =	vld [tilespmem:$0x1F410];
	_ =	sdelay $0x1  }
0x31a: {  	v43 =	vmul.f32 $1.442695020e+00, v50;
	v50 =	vpop (erf)  }
0x31b: {  	(erf) = vpow2.f32 v38;
	v38 =	vld [tilespmem:s20+$0x2700];
	v32 =	vsub.f32 v45, v34;
	v39 =	vmul.f32 v39, v50;
	_ =	sdelay $0x1  }
0x31c: {  	v39 =	vnsel vm1, $0x0, v39;
	vm1 =	vnez.u8 v5;
	v5 =	vld [tilespmem:$0x1F420]  }
0x31d: {  	(erf) = vpow2.f32 v41  }
0x31e: {  	(erf) = vpow2.f32 v42;
	v42 =	vmul.f32 $1.442695020e+00, v32;
	v32 =	vpop (erf)  }
0x31f: {  	v41 =	vld [tilespmem:s20+$0x2780];
	v25 =	vsub.f32 v46, v34;
	v38 =	vmul.f32 v38, v32;
	_ =	sdelay $0x1  }
0x320: {  	v38 =	vnsel vm1, $0x0, v38;
	vm1 =	vnez.u8 v5;
	v5 =	vld [tilespmem:$0x1F430];
	_ =	sdelay $0x1  }
0x321: {  	(erf) = vpow2.f32 v43;
	v43 =	vmul.f32 $1.442695020e+00, v25;
	v25 =	vpop (erf)  }
0x322: {  	v50 =	vsub.f32 v13, v34;
	v41 =	vmul.f32 v41, v25;
	v37 =	vadd.f32 v40, v37;
	v40 =	vld [tilespmem:s20+$0x2800];
	_ =	sdelay $0x1  }
0x323: {  	v41 =	vnsel vm1, $0x0, v41;
	vm1 =	vnez.u8 v5;
	v5 =	vld [tilespmem:$0x1F440];
	_ =	sdelay $0x1  }
0x324: {  	(erf) = vpow2.f32 v42;
	v42 =	vmul.f32 $1.442695020e+00, v50;
	v50 =	vpop (erf)  }
0x325: {  	v37 =	vadd.f32 v39, v37;
	v39 =	vld [tilespmem:s20+$0x2880];
	v40 =	vmul.f32 v40, v50;
	_ =	sdelay $0x1  }
0x326: {  	v40 =	vnsel vm1, $0x0, v40;
	vm1 =	vnez.u8 v5;
	v5 =	vld [tilespmem:$0x1F450];
	_ =	sdelay $0x1  }
0x327: {  	v25 =	vpop (erf)  }
0x328: {  	v37 =	vadd.f32 v38, v37;
	v38 =	vld [tilespmem:s20+$0x2900];
	v39 =	vmul.f32 v39, v25;
	_ =	sdelay $0x1  }
0x329: {  	v39 =	vnsel vm1, $0x0, v39;
	vm1 =	vnez.u8 v5;
	v5 =	vld [tilespmem:$0x1F460];
	_ =	sdelay $0x1  }
0x32a: {  	v32 =	vsub.f32 v24, v34;
	v24 =	vsub.f32 v27, v34;
	v27 =	vpop (erf)  }
0x32b: {  	v37 =	vadd.f32 v41, v37;
	v41 =	vld [tilespmem:s20+$0x3580];
	v38 =	vmul.f32 v38, v27;
	_ =	sdelay $0x1  }
0x32c: {  	v38 =	vnsel vm1, $0x0, v38;
	vm1 =	vnez.u8 v5;
	v5 =	vld [tilespmem:$0x1F470];
	_ =	sdelay $0x1  }
0x32d: {  	v50 =	vsub.f32 v26, v34;
	v26 =	vpop (erf)  }
0x32e: {  	(erf) = vpow2.f32 v43;
	v37 =	vadd.f32 v40, v37;
	v40 =	vld [tilespmem:s20+$0x3600];
	v41 =	vmul.f32 v41, v26;
	_ =	sdelay $0x1  }
0x32f: {  	v41 =	vnsel vm1, $0x0, v41;
	vm1 =	vnez.u8 v5;
	v5 =	vld [tilespmem:$0x1F480]  }
0x330: {  	v43 =	vmul.f32 $1.442695020e+00, v32  }
0x331: {  	v32 =	vmul.f32 $1.442695020e+00, v24;
	v24 =	vmul.f32 $1.442695020e+00, v50;
	v50 =	vpop (erf)  }
0x332: {  	(erf) = vpow2.f32 v42;
	v37 =	vadd.f32 v39, v37;
	v39 =	vld [tilespmem:s20+$0x3680];
	v40 =	vmul.f32 v40, v50;
	_ =	sdelay $0x1  }
0x333: {  	v40 =	vnsel vm1, $0x0, v40;
	vm1 =	vnez.u8 v5;
	v5 =	vld [tilespmem:$0x1F490];
	_ =	sdelay $0x1  }
0x334: {  	v26 =	vpop (erf)  }
0x335: {  	(erf) = vpow2.f32 v43;
	v37 =	vadd.f32 v38, v37;
	v38 =	vld [tilespmem:s20+$0x3700];
	v39 =	vmul.f32 v39, v26;
	_ =	sdelay $0x1  }
0x336: {  	v39 =	vnsel vm1, $0x0, v39;
	vm1 =	vnez.u8 v5;
	v5 =	vld [tilespmem:$0x1F4A0];
	_ =	sdelay $0x1  }
0x337: {  	v50 =	vpop (erf)  }
0x338: {  	(erf) = vpow2.f32 v32;
	v37 =	vadd.f32 v41, v37;
	v41 =	vld [tilespmem:s20+$0x3780];
	v38 =	vmul.f32 v38, v50;
	_ =	sdelay $0x1  }
0x339: {  	v38 =	vnsel vm1, $0x0, v38;
	vm1 =	vnez.u8 v5;
	v5 =	vld [tilespmem:$0x1F4B0];
	_ =	sdelay $0x1  }
0x33a: {  	(erf) = vpow2.f32 v24;
	v26 =	vpop (erf)  }
0x33b: {  	v25 =	vsub.f32 v17, v34;
	v37 =	vadd.f32 v40, v37;
	v40 =	vld [tilespmem:s20+$0x3800];
	v41 =	vmul.f32 v41, v26  }
0x33c: {  	v32 =	vsub.f32 v30, v34  }
0x33d: {  	v27 =	vmul.f32 $1.442695020e+00, v25;
	v41 =	vnsel vm1, $0x0, v41;
	vm1 =	vnez.u8 v5;
	v5 =	vld [tilespmem:$0x1F4C0]  }
0x33e: {  	v25 =	vsub.f32 v22, v34  }
0x33f: {  	v24 =	vmul.f32 $1.442695020e+00, v32;
	v32 =	vsub.f32 v9, v34;
	(erf) = vpow2.f32 v27;
	v50 =	vpop (erf)  }
0x340: {  	v27 =	vmul.f32 $1.442695020e+00, v25;
	v37 =	vadd.f32 v39, v37;
	v39 =	vld [tilespmem:s20+$0x3880];
	v40 =	vmul.f32 v40, v50  }
0x341: {  	(erf) = vpow2.f32 v24;
	v24 =	vmul.f32 $1.442695020e+00, v32  }
0x342: {  	(erf) = vpow2.f32 v27;
	v40 =	vnsel vm1, $0x0, v40;
	vm1 =	vnez.u8 v5;
	v5 =	vld [tilespmem:$0x1F4D0]  }
0x343: {  	v25 =	vsub.f32 v15, v34  }
0x344: {  	v32 =	vsub.f32 v28, v34;
	(erf) = vpow2.f32 v24;
	v26 =	vpop (erf);
	v37 =	vadd.f32 v38, v37  }
0x345: {  	v27 =	vmul.f32 $1.442695020e+00, v25;
	v38 =	vld [tilespmem:s20+$0x3900];
	v39 =	vmul.f32 v39, v26  }
0x346: {  	v25 =	vsub.f32 v20, v34;
	v24 =	vmul.f32 $1.442695020e+00, v32;
	v37 =	vadd.f32 v41, v37;
	v41 =	vld [tilespmem:s20+$0x4580]  }
0x347: {  	v32 =	vsub.f32 v3, v34;
	v39 =	vnsel vm1, $0x0, v39;
	vm1 =	vnez.u8 v5;
	v5 =	vld [tilespmem:$0x1F4E0]  }
0x348: {  	(erf) = vpow2.f32 v27;
	v27 =	vmul.f32 $1.442695020e+00, v25  }
0x349: {  	v25 =	vsub.f32 v31, v34;
	v50 =	vpop (erf);
	(erf) = vpow2.f32 v24;
	v24 =	vmul.f32 $1.442695020e+00, v32  }
0x34a: {  	v26 =	vpop (erf);
	(erf) = vpow2.f32 v27;
	v38 =	vmul.f32 v38, v50  }
0x34b: {  	v27 =	vmul.f32 $1.442695020e+00, v25;
	v50 =	vpop (erf);
	(erf) = vpow2.f32 v24;
	v37 =	vadd.f32 v40, v37;
	v40 =	vld [tilespmem:s20+$0x4600]  }
0x34c: {  	v41 =	vmul.f32 v41, v26;
	v38 =	vnsel vm1, $0x0, v38;
	vm1 =	vnez.u8 v5;
	v5 =	vld [tilespmem:$0x1F4F0]  }
0x34d: {  	v26 =	vpop (erf);
	(erf) = vpow2.f32 v27;
	v27 =	vsub.f32 v4, v34;
	v4 =	vld [tilespmem:$0x1F500];
	v37 =	vadd.f32 v39, v37  }
0x34e: {  	vm12 =	vge.s32 v33, v18;
	vm10 =	vge.s32 v33, v60  }
0x34f: {  	vm13 =	vge.s32 v33, v53;
	vm14 =	vle.s32 v33, v54;
	v39 =	vld [tilespmem:s20+$0x4680];
	v37 =	vadd.f32 v38, v37  }
0x350: {  	v32 =	vsub.f32 v16, v34;
	v40 =	vmul.f32 v40, v50;
	v38 =	vld [tilespmem:s20+$0x4700];
	v41 =	vnsel vm1, $0x0, v41  }
0x351: {  	v25 =	vsub.f32 v14, v34;
	v37 =	vadd.f32 v41, v37;
	v41 =	vld [tilespmem:s20+$0x4780];
	vm1 =	vnez.u8 v5  }
0x352: {  	v24 =	vmul.f32 $1.442695020e+00, v32;
	v40 =	vnsel vm1, $0x0, v40;
	vm1 =	vnez.u8 v4;
	v4 =	vld [tilespmem:$0x1F510]  }
0x353: {  	p0 =	sne.s32 s21, $0x1F0;
	vm9 =	vle.s32 v33, v51;
	vm11 =	vle.s32 v33, v47;
	v44 =	vmul.f32 $1.442695020e+00, v25  }
.Ltmp0:
0x354: {  	vm5 =	vle.s32 v33, v59;
	v32 =	vpop (erf);
	(erf) = vpow2.f32 v24;
	v39 =	vmul.f32 v39, v26;
	(pc) =	sbr.rel @p0 .LBB2_2-.Ltmp0, $4  }
0x355: {  	vm0 =	vge.s32 v33, v0;
	v36 =	vmax.f32 v35, v11;
	v50 =	vpop (erf);
	(erf) = vpow2.f32 v44  }
0x356: {  	v45 =	vmul.f32 v38, v32;
	v37 =	vadd.f32 v40, v37;
	v39 =	vnsel vm1, $0x0, v39  }
0x357: {  	v42 =	vld [tilespmem:s20+$0x4800];
	v40 =	vsub.f32 v12, v34;
	v41 =	vmul.f32 v41, v50;
	vm1 =	vnez.u8 v4  }
0x358: {  	s18 =	smov.u32 s21;
	s21 =	sadd.s32 $0x10, s21;
	v43 =	vld [tilespmem:s20+$0x4880];
	v38 =	vadd.f32 v39, v37;
	v39 =	vmul.f32 $1.442695020e+00, v27;
	v37 =	vnsel vm1, $0x0, v45  }
0x359: {  	v1 =	vld [tilespmem:$0x1F940];
	_ =	sdelay $0x4  }
0x35a: {  	vm1 =	vnez.u8 v1;
	v1 =	vld [tilespmem:$0x1F980];
	_ =	sdelay $0x4  }
0x35b: {  	vm7 =	vnez.u8 v1;
	v1 =	vld [tilespmem:$0x1F9B0];
	_ =	sdelay $0x1  }
0x35c: {  	v44 =	vpop (erf)  }
0x35d: {  	v42 =	vmul.f32 v42, v44  }
0x35e: {  	v0 =	vld [tilespmem:s20+$0x4900]  }
0x35f: {  	v4 =	vnsel vm7, $0x0, v42;
	vm7 =	vnez.u8 v1;
	v1 =	vld [tilespmem:$0x1F9E0];
	_ =	sdelay $0x1  }
0x360: {  	v45 =	vpop (erf)  }
0x361: {  	v59 =	vpop (erf);
	v43 =	vmul.f32 v43, v45  }
0x362: {  	v0 =	vmul.f32 v0, v59  }
0x363: {  	v43 =	vnsel vm7, $0x0, v43;
	vm7 =	vnez.u8 v1  }
0x364: {  	v2 =	vnsel vm7, $0x0, v0;
	v0 =	vld [tilespmem:$0x1FFC0];
	_ =	sdelay $0x4  }
0x365: {  	vm7 =	vmand vm0, vm11;
	vm11 =	vnez.u8 v0  }
0x366: {  	v0 =	vimm.s32 $0x0;
	vm11 =	vmand vm11, vm9  }
0x367: {  	v0 =	vsel vm11, $0xFFFFFFFF, v0  }
0x368: {  	[tilespmem:$0x1F2D0] =	vst v0;
	v0 =	vld [tilespmem:$0x1FF80];
	_ =	sdelay $0x4  }
0x369: {  	vm0 =	vnez.u8 v0;
	v0 =	vld [tilespmem:$0x1FFA0];
	_ =	sdelay $0x4  }
0x36a: {  	vm9 =	vnez.u8 v0  }
0x36b: {  	v0 =	vimm.s32 $0x0;
	vm9 =	vmand vm0, vm9  }
0x36c: {  	v0 =	vsel vm9, $0xFFFFFFFF, v0  }
0x36d: {  	[tilespmem:$0x1F2E0] =	vst v0;
	v0 =	vld [tilespmem:$0x1FF20];
	_ =	sdelay $0x1  }
0x36e: {  	v9 =	vld [tilespmem:$0x1FBF0];
	_ =	sdelay $0x1  }
0x36f: {  	v22 =	vld [tilespmem:$0x1FC00]  }
0x370: {  	vm0 =	vnez.u8 v0;
	v0 =	vld [tilespmem:$0x1FF60]  }
0x371: {  	v35 =	vsel vm8, v36, v35  }
0x372: {  	v62 =	vmax.f32 v35, v9  }
0x373: {  	v35 =	vsel vm7, v62, v35  }
0x374: {  	v7 =	vmax.f32 v35, v22  }
0x375: {  	v51 =	vld [tilespmem:$0x1FB20];
	v35 =	vsel vm11, v7, v35;
	vm11 =	vnez.u8 v0  }
0x376: {  	v0 =	vimm.s32 $0x0;
	vm11 =	vmand vm0, vm11  }
0x377: {  	v0 =	vsel vm11, $0xFFFFFFFF, v0  }
0x378: {  	[tilespmem:$0x1F2F0] =	vst v0;
	v0 =	vld [tilespmem:$0x1FF00];
	_ =	sdelay $0x1  }
0x379: {  	v24 =	vld [tilespmem:$0x1FC30];
	v5 =	vsub.f32 v51, v34;
	_ =	sdelay $0x1  }
0x37a: {  	v61 =	vmul.f32 $1.442695020e+00, v40;
	v40 =	vmul.f32 $1.442695020e+00, v5;
	v5 =	vld [tilespmem:$0x1FC90]  }
0x37b: {  	vm0 =	vnez.u8 v0;
	v0 =	vld [tilespmem:$0x1FF40]  }
0x37c: {  	v1 =	vld [tilespmem:$0x1FA10]  }
0x37d: {  	v55 =	vmax.f32 v35, v24  }
0x37e: {  	v35 =	vsel vm9, v55, v35  }
0x37f: {  	v55 =	vmax.f32 v35, v5  }
0x380: {  	v35 =	vsel vm11, v55, v35;
	vm11 =	vmand vm13, vm14;
	vm9 =	vnez.u8 v0  }
0x381: {  	vm0 =	vmand vm0, vm9;
	vm9 =	vnez.u8 v1;
	v1 =	vimm.s32 $0x0  }
0x382: {  	v1 =	vsel vm11, $0xFFFFFFFF, v1  }
0x383: {  	[tilespmem:$0x1F310] =	vst v1;
	v1 =	vld [tilespmem:$0x1FA40];
	_ =	sdelay $0x4  }
0x384: {  	vm13 =	vnez.u8 v1;
	v1 =	vld [tilespmem:$0x1FA70];
	_ =	sdelay $0x1  }
0x385: {  	v47 =	vld [tilespmem:$0x1FCD0];
	_ =	sdelay $0x1  }
0x386: {  	v48 =	vld [tilespmem:$0x1FCF0]  }
0x387: {  	(erf) = vpow2.f32 v39;
	v0 =	vimm.s32 $0x0;
	vm14 =	vnez.u8 v1;
	v1 =	vld [tilespmem:$0x1FAD0]  }
0x388: {  	v0 =	vsel vm0, $0xFFFFFFFF, v0  }
0x389: {  	[tilespmem:$0x1F300] =	vst v0;
	v0 =	vmax.f32 v35, v47  }
0x38a: {  	v0 =	vsel vm0, v0, v35  }
0x38b: {  	v21 =	vmax.f32 v0, v48  }
0x38c: {  	v11 =	vld [tilespmem:s20+$0x5680];
	v0 =	vsel vm11, v21, v0;
	vm11 =	vnez.u8 v1;
	v1 =	vimm.s32 $0x0  }
0x38d: {  	v1 =	vsel vm2, $0xFFFFFFFF, v1  }
0x38e: {  	v13 =	vpop (erf);
	[tilespmem:$0x1F2C0] =	vst v1;
	v1 =	vld [tilespmem:$0x1FB10]  }
0x38f: {  	v17 =	vpop (erf)  }
0x390: {  	v19 =	vpop (erf)  }
0x391: {  	v45 =	vmul.f32 v11, v19;
	_ =	sdelay $0x1  }
0x392: {  	v45 =	vnsel vm14, $0x0, v45;
	vm14 =	vmand vm12, vm5;
	vm12 =	vnez.u8 v1;
	v1 =	vld [tilespmem:$0x1F7F0];
	_ =	sdelay $0x1  }
0x393: {  	v63 =	vld [tilespmem:s20+$0x5580];
	_ =	sdelay $0x1  }
0x394: {  	v58 =	vld [tilespmem:$0x1F790]  }
0x395: {  	vm5 =	vle.s32 v33, v1;
	v1 =	vld [tilespmem:$0x1FB60];
	_ =	sdelay $0x1  }
0x396: {  	v50 =	vld [tilespmem:$0x1FAE0];
	v39 =	vmul.f32 v63, v13  }
0x397: {  	(erf) = vpow2.f32 v61  }
0x398: {  	v29 =	vld [tilespmem:$0x1FB50];
	v6 =	vnsel vm1, $0x0, v41;
	v41 =	vnsel vm9, $0x0, v39;
	vm9 =	vle.s32 v33, v58  }
0x399: {  	vm2 =	vmand vm10, vm9;
	vm9 =	vnez.u8 v1;
	v1 =	vld [tilespmem:$0x1FBA0];
	_ =	sdelay $0x1  }
0x39a: {  	v60 =	vsub.f32 v50, v34  }
0x39b: {  	v15 =	vld [tilespmem:s20+$0x5700]  }
0x39c: {  	v10 =	vsub.f32 v29, v34;
	v36 =	vmul.f32 $1.442695020e+00, v60  }
0x39d: {  	vm10 =	vnez.u8 v1;
	v1 =	vld [tilespmem:$0x1F830]  }
0x39e: {  	v44 =	vmul.f32 $1.442695020e+00, v10;
	(erf) = vpow2.f32 v36  }
0x39f: {  	v8 =	vld [tilespmem:s20+$0x5600];
	(erf) = vpow2.f32 v40;
	v27 =	vpop (erf)  }
0x3a0: {  	(erf) = vpow2.f32 v44;
	v44 =	vmul.f32 v15, v27  }
0x3a1: {  	v61 =	vld [tilespmem:$0x1F7B0]  }
0x3a2: {  	v44 =	vnsel vm11, $0x0, v44;
	vm11 =	vge.s32 v33, v1;
	v1 =	vld [tilespmem:$0x1F840];
	_ =	sdelay $0x1  }
0x3a3: {  	v36 =	vmul.f32 v8, v17  }
0x3a4: {  	v23 =	vld [tilespmem:s20+$0x5800]  }
0x3a5: {  	v42 =	vnsel vm13, $0x0, v36;
	vm13 =	vle.s32 v33, v61  }
0x3a6: {  	vm6 =	vmand vm6, vm13;
	vm13 =	vle.s32 v33, v1;
	v1 =	vld [tilespmem:$0x1F860]  }
0x3a7: {  	v36 =	vpop (erf)  }
0x3a8: {  	v18 =	vld [tilespmem:s20+$0x5780];
	v60 =	vpop (erf)  }
0x3a9: {  	v39 =	vmul.f32 v23, v60;
	_ =	sdelay $0x1  }
0x3aa: {  	v39 =	vnsel vm15, $0x0, v39;
	vm15 =	vge.s32 v33, v1;
	v1 =	vld [tilespmem:$0x1F870];
	_ =	sdelay $0x1  }
0x3ab: {  	v40 =	vmul.f32 v18, v36;
	_ =	sdelay $0x1  }
0x3ac: {  	v40 =	vnsel vm12, $0x0, v40;
	vm12 =	vmmov vm3  }
0x3ad: {  	vm3 =	vmand vm4, vm5;
	vm4 =	vmand vm11, vm13;
	vm13 =	vle.s32 v33, v1;
	v1 =	vld [tilespmem:$0x1F890];
	_ =	sdelay $0x4  }
0x3ae: {  	vm5 =	vmand vm15, vm13;
	vm15 =	vge.s32 v33, v1;
	v1 =	vld [tilespmem:$0x1F8A0];
	_ =	sdelay $0x3  }
0x3af: {  	v30 =	vld [tilespmem:$0x1FB90]  }
0x3b0: {  	vm0 =	vle.s32 v33, v1;
	v1 =	vld [tilespmem:$0x1F8C0];
	_ =	sdelay $0x3  }
0x3b1: {  	v46 =	vsub.f32 v30, v34  }
0x3b2: {  	vm13 =	vge.s32 v33, v1;
	v1 =	vld [tilespmem:$0x1F8D0]  }
0x3b3: {  	v12 =	vmul.f32 $1.442695020e+00, v46;
	_ =	sdelay $0x1  }
0x3b4: {  	(erf) = vpow2.f32 v12;
	_ =	sdelay $0x1  }
0x3b5: {  	vm1 =	vmmov vm8;
	vm8 =	vmand vm15, vm0;
	vm15 =	vle.s32 v33, v1;
	v1 =	vld [tilespmem:$0x1F8F0];
	_ =	sdelay $0x1  }
0x3b6: {  	v49 =	vld [tilespmem:$0x1FD00]  }
0x3b7: {  	v57 =	vld [tilespmem:s20+$0x5900]  }
0x3b8: {  	v25 =	vld [tilespmem:$0x1FD10]  }
0x3b9: {  	vm0 =	vge.s32 v33, v1;
	v1 =	vld [tilespmem:$0x1F900]  }
0x3ba: {  	v62 =	vpop (erf)  }
0x3bb: {  	v17 =	vld [tilespmem:$0x1FD20];
	v56 =	vmax.f32 v0, v49;
	v7 =	vpop (erf)  }
0x3bc: {  	v35 =	vmul.f32 v57, v7;
	v0 =	vsel vm14, v56, v0  }
0x3bd: {  	v15 =	vld [tilespmem:$0x1FD30];
	v59 =	vmax.f32 v0, v25  }
0x3be: {  	v35 =	vnsel vm10, $0x0, v35;
	vm10 =	vmand vm13, vm15;
	vm13 =	vle.s32 v33, v1  }
0x3bf: {  	v12 =	vld [tilespmem:$0x1FD40];
	v0 =	vsel vm2, v59, v0;
	v1 =	vimm.s32 $0x0;
	vm15 =	vmand vm0, vm13  }
0x3c0: {  	v63 =	vmax.f32 v0, v17;
	v1 =	vsel vm15, $0xFFFFFFFF, v1  }
0x3c1: {  	v0 =	vsel vm6, v63, v0;
	[tilespmem:$0x1F320] =	vst v1;
	v1 =	vld [tilespmem:$0x1F920]  }
0x3c2: {  	v8 =	vmax.f32 v0, v15  }
0x3c3: {  	v0 =	vsel vm3, v8, v0  }
0x3c4: {  	v26 =	vld [tilespmem:$0x1FD50];
	v11 =	vmax.f32 v0, v12  }
0x3c5: {  	v0 =	vsel vm4, v11, v0;
	v11 =	vld [tilespmem:$0x1FD70]  }
0x3c6: {  	vm0 =	vge.s32 v33, v1;
	v1 =	vld [tilespmem:$0x1F930];
	_ =	sdelay $0x1  }
0x3c7: {  	v8 =	vld [tilespmem:$0x1FD80]  }
0x3c8: {  	v10 =	vadd.f32 v37, v38;
	v37 =	vmax.f32 v0, v26  }
0x3c9: {  	v23 =	vld [tilespmem:$0x1FD90];
	v0 =	vsel vm5, v37, v0  }
0x3ca: {  	v37 =	vmax.f32 v0, v11;
	vm11 =	vle.s32 v33, v1;
	v1 =	vld [tilespmem:$0x1F950]  }
0x3cb: {  	v0 =	vsel vm8, v37, v0  }
0x3cc: {  	v37 =	vmax.f32 v0, v8  }
0x3cd: {  	v0 =	vsel vm10, v37, v0  }
0x3ce: {  	v37 =	vmax.f32 v0, v23  }
0x3cf: {  	v0 =	vsel vm15, v37, v0;
	vm15 =	vmand vm0, vm11;
	vm0 =	vge.s32 v33, v1;
	v1 =	vld [tilespmem:$0x1F960];
	_ =	sdelay $0x4  }
0x3d0: {  	vm11 =	vle.s32 v33, v1  }
0x3d1: {  	v1 =	vimm.s32 $0x0;
	vm13 =	vmand vm0, vm11  }
0x3d2: {  	v1 =	vsel vm13, $0xFFFFFFFF, v1  }
0x3d3: {  	[tilespmem:$0x1F330] =	vst v1;
	v1 =	vld [tilespmem:$0x1F990];
	_ =	sdelay $0x2  }
0x3d4: {  	v18 =	vld [tilespmem:$0x1FE20];
	_ =	sdelay $0x1  }
0x3d5: {  	vm0 =	vge.s32 v33, v1;
	v1 =	vld [tilespmem:$0x1F9A0];
	_ =	sdelay $0x2  }
0x3d6: {  	v37 =	vmax.f32 v0, v18  }
0x3d7: {  	v0 =	vsel vm15, v37, v0  }
0x3d8: {  	v37 =	vmax.f32 v0, v20;
	vm11 =	vle.s32 v33, v1  }
0x3d9: {  	v0 =	vsel vm13, v37, v0;
	v1 =	vimm.s32 $0x0;
	vm13 =	vmand vm0, vm11  }
0x3da: {  	v1 =	vsel vm13, $0xFFFFFFFF, v1  }
0x3db: {  	[tilespmem:$0x1F340] =	vst v1;
	v1 =	vld [tilespmem:$0x1F9C0];
	_ =	sdelay $0x4  }
0x3dc: {  	vm0 =	vge.s32 v33, v1;
	v1 =	vld [tilespmem:$0x1F9D0];
	_ =	sdelay $0x4  }
0x3dd: {  	v37 =	vmax.f32 v0, v3;
	vm11 =	vle.s32 v33, v1  }
0x3de: {  	v0 =	vsel vm13, v37, v0;
	v1 =	vimm.s32 $0x0;
	vm13 =	vmand vm0, vm11  }
0x3df: {  	v1 =	vsel vm13, $0xFFFFFFFF, v1  }
0x3e0: {  	[tilespmem:$0x1F350] =	vst v1;
	v1 =	vld [tilespmem:$0x1F9F0];
	_ =	sdelay $0x4  }
0x3e1: {  	vm0 =	vge.s32 v33, v1;
	v1 =	vld [tilespmem:$0x1FA00];
	_ =	sdelay $0x4  }
0x3e2: {  	v37 =	vmax.f32 v0, v31;
	vm11 =	vle.s32 v33, v1  }
0x3e3: {  	v0 =	vsel vm13, v37, v0;
	v1 =	vimm.s32 $0x0;
	vm13 =	vmand vm0, vm11  }
0x3e4: {  	v1 =	vsel vm13, $0xFFFFFFFF, v1  }
0x3e5: {  	[tilespmem:$0x1F360] =	vst v1;
	v1 =	vld [tilespmem:$0x1FA20];
	_ =	sdelay $0x4  }
0x3e6: {  	vm0 =	vge.s32 v33, v1;
	v1 =	vld [tilespmem:$0x1FA30];
	_ =	sdelay $0x4  }
0x3e7: {  	v37 =	vmax.f32 v0, v16;
	vm11 =	vle.s32 v33, v1  }
0x3e8: {  	v28 =	vld [tilespmem:s20+$0x5880];
	v0 =	vsel vm13, v37, v0;
	v1 =	vimm.s32 $0x0;
	vm13 =	vmand vm0, vm11  }
0x3e9: {  	v1 =	vsel vm13, $0xFFFFFFFF, v1  }
0x3ea: {  	[tilespmem:$0x1F370] =	vst v1;
	v1 =	vld [tilespmem:$0x1FA50];
	_ =	sdelay $0x2  }
0x3eb: {  	v46 =	vmul.f32 v28, v62;
	_ =	sdelay $0x1  }
0x3ec: {  	v46 =	vnsel vm9, $0x0, v46;
	vm9 =	vge.s32 v33, v1;
	v1 =	vld [tilespmem:$0x1FA60];
	_ =	sdelay $0x4  }
0x3ed: {  	vm0 =	vle.s32 v33, v1  }
0x3ee: {  	v1 =	vimm.s32 $0x0;
	vm9 =	vmand vm9, vm0  }
0x3ef: {  	v32 =	vld [tilespmem:$0x1FE70];
	v1 =	vsel vm9, $0xFFFFFFFF, v1  }
0x3f0: {  	[tilespmem:$0x1F380] =	vst v1;
	v1 =	vld [tilespmem:$0x1FA90];
	_ =	sdelay $0x1  }
0x3f1: {  	v37 =	vmax.f32 v0, v14  }
0x3f2: {  	v0 =	vsel vm13, v37, v0  }
0x3f3: {  	v37 =	vmax.f32 v0, v32  }
0x3f4: {  	v0 =	vsel vm9, v37, v0;
	vm9 =	vge.s32 v33, v1;
	v1 =	vld [tilespmem:$0x1FAA0];
	_ =	sdelay $0x4  }
0x3f5: {  	vm13 =	vle.s32 v33, v1;
	v1 =	vld [tilespmem:$0x1FAB0];
	_ =	sdelay $0x4  }
0x3f6: {  	vm0 =	vge.s32 v33, v1;
	v1 =	vld [tilespmem:$0x1FAC0];
	_ =	sdelay $0x4  }
0x3f7: {  	vm11 =	vle.s32 v33, v1  }
0x3f8: {  	v1 =	vimm.s32 $0x0;
	vm0 =	vmand vm0, vm11  }
0x3f9: {  	v28 =	vld [tilespmem:$0x1FE80];
	v1 =	vsel vm0, $0xFFFFFFFF, v1  }
0x3fa: {  	[tilespmem:$0x1F390] =	vst v1;
	v1 =	vld [tilespmem:$0x1FAF0];
	_ =	sdelay $0x3  }
0x3fb: {  	v37 =	vmax.f32 v0, v28  }
0x3fc: {  	v0 =	vsel vm0, v37, v0;
	vm0 =	vge.s32 v33, v1;
	v1 =	vld [tilespmem:$0x1FB00];
	_ =	sdelay $0x4  }
0x3fd: {  	vm13 =	vmand vm9, vm13;
	vm9 =	vle.s32 v33, v1  }
0x3fe: {  	v1 =	vimm.s32 $0x0;
	vm0 =	vmand vm0, vm9  }
0x3ff: {  	v1 =	vsel vm0, $0xFFFFFFFF, v1  }
0x400: {  	[tilespmem:$0x1F3A0] =	vst v1;
	v1 =	vld [tilespmem:$0x1FB30];
	_ =	sdelay $0x1  }
0x401: {  	v27 =	vmov v14;
	v14 =	vmax.f32 v0, v50  }
0x402: {  	v0 =	vsel vm13, v14, v0  }
0x403: {  	v19 =	vmov v20;
	v36 =	vadd.f32 v6, v10;
	v20 =	vmax.f32 v0, v51  }
0x404: {  	v0 =	vsel vm0, v20, v0;
	vm0 =	vge.s32 v33, v1;
	v1 =	vld [tilespmem:$0x1FB40]  }
0x405: {  	v36 =	vadd.f32 v4, v36;
	_ =	sdelay $0x1  }
0x406: {  	v38 =	vld [tilespmem:$0x1FA80];
	v36 =	vadd.f32 v43, v36;
	_ =	sdelay $0x1  }
0x407: {  	v36 =	vadd.f32 v2, v36;
	vm9 =	vle.s32 v33, v1  }
0x408: {  	v1 =	vimm.s32 $0x0;
	vm0 =	vmand vm0, vm9  }
0x409: {  	v36 =	vadd.f32 v41, v36;
	v1 =	vsel vm0, $0xFFFFFFFF, v1  }
0x40a: {  	v13 =	vsub.f32 v38, v34;
	[tilespmem:$0x1F3B0] =	vst v1;
	v1 =	vld [tilespmem:$0x1FB70]  }
0x40b: {  	v36 =	vadd.f32 v42, v36  }
0x40c: {  	v34 =	vmul.f32 $1.442695020e+00, v13  }
0x40d: {  	v36 =	vadd.f32 v45, v36  }
0x40e: {  	(erf) = vpow2.f32 v34;
	v34 =	vmax.f32 v0, v29  }
0x40f: {  	v36 =	vadd.f32 v44, v36;
	v0 =	vsel vm0, v34, v0;
	vm0 =	vge.s32 v33, v1;
	v1 =	vld [tilespmem:$0x1FB80];
	_ =	sdelay $0x1  }
0x410: {  	v36 =	vadd.f32 v40, v36;
	_ =	sdelay $0x1  }
0x411: {  	v36 =	vadd.f32 v39, v36  }
0x412: {  	vm9 =	vle.s32 v33, v1;
	v1 =	vld [tilespmem:$0x1FBB0]  }
0x413: {  	v36 =	vadd.f32 v46, v36;
	_ =	sdelay $0x1  }
0x414: {  	v35 =	vadd.f32 v35, v36;
	v36 =	vmax.f32 v0, v30;
	vm9 =	vmand vm0, vm9  }
0x415: {  	v0 =	vsel vm9, v36, v0  }
0x416: {  	v33 =	vsub.f32 v1, v0;
	v1 =	vld [tilespmem:$0x1F520];
	_ =	sdelay $0x4  }
0x417: {  	v2 =	vsub.f32 v1, v0;
	v1 =	vld [tilespmem:$0x1FBC0];
	_ =	sdelay $0x4  }
0x418: {  	v40 =	vsub.f32 v1, v0;
	v1 =	vld [tilespmem:$0x1FBD0]  }
0x419: {  	v35 =	vadd.f32 $1.000000020e-16, v35;
	_ =	sdelay $0x1  }
0x41a: {  	(erf) = vrcp.f32 v35;
	_ =	sdelay $0x1  }
0x41b: {  	v7 =	vsub.f32 v1, v0;
	v1 =	vld [tilespmem:$0x1FBE0];
	_ =	sdelay $0x1  }
0x41c: {  	v33 =	vmul.f32 $1.442695020e+00, v33  }
0x41d: {  	v2 =	vmul.f32 $1.442695020e+00, v2  }
0x41e: {  	(erf) = vpow2.f32 v33  }
0x41f: {  	(erf) = vpow2.f32 v2;
	v2 =	vsub.f32 v1, v0;
	v1 =	vld [tilespmem:$0x1FE50]  }
0x420: {  	v37 =	vpop (erf)  }
0x421: {  	v39 =	vpop (erf)  }
0x422: {  	s29 =	sadd.s32 $0x80, s17;
	v33 =	vmul.f32 v39, v37  }
0x423: {  	s30 =	sadd.s32 $0x10, s19;
	s18 =	sand.u32 $0x70, s18;
	s31 =	sand.u32 $0xC00, s29  }
0x424: {  	s18 =	sor.u32 s18, s31;
	[tilespmem:s30+$0x0] =	vst v33;
	vm11 =	vnez.u8 v1;
	v1 =	vld [tilespmem:$0x1FE60]  }
0x425: {  	v41 =	vld [tilespmem:s18+$0x2580]  }
0x426: {  	v4 =	vmul.f32 $1.442695020e+00, v40;
	_ =	sdelay $0x1  }
0x427: {  	(erf) = vpow2.f32 v4  }
0x428: {  	v43 =	vpop (erf);
	v7 =	vmul.f32 $1.442695020e+00, v7;
	vm0 =	vmmov vm11;
	vm11 =	vnez.u8 v1;
	v1 =	vld [tilespmem:$0x1F2C0]  }
0x429: {  	v4 =	vmul.f32 v41, v43;
	v2 =	vmul.f32 $1.442695020e+00, v2  }
0x42a: {  	(erf) = vpow2.f32 v7  }
0x42b: {  	v4 =	vadd.f32 $0.0e+00, v4;
	(erf) = vpow2.f32 v2;
	v2 =	vld [tilespmem:s18+$0x2600]  }
0x42c: {  	v42 =	vsub.f32 v9, v0  }
0x42d: {  	v4 =	vnsel vm0, $0x0, v4;
	vm0 =	vmmov vm11;
	vm11 =	vnez.u8 v1;
	v1 =	vld [tilespmem:$0x1F2D0]  }
0x42e: {  	v7 =	vmul.f32 $1.442695020e+00, v42  }
0x42f: {  	vm1 =	vmmov vm1;
	v44 =	vsub.f32 v22, v0;
	v13 =	vld [tilespmem:s18+$0x2680];
	v52 =	vpop (erf)  }
0x430: {  	vm12 =	vmmov vm12;
	v45 =	vld [tilespmem:s18+$0x2700];
	(erf) = vpow2.f32 v7;
	v2 =	vmul.f32 v2, v52  }
0x431: {  	v46 =	vsub.f32 v24, v0;
	v5 =	vsub.f32 v5, v0;
	v9 =	vmul.f32 $1.442695020e+00, v44  }
0x432: {  	v21 =	vmovc v3;
	v2 =	vnsel vm0, $0x0, v2;
	vm0 =	vmmov vm11;
	vm11 =	vnez.u8 v1;
	v1 =	vld [tilespmem:$0x1F2E0]  }
0x433: {  	v3 =	vsub.f32 v47, v0;
	v14 =	vmul.f32 $1.442695020e+00, v46;
	v53 =	vpop (erf);
	(erf) = vpow2.f32 v9  }
0x434: {  	v58 =	vsub.f32 v48, v0;
	v5 =	vmul.f32 $1.442695020e+00, v5;
	v33 =	vld [tilespmem:s18+$0x2780];
	v13 =	vmul.f32 v13, v53;
	v54 =	vpop (erf)  }
0x435: {  	v10 =	vsub.f32 v49, v0;
	v55 =	vld [tilespmem:s18+$0x2800];
	(erf) = vpow2.f32 v14;
	v7 =	vmul.f32 v45, v54  }
0x436: {  	v3 =	vmul.f32 $1.442695020e+00, v3;
	(erf) = vpow2.f32 v5;
	v2 =	vadd.f32 v2, v4  }
0x437: {  	v7 =	vnsel vm12, $0x0, v7;
	v13 =	vnsel vm0, $0x0, v13;
	vm12 =	vnez.u8 v1;
	v1 =	vld [tilespmem:$0x1F2F0]  }
0x438: {  	v61 =	vsub.f32 v25, v0;
	v59 =	vld [tilespmem:s18+$0x2880];
	v56 =	vpop (erf);
	v4 =	vmul.f32 $1.442695020e+00, v58;
	v2 =	vadd.f32 v13, v2  }
0x439: {  	v17 =	vsub.f32 v17, v0;
	v57 =	vmul.f32 v33, v56;
	v60 =	vpop (erf);
	(erf) = vpow2.f32 v3  }
0x43a: {  	v62 =	vmul.f32 $1.442695020e+00, v10;
	v3 =	vld [tilespmem:s18+$0x2900];
	v6 =	vmul.f32 v55, v60;
	v2 =	vadd.f32 v7, v2  }
0x43b: {  	v63 =	vmul.f32 $1.442695020e+00, v61;
	v22 =	vld [tilespmem:s18+$0x3580];
	(erf) = vpow2.f32 v4;
	v9 =	vnsel vm1, $0x0, v57  }
0x43c: {  	v20 =	vpop (erf);
	v6 =	vnsel vm7, $0x0, v6;
	v2 =	vadd.f32 v9, v2;
	vm7 =	vnez.u8 v1;
	v1 =	vld [tilespmem:$0x1F300]  }
0x43d: {  	v37 =	vsub.f32 v12, v0;
	v5 =	vmul.f32 v59, v20;
	(erf) = vpow2.f32 v62  }
0x43e: {  	v25 =	vmul.f32 $1.442695020e+00, v17;
	v34 =	vld [tilespmem:s18+$0x3600];
	v33 =	vsub.f32 v15, v0;
	v24 =	vpop (erf);
	v2 =	vadd.f32 v6, v2  }
0x43f: {  	(erf) = vpow2.f32 v63;
	v3 =	vmul.f32 v3, v24;
	v5 =	vnsel vm11, $0x0, v5  }
0x440: {  	v36 =	vld [tilespmem:s18+$0x3680];
	v35 =	vmul.f32 $1.442695020e+00, v33;
	v39 =	vpop (erf);
	(erf) = vpow2.f32 v25;
	v2 =	vadd.f32 v5, v2  }
0x441: {  	v7 =	vmul.f32 v22, v39;
	v3 =	vnsel vm12, $0x0, v3;
	vm11 =	vnez.u8 v1;
	v1 =	vld [tilespmem:$0x1F310]  }
0x442: {  	v40 =	vld [tilespmem:s18+$0x3700];
	v42 =	vpop (erf);
	v2 =	vadd.f32 v3, v2;
	v3 =	vmul.f32 $1.442695020e+00, v37  }
0x443: {  	(erf) = vpow2.f32 v35;
	v4 =	vmul.f32 v34, v42;
	v7 =	vnsel vm7, $0x0, v7  }
0x444: {  	v43 =	vld [tilespmem:s18+$0x3780];
	v44 =	vpop (erf);
	(erf) = vpow2.f32 v3;
	v2 =	vadd.f32 v7, v2  }
0x445: {  	v41 =	vsub.f32 v26, v0;
	v5 =	vmul.f32 v36, v44;
	v4 =	vnsel vm11, $0x0, v4  }
0x446: {  	v46 =	vpop (erf);
	v3 =	vld [tilespmem:s18+$0x3800];
	v2 =	vadd.f32 v4, v2;
	vm12 =	vnez.u8 v1  }
0x447: {  	v6 =	vmul.f32 $1.442695020e+00, v41;
	v47 =	vmul.f32 v40, v46;
	v5 =	vnsel vm12, $0x0, v5  }
0x448: {  	v49 =	vpop (erf);
	v2 =	vadd.f32 v5, v2  }
0x449: {  	v53 =	vld [tilespmem:s18+$0x3900];
	(erf) = vpow2.f32 v6;
	v7 =	vmul.f32 v43, v49;
	v4 =	vnsel vm14, $0x0, v47  }
0x44a: {  	v52 =	vpop (erf);
	v2 =	vadd.f32 v4, v2  }
0x44b: {  	v7 =	vnsel vm2, $0x0, v7;
	v3 =	vmul.f32 v3, v52;
	v1 =	vld [tilespmem:$0x1F320]  }
0x44c: {  	v55 =	vpop (erf);
	v2 =	vadd.f32 v7, v2  }
0x44d: {  	v48 =	vld [tilespmem:s18+$0x3880];
	v3 =	vnsel vm6, $0x0, v3;
	v61 =	vpop (erf)  }
0x44e: {  	v57 =	vld [tilespmem:s18+$0x4580];
	v2 =	vadd.f32 v3, v2;
	v3 =	vmul.f32 v53, v61;
	_ =	sdelay $0x1  }
0x44f: {  	v45 =	vsub.f32 v11, v0;
	v3 =	vnsel vm4, $0x0, v3;
	vm4 =	vnez.u8 v1;
	v1 =	vld [tilespmem:$0x1F330]  }
0x450: {  	v8 =	vsub.f32 v8, v0  }
0x451: {  	v9 =	vmul.f32 $1.442695020e+00, v45;
	v13 =	vpop (erf);
	v4 =	vmul.f32 v48, v55  }
0x452: {  	v8 =	vmul.f32 $1.442695020e+00, v8;
	v14 =	vmul.f32 v57, v13  }
0x453: {  	v54 =	vsub.f32 v23, v0;
	(erf) = vpow2.f32 v9;
	v4 =	vnsel vm3, $0x0, v4  }
0x454: {  	v2 =	vadd.f32 v4, v2;
	v4 =	vnsel vm5, $0x0, v14;
	vm5 =	vnez.u8 v1;
	v1 =	vld [tilespmem:$0x1F340];
	_ =	sdelay $0x1  }
0x455: {  	v58 =	vmul.f32 $1.442695020e+00, v54;
	v56 =	vsub.f32 v18, v0;
	(erf) = vpow2.f32 v8;
	_ =	sdelay $0x1  }
0x456: {  	v60 =	vsub.f32 v19, v0;
	v59 =	vmul.f32 $1.442695020e+00, v56;
	v62 =	vld [tilespmem:s18+$0x4600];
	(erf) = vpow2.f32 v58  }
0x457: {  	vm6 =	vnez.u8 v1;
	v1 =	vld [tilespmem:$0x1F350]  }
0x458: {  	v12 =	vsub.f32 v21, v0;
	v63 =	vmul.f32 $1.442695020e+00, v60;
	(erf) = vpow2.f32 v59  }
0x459: {  	v15 =	vld [tilespmem:s18+$0x4680];
	v18 =	vsub.f32 v31, v0  }
0x45a: {  	v17 =	vmul.f32 $1.442695020e+00, v12;
	(erf) = vpow2.f32 v63  }
0x45b: {  	v19 =	vsub.f32 v16, v0;
	v8 =	vmul.f32 $1.442695020e+00, v18;
	v20 =	vpop (erf);
	v2 =	vadd.f32 v3, v2;
	v3 =	vld [tilespmem:s18+$0x4700]  }
0x45c: {  	(erf) = vpow2.f32 v17;
	v5 =	vmul.f32 v62, v20;
	vm7 =	vnez.u8 v1;
	v1 =	vld [tilespmem:$0x1F360]  }
0x45d: {  	v21 =	vld [tilespmem:s18+$0x4780];
	v23 =	vsub.f32 v27, v0;
	v22 =	vmul.f32 $1.442695020e+00, v19;
	v24 =	vpop (erf);
	v2 =	vadd.f32 v4, v2  }
0x45e: {  	(erf) = vpow2.f32 v8;
	v6 =	vmul.f32 v15, v24;
	v5 =	vnsel vm8, $0x0, v5  }
0x45f: {  	v27 =	vmul.f32 $1.442695020e+00, v23;
	v31 =	vsub.f32 v32, v0;
	v25 =	vld [tilespmem:s18+$0x4800];
	v26 =	vpop (erf);
	v2 =	vadd.f32 v5, v2  }
0x460: {  	v32 =	vld [tilespmem:s18+$0x4880];
	(erf) = vpow2.f32 v22;
	v6 =	vnsel vm10, $0x0, v6;
	v3 =	vmul.f32 v3, v26  }
0x461: {  	v35 =	vsub.f32 v28, v0;
	v33 =	vpop (erf);
	v2 =	vadd.f32 v6, v2;
	vm8 =	vnez.u8 v1;
	v1 =	vld [tilespmem:$0x1F370]  }
0x462: {  	(erf) = vpow2.f32 v27;
	v4 =	vmul.f32 v21, v33;
	v3 =	vnsel vm4, $0x0, v3  }
0x463: {  	v39 =	vsub.f32 v50, v0;
	v36 =	vld [tilespmem:s18+$0x4900];
	v37 =	vpop (erf);
	v2 =	vadd.f32 v3, v2  }
0x464: {  	v34 =	vmul.f32 $1.442695020e+00, v31;
	v4 =	vnsel vm15, $0x0, v4;
	v3 =	vmul.f32 v25, v37  }
0x465: {  	v40 =	vld [tilespmem:s18+$0x5580];
	v44 =	vsub.f32 v51, v0;
	v43 =	vmul.f32 $1.442695020e+00, v39;
	v41 =	vpop (erf);
	v2 =	vadd.f32 v4, v2  }
0x466: {  	v42 =	vmul.f32 v32, v41;
	v3 =	vnsel vm5, $0x0, v3;
	vm10 =	vnez.u8 v1;
	v1 =	vld [tilespmem:$0x1F380]  }
0x467: {  	v45 =	vld [tilespmem:s18+$0x5600];
	v7 =	vmul.f32 $1.442695020e+00, v35;
	(erf) = vpow2.f32 v34;
	v46 =	vpop (erf);
	v2 =	vadd.f32 v3, v2  }
0x468: {  	v47 =	vsub.f32 v29, v0;
	v4 =	vnsel vm6, $0x0, v42;
	v3 =	vmul.f32 v36, v46  }
0x469: {  	v8 =	vmul.f32 $1.442695020e+00, v44;
	(erf) = vpow2.f32 v7;
	v48 =	vpop (erf);
	v2 =	vadd.f32 v4, v2  }
0x46a: {  	(erf) = vpow2.f32 v43;
	v49 =	vmul.f32 v40, v48;
	v3 =	vnsel vm7, $0x0, v3  }
0x46b: {  	(erf) = vpow2.f32 v8;
	v53 =	vpop (erf);
	v2 =	vadd.f32 v3, v2;
	vm11 =	vnez.u8 v1;
	v1 =	vld [tilespmem:$0x1F390]  }
0x46c: {  	v50 =	vld [tilespmem:s18+$0x5680];
	v3 =	vmul.f32 v45, v53;
	v4 =	vnsel vm8, $0x0, v49  }
0x46d: {  	v54 =	vld [tilespmem:s18+$0x5700];
	v52 =	vsub.f32 v30, v0;
	v51 =	vmul.f32 $1.442695020e+00, v47;
	v2 =	vadd.f32 v4, v2  }
0x46e: {  	v56 =	vld [tilespmem:s18+$0x5780];
	v3 =	vnsel vm10, $0x0, v3  }
0x46f: {  	v55 =	vmul.f32 $1.442695020e+00, v52;
	(erf) = vpow2.f32 v51;
	v2 =	vadd.f32 v3, v2;
	v3 =	vld [tilespmem:s18+$0x5800]  }
0x470: {  	v57 =	vpop (erf);
	vm12 =	vnez.u8 v1;
	v1 =	vld [tilespmem:$0x1F3A0]  }
0x471: {  	(erf) = vpow2.f32 v55;
	v5 =	vmul.f32 v50, v57  }
0x472: {  	v58 =	vpop (erf)  }
0x473: {  	v6 =	vmul.f32 v54, v58;
	v60 =	vpop (erf);
	v5 =	vnsel vm11, $0x0, v5  }
0x474: {  	v59 =	vld [tilespmem:s18+$0x5880];
	v62 =	vpop (erf);
	v4 =	vmul.f32 v56, v60;
	v2 =	vadd.f32 v5, v2  }
0x475: {  	v3 =	vmul.f32 v3, v62;
	v6 =	vnsel vm12, $0x0, v6;
	vm14 =	vnez.u8 v1;
	v1 =	vld [tilespmem:$0x1F3B0]  }
0x476: {  	v61 =	vld [tilespmem:s18+$0x5900];
	v2 =	vadd.f32 v6, v2  }
0x477: {  	v4 =	vnsel vm13, $0x0, v4;
	v3 =	vnsel vm14, $0x0, v3  }
0x478: {  	v63 =	vpop (erf);
	v2 =	vadd.f32 v4, v2  }
0x479: {  	v4 =	vmul.f32 v59, v63  }
0x47a: {  	v2 =	vadd.f32 v3, v2;
	v3 =	vpop (erf);
	vm15 =	vnez.u8 v1  }
0x47b: {  	v3 =	vmul.f32 v61, v3;
	v4 =	vnsel vm15, $0x0, v4  }
0x47c: {  	v2 =	vadd.f32 v4, v2  }
0x47d: {  	v0 =	vsub.f32 v38, v0;
	v3 =	vnsel vm9, $0x0, v3  }
0x47e: {  	v1 =	vadd.f32 v3, v2  }
0x47f: {  	v0 =	vmul.f32 $1.442695020e+00, v0  }
0x480: {  	v1 =	vadd.f32 $1.000000020e-16, v1  }
0x481: {  	(erf) = vpow2.f32 v0  }
0x482: {  	(erf) = vrcp.f32 v1;
	_ =	sdelay $0x7  }
0x483: {  	v0 =	vpop (erf)  }
0x484: {  	v1 =	vpop (erf)  }
0x485: {  	v0 =	vmul.f32 v1, v0  }
0x486: {  	s17 =	sadd.s32 $0x10, s30  }
0x487: {  	[tilespmem:s17+$0x0] =	vst v0;
	s17 =	simm.s32 $0x0  }
0x488: {  	v1 =	vld [tilespmem:s17+$0x0];
	_ =	sdelay $0x6  }
0x489: {  	v0 =	vld [tilespmem:s17+$0xC80]  }
0x48a: {  	s19 =	simm.s32 $0x80;
	s18 =	simm.s32 $0x10;
	v1 =	vld.idx.msk [tilespmem:v1+s14+$0x0], $0xffff  }
.LBB2_4:
0x48b: {  	p0 =	sne.s32 s19, $0x30C0;
	v2 =	vld [tilespmem:s18+$0x0];
	_ =	sdelay $0x3  }
.Ltmp1:
0x48c: {  	(pc) =	sbr.rel @p0 .LBB2_4-.Ltmp1, $3  }
0x48d: {  	v1 =	vmul.f32 v1, v0;
	_ =	sdelay $0x1  }
0x48e: {  	v0 =	vld [tilespmem:s18+$0xC80];
	[tilespmem:s17+$0x1900] =	vst v1;
	s17 =	smov.u32 s18  }
0x48f: {  	s18 =	sshra.s32 s19, $0x2;
	s19 =	sadd.s32 $0x40, s19;
	v1 =	vld.idx.msk [tilespmem:v2+s14+$0x0], $0xffff  }
0x490: {  	v2 =	vld [tilespmem:s18+$0x0];
	_ =	sdelay $0x4  }
0x491: {  	v0 =	vmul.f32 v1, v0;
	_ =	sdelay $0x1  }
0x492: {  	v63 =	vld [tilespmem:s18+$0xC80];
	[tilespmem:s17+$0x1900] =	vst v0  }
0x493: {  	v0 =	vld.idx.msk [tilespmem:v2+s14+$0x0], $0xffff;
	_ =	sdelay $0x4  }
0x494: {  	s16 =	sadd.s32 $0x1, s16;
	v0 =	vmul.f32 v0, v63  }
0x495: {  	p0 =	sne.s32 s16, s8  }
.Ltmp2:
0x496: {  	[tilespmem:s18+$0x1900] =	vst v0;
	(pc) =	sbr.rel @p0 .LBB2_1-.Ltmp2, $4  }
0x497: {  	[hbm4b:s7+s4] =	stream.linear.scatter [tilespmem:s15], [sflag:$0x1], $0xC40, $0x38;
	[tilespmem:$0x7780] =	vst v63  }
0x498: {  	_ =	swait.ge [sflag:s9], $0xC40  }
0x499: {  	[sflag:s9] =	ssyncset.done $0x0  }
0x49a: {  	v13 =	vlaneseq.u32;
	[sflag:s9] =	ssyncadd.s32 $0xFFFFF3C0  }
0x49b: {  	_ =	sfence.sel $0x180000  }
0x49c: {  	[bflag:$0x0] =	sbarrier.arrive $0xFFFF  }
0x49d: {  	p0 =	sne.s32 s0, $0x0;
	_ =	strace $0x9000004A  }
0x49e: {  	s0 =	sadd.s32 @!p0 $0x100000, s1;
	[bflag:$0x2] =	sbarrier.arrive $0xFFFF  }
0x49f: {  	[sflag:s0] =	ssyncadd.tile.s32 @!p0 $0x1;
	_ =	shalt  }
.Lfunc_end2:
_tile_overlayer_lowered:
.L_overlay_start_2:
0x4a0: {  	(tag) =	ssettag $0x2  }
0x4a1: {  	s0 =	rddreg [dreg:$0x0];
	s2 =	stileid.u32  }
0x4a2: {  	s1 =	rddreg [dreg:$0x1];
	p0 =	sne.s32 s2, $0x0  }
0x4a3: {  	s3 =	rddreg [dreg:$0x2];
	[bflag:$0x3] =	sbarrier.arrive $0xFFFF;
	s2 =	simm.s32 @!p0 $0x1C01  }
0x4a4: {  	[timem:s3], [sflag:s2] =	dma.local @!p0 [hbm:s0], s1  }
0x4a5: {  	s0 =	simm.s32 @!p0 $0x1  }
0x4a6: {  	_ =	swait.ge @!p0 [sflag:s0], s1  }
0x4a7: {  	s1 =	ssub.s32 @!p0 $0x0, s1;
	[sflag:s0] =	ssyncset.done @!p0 $0x0  }
0x4a8: {  	[sflag:s0] =	ssyncadd.s32 @!p0 s1  }
0x4a9: {  	[bflag:$0x3] =	sbarrier.arrive $0xFFFF  }
0x4aa: {  	_ =	shalt  }

</sc_bundles>
